<compile_context>
chip_gen: v7x
topology: tpu7x:2x2x1
jax: 0.10.2.dev20260603
libtpu: 0.0.44.dev20260713+nightly
codegen_flags: <defaults>
</compile_context>

<pallas_src>
import functools

import jax
import jax.numpy as jnp
from jax import lax
from jax.experimental import pallas as pl
from jax.experimental.pallas import tpu as pltpu
from jax.experimental.pallas import tpu_sc as plsc

N = 10000
E = 320000
D_IN = 128
HID = 128
OUT = 64
L = 3
G = 2
C = HID // G

NC = 2
NS = 16
NW = NC * NS
EPW = E // NW
CHUNK = 100
NCHUNK = EPW // CHUNK
NBUF = 5
NGROUP = NCHUNK // NBUF
N_PAD = 10240
RPT = N_PAD // NS
WDEG = 80



def _segsum_body(width, p_hbm, src_hbm, dst_hbm, z_hbm, agg_out,
                 sidx_v, didx_v, bufs, sems_g, sems_s, acc_sh):
    c = lax.axis_index("c")
    s = lax.axis_index("s")
    w = c * NS + s
    r0 = s * RPT

    pltpu.sync_copy(src_hbm.at[w], sidx_v)
    pltpu.sync_copy(dst_hbm.at[w], didx_v)
    pltpu.sync_copy(z_hbm, acc_sh.at[pl.ds(r0, RPT)])
    plsc.subcore_barrier()

    def group(g, carry):
        base = g * NBUF
        gh = []
        for b in range(NBUF):
            @pl.when(g > 0)
            def _drain(b=b):
                pltpu.make_async_copy(bufs[b], acc_sh.at[didx_v.at[0]],
                                      sems_s[b]).wait()
            gh.append(pltpu.async_copy(p_hbm.at[sidx_v.at[base + b]],
                                       bufs[b], sems_g[b]))
        for b in range(NBUF):
            gh[b].wait()
            pltpu.async_copy(bufs[b], acc_sh.at[didx_v.at[base + b]],
                             sems_s[b], add=True)
        return carry

    lax.fori_loop(0, NGROUP, group, 0)
    for b in range(NBUF):
        pltpu.make_async_copy(bufs[b], acc_sh.at[didx_v.at[0]],
                              sems_s[b]).wait()
    plsc.subcore_barrier()

    pltpu.sync_copy(acc_sh.at[pl.ds(r0, RPT)], agg_out.at[c, pl.ds(r0, RPT)])


def _make_segsum(width):
    mesh = plsc.VectorSubcoreMesh(core_axis_name="c", subcore_axis_name="s")

    def body(p_hbm, src_hbm, dst_hbm, z_hbm, agg_out,
             sidx_v, didx_v, *rest):
        bufs = rest[:NBUF]
        sems_g = rest[NBUF:2 * NBUF]
        sems_s = rest[2 * NBUF:3 * NBUF]
        acc_sh = rest[3 * NBUF]
        _segsum_body(width, p_hbm, src_hbm, dst_hbm, z_hbm, agg_out,
                     sidx_v, didx_v, bufs, sems_g, sems_s, acc_sh)

    scratch = [
        pltpu.VMEM((NCHUNK, CHUNK), jnp.int32),
        pltpu.VMEM((NCHUNK, CHUNK), jnp.int32),
    ]
    scratch += [pltpu.VMEM((CHUNK, width), jnp.float32) for _ in range(NBUF)]
    scratch += [pltpu.SemaphoreType.DMA for _ in range(2 * NBUF)]
    scratch.append(pltpu.VMEM_SHARED((N_PAD, width), jnp.float32))

    return pl.kernel(
        body,
        out_type=jax.ShapeDtypeStruct((NC, N_PAD, width), jnp.float32),
        mesh=mesh,
        scratch_types=scratch,
        compiler_params=pltpu.CompilerParams(use_tc_tiling_on_sc=False),
    )



RB = 1000
GRID = N // RB

def _ln(h, g, b):
    mu = jnp.mean(h, axis=-1, keepdims=True)
    var = jnp.mean((h - mu) ** 2, axis=-1, keepdims=True)
    return (h - mu) / jnp.sqrt(var + 1e-5) * g + b


def _head_body(x_ref, w_ref, b_ref, lg_ref, lb_ref, pw_ref, pb_ref,
               y0_ref, y1_ref, z_ref, p_ref):
    h = jnp.dot(x_ref[...], w_ref[...],
                preferred_element_type=jnp.float32) + b_ref[...]
    y0 = h[:, :C]
    y1 = h[:, C:]
    y0_ref[...] = y0
    y1_ref[...] = y1
    z = jax.nn.relu(_ln(y1, lg_ref[...], lb_ref[...]))
    z_ref[...] = z
    p = jax.nn.relu(
        jnp.dot(z, pw_ref[...], preferred_element_type=jnp.float32)
        + pb_ref[...])
    p_ref[...] = jnp.concatenate(
        [p, jnp.ones((p.shape[0], WDEG - C), jnp.float32)], axis=1)


def _head(x, w, b, lg, lb, pw, pb):
    return pl.pallas_call(
        _head_body,
        grid=(GRID,),
        in_specs=[
            pl.BlockSpec((RB, D_IN), lambda i: (i, 0)),
            pl.BlockSpec((D_IN, HID), lambda i: (0, 0)),
            pl.BlockSpec((1, HID), lambda i: (0, 0)),
            pl.BlockSpec((1, C), lambda i: (0, 0)),
            pl.BlockSpec((1, C), lambda i: (0, 0)),
            pl.BlockSpec((C, C), lambda i: (0, 0)),
            pl.BlockSpec((1, C), lambda i: (0, 0)),
        ],
        out_specs=[
            pl.BlockSpec((RB, C), lambda i: (i, 0)),
            pl.BlockSpec((RB, C), lambda i: (i, 0)),
            pl.BlockSpec((RB, C), lambda i: (i, 0)),
            pl.BlockSpec((RB, WDEG), lambda i: (i, 0)),
        ],
        out_shape=[
            jax.ShapeDtypeStruct((N, C), jnp.float32),
            jax.ShapeDtypeStruct((N, C), jnp.float32),
            jax.ShapeDtypeStruct((N, C), jnp.float32),
            jax.ShapeDtypeStruct((N, WDEG), jnp.float32),
        ],
    )(x, w, b, lg, lb, pw, pb)


def _step_first_body(a0_ref, a1_ref, res_ref, z_ref, lw_ref, lb_ref, rw_ref,
                     lg2_ref, lb2_ref, pw2_ref, pb2_ref,
                     y_ref, z2_ref, p2_ref, dinv_ref):
    a0 = a0_ref[0]
    a1 = a1_ref[0]
    dinv = 1.0 / jnp.clip(a0[:, C:C + 1] + a1[:, C:C + 1], 1.0, None)
    dinv_ref[...] = jnp.broadcast_to(dinv, dinv_ref.shape)
    agg = (a0[:, :C] + a1[:, :C]) * dinv
    y = (res_ref[...]
         + jnp.dot(agg, lw_ref[...], preferred_element_type=jnp.float32)
         + lb_ref[...]
         + jnp.dot(z_ref[...], rw_ref[...],
                   preferred_element_type=jnp.float32))
    y_ref[...] = y
    z2 = jax.nn.relu(_ln(y, lg2_ref[...], lb2_ref[...]))
    z2_ref[...] = z2
    p2_ref[...] = jax.nn.relu(
        jnp.dot(z2, pw2_ref[...], preferred_element_type=jnp.float32)
        + pb2_ref[...])


def _step_first(agg2, res, z, lw, lb, rw, lg2, lb2, pw2, pb2):
    return pl.pallas_call(
        _step_first_body,
        grid=(GRID,),
        in_specs=[
            pl.BlockSpec((1, RB, WDEG), lambda i: (0, i, 0)),
            pl.BlockSpec((1, RB, WDEG), lambda i: (1, i, 0)),
            pl.BlockSpec((RB, C), lambda i: (i, 0)),
            pl.BlockSpec((RB, C), lambda i: (i, 0)),
            pl.BlockSpec((C, C), lambda i: (0, 0)),
            pl.BlockSpec((1, C), lambda i: (0, 0)),
            pl.BlockSpec((C, C), lambda i: (0, 0)),
            pl.BlockSpec((1, C), lambda i: (0, 0)),
            pl.BlockSpec((1, C), lambda i: (0, 0)),
            pl.BlockSpec((C, C), lambda i: (0, 0)),
            pl.BlockSpec((1, C), lambda i: (0, 0)),
        ],
        out_specs=[
            pl.BlockSpec((RB, C), lambda i: (i, 0)),
            pl.BlockSpec((RB, C), lambda i: (i, 0)),
            pl.BlockSpec((RB, C), lambda i: (i, 0)),
            pl.BlockSpec((RB, 8), lambda i: (i, 0)),
        ],
        out_shape=[
            jax.ShapeDtypeStruct((N, C), jnp.float32),
            jax.ShapeDtypeStruct((N, C), jnp.float32),
            jax.ShapeDtypeStruct((N, C), jnp.float32),
            jax.ShapeDtypeStruct((N, 8), jnp.float32),
        ],
    )(agg2, agg2, res, z, lw, lb, rw, lg2, lb2, pw2, pb2)


def _step_body(a0_ref, a1_ref, dinv_ref, res_ref, z_ref,
               lw_ref, lb_ref, rw_ref, lg2_ref, lb2_ref, pw2_ref, pb2_ref,
               y_ref, z2_ref, p2_ref):
    agg = (a0_ref[0] + a1_ref[0]) * dinv_ref[:, :1]
    y = (res_ref[...]
         + jnp.dot(agg, lw_ref[...], preferred_element_type=jnp.float32)
         + lb_ref[...]
         + jnp.dot(z_ref[...], rw_ref[...],
                   preferred_element_type=jnp.float32))
    y_ref[...] = y
    z2 = jax.nn.relu(_ln(y, lg2_ref[...], lb2_ref[...]))
    z2_ref[...] = z2
    p2_ref[...] = jax.nn.relu(
        jnp.dot(z2, pw2_ref[...], preferred_element_type=jnp.float32)
        + pb2_ref[...])


def _step(agg2, dinv, res, z, lw, lb, rw, lg2, lb2, pw2, pb2):
    return pl.pallas_call(
        _step_body,
        grid=(GRID,),
        in_specs=[
            pl.BlockSpec((1, RB, C), lambda i: (0, i, 0)),
            pl.BlockSpec((1, RB, C), lambda i: (1, i, 0)),
            pl.BlockSpec((RB, 8), lambda i: (i, 0)),
            pl.BlockSpec((RB, C), lambda i: (i, 0)),
            pl.BlockSpec((RB, C), lambda i: (i, 0)),
            pl.BlockSpec((C, C), lambda i: (0, 0)),
            pl.BlockSpec((1, C), lambda i: (0, 0)),
            pl.BlockSpec((C, C), lambda i: (0, 0)),
            pl.BlockSpec((1, C), lambda i: (0, 0)),
            pl.BlockSpec((1, C), lambda i: (0, 0)),
            pl.BlockSpec((C, C), lambda i: (0, 0)),
            pl.BlockSpec((1, C), lambda i: (0, 0)),
        ],
        out_specs=[
            pl.BlockSpec((RB, C), lambda i: (i, 0)),
            pl.BlockSpec((RB, C), lambda i: (i, 0)),
            pl.BlockSpec((RB, C), lambda i: (i, 0)),
        ],
        out_shape=[
            jax.ShapeDtypeStruct((N, C), jnp.float32),
            jax.ShapeDtypeStruct((N, C), jnp.float32),
            jax.ShapeDtypeStruct((N, C), jnp.float32),
        ],
    )(agg2, agg2, dinv, res, z, lw, lb, rw, lg2, lb2, pw2, pb2)


def _tail_body(a0_ref, a1_ref, dinv_ref, res_ref, z_ref,
               lw_ref, lb_ref, rw_ref, y0_ref, g_ref, b_ref, w2_ref, b2_ref,
               o_ref):
    agg = (a0_ref[0] + a1_ref[0]) * dinv_ref[:, :1]
    y1 = (res_ref[...]
          + jnp.dot(agg, lw_ref[...], preferred_element_type=jnp.float32)
          + lb_ref[...]
          + jnp.dot(z_ref[...], rw_ref[...],
                    preferred_element_type=jnp.float32))
    h = jnp.concatenate([y0_ref[...], y1], axis=1)
    h = jax.nn.relu(_ln(h, g_ref[...], b_ref[...]))
    o_ref[...] = jnp.dot(h, w2_ref[...],
                         preferred_element_type=jnp.float32) + b2_ref[...]


def _tail(agg2, dinv, res, z, lw, lb, rw, y0, g, b, w2, b2):
    return pl.pallas_call(
        _tail_body,
        grid=(GRID,),
        in_specs=[
            pl.BlockSpec((1, RB, C), lambda i: (0, i, 0)),
            pl.BlockSpec((1, RB, C), lambda i: (1, i, 0)),
            pl.BlockSpec((RB, 8), lambda i: (i, 0)),
            pl.BlockSpec((RB, C), lambda i: (i, 0)),
            pl.BlockSpec((RB, C), lambda i: (i, 0)),
            pl.BlockSpec((C, C), lambda i: (0, 0)),
            pl.BlockSpec((1, C), lambda i: (0, 0)),
            pl.BlockSpec((C, C), lambda i: (0, 0)),
            pl.BlockSpec((RB, C), lambda i: (i, 0)),
            pl.BlockSpec((1, HID), lambda i: (0, 0)),
            pl.BlockSpec((1, HID), lambda i: (0, 0)),
            pl.BlockSpec((HID, OUT), lambda i: (0, 0)),
            pl.BlockSpec((1, OUT), lambda i: (0, 0)),
        ],
        out_specs=pl.BlockSpec((RB, OUT), lambda i: (i, 0)),
        out_shape=jax.ShapeDtypeStruct((N, OUT), jnp.float32),
    )(agg2, agg2, dinv, res, z, lw, lb, rw, y0, g, b, w2, b2)



def kernel(x, edge_index, lin1_W, lin1_b, ln_g, ln_b, proj_W, proj_b,
           ll_W, ll_b, lr_W, norm_g, norm_b, lin2_W, lin2_b):
    src3 = edge_index[0].reshape(NW, NCHUNK, CHUNK)
    dst3 = edge_index[1].reshape(NW, NCHUNK, CHUNK)

    zdeg = jnp.zeros((RPT, WDEG), jnp.float32)
    z64 = jnp.zeros((RPT, C), jnp.float32)

    seg_deg = _make_segsum(WDEG)
    seg = _make_segsum(C)

    lg = lambda i, g: ln_g[i, g].reshape(1, C)
    lb_ = lambda i, g: ln_b[i, g].reshape(1, C)
    pb = lambda i, g: proj_b[i, g].reshape(1, C)
    llb = lambda i, g: ll_b[i, g].reshape(1, C)

    y0, y1, z, p = _head(x, lin1_W, lin1_b.reshape(1, HID),
                         lg(0, 0), lb_(0, 0), proj_W[0, 0], pb(0, 0))

    blocks = [(i, g) for i in range(L) for g in range(G)]
    dinv = None
    for k, (i, g) in enumerate(blocks[:-1]):
        ni, ng = blocks[k + 1]
        res = y0 if g == 0 else y1
        if k == 0:
            agg2 = seg_deg(p, src3, dst3, zdeg)
            y_new, z, p, dinv = _step_first(
                agg2, res, z, ll_W[i, g], llb(i, g), lr_W[i, g],
                lg(ni, ng), lb_(ni, ng), proj_W[ni, ng], pb(ni, ng))
        else:
            agg2 = seg(p, src3, dst3, z64)
            y_new, z, p = _step(
                agg2, dinv, res, z, ll_W[i, g], llb(i, g), lr_W[i, g],
                lg(ni, ng), lb_(ni, ng), proj_W[ni, ng], pb(ni, ng))
        if g == 0:
            y0 = y_new
        else:
            y1 = y_new

    i, g = blocks[-1]
    agg2 = seg(p, src3, dst3, z64)
    return _tail(agg2, dinv, y1, z, ll_W[i, g], llb(i, g), lr_W[i, g], y0,
                 norm_g.reshape(1, HID), norm_b.reshape(1, HID),
                 lin2_W, lin2_b.reshape(1, OUT))

# --- scband reference (transcript-rebuilt; emitter-appended) ---
"""Pipeline reference for scband-rev-gnn-824633721541 (READ-ONLY COPY).

The authoritative reference and input builder live on the scoring server;
editing this copy changes nothing except your own understanding.
"""

import jax, jax.numpy as jnp
import numpy as np

N = 10000
E = 320000
D_IN = 128
HID = 128
OUT = 64
L = 3
G = 2
C = HID // G


def _glorot(key, shape):
    lim = np.sqrt(6.0 / (shape[-2] + shape[-1]))
    return jax.random.uniform(key, shape, jnp.float32, -lim, lim)


def setup_inputs(seed: int = 0):
    key = jax.random.key(seed)
    ks = jax.random.split(key, 12)
    inp = {}
    inp["x"] = jax.random.normal(ks[0], (N, D_IN), jnp.float32)
    inp["edge_index"] = jax.random.randint(ks[1], (2, E), 0, N, jnp.int32)
    inp["lin1_W"] = _glorot(ks[2], (D_IN, HID))
    inp["lin1_b"] = jnp.zeros((HID,), jnp.float32)
    inp["ln_g"] = jnp.ones((L, G, C), jnp.float32)
    inp["ln_b"] = jnp.zeros((L, G, C), jnp.float32)
    inp["proj_W"] = _glorot(ks[3], (L, G, C, C))
    inp["proj_b"] = jnp.zeros((L, G, C), jnp.float32)
    inp["ll_W"] = _glorot(ks[4], (L, G, C, C))
    inp["ll_b"] = jnp.zeros((L, G, C), jnp.float32)
    inp["lr_W"] = _glorot(ks[5], (L, G, C, C))
    inp["norm_g"] = jnp.ones((HID,), jnp.float32)
    inp["norm_b"] = jnp.zeros((HID,), jnp.float32)
    inp["lin2_W"] = _glorot(ks[6], (HID, OUT))
    inp["lin2_b"] = jnp.zeros((OUT,), jnp.float32)
    return inp


def _layer_norm(h, g, b):
    mu = jnp.mean(h, axis=-1, keepdims=True)
    var = jnp.mean((h - mu) ** 2, axis=-1, keepdims=True)
    return (h - mu) / jnp.sqrt(var + 1e-5) * g + b


def reference(x, edge_index, lin1_W, lin1_b, ln_g, ln_b, proj_W, proj_b, ll_W, ll_b, lr_W, norm_g, norm_b, lin2_W, lin2_b):
    # eval-mode RevGNN: dropout masks disabled
    src = edge_index[0]
    dst = edge_index[1]
    deg = jax.ops.segment_sum(jnp.ones((E,), jnp.float32), dst, num_segments=N)
    deg = jnp.clip(deg, 1.0, None)[:, None]

    def sage(h, pw, pb, lw, lb, rw):
        # SAGEConv(project=True, aggr='mean'): project+relu source feats, mean-agg, root weight on unprojected input
        p = jax.nn.relu(h @ pw + pb)
        agg = jax.ops.segment_sum(p[src], dst, num_segments=N) / deg
        return agg @ lw + lb + h @ rw

    def gnn_block(h, i, g):
        z = jax.nn.relu(_layer_norm(h, ln_g[i, g], ln_b[i, g]))
        return sage(z, proj_W[i, g], proj_b[i, g], ll_W[i, g], ll_b[i, g], lr_W[i, g])

    h = x @ lin1_W + lin1_b
    for i in range(L):
        # GroupAddRev forward
        xs = jnp.split(h, G, axis=-1)
        y_in = xs[1]
        for j in range(2, G):
            y_in = y_in + xs[j]
        ys = []
        for g in range(G):
            y_in = xs[g] + gnn_block(y_in, i, g)
            ys.append(y_in)
        h = jnp.concatenate(ys, axis=-1)
    h = jax.nn.relu(_layer_norm(h, norm_g, norm_b))
    return h @ lin2_W + lin2_b

if __name__ == "__main__":
    import jax
    _d = setup_inputs()
    print(jax.jit(kernel)(*tuple(_d.values())))

</pallas_src>

<mosaic_0001>
#map = affine_map<(d0, d1) -> (0, 0)>
#map1 = affine_map<(d0, d1) -> (0, 0, 0)>
module attributes {stable_mosaic.version = 14 : i64} {
  func.func @body(%arg0: i32, %arg1: i32, %arg2: memref<10000x80xf32, #tpu.memory_space<hbm>>, %arg3: memref<32x100x100xi32, #tpu.memory_space<hbm>>, %arg4: memref<32x100x100xi32, #tpu.memory_space<hbm>>, %arg5: memref<640x80xf32, #tpu.memory_space<hbm>>, %arg6: memref<2x10240x80xf32, #tpu.memory_space<hbm>>, %arg7: memref<100x100xi32, #tpu.memory_space<vmem>>, %arg8: memref<100x100xi32, #tpu.memory_space<vmem>>, %arg9: memref<100x80xf32, #tpu.memory_space<vmem>>, %arg10: memref<100x80xf32, #tpu.memory_space<vmem>>, %arg11: memref<100x80xf32, #tpu.memory_space<vmem>>, %arg12: memref<100x80xf32, #tpu.memory_space<vmem>>, %arg13: memref<100x80xf32, #tpu.memory_space<vmem>>, %arg14: memref<!tpu.dma_semaphore, #tpu.memory_space<semaphore_mem>>, %arg15: memref<!tpu.dma_semaphore, #tpu.memory_space<semaphore_mem>>, %arg16: memref<!tpu.dma_semaphore, #tpu.memory_space<semaphore_mem>>, %arg17: memref<!tpu.dma_semaphore, #tpu.memory_space<semaphore_mem>>, %arg18: memref<!tpu.dma_semaphore, #tpu.memory_space<semaphore_mem>>, %arg19: memref<!tpu.dma_semaphore, #tpu.memory_space<semaphore_mem>>, %arg20: memref<!tpu.dma_semaphore, #tpu.memory_space<semaphore_mem>>, %arg21: memref<!tpu.dma_semaphore, #tpu.memory_space<semaphore_mem>>, %arg22: memref<!tpu.dma_semaphore, #tpu.memory_space<semaphore_mem>>, %arg23: memref<!tpu.dma_semaphore, #tpu.memory_space<semaphore_mem>>, %arg24: memref<10240x80xf32, #tpu.memory_space<vmem_shared>>) attributes {dimension_semantics = [#tpu.dimension_semantics<core_parallel>, #tpu.dimension_semantics<subcore_parallel>], iteration_bounds = array<i64: 2, 16>, scalar_prefetch = 0 : i64, scratch_operands = 18 : i64, tpu.core_type = #tpu.core_type<sc_vector_subcore>, window_params = [{transform_indices = #map}, {transform_indices = #map1}, {transform_indices = #map1}, {transform_indices = #map}, {transform_indices = #map1}]} {
    %mul3A = arith.constant 16 : i32
    %mul3A_0 = arith.muli %arg0, %mul3A : i32
    %add3A = arith.addi %mul3A_0, %arg1 : i32
    %mul3A_1 = arith.constant 640 : i32
    %mul3A_2 = arith.muli %arg1, %mul3A_1 : i32
    "tpu.region"() ({
      %run_scoped3A = tpu.sem_alloc : memref<!tpu.dma_semaphore, #tpu.memory_space<semaphore_mem>>
      %dma_start3A = arith.constant 0 : i32
      %dma_start3A_43 = arith.constant 0 : i32
      %dma_start3A_44 = tpu.memref_slice %arg3[%add3A, %dma_start3A, %dma_start3A_43] : memref<32x100x100xi32, #tpu.memory_space<hbm>> -> memref<1x100x100xi32, #tpu.memory_space<hbm>>
      %dma_start3A_45 = tpu.memref_squeeze %dma_start3A_44 : memref<1x100x100xi32, #tpu.memory_space<hbm>> -> memref<100x100xi32, #tpu.memory_space<hbm>>
      %dma_start3A_46 = arith.constant 0 : i32
      %dma_start3A_47 = arith.constant 0 : i32
      %dma_start3A_48 = tpu.memref_slice %arg3[%add3A, %dma_start3A_46, %dma_start3A_47] : memref<32x100x100xi32, #tpu.memory_space<hbm>> -> memref<1x100x100xi32, #tpu.memory_space<hbm>>
      %dma_start3A_49 = tpu.memref_squeeze %dma_start3A_48 : memref<1x100x100xi32, #tpu.memory_space<hbm>> -> memref<100x100xi32, #tpu.memory_space<hbm>>
      tpu.enqueue_dma source(%dma_start3A_49 : memref<100x100xi32, #tpu.memory_space<hbm>>) target(%arg7 : memref<100x100xi32, #tpu.memory_space<vmem>>) target_semaphore(%run_scoped3A : memref<!tpu.dma_semaphore, #tpu.memory_space<semaphore_mem>>)
      %dma_wait3A_50 = arith.constant 0 : i32
      %dma_wait3A_51 = arith.constant 0 : i32
      %dma_wait3A_52 = tpu.memref_slice %arg3[%add3A, %dma_wait3A_50, %dma_wait3A_51] : memref<32x100x100xi32, #tpu.memory_space<hbm>> -> memref<1x100x100xi32, #tpu.memory_space<hbm>>
      %dma_wait3A_53 = tpu.memref_squeeze %dma_wait3A_52 : memref<1x100x100xi32, #tpu.memory_space<hbm>> -> memref<100x100xi32, #tpu.memory_space<hbm>>
      %dma_wait3A_54 = arith.constant 0 : i32
      %dma_wait3A_55 = arith.constant 0 : i32
      %dma_wait3A_56 = tpu.memref_slice %arg3[%add3A, %dma_wait3A_54, %dma_wait3A_55] : memref<32x100x100xi32, #tpu.memory_space<hbm>> -> memref<1x100x100xi32, #tpu.memory_space<hbm>>
      %dma_wait3A_57 = tpu.memref_squeeze %dma_wait3A_56 : memref<1x100x100xi32, #tpu.memory_space<hbm>> -> memref<100x100xi32, #tpu.memory_space<hbm>>
      tpu.wait_dma2 semaphore(%run_scoped3A : memref<!tpu.dma_semaphore, #tpu.memory_space<semaphore_mem>>) src(%dma_wait3A_57 : memref<100x100xi32, #tpu.memory_space<hbm>>) dst(%arg7 : memref<100x100xi32, #tpu.memory_space<vmem>>)
      tpu.yield
    }) : () -> ()
    "tpu.region"() ({
      %run_scoped3A = tpu.sem_alloc : memref<!tpu.dma_semaphore, #tpu.memory_space<semaphore_mem>>
      %dma_start3A = arith.constant 0 : i32
      %dma_start3A_43 = arith.constant 0 : i32
      %dma_start3A_44 = tpu.memref_slice %arg4[%add3A, %dma_start3A, %dma_start3A_43] : memref<32x100x100xi32, #tpu.memory_space<hbm>> -> memref<1x100x100xi32, #tpu.memory_space<hbm>>
      %dma_start3A_45 = tpu.memref_squeeze %dma_start3A_44 : memref<1x100x100xi32, #tpu.memory_space<hbm>> -> memref<100x100xi32, #tpu.memory_space<hbm>>
      %dma_start3A_46 = arith.constant 0 : i32
      %dma_start3A_47 = arith.constant 0 : i32
      %dma_start3A_48 = tpu.memref_slice %arg4[%add3A, %dma_start3A_46, %dma_start3A_47] : memref<32x100x100xi32, #tpu.memory_space<hbm>> -> memref<1x100x100xi32, #tpu.memory_space<hbm>>
      %dma_start3A_49 = tpu.memref_squeeze %dma_start3A_48 : memref<1x100x100xi32, #tpu.memory_space<hbm>> -> memref<100x100xi32, #tpu.memory_space<hbm>>
      tpu.enqueue_dma source(%dma_start3A_49 : memref<100x100xi32, #tpu.memory_space<hbm>>) target(%arg8 : memref<100x100xi32, #tpu.memory_space<vmem>>) target_semaphore(%run_scoped3A : memref<!tpu.dma_semaphore, #tpu.memory_space<semaphore_mem>>)
      %dma_wait3A_50 = arith.constant 0 : i32
      %dma_wait3A_51 = arith.constant 0 : i32
      %dma_wait3A_52 = tpu.memref_slice %arg4[%add3A, %dma_wait3A_50, %dma_wait3A_51] : memref<32x100x100xi32, #tpu.memory_space<hbm>> -> memref<1x100x100xi32, #tpu.memory_space<hbm>>
      %dma_wait3A_53 = tpu.memref_squeeze %dma_wait3A_52 : memref<1x100x100xi32, #tpu.memory_space<hbm>> -> memref<100x100xi32, #tpu.memory_space<hbm>>
      %dma_wait3A_54 = arith.constant 0 : i32
      %dma_wait3A_55 = arith.constant 0 : i32
      %dma_wait3A_56 = tpu.memref_slice %arg4[%add3A, %dma_wait3A_54, %dma_wait3A_55] : memref<32x100x100xi32, #tpu.memory_space<hbm>> -> memref<1x100x100xi32, #tpu.memory_space<hbm>>
      %dma_wait3A_57 = tpu.memref_squeeze %dma_wait3A_56 : memref<1x100x100xi32, #tpu.memory_space<hbm>> -> memref<100x100xi32, #tpu.memory_space<hbm>>
      tpu.wait_dma2 semaphore(%run_scoped3A : memref<!tpu.dma_semaphore, #tpu.memory_space<semaphore_mem>>) src(%dma_wait3A_57 : memref<100x100xi32, #tpu.memory_space<hbm>>) dst(%arg8 : memref<100x100xi32, #tpu.memory_space<vmem>>)
      tpu.yield
    }) : () -> ()
    "tpu.region"() ({
      %run_scoped3A = tpu.sem_alloc : memref<!tpu.dma_semaphore, #tpu.memory_space<semaphore_mem>>
      %dma_start3A = arith.constant 0 : i32
      %dma_start3A_43 = tpu.memref_slice %arg24[%mul3A_2, %dma_start3A] : memref<10240x80xf32, #tpu.memory_space<vmem_shared>> -> memref<640x80xf32, #tpu.memory_space<vmem_shared>>
      tpu.enqueue_dma source(%arg5 : memref<640x80xf32, #tpu.memory_space<hbm>>) target(%dma_start3A_43 : memref<640x80xf32, #tpu.memory_space<vmem_shared>>) target_semaphore(%run_scoped3A : memref<!tpu.dma_semaphore, #tpu.memory_space<semaphore_mem>>)
      %dma_wait3A_44 = arith.constant 0 : i32
      %dma_wait3A_45 = tpu.memref_slice %arg24[%mul3A_2, %dma_wait3A_44] : memref<10240x80xf32, #tpu.memory_space<vmem_shared>> -> memref<640x80xf32, #tpu.memory_space<vmem_shared>>
      tpu.wait_dma2 semaphore(%run_scoped3A : memref<!tpu.dma_semaphore, #tpu.memory_space<semaphore_mem>>) src(%arg5 : memref<640x80xf32, #tpu.memory_space<hbm>>) dst(%dma_wait3A_45 : memref<640x80xf32, #tpu.memory_space<vmem_shared>>)
      tpu.yield
    }) : () -> ()
    %barrier3A = arith.constant 0 : index
    tpu.barrier barrier_id(%barrier3A)
    %scan3A = arith.constant 0 : i32
    %scan3A_3 = arith.constant 0 : i32
    %scan3A_4 = arith.constant 20 : i32
    %scan3A_5 = arith.addi %scan3A_3, %scan3A_4 : i32
    %scan3A_6 = arith.constant 1 : i32
    scf.for %scan3A_43 = %scan3A_3 to %scan3A_5 step %scan3A_6  : i32 {
      %mul3A_44 = arith.constant 5 : i32
      %mul3A_45 = arith.muli %scan3A_43, %mul3A_44 : i32
      %gt3A = arith.constant 0 : i32
      %gt3A_46 = arith.cmpi sgt, %scan3A_43, %gt3A : i32
      %convert_element_type3A = arith.extui %gt3A_46 : i1 to i32
      %cond3A = arith.constant 0 : i32
      %cond3A_47 = arith.cmpi ne, %convert_element_type3A, %cond3A : i32
      scf.if %cond3A_47 {
        %dma_wait3A_177 = arith.constant 0 : i32
        %dma_wait3A_178 = arith.constant 0 : i32
        %dma_wait3A_179 = tpu.memref_slice %arg8[%dma_wait3A_177, %dma_wait3A_178] : memref<100x100xi32, #tpu.memory_space<vmem>> -> memref<1x100xi32, #tpu.memory_space<vmem>>
        %dma_wait3A_180 = tpu.memref_squeeze %dma_wait3A_179 : memref<1x100xi32, #tpu.memory_space<vmem>> -> memref<100xi32, #tpu.memory_space<vmem>>
        %dma_wait3A_181 = arith.constant 0 : i32
        %dma_wait3A_182 = arith.constant 0 : i32
        %dma_wait3A_183 = tpu.memref_slice %arg24[%dma_wait3A_181, %dma_wait3A_182] : memref<10240x80xf32, #tpu.memory_space<vmem_shared>> -> memref<10240x80xf32, #tpu.memory_space<vmem_shared>>
        tpu.wait_indirect_dma semaphore(%arg19 : memref<!tpu.dma_semaphore, #tpu.memory_space<semaphore_mem>>) src(%arg9 : memref<100x80xf32, #tpu.memory_space<vmem>>) dst(%dma_wait3A_183 : memref<10240x80xf32, #tpu.memory_space<vmem_shared>>)
      } else {
      }
      %add3A_48 = arith.constant 0 : i32
      %add3A_49 = arith.addi %mul3A_45, %add3A_48 : i32
      %dma_start3A = arith.constant 0 : i32
      %dma_start3A_50 = tpu.memref_slice %arg7[%add3A_49, %dma_start3A] : memref<100x100xi32, #tpu.memory_space<vmem>> -> memref<1x100xi32, #tpu.memory_space<vmem>>
      %dma_start3A_51 = tpu.memref_squeeze %dma_start3A_50 : memref<1x100xi32, #tpu.memory_space<vmem>> -> memref<100xi32, #tpu.memory_space<vmem>>
      %dma_start3A_52 = arith.constant 0 : i32
      %dma_start3A_53 = arith.constant 0 : i32
      %dma_start3A_54 = tpu.memref_slice %arg2[%dma_start3A_52, %dma_start3A_53] : memref<10000x80xf32, #tpu.memory_space<hbm>> -> memref<10000x80xf32, #tpu.memory_space<hbm>>
      tpu.enqueue_indirect_dma source(%dma_start3A_54 : memref<10000x80xf32, #tpu.memory_space<hbm>>) target(%arg9 : memref<100x80xf32, #tpu.memory_space<vmem>>) offsets(%dma_start3A_51 : memref<100xi32, #tpu.memory_space<vmem>>) semaphore(%arg14 : memref<!tpu.dma_semaphore, #tpu.memory_space<semaphore_mem>>)
      %gt3A_55 = arith.constant 0 : i32
      %gt3A_56 = arith.cmpi sgt, %scan3A_43, %gt3A_55 : i32
      %convert_element_type3A_57 = arith.extui %gt3A_56 : i1 to i32
      %cond3A_58 = arith.constant 0 : i32
      %cond3A_59 = arith.cmpi ne, %convert_element_type3A_57, %cond3A_58 : i32
      scf.if %cond3A_59 {
        %dma_wait3A_177 = arith.constant 0 : i32
        %dma_wait3A_178 = arith.constant 0 : i32
        %dma_wait3A_179 = tpu.memref_slice %arg8[%dma_wait3A_177, %dma_wait3A_178] : memref<100x100xi32, #tpu.memory_space<vmem>> -> memref<1x100xi32, #tpu.memory_space<vmem>>
        %dma_wait3A_180 = tpu.memref_squeeze %dma_wait3A_179 : memref<1x100xi32, #tpu.memory_space<vmem>> -> memref<100xi32, #tpu.memory_space<vmem>>
        %dma_wait3A_181 = arith.constant 0 : i32
        %dma_wait3A_182 = arith.constant 0 : i32
        %dma_wait3A_183 = tpu.memref_slice %arg24[%dma_wait3A_181, %dma_wait3A_182] : memref<10240x80xf32, #tpu.memory_space<vmem_shared>> -> memref<10240x80xf32, #tpu.memory_space<vmem_shared>>
        tpu.wait_indirect_dma semaphore(%arg20 : memref<!tpu.dma_semaphore, #tpu.memory_space<semaphore_mem>>) src(%arg10 : memref<100x80xf32, #tpu.memory_space<vmem>>) dst(%dma_wait3A_183 : memref<10240x80xf32, #tpu.memory_space<vmem_shared>>)
      } else {
      }
      %add3A_60 = arith.constant 1 : i32
      %add3A_61 = arith.addi %mul3A_45, %add3A_60 : i32
      %dma_start3A_62 = arith.constant 0 : i32
      %dma_start3A_63 = tpu.memref_slice %arg7[%add3A_61, %dma_start3A_62] : memref<100x100xi32, #tpu.memory_space<vmem>> -> memref<1x100xi32, #tpu.memory_space<vmem>>
      %dma_start3A_64 = tpu.memref_squeeze %dma_start3A_63 : memref<1x100xi32, #tpu.memory_space<vmem>> -> memref<100xi32, #tpu.memory_space<vmem>>
      %dma_start3A_65 = arith.constant 0 : i32
      %dma_start3A_66 = arith.constant 0 : i32
      %dma_start3A_67 = tpu.memref_slice %arg2[%dma_start3A_65, %dma_start3A_66] : memref<10000x80xf32, #tpu.memory_space<hbm>> -> memref<10000x80xf32, #tpu.memory_space<hbm>>
      tpu.enqueue_indirect_dma source(%dma_start3A_67 : memref<10000x80xf32, #tpu.memory_space<hbm>>) target(%arg10 : memref<100x80xf32, #tpu.memory_space<vmem>>) offsets(%dma_start3A_64 : memref<100xi32, #tpu.memory_space<vmem>>) semaphore(%arg15 : memref<!tpu.dma_semaphore, #tpu.memory_space<semaphore_mem>>)
      %gt3A_68 = arith.constant 0 : i32
      %gt3A_69 = arith.cmpi sgt, %scan3A_43, %gt3A_68 : i32
      %convert_element_type3A_70 = arith.extui %gt3A_69 : i1 to i32
      %cond3A_71 = arith.constant 0 : i32
      %cond3A_72 = arith.cmpi ne, %convert_element_type3A_70, %cond3A_71 : i32
      scf.if %cond3A_72 {
        %dma_wait3A_177 = arith.constant 0 : i32
        %dma_wait3A_178 = arith.constant 0 : i32
        %dma_wait3A_179 = tpu.memref_slice %arg8[%dma_wait3A_177, %dma_wait3A_178] : memref<100x100xi32, #tpu.memory_space<vmem>> -> memref<1x100xi32, #tpu.memory_space<vmem>>
        %dma_wait3A_180 = tpu.memref_squeeze %dma_wait3A_179 : memref<1x100xi32, #tpu.memory_space<vmem>> -> memref<100xi32, #tpu.memory_space<vmem>>
        %dma_wait3A_181 = arith.constant 0 : i32
        %dma_wait3A_182 = arith.constant 0 : i32
        %dma_wait3A_183 = tpu.memref_slice %arg24[%dma_wait3A_181, %dma_wait3A_182] : memref<10240x80xf32, #tpu.memory_space<vmem_shared>> -> memref<10240x80xf32, #tpu.memory_space<vmem_shared>>
        tpu.wait_indirect_dma semaphore(%arg21 : memref<!tpu.dma_semaphore, #tpu.memory_space<semaphore_mem>>) src(%arg11 : memref<100x80xf32, #tpu.memory_space<vmem>>) dst(%dma_wait3A_183 : memref<10240x80xf32, #tpu.memory_space<vmem_shared>>)
      } else {
      }
      %add3A_73 = arith.constant 2 : i32
      %add3A_74 = arith.addi %mul3A_45, %add3A_73 : i32
      %dma_start3A_75 = arith.constant 0 : i32
      %dma_start3A_76 = tpu.memref_slice %arg7[%add3A_74, %dma_start3A_75] : memref<100x100xi32, #tpu.memory_space<vmem>> -> memref<1x100xi32, #tpu.memory_space<vmem>>
      %dma_start3A_77 = tpu.memref_squeeze %dma_start3A_76 : memref<1x100xi32, #tpu.memory_space<vmem>> -> memref<100xi32, #tpu.memory_space<vmem>>
      %dma_start3A_78 = arith.constant 0 : i32
      %dma_start3A_79 = arith.constant 0 : i32
      %dma_start3A_80 = tpu.memref_slice %arg2[%dma_start3A_78, %dma_start3A_79] : memref<10000x80xf32, #tpu.memory_space<hbm>> -> memref<10000x80xf32, #tpu.memory_space<hbm>>
      tpu.enqueue_indirect_dma source(%dma_start3A_80 : memref<10000x80xf32, #tpu.memory_space<hbm>>) target(%arg11 : memref<100x80xf32, #tpu.memory_space<vmem>>) offsets(%dma_start3A_77 : memref<100xi32, #tpu.memory_space<vmem>>) semaphore(%arg16 : memref<!tpu.dma_semaphore, #tpu.memory_space<semaphore_mem>>)
      %gt3A_81 = arith.constant 0 : i32
      %gt3A_82 = arith.cmpi sgt, %scan3A_43, %gt3A_81 : i32
      %convert_element_type3A_83 = arith.extui %gt3A_82 : i1 to i32
      %cond3A_84 = arith.constant 0 : i32
      %cond3A_85 = arith.cmpi ne, %convert_element_type3A_83, %cond3A_84 : i32
      scf.if %cond3A_85 {
        %dma_wait3A_177 = arith.constant 0 : i32
        %dma_wait3A_178 = arith.constant 0 : i32
        %dma_wait3A_179 = tpu.memref_slice %arg8[%dma_wait3A_177, %dma_wait3A_178] : memref<100x100xi32, #tpu.memory_space<vmem>> -> memref<1x100xi32, #tpu.memory_space<vmem>>
        %dma_wait3A_180 = tpu.memref_squeeze %dma_wait3A_179 : memref<1x100xi32, #tpu.memory_space<vmem>> -> memref<100xi32, #tpu.memory_space<vmem>>
        %dma_wait3A_181 = arith.constant 0 : i32
        %dma_wait3A_182 = arith.constant 0 : i32
        %dma_wait3A_183 = tpu.memref_slice %arg24[%dma_wait3A_181, %dma_wait3A_182] : memref<10240x80xf32, #tpu.memory_space<vmem_shared>> -> memref<10240x80xf32, #tpu.memory_space<vmem_shared>>
        tpu.wait_indirect_dma semaphore(%arg22 : memref<!tpu.dma_semaphore, #tpu.memory_space<semaphore_mem>>) src(%arg12 : memref<100x80xf32, #tpu.memory_space<vmem>>) dst(%dma_wait3A_183 : memref<10240x80xf32, #tpu.memory_space<vmem_shared>>)
      } else {
      }
      %add3A_86 = arith.constant 3 : i32
      %add3A_87 = arith.addi %mul3A_45, %add3A_86 : i32
      %dma_start3A_88 = arith.constant 0 : i32
      %dma_start3A_89 = tpu.memref_slice %arg7[%add3A_87, %dma_start3A_88] : memref<100x100xi32, #tpu.memory_space<vmem>> -> memref<1x100xi32, #tpu.memory_space<vmem>>
      %dma_start3A_90 = tpu.memref_squeeze %dma_start3A_89 : memref<1x100xi32, #tpu.memory_space<vmem>> -> memref<100xi32, #tpu.memory_space<vmem>>
      %dma_start3A_91 = arith.constant 0 : i32
      %dma_start3A_92 = arith.constant 0 : i32
      %dma_start3A_93 = tpu.memref_slice %arg2[%dma_start3A_91, %dma_start3A_92] : memref<10000x80xf32, #tpu.memory_space<hbm>> -> memref<10000x80xf32, #tpu.memory_space<hbm>>
      tpu.enqueue_indirect_dma source(%dma_start3A_93 : memref<10000x80xf32, #tpu.memory_space<hbm>>) target(%arg12 : memref<100x80xf32, #tpu.memory_space<vmem>>) offsets(%dma_start3A_90 : memref<100xi32, #tpu.memory_space<vmem>>) semaphore(%arg17 : memref<!tpu.dma_semaphore, #tpu.memory_space<semaphore_mem>>)
      %gt3A_94 = arith.constant 0 : i32
      %gt3A_95 = arith.cmpi sgt, %scan3A_43, %gt3A_94 : i32
      %convert_element_type3A_96 = arith.extui %gt3A_95 : i1 to i32
      %cond3A_97 = arith.constant 0 : i32
      %cond3A_98 = arith.cmpi ne, %convert_element_type3A_96, %cond3A_97 : i32
      scf.if %cond3A_98 {
        %dma_wait3A_177 = arith.constant 0 : i32
        %dma_wait3A_178 = arith.constant 0 : i32
        %dma_wait3A_179 = tpu.memref_slice %arg8[%dma_wait3A_177, %dma_wait3A_178] : memref<100x100xi32, #tpu.memory_space<vmem>> -> memref<1x100xi32, #tpu.memory_space<vmem>>
        %dma_wait3A_180 = tpu.memref_squeeze %dma_wait3A_179 : memref<1x100xi32, #tpu.memory_space<vmem>> -> memref<100xi32, #tpu.memory_space<vmem>>
        %dma_wait3A_181 = arith.constant 0 : i32
        %dma_wait3A_182 = arith.constant 0 : i32
        %dma_wait3A_183 = tpu.memref_slice %arg24[%dma_wait3A_181, %dma_wait3A_182] : memref<10240x80xf32, #tpu.memory_space<vmem_shared>> -> memref<10240x80xf32, #tpu.memory_space<vmem_shared>>
        tpu.wait_indirect_dma semaphore(%arg23 : memref<!tpu.dma_semaphore, #tpu.memory_space<semaphore_mem>>) src(%arg13 : memref<100x80xf32, #tpu.memory_space<vmem>>) dst(%dma_wait3A_183 : memref<10240x80xf32, #tpu.memory_space<vmem_shared>>)
      } else {
      }
      %add3A_99 = arith.constant 4 : i32
      %add3A_100 = arith.addi %mul3A_45, %add3A_99 : i32
      %dma_start3A_101 = arith.constant 0 : i32
      %dma_start3A_102 = tpu.memref_slice %arg7[%add3A_100, %dma_start3A_101] : memref<100x100xi32, #tpu.memory_space<vmem>> -> memref<1x100xi32, #tpu.memory_space<vmem>>
      %dma_start3A_103 = tpu.memref_squeeze %dma_start3A_102 : memref<1x100xi32, #tpu.memory_space<vmem>> -> memref<100xi32, #tpu.memory_space<vmem>>
      %dma_start3A_104 = arith.constant 0 : i32
      %dma_start3A_105 = arith.constant 0 : i32
      %dma_start3A_106 = tpu.memref_slice %arg2[%dma_start3A_104, %dma_start3A_105] : memref<10000x80xf32, #tpu.memory_space<hbm>> -> memref<10000x80xf32, #tpu.memory_space<hbm>>
      tpu.enqueue_indirect_dma source(%dma_start3A_106 : memref<10000x80xf32, #tpu.memory_space<hbm>>) target(%arg13 : memref<100x80xf32, #tpu.memory_space<vmem>>) offsets(%dma_start3A_103 : memref<100xi32, #tpu.memory_space<vmem>>) semaphore(%arg18 : memref<!tpu.dma_semaphore, #tpu.memory_space<semaphore_mem>>)
      %dma_wait3A_107 = arith.constant 0 : i32
      %dma_wait3A_108 = tpu.memref_slice %arg7[%add3A_49, %dma_wait3A_107] : memref<100x100xi32, #tpu.memory_space<vmem>> -> memref<1x100xi32, #tpu.memory_space<vmem>>
      %dma_wait3A_109 = tpu.memref_squeeze %dma_wait3A_108 : memref<1x100xi32, #tpu.memory_space<vmem>> -> memref<100xi32, #tpu.memory_space<vmem>>
      %dma_wait3A_110 = arith.constant 0 : i32
      %dma_wait3A_111 = arith.constant 0 : i32
      %dma_wait3A_112 = tpu.memref_slice %arg2[%dma_wait3A_110, %dma_wait3A_111] : memref<10000x80xf32, #tpu.memory_space<hbm>> -> memref<10000x80xf32, #tpu.memory_space<hbm>>
      tpu.wait_indirect_dma semaphore(%arg14 : memref<!tpu.dma_semaphore, #tpu.memory_space<semaphore_mem>>) src(%dma_wait3A_112 : memref<10000x80xf32, #tpu.memory_space<hbm>>) dst(%arg9 : memref<100x80xf32, #tpu.memory_space<vmem>>)
      %add3A_113 = arith.constant 0 : i32
      %add3A_114 = arith.addi %mul3A_45, %add3A_113 : i32
      %dma_start3A_115 = arith.constant 0 : i32
      %dma_start3A_116 = tpu.memref_slice %arg8[%add3A_114, %dma_start3A_115] : memref<100x100xi32, #tpu.memory_space<vmem>> -> memref<1x100xi32, #tpu.memory_space<vmem>>
      %dma_start3A_117 = tpu.memref_squeeze %dma_start3A_116 : memref<1x100xi32, #tpu.memory_space<vmem>> -> memref<100xi32, #tpu.memory_space<vmem>>
      %dma_start3A_118 = arith.constant 0 : i32
      %dma_start3A_119 = arith.constant 0 : i32
      %dma_start3A_120 = tpu.memref_slice %arg24[%dma_start3A_118, %dma_start3A_119] : memref<10240x80xf32, #tpu.memory_space<vmem_shared>> -> memref<10240x80xf32, #tpu.memory_space<vmem_shared>>
      tpu.enqueue_indirect_dma source(%arg9 : memref<100x80xf32, #tpu.memory_space<vmem>>) target(%dma_start3A_120 : memref<10240x80xf32, #tpu.memory_space<vmem_shared>>) offsets(%dma_start3A_117 : memref<100xi32, #tpu.memory_space<vmem>>) semaphore(%arg19 : memref<!tpu.dma_semaphore, #tpu.memory_space<semaphore_mem>>) {add = true}
      %dma_wait3A_121 = arith.constant 0 : i32
      %dma_wait3A_122 = tpu.memref_slice %arg7[%add3A_61, %dma_wait3A_121] : memref<100x100xi32, #tpu.memory_space<vmem>> -> memref<1x100xi32, #tpu.memory_space<vmem>>
      %dma_wait3A_123 = tpu.memref_squeeze %dma_wait3A_122 : memref<1x100xi32, #tpu.memory_space<vmem>> -> memref<100xi32, #tpu.memory_space<vmem>>
      %dma_wait3A_124 = arith.constant 0 : i32
      %dma_wait3A_125 = arith.constant 0 : i32
      %dma_wait3A_126 = tpu.memref_slice %arg2[%dma_wait3A_124, %dma_wait3A_125] : memref<10000x80xf32, #tpu.memory_space<hbm>> -> memref<10000x80xf32, #tpu.memory_space<hbm>>
      tpu.wait_indirect_dma semaphore(%arg15 : memref<!tpu.dma_semaphore, #tpu.memory_space<semaphore_mem>>) src(%dma_wait3A_126 : memref<10000x80xf32, #tpu.memory_space<hbm>>) dst(%arg10 : memref<100x80xf32, #tpu.memory_space<vmem>>)
      %add3A_127 = arith.constant 1 : i32
      %add3A_128 = arith.addi %mul3A_45, %add3A_127 : i32
      %dma_start3A_129 = arith.constant 0 : i32
      %dma_start3A_130 = tpu.memref_slice %arg8[%add3A_128, %dma_start3A_129] : memref<100x100xi32, #tpu.memory_space<vmem>> -> memref<1x100xi32, #tpu.memory_space<vmem>>
      %dma_start3A_131 = tpu.memref_squeeze %dma_start3A_130 : memref<1x100xi32, #tpu.memory_space<vmem>> -> memref<100xi32, #tpu.memory_space<vmem>>
      %dma_start3A_132 = arith.constant 0 : i32
      %dma_start3A_133 = arith.constant 0 : i32
      %dma_start3A_134 = tpu.memref_slice %arg24[%dma_start3A_132, %dma_start3A_133] : memref<10240x80xf32, #tpu.memory_space<vmem_shared>> -> memref<10240x80xf32, #tpu.memory_space<vmem_shared>>
      tpu.enqueue_indirect_dma source(%arg10 : memref<100x80xf32, #tpu.memory_space<vmem>>) target(%dma_start3A_134 : memref<10240x80xf32, #tpu.memory_space<vmem_shared>>) offsets(%dma_start3A_131 : memref<100xi32, #tpu.memory_space<vmem>>) semaphore(%arg20 : memref<!tpu.dma_semaphore, #tpu.memory_space<semaphore_mem>>) {add = true}
      %dma_wait3A_135 = arith.constant 0 : i32
      %dma_wait3A_136 = tpu.memref_slice %arg7[%add3A_74, %dma_wait3A_135] : memref<100x100xi32, #tpu.memory_space<vmem>> -> memref<1x100xi32, #tpu.memory_space<vmem>>
      %dma_wait3A_137 = tpu.memref_squeeze %dma_wait3A_136 : memref<1x100xi32, #tpu.memory_space<vmem>> -> memref<100xi32, #tpu.memory_space<vmem>>
      %dma_wait3A_138 = arith.constant 0 : i32
      %dma_wait3A_139 = arith.constant 0 : i32
      %dma_wait3A_140 = tpu.memref_slice %arg2[%dma_wait3A_138, %dma_wait3A_139] : memref<10000x80xf32, #tpu.memory_space<hbm>> -> memref<10000x80xf32, #tpu.memory_space<hbm>>
      tpu.wait_indirect_dma semaphore(%arg16 : memref<!tpu.dma_semaphore, #tpu.memory_space<semaphore_mem>>) src(%dma_wait3A_140 : memref<10000x80xf32, #tpu.memory_space<hbm>>) dst(%arg11 : memref<100x80xf32, #tpu.memory_space<vmem>>)
      %add3A_141 = arith.constant 2 : i32
      %add3A_142 = arith.addi %mul3A_45, %add3A_141 : i32
      %dma_start3A_143 = arith.constant 0 : i32
      %dma_start3A_144 = tpu.memref_slice %arg8[%add3A_142, %dma_start3A_143] : memref<100x100xi32, #tpu.memory_space<vmem>> -> memref<1x100xi32, #tpu.memory_space<vmem>>
      %dma_start3A_145 = tpu.memref_squeeze %dma_start3A_144 : memref<1x100xi32, #tpu.memory_space<vmem>> -> memref<100xi32, #tpu.memory_space<vmem>>
      %dma_start3A_146 = arith.constant 0 : i32
      %dma_start3A_147 = arith.constant 0 : i32
      %dma_start3A_148 = tpu.memref_slice %arg24[%dma_start3A_146, %dma_start3A_147] : memref<10240x80xf32, #tpu.memory_space<vmem_shared>> -> memref<10240x80xf32, #tpu.memory_space<vmem_shared>>
      tpu.enqueue_indirect_dma source(%arg11 : memref<100x80xf32, #tpu.memory_space<vmem>>) target(%dma_start3A_148 : memref<10240x80xf32, #tpu.memory_space<vmem_shared>>) offsets(%dma_start3A_145 : memref<100xi32, #tpu.memory_space<vmem>>) semaphore(%arg21 : memref<!tpu.dma_semaphore, #tpu.memory_space<semaphore_mem>>) {add = true}
      %dma_wait3A_149 = arith.constant 0 : i32
      %dma_wait3A_150 = tpu.memref_slice %arg7[%add3A_87, %dma_wait3A_149] : memref<100x100xi32, #tpu.memory_space<vmem>> -> memref<1x100xi32, #tpu.memory_space<vmem>>
      %dma_wait3A_151 = tpu.memref_squeeze %dma_wait3A_150 : memref<1x100xi32, #tpu.memory_space<vmem>> -> memref<100xi32, #tpu.memory_space<vmem>>
      %dma_wait3A_152 = arith.constant 0 : i32
      %dma_wait3A_153 = arith.constant 0 : i32
      %dma_wait3A_154 = tpu.memref_slice %arg2[%dma_wait3A_152, %dma_wait3A_153] : memref<10000x80xf32, #tpu.memory_space<hbm>> -> memref<10000x80xf32, #tpu.memory_space<hbm>>
      tpu.wait_indirect_dma semaphore(%arg17 : memref<!tpu.dma_semaphore, #tpu.memory_space<semaphore_mem>>) src(%dma_wait3A_154 : memref<10000x80xf32, #tpu.memory_space<hbm>>) dst(%arg12 : memref<100x80xf32, #tpu.memory_space<vmem>>)
      %add3A_155 = arith.constant 3 : i32
      %add3A_156 = arith.addi %mul3A_45, %add3A_155 : i32
      %dma_start3A_157 = arith.constant 0 : i32
      %dma_start3A_158 = tpu.memref_slice %arg8[%add3A_156, %dma_start3A_157] : memref<100x100xi32, #tpu.memory_space<vmem>> -> memref<1x100xi32, #tpu.memory_space<vmem>>
      %dma_start3A_159 = tpu.memref_squeeze %dma_start3A_158 : memref<1x100xi32, #tpu.memory_space<vmem>> -> memref<100xi32, #tpu.memory_space<vmem>>
      %dma_start3A_160 = arith.constant 0 : i32
      %dma_start3A_161 = arith.constant 0 : i32
      %dma_start3A_162 = tpu.memref_slice %arg24[%dma_start3A_160, %dma_start3A_161] : memref<10240x80xf32, #tpu.memory_space<vmem_shared>> -> memref<10240x80xf32, #tpu.memory_space<vmem_shared>>
      tpu.enqueue_indirect_dma source(%arg12 : memref<100x80xf32, #tpu.memory_space<vmem>>) target(%dma_start3A_162 : memref<10240x80xf32, #tpu.memory_space<vmem_shared>>) offsets(%dma_start3A_159 : memref<100xi32, #tpu.memory_space<vmem>>) semaphore(%arg22 : memref<!tpu.dma_semaphore, #tpu.memory_space<semaphore_mem>>) {add = true}
      %dma_wait3A_163 = arith.constant 0 : i32
      %dma_wait3A_164 = tpu.memref_slice %arg7[%add3A_100, %dma_wait3A_163] : memref<100x100xi32, #tpu.memory_space<vmem>> -> memref<1x100xi32, #tpu.memory_space<vmem>>
      %dma_wait3A_165 = tpu.memref_squeeze %dma_wait3A_164 : memref<1x100xi32, #tpu.memory_space<vmem>> -> memref<100xi32, #tpu.memory_space<vmem>>
      %dma_wait3A_166 = arith.constant 0 : i32
      %dma_wait3A_167 = arith.constant 0 : i32
      %dma_wait3A_168 = tpu.memref_slice %arg2[%dma_wait3A_166, %dma_wait3A_167] : memref<10000x80xf32, #tpu.memory_space<hbm>> -> memref<10000x80xf32, #tpu.memory_space<hbm>>
      tpu.wait_indirect_dma semaphore(%arg18 : memref<!tpu.dma_semaphore, #tpu.memory_space<semaphore_mem>>) src(%dma_wait3A_168 : memref<10000x80xf32, #tpu.memory_space<hbm>>) dst(%arg13 : memref<100x80xf32, #tpu.memory_space<vmem>>)
      %add3A_169 = arith.constant 4 : i32
      %add3A_170 = arith.addi %mul3A_45, %add3A_169 : i32
      %dma_start3A_171 = arith.constant 0 : i32
      %dma_start3A_172 = tpu.memref_slice %arg8[%add3A_170, %dma_start3A_171] : memref<100x100xi32, #tpu.memory_space<vmem>> -> memref<1x100xi32, #tpu.memory_space<vmem>>
      %dma_start3A_173 = tpu.memref_squeeze %dma_start3A_172 : memref<1x100xi32, #tpu.memory_space<vmem>> -> memref<100xi32, #tpu.memory_space<vmem>>
      %dma_start3A_174 = arith.constant 0 : i32
      %dma_start3A_175 = arith.constant 0 : i32
      %dma_start3A_176 = tpu.memref_slice %arg24[%dma_start3A_174, %dma_start3A_175] : memref<10240x80xf32, #tpu.memory_space<vmem_shared>> -> memref<10240x80xf32, #tpu.memory_space<vmem_shared>>
      tpu.enqueue_indirect_dma source(%arg13 : memref<100x80xf32, #tpu.memory_space<vmem>>) target(%dma_start3A_176 : memref<10240x80xf32, #tpu.memory_space<vmem_shared>>) offsets(%dma_start3A_173 : memref<100xi32, #tpu.memory_space<vmem>>) semaphore(%arg23 : memref<!tpu.dma_semaphore, #tpu.memory_space<semaphore_mem>>) {add = true}
    }
    %scan3A_7 = arith.constant 20 : i32
    %dma_wait3A = arith.constant 0 : i32
    %dma_wait3A_8 = arith.constant 0 : i32
    %dma_wait3A_9 = tpu.memref_slice %arg8[%dma_wait3A, %dma_wait3A_8] : memref<100x100xi32, #tpu.memory_space<vmem>> -> memref<1x100xi32, #tpu.memory_space<vmem>>
    %dma_wait3A_10 = tpu.memref_squeeze %dma_wait3A_9 : memref<1x100xi32, #tpu.memory_space<vmem>> -> memref<100xi32, #tpu.memory_space<vmem>>
    %dma_wait3A_11 = arith.constant 0 : i32
    %dma_wait3A_12 = arith.constant 0 : i32
    %dma_wait3A_13 = tpu.memref_slice %arg24[%dma_wait3A_11, %dma_wait3A_12] : memref<10240x80xf32, #tpu.memory_space<vmem_shared>> -> memref<10240x80xf32, #tpu.memory_space<vmem_shared>>
    tpu.wait_indirect_dma semaphore(%arg19 : memref<!tpu.dma_semaphore, #tpu.memory_space<semaphore_mem>>) src(%arg9 : memref<100x80xf32, #tpu.memory_space<vmem>>) dst(%dma_wait3A_13 : memref<10240x80xf32, #tpu.memory_space<vmem_shared>>)
    %dma_wait3A_14 = arith.constant 0 : i32
    %dma_wait3A_15 = arith.constant 0 : i32
    %dma_wait3A_16 = tpu.memref_slice %arg8[%dma_wait3A_14, %dma_wait3A_15] : memref<100x100xi32, #tpu.memory_space<vmem>> -> memref<1x100xi32, #tpu.memory_space<vmem>>
    %dma_wait3A_17 = tpu.memref_squeeze %dma_wait3A_16 : memref<1x100xi32, #tpu.memory_space<vmem>> -> memref<100xi32, #tpu.memory_space<vmem>>
    %dma_wait3A_18 = arith.constant 0 : i32
    %dma_wait3A_19 = arith.constant 0 : i32
    %dma_wait3A_20 = tpu.memref_slice %arg24[%dma_wait3A_18, %dma_wait3A_19] : memref<10240x80xf32, #tpu.memory_space<vmem_shared>> -> memref<10240x80xf32, #tpu.memory_space<vmem_shared>>
    tpu.wait_indirect_dma semaphore(%arg20 : memref<!tpu.dma_semaphore, #tpu.memory_space<semaphore_mem>>) src(%arg10 : memref<100x80xf32, #tpu.memory_space<vmem>>) dst(%dma_wait3A_20 : memref<10240x80xf32, #tpu.memory_space<vmem_shared>>)
    %dma_wait3A_21 = arith.constant 0 : i32
    %dma_wait3A_22 = arith.constant 0 : i32
    %dma_wait3A_23 = tpu.memref_slice %arg8[%dma_wait3A_21, %dma_wait3A_22] : memref<100x100xi32, #tpu.memory_space<vmem>> -> memref<1x100xi32, #tpu.memory_space<vmem>>
    %dma_wait3A_24 = tpu.memref_squeeze %dma_wait3A_23 : memref<1x100xi32, #tpu.memory_space<vmem>> -> memref<100xi32, #tpu.memory_space<vmem>>
    %dma_wait3A_25 = arith.constant 0 : i32
    %dma_wait3A_26 = arith.constant 0 : i32
    %dma_wait3A_27 = tpu.memref_slice %arg24[%dma_wait3A_25, %dma_wait3A_26] : memref<10240x80xf32, #tpu.memory_space<vmem_shared>> -> memref<10240x80xf32, #tpu.memory_space<vmem_shared>>
    tpu.wait_indirect_dma semaphore(%arg21 : memref<!tpu.dma_semaphore, #tpu.memory_space<semaphore_mem>>) src(%arg11 : memref<100x80xf32, #tpu.memory_space<vmem>>) dst(%dma_wait3A_27 : memref<10240x80xf32, #tpu.memory_space<vmem_shared>>)
    %dma_wait3A_28 = arith.constant 0 : i32
    %dma_wait3A_29 = arith.constant 0 : i32
    %dma_wait3A_30 = tpu.memref_slice %arg8[%dma_wait3A_28, %dma_wait3A_29] : memref<100x100xi32, #tpu.memory_space<vmem>> -> memref<1x100xi32, #tpu.memory_space<vmem>>
    %dma_wait3A_31 = tpu.memref_squeeze %dma_wait3A_30 : memref<1x100xi32, #tpu.memory_space<vmem>> -> memref<100xi32, #tpu.memory_space<vmem>>
    %dma_wait3A_32 = arith.constant 0 : i32
    %dma_wait3A_33 = arith.constant 0 : i32
    %dma_wait3A_34 = tpu.memref_slice %arg24[%dma_wait3A_32, %dma_wait3A_33] : memref<10240x80xf32, #tpu.memory_space<vmem_shared>> -> memref<10240x80xf32, #tpu.memory_space<vmem_shared>>
    tpu.wait_indirect_dma semaphore(%arg22 : memref<!tpu.dma_semaphore, #tpu.memory_space<semaphore_mem>>) src(%arg12 : memref<100x80xf32, #tpu.memory_space<vmem>>) dst(%dma_wait3A_34 : memref<10240x80xf32, #tpu.memory_space<vmem_shared>>)
    %dma_wait3A_35 = arith.constant 0 : i32
    %dma_wait3A_36 = arith.constant 0 : i32
    %dma_wait3A_37 = tpu.memref_slice %arg8[%dma_wait3A_35, %dma_wait3A_36] : memref<100x100xi32, #tpu.memory_space<vmem>> -> memref<1x100xi32, #tpu.memory_space<vmem>>
    %dma_wait3A_38 = tpu.memref_squeeze %dma_wait3A_37 : memref<1x100xi32, #tpu.memory_space<vmem>> -> memref<100xi32, #tpu.memory_space<vmem>>
    %dma_wait3A_39 = arith.constant 0 : i32
    %dma_wait3A_40 = arith.constant 0 : i32
    %dma_wait3A_41 = tpu.memref_slice %arg24[%dma_wait3A_39, %dma_wait3A_40] : memref<10240x80xf32, #tpu.memory_space<vmem_shared>> -> memref<10240x80xf32, #tpu.memory_space<vmem_shared>>
    tpu.wait_indirect_dma semaphore(%arg23 : memref<!tpu.dma_semaphore, #tpu.memory_space<semaphore_mem>>) src(%arg13 : memref<100x80xf32, #tpu.memory_space<vmem>>) dst(%dma_wait3A_41 : memref<10240x80xf32, #tpu.memory_space<vmem_shared>>)
    %barrier3A_42 = arith.constant 0 : index
    tpu.barrier barrier_id(%barrier3A_42)
    "tpu.region"() ({
      %run_scoped3A = tpu.sem_alloc : memref<!tpu.dma_semaphore, #tpu.memory_space<semaphore_mem>>
      %dma_start3A = arith.constant 0 : i32
      %dma_start3A_43 = tpu.memref_slice %arg6[%arg0, %mul3A_2, %dma_start3A] : memref<2x10240x80xf32, #tpu.memory_space<hbm>> -> memref<1x640x80xf32, #tpu.memory_space<hbm>>
      %dma_start3A_44 = tpu.memref_squeeze %dma_start3A_43 : memref<1x640x80xf32, #tpu.memory_space<hbm>> -> memref<640x80xf32, #tpu.memory_space<hbm>>
      %dma_start3A_45 = arith.constant 0 : i32
      %dma_start3A_46 = tpu.memref_slice %arg24[%mul3A_2, %dma_start3A_45] : memref<10240x80xf32, #tpu.memory_space<vmem_shared>> -> memref<640x80xf32, #tpu.memory_space<vmem_shared>>
      tpu.enqueue_dma source(%dma_start3A_46 : memref<640x80xf32, #tpu.memory_space<vmem_shared>>) target(%dma_start3A_44 : memref<640x80xf32, #tpu.memory_space<hbm>>) target_semaphore(%run_scoped3A : memref<!tpu.dma_semaphore, #tpu.memory_space<semaphore_mem>>)
      %dma_wait3A_47 = arith.constant 0 : i32
      %dma_wait3A_48 = tpu.memref_slice %arg6[%arg0, %mul3A_2, %dma_wait3A_47] : memref<2x10240x80xf32, #tpu.memory_space<hbm>> -> memref<1x640x80xf32, #tpu.memory_space<hbm>>
      %dma_wait3A_49 = tpu.memref_squeeze %dma_wait3A_48 : memref<1x640x80xf32, #tpu.memory_space<hbm>> -> memref<640x80xf32, #tpu.memory_space<hbm>>
      %dma_wait3A_50 = arith.constant 0 : i32
      %dma_wait3A_51 = tpu.memref_slice %arg24[%mul3A_2, %dma_wait3A_50] : memref<10240x80xf32, #tpu.memory_space<vmem_shared>> -> memref<640x80xf32, #tpu.memory_space<vmem_shared>>
      tpu.wait_dma2 semaphore(%run_scoped3A : memref<!tpu.dma_semaphore, #tpu.memory_space<semaphore_mem>>) src(%dma_wait3A_51 : memref<640x80xf32, #tpu.memory_space<vmem_shared>>) dst(%dma_wait3A_49 : memref<640x80xf32, #tpu.memory_space<hbm>>)
      tpu.yield
    }) : () -> ()
    return
  }
}

#map = affine_map<(d0, d1) -> (0, 0)>
#map1 = affine_map<(d0, d1) -> (0, 0, 0)>
module attributes {stable_mosaic.version = 14 : i64} {
  func.func @body(%arg0: i32, %arg1: i32, %arg2: memref<10000x64xf32, #tpu.memory_space<hbm>>, %arg3: memref<32x100x100xi32, #tpu.memory_space<hbm>>, %arg4: memref<32x100x100xi32, #tpu.memory_space<hbm>>, %arg5: memref<640x64xf32, #tpu.memory_space<hbm>>, %arg6: memref<2x10240x64xf32, #tpu.memory_space<hbm>>, %arg7: memref<100x100xi32, #tpu.memory_space<vmem>>, %arg8: memref<100x100xi32, #tpu.memory_space<vmem>>, %arg9: memref<100x64xf32, #tpu.memory_space<vmem>>, %arg10: memref<100x64xf32, #tpu.memory_space<vmem>>, %arg11: memref<100x64xf32, #tpu.memory_space<vmem>>, %arg12: memref<100x64xf32, #tpu.memory_space<vmem>>, %arg13: memref<100x64xf32, #tpu.memory_space<vmem>>, %arg14: memref<!tpu.dma_semaphore, #tpu.memory_space<semaphore_mem>>, %arg15: memref<!tpu.dma_semaphore, #tpu.memory_space<semaphore_mem>>, %arg16: memref<!tpu.dma_semaphore, #tpu.memory_space<semaphore_mem>>, %arg17: memref<!tpu.dma_semaphore, #tpu.memory_space<semaphore_mem>>, %arg18: memref<!tpu.dma_semaphore, #tpu.memory_space<semaphore_mem>>, %arg19: memref<!tpu.dma_semaphore, #tpu.memory_space<semaphore_mem>>, %arg20: memref<!tpu.dma_semaphore, #tpu.memory_space<semaphore_mem>>, %arg21: memref<!tpu.dma_semaphore, #tpu.memory_space<semaphore_mem>>, %arg22: memref<!tpu.dma_semaphore, #tpu.memory_space<semaphore_mem>>, %arg23: memref<!tpu.dma_semaphore, #tpu.memory_space<semaphore_mem>>, %arg24: memref<10240x64xf32, #tpu.memory_space<vmem_shared>>) attributes {dimension_semantics = [#tpu.dimension_semantics<core_parallel>, #tpu.dimension_semantics<subcore_parallel>], iteration_bounds = array<i64: 2, 16>, scalar_prefetch = 0 : i64, scratch_operands = 18 : i64, tpu.core_type = #tpu.core_type<sc_vector_subcore>, window_params = [{transform_indices = #map}, {transform_indices = #map1}, {transform_indices = #map1}, {transform_indices = #map}, {transform_indices = #map1}]} {
    %mul3A = arith.constant 16 : i32
    %mul3A_0 = arith.muli %arg0, %mul3A : i32
    %add3A = arith.addi %mul3A_0, %arg1 : i32
    %mul3A_1 = arith.constant 640 : i32
    %mul3A_2 = arith.muli %arg1, %mul3A_1 : i32
    "tpu.region"() ({
      %run_scoped3A = tpu.sem_alloc : memref<!tpu.dma_semaphore, #tpu.memory_space<semaphore_mem>>
      %dma_start3A = arith.constant 0 : i32
      %dma_start3A_43 = arith.constant 0 : i32
      %dma_start3A_44 = tpu.memref_slice %arg3[%add3A, %dma_start3A, %dma_start3A_43] : memref<32x100x100xi32, #tpu.memory_space<hbm>> -> memref<1x100x100xi32, #tpu.memory_space<hbm>>
      %dma_start3A_45 = tpu.memref_squeeze %dma_start3A_44 : memref<1x100x100xi32, #tpu.memory_space<hbm>> -> memref<100x100xi32, #tpu.memory_space<hbm>>
      %dma_start3A_46 = arith.constant 0 : i32
      %dma_start3A_47 = arith.constant 0 : i32
      %dma_start3A_48 = tpu.memref_slice %arg3[%add3A, %dma_start3A_46, %dma_start3A_47] : memref<32x100x100xi32, #tpu.memory_space<hbm>> -> memref<1x100x100xi32, #tpu.memory_space<hbm>>
      %dma_start3A_49 = tpu.memref_squeeze %dma_start3A_48 : memref<1x100x100xi32, #tpu.memory_space<hbm>> -> memref<100x100xi32, #tpu.memory_space<hbm>>
      tpu.enqueue_dma source(%dma_start3A_49 : memref<100x100xi32, #tpu.memory_space<hbm>>) target(%arg7 : memref<100x100xi32, #tpu.memory_space<vmem>>) target_semaphore(%run_scoped3A : memref<!tpu.dma_semaphore, #tpu.memory_space<semaphore_mem>>)
      %dma_wait3A_50 = arith.constant 0 : i32
      %dma_wait3A_51 = arith.constant 0 : i32
      %dma_wait3A_52 = tpu.memref_slice %arg3[%add3A, %dma_wait3A_50, %dma_wait3A_51] : memref<32x100x100xi32, #tpu.memory_space<hbm>> -> memref<1x100x100xi32, #tpu.memory_space<hbm>>
      %dma_wait3A_53 = tpu.memref_squeeze %dma_wait3A_52 : memref<1x100x100xi32, #tpu.memory_space<hbm>> -> memref<100x100xi32, #tpu.memory_space<hbm>>
      %dma_wait3A_54 = arith.constant 0 : i32
      %dma_wait3A_55 = arith.constant 0 : i32
      %dma_wait3A_56 = tpu.memref_slice %arg3[%add3A, %dma_wait3A_54, %dma_wait3A_55] : memref<32x100x100xi32, #tpu.memory_space<hbm>> -> memref<1x100x100xi32, #tpu.memory_space<hbm>>
      %dma_wait3A_57 = tpu.memref_squeeze %dma_wait3A_56 : memref<1x100x100xi32, #tpu.memory_space<hbm>> -> memref<100x100xi32, #tpu.memory_space<hbm>>
      tpu.wait_dma2 semaphore(%run_scoped3A : memref<!tpu.dma_semaphore, #tpu.memory_space<semaphore_mem>>) src(%dma_wait3A_57 : memref<100x100xi32, #tpu.memory_space<hbm>>) dst(%arg7 : memref<100x100xi32, #tpu.memory_space<vmem>>)
      tpu.yield
    }) : () -> ()
    "tpu.region"() ({
      %run_scoped3A = tpu.sem_alloc : memref<!tpu.dma_semaphore, #tpu.memory_space<semaphore_mem>>
      %dma_start3A = arith.constant 0 : i32
      %dma_start3A_43 = arith.constant 0 : i32
      %dma_start3A_44 = tpu.memref_slice %arg4[%add3A, %dma_start3A, %dma_start3A_43] : memref<32x100x100xi32, #tpu.memory_space<hbm>> -> memref<1x100x100xi32, #tpu.memory_space<hbm>>
      %dma_start3A_45 = tpu.memref_squeeze %dma_start3A_44 : memref<1x100x100xi32, #tpu.memory_space<hbm>> -> memref<100x100xi32, #tpu.memory_space<hbm>>
      %dma_start3A_46 = arith.constant 0 : i32
      %dma_start3A_47 = arith.constant 0 : i32
      %dma_start3A_48 = tpu.memref_slice %arg4[%add3A, %dma_start3A_46, %dma_start3A_47] : memref<32x100x100xi32, #tpu.memory_space<hbm>> -> memref<1x100x100xi32, #tpu.memory_space<hbm>>
      %dma_start3A_49 = tpu.memref_squeeze %dma_start3A_48 : memref<1x100x100xi32, #tpu.memory_space<hbm>> -> memref<100x100xi32, #tpu.memory_space<hbm>>
      tpu.enqueue_dma source(%dma_start3A_49 : memref<100x100xi32, #tpu.memory_space<hbm>>) target(%arg8 : memref<100x100xi32, #tpu.memory_space<vmem>>) target_semaphore(%run_scoped3A : memref<!tpu.dma_semaphore, #tpu.memory_space<semaphore_mem>>)
      %dma_wait3A_50 = arith.constant 0 : i32
      %dma_wait3A_51 = arith.constant 0 : i32
      %dma_wait3A_52 = tpu.memref_slice %arg4[%add3A, %dma_wait3A_50, %dma_wait3A_51] : memref<32x100x100xi32, #tpu.memory_space<hbm>> -> memref<1x100x100xi32, #tpu.memory_space<hbm>>
      %dma_wait3A_53 = tpu.memref_squeeze %dma_wait3A_52 : memref<1x100x100xi32, #tpu.memory_space<hbm>> -> memref<100x100xi32, #tpu.memory_space<hbm>>
      %dma_wait3A_54 = arith.constant 0 : i32
      %dma_wait3A_55 = arith.constant 0 : i32
      %dma_wait3A_56 = tpu.memref_slice %arg4[%add3A, %dma_wait3A_54, %dma_wait3A_55] : memref<32x100x100xi32, #tpu.memory_space<hbm>> -> memref<1x100x100xi32, #tpu.memory_space<hbm>>
      %dma_wait3A_57 = tpu.memref_squeeze %dma_wait3A_56 : memref<1x100x100xi32, #tpu.memory_space<hbm>> -> memref<100x100xi32, #tpu.memory_space<hbm>>
      tpu.wait_dma2 semaphore(%run_scoped3A : memref<!tpu.dma_semaphore, #tpu.memory_space<semaphore_mem>>) src(%dma_wait3A_57 : memref<100x100xi32, #tpu.memory_space<hbm>>) dst(%arg8 : memref<100x100xi32, #tpu.memory_space<vmem>>)
      tpu.yield
    }) : () -> ()
    "tpu.region"() ({
      %run_scoped3A = tpu.sem_alloc : memref<!tpu.dma_semaphore, #tpu.memory_space<semaphore_mem>>
      %dma_start3A = arith.constant 0 : i32
      %dma_start3A_43 = tpu.memref_slice %arg24[%mul3A_2, %dma_start3A] : memref<10240x64xf32, #tpu.memory_space<vmem_shared>> -> memref<640x64xf32, #tpu.memory_space<vmem_shared>>
      tpu.enqueue_dma source(%arg5 : memref<640x64xf32, #tpu.memory_space<hbm>>) target(%dma_start3A_43 : memref<640x64xf32, #tpu.memory_space<vmem_shared>>) target_semaphore(%run_scoped3A : memref<!tpu.dma_semaphore, #tpu.memory_space<semaphore_mem>>)
      %dma_wait3A_44 = arith.constant 0 : i32
      %dma_wait3A_45 = tpu.memref_slice %arg24[%mul3A_2, %dma_wait3A_44] : memref<10240x64xf32, #tpu.memory_space<vmem_shared>> -> memref<640x64xf32, #tpu.memory_space<vmem_shared>>
      tpu.wait_dma2 semaphore(%run_scoped3A : memref<!tpu.dma_semaphore, #tpu.memory_space<semaphore_mem>>) src(%arg5 : memref<640x64xf32, #tpu.memory_space<hbm>>) dst(%dma_wait3A_45 : memref<640x64xf32, #tpu.memory_space<vmem_shared>>)
      tpu.yield
    }) : () -> ()
    %barrier3A = arith.constant 0 : index
    tpu.barrier barrier_id(%barrier3A)
    %scan3A = arith.constant 0 : i32
    %scan3A_3 = arith.constant 0 : i32
    %scan3A_4 = arith.constant 20 : i32
    %scan3A_5 = arith.addi %scan3A_3, %scan3A_4 : i32
    %scan3A_6 = arith.constant 1 : i32
    scf.for %scan3A_43 = %scan3A_3 to %scan3A_5 step %scan3A_6  : i32 {
      %mul3A_44 = arith.constant 5 : i32
      %mul3A_45 = arith.muli %scan3A_43, %mul3A_44 : i32
      %gt3A = arith.constant 0 : i32
      %gt3A_46 = arith.cmpi sgt, %scan3A_43, %gt3A : i32
      %convert_element_type3A = arith.extui %gt3A_46 : i1 to i32
      %cond3A = arith.constant 0 : i32
      %cond3A_47 = arith.cmpi ne, %convert_element_type3A, %cond3A : i32
      scf.if %cond3A_47 {
        %dma_wait3A_177 = arith.constant 0 : i32
        %dma_wait3A_178 = arith.constant 0 : i32
        %dma_wait3A_179 = tpu.memref_slice %arg8[%dma_wait3A_177, %dma_wait3A_178] : memref<100x100xi32, #tpu.memory_space<vmem>> -> memref<1x100xi32, #tpu.memory_space<vmem>>
        %dma_wait3A_180 = tpu.memref_squeeze %dma_wait3A_179 : memref<1x100xi32, #tpu.memory_space<vmem>> -> memref<100xi32, #tpu.memory_space<vmem>>
        %dma_wait3A_181 = arith.constant 0 : i32
        %dma_wait3A_182 = arith.constant 0 : i32
        %dma_wait3A_183 = tpu.memref_slice %arg24[%dma_wait3A_181, %dma_wait3A_182] : memref<10240x64xf32, #tpu.memory_space<vmem_shared>> -> memref<10240x64xf32, #tpu.memory_space<vmem_shared>>
        tpu.wait_indirect_dma semaphore(%arg19 : memref<!tpu.dma_semaphore, #tpu.memory_space<semaphore_mem>>) src(%arg9 : memref<100x64xf32, #tpu.memory_space<vmem>>) dst(%dma_wait3A_183 : memref<10240x64xf32, #tpu.memory_space<vmem_shared>>)
      } else {
      }
      %add3A_48 = arith.constant 0 : i32
      %add3A_49 = arith.addi %mul3A_45, %add3A_48 : i32
      %dma_start3A = arith.constant 0 : i32
      %dma_start3A_50 = tpu.memref_slice %arg7[%add3A_49, %dma_start3A] : memref<100x100xi32, #tpu.memory_space<vmem>> -> memref<1x100xi32, #tpu.memory_space<vmem>>
      %dma_start3A_51 = tpu.memref_squeeze %dma_start3A_50 : memref<1x100xi32, #tpu.memory_space<vmem>> -> memref<100xi32, #tpu.memory_space<vmem>>
      %dma_start3A_52 = arith.constant 0 : i32
      %dma_start3A_53 = arith.constant 0 : i32
      %dma_start3A_54 = tpu.memref_slice %arg2[%dma_start3A_52, %dma_start3A_53] : memref<10000x64xf32, #tpu.memory_space<hbm>> -> memref<10000x64xf32, #tpu.memory_space<hbm>>
      tpu.enqueue_indirect_dma source(%dma_start3A_54 : memref<10000x64xf32, #tpu.memory_space<hbm>>) target(%arg9 : memref<100x64xf32, #tpu.memory_space<vmem>>) offsets(%dma_start3A_51 : memref<100xi32, #tpu.memory_space<vmem>>) semaphore(%arg14 : memref<!tpu.dma_semaphore, #tpu.memory_space<semaphore_mem>>)
      %gt3A_55 = arith.constant 0 : i32
      %gt3A_56 = arith.cmpi sgt, %scan3A_43, %gt3A_55 : i32
      %convert_element_type3A_57 = arith.extui %gt3A_56 : i1 to i32
      %cond3A_58 = arith.constant 0 : i32
      %cond3A_59 = arith.cmpi ne, %convert_element_type3A_57, %cond3A_58 : i32
      scf.if %cond3A_59 {
        %dma_wait3A_177 = arith.constant 0 : i32
        %dma_wait3A_178 = arith.constant 0 : i32
        %dma_wait3A_179 = tpu.memref_slice %arg8[%dma_wait3A_177, %dma_wait3A_178] : memref<100x100xi32, #tpu.memory_space<vmem>> -> memref<1x100xi32, #tpu.memory_space<vmem>>
        %dma_wait3A_180 = tpu.memref_squeeze %dma_wait3A_179 : memref<1x100xi32, #tpu.memory_space<vmem>> -> memref<100xi32, #tpu.memory_space<vmem>>
        %dma_wait3A_181 = arith.constant 0 : i32
        %dma_wait3A_182 = arith.constant 0 : i32
        %dma_wait3A_183 = tpu.memref_slice %arg24[%dma_wait3A_181, %dma_wait3A_182] : memref<10240x64xf32, #tpu.memory_space<vmem_shared>> -> memref<10240x64xf32, #tpu.memory_space<vmem_shared>>
        tpu.wait_indirect_dma semaphore(%arg20 : memref<!tpu.dma_semaphore, #tpu.memory_space<semaphore_mem>>) src(%arg10 : memref<100x64xf32, #tpu.memory_space<vmem>>) dst(%dma_wait3A_183 : memref<10240x64xf32, #tpu.memory_space<vmem_shared>>)
      } else {
      }
      %add3A_60 = arith.constant 1 : i32
      %add3A_61 = arith.addi %mul3A_45, %add3A_60 : i32
      %dma_start3A_62 = arith.constant 0 : i32
      %dma_start3A_63 = tpu.memref_slice %arg7[%add3A_61, %dma_start3A_62] : memref<100x100xi32, #tpu.memory_space<vmem>> -> memref<1x100xi32, #tpu.memory_space<vmem>>
      %dma_start3A_64 = tpu.memref_squeeze %dma_start3A_63 : memref<1x100xi32, #tpu.memory_space<vmem>> -> memref<100xi32, #tpu.memory_space<vmem>>
      %dma_start3A_65 = arith.constant 0 : i32
      %dma_start3A_66 = arith.constant 0 : i32
      %dma_start3A_67 = tpu.memref_slice %arg2[%dma_start3A_65, %dma_start3A_66] : memref<10000x64xf32, #tpu.memory_space<hbm>> -> memref<10000x64xf32, #tpu.memory_space<hbm>>
      tpu.enqueue_indirect_dma source(%dma_start3A_67 : memref<10000x64xf32, #tpu.memory_space<hbm>>) target(%arg10 : memref<100x64xf32, #tpu.memory_space<vmem>>) offsets(%dma_start3A_64 : memref<100xi32, #tpu.memory_space<vmem>>) semaphore(%arg15 : memref<!tpu.dma_semaphore, #tpu.memory_space<semaphore_mem>>)
      %gt3A_68 = arith.constant 0 : i32
      %gt3A_69 = arith.cmpi sgt, %scan3A_43, %gt3A_68 : i32
      %convert_element_type3A_70 = arith.extui %gt3A_69 : i1 to i32
      %cond3A_71 = arith.constant 0 : i32
      %cond3A_72 = arith.cmpi ne, %convert_element_type3A_70, %cond3A_71 : i32
      scf.if %cond3A_72 {
        %dma_wait3A_177 = arith.constant 0 : i32
        %dma_wait3A_178 = arith.constant 0 : i32
        %dma_wait3A_179 = tpu.memref_slice %arg8[%dma_wait3A_177, %dma_wait3A_178] : memref<100x100xi32, #tpu.memory_space<vmem>> -> memref<1x100xi32, #tpu.memory_space<vmem>>
        %dma_wait3A_180 = tpu.memref_squeeze %dma_wait3A_179 : memref<1x100xi32, #tpu.memory_space<vmem>> -> memref<100xi32, #tpu.memory_space<vmem>>
        %dma_wait3A_181 = arith.constant 0 : i32
        %dma_wait3A_182 = arith.constant 0 : i32
        %dma_wait3A_183 = tpu.memref_slice %arg24[%dma_wait3A_181, %dma_wait3A_182] : memref<10240x64xf32, #tpu.memory_space<vmem_shared>> -> memref<10240x64xf32, #tpu.memory_space<vmem_shared>>
        tpu.wait_indirect_dma semaphore(%arg21 : memref<!tpu.dma_semaphore, #tpu.memory_space<semaphore_mem>>) src(%arg11 : memref<100x64xf32, #tpu.memory_space<vmem>>) dst(%dma_wait3A_183 : memref<10240x64xf32, #tpu.memory_space<vmem_shared>>)
      } else {
      }
      %add3A_73 = arith.constant 2 : i32
      %add3A_74 = arith.addi %mul3A_45, %add3A_73 : i32
      %dma_start3A_75 = arith.constant 0 : i32
      %dma_start3A_76 = tpu.memref_slice %arg7[%add3A_74, %dma_start3A_75] : memref<100x100xi32, #tpu.memory_space<vmem>> -> memref<1x100xi32, #tpu.memory_space<vmem>>
      %dma_start3A_77 = tpu.memref_squeeze %dma_start3A_76 : memref<1x100xi32, #tpu.memory_space<vmem>> -> memref<100xi32, #tpu.memory_space<vmem>>
      %dma_start3A_78 = arith.constant 0 : i32
      %dma_start3A_79 = arith.constant 0 : i32
      %dma_start3A_80 = tpu.memref_slice %arg2[%dma_start3A_78, %dma_start3A_79] : memref<10000x64xf32, #tpu.memory_space<hbm>> -> memref<10000x64xf32, #tpu.memory_space<hbm>>
      tpu.enqueue_indirect_dma source(%dma_start3A_80 : memref<10000x64xf32, #tpu.memory_space<hbm>>) target(%arg11 : memref<100x64xf32, #tpu.memory_space<vmem>>) offsets(%dma_start3A_77 : memref<100xi32, #tpu.memory_space<vmem>>) semaphore(%arg16 : memref<!tpu.dma_semaphore, #tpu.memory_space<semaphore_mem>>)
      %gt3A_81 = arith.constant 0 : i32
      %gt3A_82 = arith.cmpi sgt, %scan3A_43, %gt3A_81 : i32
      %convert_element_type3A_83 = arith.extui %gt3A_82 : i1 to i32
      %cond3A_84 = arith.constant 0 : i32
      %cond3A_85 = arith.cmpi ne, %convert_element_type3A_83, %cond3A_84 : i32
      scf.if %cond3A_85 {
        %dma_wait3A_177 = arith.constant 0 : i32
        %dma_wait3A_178 = arith.constant 0 : i32
        %dma_wait3A_179 = tpu.memref_slice %arg8[%dma_wait3A_177, %dma_wait3A_178] : memref<100x100xi32, #tpu.memory_space<vmem>> -> memref<1x100xi32, #tpu.memory_space<vmem>>
        %dma_wait3A_180 = tpu.memref_squeeze %dma_wait3A_179 : memref<1x100xi32, #tpu.memory_space<vmem>> -> memref<100xi32, #tpu.memory_space<vmem>>
        %dma_wait3A_181 = arith.constant 0 : i32
        %dma_wait3A_182 = arith.constant 0 : i32
        %dma_wait3A_183 = tpu.memref_slice %arg24[%dma_wait3A_181, %dma_wait3A_182] : memref<10240x64xf32, #tpu.memory_space<vmem_shared>> -> memref<10240x64xf32, #tpu.memory_space<vmem_shared>>
        tpu.wait_indirect_dma semaphore(%arg22 : memref<!tpu.dma_semaphore, #tpu.memory_space<semaphore_mem>>) src(%arg12 : memref<100x64xf32, #tpu.memory_space<vmem>>) dst(%dma_wait3A_183 : memref<10240x64xf32, #tpu.memory_space<vmem_shared>>)
      } else {
      }
      %add3A_86 = arith.constant 3 : i32
      %add3A_87 = arith.addi %mul3A_45, %add3A_86 : i32
      %dma_start3A_88 = arith.constant 0 : i32
      %dma_start3A_89 = tpu.memref_slice %arg7[%add3A_87, %dma_start3A_88] : memref<100x100xi32, #tpu.memory_space<vmem>> -> memref<1x100xi32, #tpu.memory_space<vmem>>
      %dma_start3A_90 = tpu.memref_squeeze %dma_start3A_89 : memref<1x100xi32, #tpu.memory_space<vmem>> -> memref<100xi32, #tpu.memory_space<vmem>>
      %dma_start3A_91 = arith.constant 0 : i32
      %dma_start3A_92 = arith.constant 0 : i32
      %dma_start3A_93 = tpu.memref_slice %arg2[%dma_start3A_91, %dma_start3A_92] : memref<10000x64xf32, #tpu.memory_space<hbm>> -> memref<10000x64xf32, #tpu.memory_space<hbm>>
      tpu.enqueue_indirect_dma source(%dma_start3A_93 : memref<10000x64xf32, #tpu.memory_space<hbm>>) target(%arg12 : memref<100x64xf32, #tpu.memory_space<vmem>>) offsets(%dma_start3A_90 : memref<100xi32, #tpu.memory_space<vmem>>) semaphore(%arg17 : memref<!tpu.dma_semaphore, #tpu.memory_space<semaphore_mem>>)
      %gt3A_94 = arith.constant 0 : i32
      %gt3A_95 = arith.cmpi sgt, %scan3A_43, %gt3A_94 : i32
      %convert_element_type3A_96 = arith.extui %gt3A_95 : i1 to i32
      %cond3A_97 = arith.constant 0 : i32
      %cond3A_98 = arith.cmpi ne, %convert_element_type3A_96, %cond3A_97 : i32
      scf.if %cond3A_98 {
        %dma_wait3A_177 = arith.constant 0 : i32
        %dma_wait3A_178 = arith.constant 0 : i32
        %dma_wait3A_179 = tpu.memref_slice %arg8[%dma_wait3A_177, %dma_wait3A_178] : memref<100x100xi32, #tpu.memory_space<vmem>> -> memref<1x100xi32, #tpu.memory_space<vmem>>
        %dma_wait3A_180 = tpu.memref_squeeze %dma_wait3A_179 : memref<1x100xi32, #tpu.memory_space<vmem>> -> memref<100xi32, #tpu.memory_space<vmem>>
        %dma_wait3A_181 = arith.constant 0 : i32
        %dma_wait3A_182 = arith.constant 0 : i32
        %dma_wait3A_183 = tpu.memref_slice %arg24[%dma_wait3A_181, %dma_wait3A_182] : memref<10240x64xf32, #tpu.memory_space<vmem_shared>> -> memref<10240x64xf32, #tpu.memory_space<vmem_shared>>
        tpu.wait_indirect_dma semaphore(%arg23 : memref<!tpu.dma_semaphore, #tpu.memory_space<semaphore_mem>>) src(%arg13 : memref<100x64xf32, #tpu.memory_space<vmem>>) dst(%dma_wait3A_183 : memref<10240x64xf32, #tpu.memory_space<vmem_shared>>)
      } else {
      }
      %add3A_99 = arith.constant 4 : i32
      %add3A_100 = arith.addi %mul3A_45, %add3A_99 : i32
      %dma_start3A_101 = arith.constant 0 : i32
      %dma_start3A_102 = tpu.memref_slice %arg7[%add3A_100, %dma_start3A_101] : memref<100x100xi32, #tpu.memory_space<vmem>> -> memref<1x100xi32, #tpu.memory_space<vmem>>
      %dma_start3A_103 = tpu.memref_squeeze %dma_start3A_102 : memref<1x100xi32, #tpu.memory_space<vmem>> -> memref<100xi32, #tpu.memory_space<vmem>>
      %dma_start3A_104 = arith.constant 0 : i32
      %dma_start3A_105 = arith.constant 0 : i32
      %dma_start3A_106 = tpu.memref_slice %arg2[%dma_start3A_104, %dma_start3A_105] : memref<10000x64xf32, #tpu.memory_space<hbm>> -> memref<10000x64xf32, #tpu.memory_space<hbm>>
      tpu.enqueue_indirect_dma source(%dma_start3A_106 : memref<10000x64xf32, #tpu.memory_space<hbm>>) target(%arg13 : memref<100x64xf32, #tpu.memory_space<vmem>>) offsets(%dma_start3A_103 : memref<100xi32, #tpu.memory_space<vmem>>) semaphore(%arg18 : memref<!tpu.dma_semaphore, #tpu.memory_space<semaphore_mem>>)
      %dma_wait3A_107 = arith.constant 0 : i32
      %dma_wait3A_108 = tpu.memref_slice %arg7[%add3A_49, %dma_wait3A_107] : memref<100x100xi32, #tpu.memory_space<vmem>> -> memref<1x100xi32, #tpu.memory_space<vmem>>
      %dma_wait3A_109 = tpu.memref_squeeze %dma_wait3A_108 : memref<1x100xi32, #tpu.memory_space<vmem>> -> memref<100xi32, #tpu.memory_space<vmem>>
      %dma_wait3A_110 = arith.constant 0 : i32
      %dma_wait3A_111 = arith.constant 0 : i32
      %dma_wait3A_112 = tpu.memref_slice %arg2[%dma_wait3A_110, %dma_wait3A_111] : memref<10000x64xf32, #tpu.memory_space<hbm>> -> memref<10000x64xf32, #tpu.memory_space<hbm>>
      tpu.wait_indirect_dma semaphore(%arg14 : memref<!tpu.dma_semaphore, #tpu.memory_space<semaphore_mem>>) src(%dma_wait3A_112 : memref<10000x64xf32, #tpu.memory_space<hbm>>) dst(%arg9 : memref<100x64xf32, #tpu.memory_space<vmem>>)
      %add3A_113 = arith.constant 0 : i32
      %add3A_114 = arith.addi %mul3A_45, %add3A_113 : i32
      %dma_start3A_115 = arith.constant 0 : i32
      %dma_start3A_116 = tpu.memref_slice %arg8[%add3A_114, %dma_start3A_115] : memref<100x100xi32, #tpu.memory_space<vmem>> -> memref<1x100xi32, #tpu.memory_space<vmem>>
      %dma_start3A_117 = tpu.memref_squeeze %dma_start3A_116 : memref<1x100xi32, #tpu.memory_space<vmem>> -> memref<100xi32, #tpu.memory_space<vmem>>
      %dma_start3A_118 = arith.constant 0 : i32
      %dma_start3A_119 = arith.constant 0 : i32
      %dma_start3A_120 = tpu.memref_slice %arg24[%dma_start3A_118, %dma_start3A_119] : memref<10240x64xf32, #tpu.memory_space<vmem_shared>> -> memref<10240x64xf32, #tpu.memory_space<vmem_shared>>
      tpu.enqueue_indirect_dma source(%arg9 : memref<100x64xf32, #tpu.memory_space<vmem>>) target(%dma_start3A_120 : memref<10240x64xf32, #tpu.memory_space<vmem_shared>>) offsets(%dma_start3A_117 : memref<100xi32, #tpu.memory_space<vmem>>) semaphore(%arg19 : memref<!tpu.dma_semaphore, #tpu.memory_space<semaphore_mem>>) {add = true}
      %dma_wait3A_121 = arith.constant 0 : i32
      %dma_wait3A_122 = tpu.memref_slice %arg7[%add3A_61, %dma_wait3A_121] : memref<100x100xi32, #tpu.memory_space<vmem>> -> memref<1x100xi32, #tpu.memory_space<vmem>>
      %dma_wait3A_123 = tpu.memref_squeeze %dma_wait3A_122 : memref<1x100xi32, #tpu.memory_space<vmem>> -> memref<100xi32, #tpu.memory_space<vmem>>
      %dma_wait3A_124 = arith.constant 0 : i32
      %dma_wait3A_125 = arith.constant 0 : i32
      %dma_wait3A_126 = tpu.memref_slice %arg2[%dma_wait3A_124, %dma_wait3A_125] : memref<10000x64xf32, #tpu.memory_space<hbm>> -> memref<10000x64xf32, #tpu.memory_space<hbm>>
      tpu.wait_indirect_dma semaphore(%arg15 : memref<!tpu.dma_semaphore, #tpu.memory_space<semaphore_mem>>) src(%dma_wait3A_126 : memref<10000x64xf32, #tpu.memory_space<hbm>>) dst(%arg10 : memref<100x64xf32, #tpu.memory_space<vmem>>)
      %add3A_127 = arith.constant 1 : i32
      %add3A_128 = arith.addi %mul3A_45, %add3A_127 : i32
      %dma_start3A_129 = arith.constant 0 : i32
      %dma_start3A_130 = tpu.memref_slice %arg8[%add3A_128, %dma_start3A_129] : memref<100x100xi32, #tpu.memory_space<vmem>> -> memref<1x100xi32, #tpu.memory_space<vmem>>
      %dma_start3A_131 = tpu.memref_squeeze %dma_start3A_130 : memref<1x100xi32, #tpu.memory_space<vmem>> -> memref<100xi32, #tpu.memory_space<vmem>>
      %dma_start3A_132 = arith.constant 0 : i32
      %dma_start3A_133 = arith.constant 0 : i32
      %dma_start3A_134 = tpu.memref_slice %arg24[%dma_start3A_132, %dma_start3A_133] : memref<10240x64xf32, #tpu.memory_space<vmem_shared>> -> memref<10240x64xf32, #tpu.memory_space<vmem_shared>>
      tpu.enqueue_indirect_dma source(%arg10 : memref<100x64xf32, #tpu.memory_space<vmem>>) target(%dma_start3A_134 : memref<10240x64xf32, #tpu.memory_space<vmem_shared>>) offsets(%dma_start3A_131 : memref<100xi32, #tpu.memory_space<vmem>>) semaphore(%arg20 : memref<!tpu.dma_semaphore, #tpu.memory_space<semaphore_mem>>) {add = true}
      %dma_wait3A_135 = arith.constant 0 : i32
      %dma_wait3A_136 = tpu.memref_slice %arg7[%add3A_74, %dma_wait3A_135] : memref<100x100xi32, #tpu.memory_space<vmem>> -> memref<1x100xi32, #tpu.memory_space<vmem>>
      %dma_wait3A_137 = tpu.memref_squeeze %dma_wait3A_136 : memref<1x100xi32, #tpu.memory_space<vmem>> -> memref<100xi32, #tpu.memory_space<vmem>>
      %dma_wait3A_138 = arith.constant 0 : i32
      %dma_wait3A_139 = arith.constant 0 : i32
      %dma_wait3A_140 = tpu.memref_slice %arg2[%dma_wait3A_138, %dma_wait3A_139] : memref<10000x64xf32, #tpu.memory_space<hbm>> -> memref<10000x64xf32, #tpu.memory_space<hbm>>
      tpu.wait_indirect_dma semaphore(%arg16 : memref<!tpu.dma_semaphore, #tpu.memory_space<semaphore_mem>>) src(%dma_wait3A_140 : memref<10000x64xf32, #tpu.memory_space<hbm>>) dst(%arg11 : memref<100x64xf32, #tpu.memory_space<vmem>>)
      %add3A_141 = arith.constant 2 : i32
      %add3A_142 = arith.addi %mul3A_45, %add3A_141 : i32
      %dma_start3A_143 = arith.constant 0 : i32
      %dma_start3A_144 = tpu.memref_slice %arg8[%add3A_142, %dma_start3A_143] : memref<100x100xi32, #tpu.memory_space<vmem>> -> memref<1x100xi32, #tpu.memory_space<vmem>>
      %dma_start3A_145 = tpu.memref_squeeze %dma_start3A_144 : memref<1x100xi32, #tpu.memory_space<vmem>> -> memref<100xi32, #tpu.memory_space<vmem>>
      %dma_start3A_146 = arith.constant 0 : i32
      %dma_start3A_147 = arith.constant 0 : i32
      %dma_start3A_148 = tpu.memref_slice %arg24[%dma_start3A_146, %dma_start3A_147] : memref<10240x64xf32, #tpu.memory_space<vmem_shared>> -> memref<10240x64xf32, #tpu.memory_space<vmem_shared>>
      tpu.enqueue_indirect_dma source(%arg11 : memref<100x64xf32, #tpu.memory_space<vmem>>) target(%dma_start3A_148 : memref<10240x64xf32, #tpu.memory_space<vmem_shared>>) offsets(%dma_start3A_145 : memref<100xi32, #tpu.memory_space<vmem>>) semaphore(%arg21 : memref<!tpu.dma_semaphore, #tpu.memory_space<semaphore_mem>>) {add = true}
      %dma_wait3A_149 = arith.constant 0 : i32
      %dma_wait3A_150 = tpu.memref_slice %arg7[%add3A_87, %dma_wait3A_149] : memref<100x100xi32, #tpu.memory_space<vmem>> -> memref<1x100xi32, #tpu.memory_space<vmem>>
      %dma_wait3A_151 = tpu.memref_squeeze %dma_wait3A_150 : memref<1x100xi32, #tpu.memory_space<vmem>> -> memref<100xi32, #tpu.memory_space<vmem>>
      %dma_wait3A_152 = arith.constant 0 : i32
      %dma_wait3A_153 = arith.constant 0 : i32
      %dma_wait3A_154 = tpu.memref_slice %arg2[%dma_wait3A_152, %dma_wait3A_153] : memref<10000x64xf32, #tpu.memory_space<hbm>> -> memref<10000x64xf32, #tpu.memory_space<hbm>>
      tpu.wait_indirect_dma semaphore(%arg17 : memref<!tpu.dma_semaphore, #tpu.memory_space<semaphore_mem>>) src(%dma_wait3A_154 : memref<10000x64xf32, #tpu.memory_space<hbm>>) dst(%arg12 : memref<100x64xf32, #tpu.memory_space<vmem>>)
      %add3A_155 = arith.constant 3 : i32
      %add3A_156 = arith.addi %mul3A_45, %add3A_155 : i32
      %dma_start3A_157 = arith.constant 0 : i32
      %dma_start3A_158 = tpu.memref_slice %arg8[%add3A_156, %dma_start3A_157] : memref<100x100xi32, #tpu.memory_space<vmem>> -> memref<1x100xi32, #tpu.memory_space<vmem>>
      %dma_start3A_159 = tpu.memref_squeeze %dma_start3A_158 : memref<1x100xi32, #tpu.memory_space<vmem>> -> memref<100xi32, #tpu.memory_space<vmem>>
      %dma_start3A_160 = arith.constant 0 : i32
      %dma_start3A_161 = arith.constant 0 : i32
      %dma_start3A_162 = tpu.memref_slice %arg24[%dma_start3A_160, %dma_start3A_161] : memref<10240x64xf32, #tpu.memory_space<vmem_shared>> -> memref<10240x64xf32, #tpu.memory_space<vmem_shared>>
      tpu.enqueue_indirect_dma source(%arg12 : memref<100x64xf32, #tpu.memory_space<vmem>>) target(%dma_start3A_162 : memref<10240x64xf32, #tpu.memory_space<vmem_shared>>) offsets(%dma_start3A_159 : memref<100xi32, #tpu.memory_space<vmem>>) semaphore(%arg22 : memref<!tpu.dma_semaphore, #tpu.memory_space<semaphore_mem>>) {add = true}
      %dma_wait3A_163 = arith.constant 0 : i32
      %dma_wait3A_164 = tpu.memref_slice %arg7[%add3A_100, %dma_wait3A_163] : memref<100x100xi32, #tpu.memory_space<vmem>> -> memref<1x100xi32, #tpu.memory_space<vmem>>
      %dma_wait3A_165 = tpu.memref_squeeze %dma_wait3A_164 : memref<1x100xi32, #tpu.memory_space<vmem>> -> memref<100xi32, #tpu.memory_space<vmem>>
      %dma_wait3A_166 = arith.constant 0 : i32
      %dma_wait3A_167 = arith.constant 0 : i32
      %dma_wait3A_168 = tpu.memref_slice %arg2[%dma_wait3A_166, %dma_wait3A_167] : memref<10000x64xf32, #tpu.memory_space<hbm>> -> memref<10000x64xf32, #tpu.memory_space<hbm>>
      tpu.wait_indirect_dma semaphore(%arg18 : memref<!tpu.dma_semaphore, #tpu.memory_space<semaphore_mem>>) src(%dma_wait3A_168 : memref<10000x64xf32, #tpu.memory_space<hbm>>) dst(%arg13 : memref<100x64xf32, #tpu.memory_space<vmem>>)
      %add3A_169 = arith.constant 4 : i32
      %add3A_170 = arith.addi %mul3A_45, %add3A_169 : i32
      %dma_start3A_171 = arith.constant 0 : i32
      %dma_start3A_172 = tpu.memref_slice %arg8[%add3A_170, %dma_start3A_171] : memref<100x100xi32, #tpu.memory_space<vmem>> -> memref<1x100xi32, #tpu.memory_space<vmem>>
      %dma_start3A_173 = tpu.memref_squeeze %dma_start3A_172 : memref<1x100xi32, #tpu.memory_space<vmem>> -> memref<100xi32, #tpu.memory_space<vmem>>
      %dma_start3A_174 = arith.constant 0 : i32
      %dma_start3A_175 = arith.constant 0 : i32
      %dma_start3A_176 = tpu.memref_slice %arg24[%dma_start3A_174, %dma_start3A_175] : memref<10240x64xf32, #tpu.memory_space<vmem_shared>> -> memref<10240x64xf32, #tpu.memory_space<vmem_shared>>
      tpu.enqueue_indirect_dma source(%arg13 : memref<100x64xf32, #tpu.memory_space<vmem>>) target(%dma_start3A_176 : memref<10240x64xf32, #tpu.memory_space<vmem_shared>>) offsets(%dma_start3A_173 : memref<100xi32, #tpu.memory_space<vmem>>) semaphore(%arg23 : memref<!tpu.dma_semaphore, #tpu.memory_space<semaphore_mem>>) {add = true}
    }
    %scan3A_7 = arith.constant 20 : i32
    %dma_wait3A = arith.constant 0 : i32
    %dma_wait3A_8 = arith.constant 0 : i32
    %dma_wait3A_9 = tpu.memref_slice %arg8[%dma_wait3A, %dma_wait3A_8] : memref<100x100xi32, #tpu.memory_space<vmem>> -> memref<1x100xi32, #tpu.memory_space<vmem>>
    %dma_wait3A_10 = tpu.memref_squeeze %dma_wait3A_9 : memref<1x100xi32, #tpu.memory_space<vmem>> -> memref<100xi32, #tpu.memory_space<vmem>>
    %dma_wait3A_11 = arith.constant 0 : i32
    %dma_wait3A_12 = arith.constant 0 : i32
    %dma_wait3A_13 = tpu.memref_slice %arg24[%dma_wait3A_11, %dma_wait3A_12] : memref<10240x64xf32, #tpu.memory_space<vmem_shared>> -> memref<10240x64xf32, #tpu.memory_space<vmem_shared>>
    tpu.wait_indirect_dma semaphore(%arg19 : memref<!tpu.dma_semaphore, #tpu.memory_space<semaphore_mem>>) src(%arg9 : memref<100x64xf32, #tpu.memory_space<vmem>>) dst(%dma_wait3A_13 : memref<10240x64xf32, #tpu.memory_space<vmem_shared>>)
    %dma_wait3A_14 = arith.constant 0 : i32
    %dma_wait3A_15 = arith.constant 0 : i32
    %dma_wait3A_16 = tpu.memref_slice %arg8[%dma_wait3A_14, %dma_wait3A_15] : memref<100x100xi32, #tpu.memory_space<vmem>> -> memref<1x100xi32, #tpu.memory_space<vmem>>
    %dma_wait3A_17 = tpu.memref_squeeze %dma_wait3A_16 : memref<1x100xi32, #tpu.memory_space<vmem>> -> memref<100xi32, #tpu.memory_space<vmem>>
    %dma_wait3A_18 = arith.constant 0 : i32
    %dma_wait3A_19 = arith.constant 0 : i32
    %dma_wait3A_20 = tpu.memref_slice %arg24[%dma_wait3A_18, %dma_wait3A_19] : memref<10240x64xf32, #tpu.memory_space<vmem_shared>> -> memref<10240x64xf32, #tpu.memory_space<vmem_shared>>
    tpu.wait_indirect_dma semaphore(%arg20 : memref<!tpu.dma_semaphore, #tpu.memory_space<semaphore_mem>>) src(%arg10 : memref<100x64xf32, #tpu.memory_space<vmem>>) dst(%dma_wait3A_20 : memref<10240x64xf32, #tpu.memory_space<vmem_shared>>)
    %dma_wait3A_21 = arith.constant 0 : i32
    %dma_wait3A_22 = arith.constant 0 : i32
    %dma_wait3A_23 = tpu.memref_slice %arg8[%dma_wait3A_21, %dma_wait3A_22] : memref<100x100xi32, #tpu.memory_space<vmem>> -> memref<1x100xi32, #tpu.memory_space<vmem>>
    %dma_wait3A_24 = tpu.memref_squeeze %dma_wait3A_23 : memref<1x100xi32, #tpu.memory_space<vmem>> -> memref<100xi32, #tpu.memory_space<vmem>>
    %dma_wait3A_25 = arith.constant 0 : i32
    %dma_wait3A_26 = arith.constant 0 : i32
    %dma_wait3A_27 = tpu.memref_slice %arg24[%dma_wait3A_25, %dma_wait3A_26] : memref<10240x64xf32, #tpu.memory_space<vmem_shared>> -> memref<10240x64xf32, #tpu.memory_space<vmem_shared>>
    tpu.wait_indirect_dma semaphore(%arg21 : memref<!tpu.dma_semaphore, #tpu.memory_space<semaphore_mem>>) src(%arg11 : memref<100x64xf32, #tpu.memory_space<vmem>>) dst(%dma_wait3A_27 : memref<10240x64xf32, #tpu.memory_space<vmem_shared>>)
    %dma_wait3A_28 = arith.constant 0 : i32
    %dma_wait3A_29 = arith.constant 0 : i32
    %dma_wait3A_30 = tpu.memref_slice %arg8[%dma_wait3A_28, %dma_wait3A_29] : memref<100x100xi32, #tpu.memory_space<vmem>> -> memref<1x100xi32, #tpu.memory_space<vmem>>
    %dma_wait3A_31 = tpu.memref_squeeze %dma_wait3A_30 : memref<1x100xi32, #tpu.memory_space<vmem>> -> memref<100xi32, #tpu.memory_space<vmem>>
    %dma_wait3A_32 = arith.constant 0 : i32
    %dma_wait3A_33 = arith.constant 0 : i32
    %dma_wait3A_34 = tpu.memref_slice %arg24[%dma_wait3A_32, %dma_wait3A_33] : memref<10240x64xf32, #tpu.memory_space<vmem_shared>> -> memref<10240x64xf32, #tpu.memory_space<vmem_shared>>
    tpu.wait_indirect_dma semaphore(%arg22 : memref<!tpu.dma_semaphore, #tpu.memory_space<semaphore_mem>>) src(%arg12 : memref<100x64xf32, #tpu.memory_space<vmem>>) dst(%dma_wait3A_34 : memref<10240x64xf32, #tpu.memory_space<vmem_shared>>)
    %dma_wait3A_35 = arith.constant 0 : i32
    %dma_wait3A_36 = arith.constant 0 : i32
    %dma_wait3A_37 = tpu.memref_slice %arg8[%dma_wait3A_35, %dma_wait3A_36] : memref<100x100xi32, #tpu.memory_space<vmem>> -> memref<1x100xi32, #tpu.memory_space<vmem>>
    %dma_wait3A_38 = tpu.memref_squeeze %dma_wait3A_37 : memref<1x100xi32, #tpu.memory_space<vmem>> -> memref<100xi32, #tpu.memory_space<vmem>>
    %dma_wait3A_39 = arith.constant 0 : i32
    %dma_wait3A_40 = arith.constant 0 : i32
    %dma_wait3A_41 = tpu.memref_slice %arg24[%dma_wait3A_39, %dma_wait3A_40] : memref<10240x64xf32, #tpu.memory_space<vmem_shared>> -> memref<10240x64xf32, #tpu.memory_space<vmem_shared>>
    tpu.wait_indirect_dma semaphore(%arg23 : memref<!tpu.dma_semaphore, #tpu.memory_space<semaphore_mem>>) src(%arg13 : memref<100x64xf32, #tpu.memory_space<vmem>>) dst(%dma_wait3A_41 : memref<10240x64xf32, #tpu.memory_space<vmem_shared>>)
    %barrier3A_42 = arith.constant 0 : index
    tpu.barrier barrier_id(%barrier3A_42)
    "tpu.region"() ({
      %run_scoped3A = tpu.sem_alloc : memref<!tpu.dma_semaphore, #tpu.memory_space<semaphore_mem>>
      %dma_start3A = arith.constant 0 : i32
      %dma_start3A_43 = tpu.memref_slice %arg6[%arg0, %mul3A_2, %dma_start3A] : memref<2x10240x64xf32, #tpu.memory_space<hbm>> -> memref<1x640x64xf32, #tpu.memory_space<hbm>>
      %dma_start3A_44 = tpu.memref_squeeze %dma_start3A_43 : memref<1x640x64xf32, #tpu.memory_space<hbm>> -> memref<640x64xf32, #tpu.memory_space<hbm>>
      %dma_start3A_45 = arith.constant 0 : i32
      %dma_start3A_46 = tpu.memref_slice %arg24[%mul3A_2, %dma_start3A_45] : memref<10240x64xf32, #tpu.memory_space<vmem_shared>> -> memref<640x64xf32, #tpu.memory_space<vmem_shared>>
      tpu.enqueue_dma source(%dma_start3A_46 : memref<640x64xf32, #tpu.memory_space<vmem_shared>>) target(%dma_start3A_44 : memref<640x64xf32, #tpu.memory_space<hbm>>) target_semaphore(%run_scoped3A : memref<!tpu.dma_semaphore, #tpu.memory_space<semaphore_mem>>)
      %dma_wait3A_47 = arith.constant 0 : i32
      %dma_wait3A_48 = tpu.memref_slice %arg6[%arg0, %mul3A_2, %dma_wait3A_47] : memref<2x10240x64xf32, #tpu.memory_space<hbm>> -> memref<1x640x64xf32, #tpu.memory_space<hbm>>
      %dma_wait3A_49 = tpu.memref_squeeze %dma_wait3A_48 : memref<1x640x64xf32, #tpu.memory_space<hbm>> -> memref<640x64xf32, #tpu.memory_space<hbm>>
      %dma_wait3A_50 = arith.constant 0 : i32
      %dma_wait3A_51 = tpu.memref_slice %arg24[%mul3A_2, %dma_wait3A_50] : memref<10240x64xf32, #tpu.memory_space<vmem_shared>> -> memref<640x64xf32, #tpu.memory_space<vmem_shared>>
      tpu.wait_dma2 semaphore(%run_scoped3A : memref<!tpu.dma_semaphore, #tpu.memory_space<semaphore_mem>>) src(%dma_wait3A_51 : memref<640x64xf32, #tpu.memory_space<vmem_shared>>) dst(%dma_wait3A_49 : memref<640x64xf32, #tpu.memory_space<hbm>>)
      tpu.yield
    }) : () -> ()
    return
  }
}

#map = affine_map<(d0, d1) -> (0, 0)>
#map1 = affine_map<(d0, d1) -> (0, 0, 0)>
module attributes {stable_mosaic.version = 14 : i64} {
  func.func @body(%arg0: i32, %arg1: i32, %arg2: memref<10000x64xf32, #tpu.memory_space<hbm>>, %arg3: memref<32x100x100xi32, #tpu.memory_space<hbm>>, %arg4: memref<32x100x100xi32, #tpu.memory_space<hbm>>, %arg5: memref<640x64xf32, #tpu.memory_space<hbm>>, %arg6: memref<2x10240x64xf32, #tpu.memory_space<hbm>>, %arg7: memref<100x100xi32, #tpu.memory_space<vmem>>, %arg8: memref<100x100xi32, #tpu.memory_space<vmem>>, %arg9: memref<100x64xf32, #tpu.memory_space<vmem>>, %arg10: memref<100x64xf32, #tpu.memory_space<vmem>>, %arg11: memref<100x64xf32, #tpu.memory_space<vmem>>, %arg12: memref<100x64xf32, #tpu.memory_space<vmem>>, %arg13: memref<100x64xf32, #tpu.memory_space<vmem>>, %arg14: memref<!tpu.dma_semaphore, #tpu.memory_space<semaphore_mem>>, %arg15: memref<!tpu.dma_semaphore, #tpu.memory_space<semaphore_mem>>, %arg16: memref<!tpu.dma_semaphore, #tpu.memory_space<semaphore_mem>>, %arg17: memref<!tpu.dma_semaphore, #tpu.memory_space<semaphore_mem>>, %arg18: memref<!tpu.dma_semaphore, #tpu.memory_space<semaphore_mem>>, %arg19: memref<!tpu.dma_semaphore, #tpu.memory_space<semaphore_mem>>, %arg20: memref<!tpu.dma_semaphore, #tpu.memory_space<semaphore_mem>>, %arg21: memref<!tpu.dma_semaphore, #tpu.memory_space<semaphore_mem>>, %arg22: memref<!tpu.dma_semaphore, #tpu.memory_space<semaphore_mem>>, %arg23: memref<!tpu.dma_semaphore, #tpu.memory_space<semaphore_mem>>, %arg24: memref<10240x64xf32, #tpu.memory_space<vmem_shared>>) attributes {dimension_semantics = [#tpu.dimension_semantics<core_parallel>, #tpu.dimension_semantics<subcore_parallel>], iteration_bounds = array<i64: 2, 16>, scalar_prefetch = 0 : i64, scratch_operands = 18 : i64, tpu.core_type = #tpu.core_type<sc_vector_subcore>, window_params = [{transform_indices = #map}, {transform_indices = #map1}, {transform_indices = #map1}, {transform_indices = #map}, {transform_indices = #map1}]} {
    %mul3A = arith.constant 16 : i32
    %mul3A_0 = arith.muli %arg0, %mul3A : i32
    %add3A = arith.addi %mul3A_0, %arg1 : i32
    %mul3A_1 = arith.constant 640 : i32
    %mul3A_2 = arith.muli %arg1, %mul3A_1 : i32
    "tpu.region"() ({
      %run_scoped3A = tpu.sem_alloc : memref<!tpu.dma_semaphore, #tpu.memory_space<semaphore_mem>>
      %dma_start3A = arith.constant 0 : i32
      %dma_start3A_43 = arith.constant 0 : i32
      %dma_start3A_44 = tpu.memref_slice %arg3[%add3A, %dma_start3A, %dma_start3A_43] : memref<32x100x100xi32, #tpu.memory_space<hbm>> -> memref<1x100x100xi32, #tpu.memory_space<hbm>>
      %dma_start3A_45 = tpu.memref_squeeze %dma_start3A_44 : memref<1x100x100xi32, #tpu.memory_space<hbm>> -> memref<100x100xi32, #tpu.memory_space<hbm>>
      %dma_start3A_46 = arith.constant 0 : i32
      %dma_start3A_47 = arith.constant 0 : i32
      %dma_start3A_48 = tpu.memref_slice %arg3[%add3A, %dma_start3A_46, %dma_start3A_47] : memref<32x100x100xi32, #tpu.memory_space<hbm>> -> memref<1x100x100xi32, #tpu.memory_space<hbm>>
      %dma_start3A_49 = tpu.memref_squeeze %dma_start3A_48 : memref<1x100x100xi32, #tpu.memory_space<hbm>> -> memref<100x100xi32, #tpu.memory_space<hbm>>
      tpu.enqueue_dma source(%dma_start3A_49 : memref<100x100xi32, #tpu.memory_space<hbm>>) target(%arg7 : memref<100x100xi32, #tpu.memory_space<vmem>>) target_semaphore(%run_scoped3A : memref<!tpu.dma_semaphore, #tpu.memory_space<semaphore_mem>>)
      %dma_wait3A_50 = arith.constant 0 : i32
      %dma_wait3A_51 = arith.constant 0 : i32
      %dma_wait3A_52 = tpu.memref_slice %arg3[%add3A, %dma_wait3A_50, %dma_wait3A_51] : memref<32x100x100xi32, #tpu.memory_space<hbm>> -> memref<1x100x100xi32, #tpu.memory_space<hbm>>
      %dma_wait3A_53 = tpu.memref_squeeze %dma_wait3A_52 : memref<1x100x100xi32, #tpu.memory_space<hbm>> -> memref<100x100xi32, #tpu.memory_space<hbm>>
      %dma_wait3A_54 = arith.constant 0 : i32
      %dma_wait3A_55 = arith.constant 0 : i32
      %dma_wait3A_56 = tpu.memref_slice %arg3[%add3A, %dma_wait3A_54, %dma_wait3A_55] : memref<32x100x100xi32, #tpu.memory_space<hbm>> -> memref<1x100x100xi32, #tpu.memory_space<hbm>>
      %dma_wait3A_57 = tpu.memref_squeeze %dma_wait3A_56 : memref<1x100x100xi32, #tpu.memory_space<hbm>> -> memref<100x100xi32, #tpu.memory_space<hbm>>
      tpu.wait_dma2 semaphore(%run_scoped3A : memref<!tpu.dma_semaphore, #tpu.memory_space<semaphore_mem>>) src(%dma_wait3A_57 : memref<100x100xi32, #tpu.memory_space<hbm>>) dst(%arg7 : memref<100x100xi32, #tpu.memory_space<vmem>>)
      tpu.yield
    }) : () -> ()
    "tpu.region"() ({
      %run_scoped3A = tpu.sem_alloc : memref<!tpu.dma_semaphore, #tpu.memory_space<semaphore_mem>>
      %dma_start3A = arith.constant 0 : i32
      %dma_start3A_43 = arith.constant 0 : i32
      %dma_start3A_44 = tpu.memref_slice %arg4[%add3A, %dma_start3A, %dma_start3A_43] : memref<32x100x100xi32, #tpu.memory_space<hbm>> -> memref<1x100x100xi32, #tpu.memory_space<hbm>>
      %dma_start3A_45 = tpu.memref_squeeze %dma_start3A_44 : memref<1x100x100xi32, #tpu.memory_space<hbm>> -> memref<100x100xi32, #tpu.memory_space<hbm>>
      %dma_start3A_46 = arith.constant 0 : i32
      %dma_start3A_47 = arith.constant 0 : i32
      %dma_start3A_48 = tpu.memref_slice %arg4[%add3A, %dma_start3A_46, %dma_start3A_47] : memref<32x100x100xi32, #tpu.memory_space<hbm>> -> memref<1x100x100xi32, #tpu.memory_space<hbm>>
      %dma_start3A_49 = tpu.memref_squeeze %dma_start3A_48 : memref<1x100x100xi32, #tpu.memory_space<hbm>> -> memref<100x100xi32, #tpu.memory_space<hbm>>
      tpu.enqueue_dma source(%dma_start3A_49 : memref<100x100xi32, #tpu.memory_space<hbm>>) target(%arg8 : memref<100x100xi32, #tpu.memory_space<vmem>>) target_semaphore(%run_scoped3A : memref<!tpu.dma_semaphore, #tpu.memory_space<semaphore_mem>>)
      %dma_wait3A_50 = arith.constant 0 : i32
      %dma_wait3A_51 = arith.constant 0 : i32
      %dma_wait3A_52 = tpu.memref_slice %arg4[%add3A, %dma_wait3A_50, %dma_wait3A_51] : memref<32x100x100xi32, #tpu.memory_space<hbm>> -> memref<1x100x100xi32, #tpu.memory_space<hbm>>
      %dma_wait3A_53 = tpu.memref_squeeze %dma_wait3A_52 : memref<1x100x100xi32, #tpu.memory_space<hbm>> -> memref<100x100xi32, #tpu.memory_space<hbm>>
      %dma_wait3A_54 = arith.constant 0 : i32
      %dma_wait3A_55 = arith.constant 0 : i32
      %dma_wait3A_56 = tpu.memref_slice %arg4[%add3A, %dma_wait3A_54, %dma_wait3A_55] : memref<32x100x100xi32, #tpu.memory_space<hbm>> -> memref<1x100x100xi32, #tpu.memory_space<hbm>>
      %dma_wait3A_57 = tpu.memref_squeeze %dma_wait3A_56 : memref<1x100x100xi32, #tpu.memory_space<hbm>> -> memref<100x100xi32, #tpu.memory_space<hbm>>
      tpu.wait_dma2 semaphore(%run_scoped3A : memref<!tpu.dma_semaphore, #tpu.memory_space<semaphore_mem>>) src(%dma_wait3A_57 : memref<100x100xi32, #tpu.memory_space<hbm>>) dst(%arg8 : memref<100x100xi32, #tpu.memory_space<vmem>>)
      tpu.yield
    }) : () -> ()
    "tpu.region"() ({
      %run_scoped3A = tpu.sem_alloc : memref<!tpu.dma_semaphore, #tpu.memory_space<semaphore_mem>>
      %dma_start3A = arith.constant 0 : i32
      %dma_start3A_43 = tpu.memref_slice %arg24[%mul3A_2, %dma_start3A] : memref<10240x64xf32, #tpu.memory_space<vmem_shared>> -> memref<640x64xf32, #tpu.memory_space<vmem_shared>>
      tpu.enqueue_dma source(%arg5 : memref<640x64xf32, #tpu.memory_space<hbm>>) target(%dma_start3A_43 : memref<640x64xf32, #tpu.memory_space<vmem_shared>>) target_semaphore(%run_scoped3A : memref<!tpu.dma_semaphore, #tpu.memory_space<semaphore_mem>>)
      %dma_wait3A_44 = arith.constant 0 : i32
      %dma_wait3A_45 = tpu.memref_slice %arg24[%mul3A_2, %dma_wait3A_44] : memref<10240x64xf32, #tpu.memory_space<vmem_shared>> -> memref<640x64xf32, #tpu.memory_space<vmem_shared>>
      tpu.wait_dma2 semaphore(%run_scoped3A : memref<!tpu.dma_semaphore, #tpu.memory_space<semaphore_mem>>) src(%arg5 : memref<640x64xf32, #tpu.memory_space<hbm>>) dst(%dma_wait3A_45 : memref<640x64xf32, #tpu.memory_space<vmem_shared>>)
      tpu.yield
    }) : () -> ()
    %barrier3A = arith.constant 0 : index
    tpu.barrier barrier_id(%barrier3A)
    %scan3A = arith.constant 0 : i32
    %scan3A_3 = arith.constant 0 : i32
    %scan3A_4 = arith.constant 20 : i32
    %scan3A_5 = arith.addi %scan3A_3, %scan3A_4 : i32
    %scan3A_6 = arith.constant 1 : i32
    scf.for %scan3A_43 = %scan3A_3 to %scan3A_5 step %scan3A_6  : i32 {
      %mul3A_44 = arith.constant 5 : i32
      %mul3A_45 = arith.muli %scan3A_43, %mul3A_44 : i32
      %gt3A = arith.constant 0 : i32
      %gt3A_46 = arith.cmpi sgt, %scan3A_43, %gt3A : i32
      %convert_element_type3A = arith.extui %gt3A_46 : i1 to i32
      %cond3A = arith.constant 0 : i32
      %cond3A_47 = arith.cmpi ne, %convert_element_type3A, %cond3A : i32
      scf.if %cond3A_47 {
        %dma_wait3A_177 = arith.constant 0 : i32
        %dma_wait3A_178 = arith.constant 0 : i32
        %dma_wait3A_179 = tpu.memref_slice %arg8[%dma_wait3A_177, %dma_wait3A_178] : memref<100x100xi32, #tpu.memory_space<vmem>> -> memref<1x100xi32, #tpu.memory_space<vmem>>
        %dma_wait3A_180 = tpu.memref_squeeze %dma_wait3A_179 : memref<1x100xi32, #tpu.memory_space<vmem>> -> memref<100xi32, #tpu.memory_space<vmem>>
        %dma_wait3A_181 = arith.constant 0 : i32
        %dma_wait3A_182 = arith.constant 0 : i32
        %dma_wait3A_183 = tpu.memref_slice %arg24[%dma_wait3A_181, %dma_wait3A_182] : memref<10240x64xf32, #tpu.memory_space<vmem_shared>> -> memref<10240x64xf32, #tpu.memory_space<vmem_shared>>
        tpu.wait_indirect_dma semaphore(%arg19 : memref<!tpu.dma_semaphore, #tpu.memory_space<semaphore_mem>>) src(%arg9 : memref<100x64xf32, #tpu.memory_space<vmem>>) dst(%dma_wait3A_183 : memref<10240x64xf32, #tpu.memory_space<vmem_shared>>)
      } else {
      }
      %add3A_48 = arith.constant 0 : i32
      %add3A_49 = arith.addi %mul3A_45, %add3A_48 : i32
      %dma_start3A = arith.constant 0 : i32
      %dma_start3A_50 = tpu.memref_slice %arg7[%add3A_49, %dma_start3A] : memref<100x100xi32, #tpu.memory_space<vmem>> -> memref<1x100xi32, #tpu.memory_space<vmem>>
      %dma_start3A_51 = tpu.memref_squeeze %dma_start3A_50 : memref<1x100xi32, #tpu.memory_space<vmem>> -> memref<100xi32, #tpu.memory_space<vmem>>
      %dma_start3A_52 = arith.constant 0 : i32
      %dma_start3A_53 = arith.constant 0 : i32
      %dma_start3A_54 = tpu.memref_slice %arg2[%dma_start3A_52, %dma_start3A_53] : memref<10000x64xf32, #tpu.memory_space<hbm>> -> memref<10000x64xf32, #tpu.memory_space<hbm>>
      tpu.enqueue_indirect_dma source(%dma_start3A_54 : memref<10000x64xf32, #tpu.memory_space<hbm>>) target(%arg9 : memref<100x64xf32, #tpu.memory_space<vmem>>) offsets(%dma_start3A_51 : memref<100xi32, #tpu.memory_space<vmem>>) semaphore(%arg14 : memref<!tpu.dma_semaphore, #tpu.memory_space<semaphore_mem>>)
      %gt3A_55 = arith.constant 0 : i32
      %gt3A_56 = arith.cmpi sgt, %scan3A_43, %gt3A_55 : i32
      %convert_element_type3A_57 = arith.extui %gt3A_56 : i1 to i32
      %cond3A_58 = arith.constant 0 : i32
      %cond3A_59 = arith.cmpi ne, %convert_element_type3A_57, %cond3A_58 : i32
      scf.if %cond3A_59 {
        %dma_wait3A_177 = arith.constant 0 : i32
        %dma_wait3A_178 = arith.constant 0 : i32
        %dma_wait3A_179 = tpu.memref_slice %arg8[%dma_wait3A_177, %dma_wait3A_178] : memref<100x100xi32, #tpu.memory_space<vmem>> -> memref<1x100xi32, #tpu.memory_space<vmem>>
        %dma_wait3A_180 = tpu.memref_squeeze %dma_wait3A_179 : memref<1x100xi32, #tpu.memory_space<vmem>> -> memref<100xi32, #tpu.memory_space<vmem>>
        %dma_wait3A_181 = arith.constant 0 : i32
        %dma_wait3A_182 = arith.constant 0 : i32
        %dma_wait3A_183 = tpu.memref_slice %arg24[%dma_wait3A_181, %dma_wait3A_182] : memref<10240x64xf32, #tpu.memory_space<vmem_shared>> -> memref<10240x64xf32, #tpu.memory_space<vmem_shared>>
        tpu.wait_indirect_dma semaphore(%arg20 : memref<!tpu.dma_semaphore, #tpu.memory_space<semaphore_mem>>) src(%arg10 : memref<100x64xf32, #tpu.memory_space<vmem>>) dst(%dma_wait3A_183 : memref<10240x64xf32, #tpu.memory_space<vmem_shared>>)
      } else {
      }
      %add3A_60 = arith.constant 1 : i32
      %add3A_61 = arith.addi %mul3A_45, %add3A_60 : i32
      %dma_start3A_62 = arith.constant 0 : i32
      %dma_start3A_63 = tpu.memref_slice %arg7[%add3A_61, %dma_start3A_62] : memref<100x100xi32, #tpu.memory_space<vmem>> -> memref<1x100xi32, #tpu.memory_space<vmem>>
      %dma_start3A_64 = tpu.memref_squeeze %dma_start3A_63 : memref<1x100xi32, #tpu.memory_space<vmem>> -> memref<100xi32, #tpu.memory_space<vmem>>
      %dma_start3A_65 = arith.constant 0 : i32
      %dma_start3A_66 = arith.constant 0 : i32
      %dma_start3A_67 = tpu.memref_slice %arg2[%dma_start3A_65, %dma_start3A_66] : memref<10000x64xf32, #tpu.memory_space<hbm>> -> memref<10000x64xf32, #tpu.memory_space<hbm>>
      tpu.enqueue_indirect_dma source(%dma_start3A_67 : memref<10000x64xf32, #tpu.memory_space<hbm>>) target(%arg10 : memref<100x64xf32, #tpu.memory_space<vmem>>) offsets(%dma_start3A_64 : memref<100xi32, #tpu.memory_space<vmem>>) semaphore(%arg15 : memref<!tpu.dma_semaphore, #tpu.memory_space<semaphore_mem>>)
      %gt3A_68 = arith.constant 0 : i32
      %gt3A_69 = arith.cmpi sgt, %scan3A_43, %gt3A_68 : i32
      %convert_element_type3A_70 = arith.extui %gt3A_69 : i1 to i32
      %cond3A_71 = arith.constant 0 : i32
      %cond3A_72 = arith.cmpi ne, %convert_element_type3A_70, %cond3A_71 : i32
      scf.if %cond3A_72 {
        %dma_wait3A_177 = arith.constant 0 : i32
        %dma_wait3A_178 = arith.constant 0 : i32
        %dma_wait3A_179 = tpu.memref_slice %arg8[%dma_wait3A_177, %dma_wait3A_178] : memref<100x100xi32, #tpu.memory_space<vmem>> -> memref<1x100xi32, #tpu.memory_space<vmem>>
        %dma_wait3A_180 = tpu.memref_squeeze %dma_wait3A_179 : memref<1x100xi32, #tpu.memory_space<vmem>> -> memref<100xi32, #tpu.memory_space<vmem>>
        %dma_wait3A_181 = arith.constant 0 : i32
        %dma_wait3A_182 = arith.constant 0 : i32
        %dma_wait3A_183 = tpu.memref_slice %arg24[%dma_wait3A_181, %dma_wait3A_182] : memref<10240x64xf32, #tpu.memory_space<vmem_shared>> -> memref<10240x64xf32, #tpu.memory_space<vmem_shared>>
        tpu.wait_indirect_dma semaphore(%arg21 : memref<!tpu.dma_semaphore, #tpu.memory_space<semaphore_mem>>) src(%arg11 : memref<100x64xf32, #tpu.memory_space<vmem>>) dst(%dma_wait3A_183 : memref<10240x64xf32, #tpu.memory_space<vmem_shared>>)
      } else {
      }
      %add3A_73 = arith.constant 2 : i32
      %add3A_74 = arith.addi %mul3A_45, %add3A_73 : i32
      %dma_start3A_75 = arith.constant 0 : i32
      %dma_start3A_76 = tpu.memref_slice %arg7[%add3A_74, %dma_start3A_75] : memref<100x100xi32, #tpu.memory_space<vmem>> -> memref<1x100xi32, #tpu.memory_space<vmem>>
      %dma_start3A_77 = tpu.memref_squeeze %dma_start3A_76 : memref<1x100xi32, #tpu.memory_space<vmem>> -> memref<100xi32, #tpu.memory_space<vmem>>
      %dma_start3A_78 = arith.constant 0 : i32
      %dma_start3A_79 = arith.constant 0 : i32
      %dma_start3A_80 = tpu.memref_slice %arg2[%dma_start3A_78, %dma_start3A_79] : memref<10000x64xf32, #tpu.memory_space<hbm>> -> memref<10000x64xf32, #tpu.memory_space<hbm>>
      tpu.enqueue_indirect_dma source(%dma_start3A_80 : memref<10000x64xf32, #tpu.memory_space<hbm>>) target(%arg11 : memref<100x64xf32, #tpu.memory_space<vmem>>) offsets(%dma_start3A_77 : memref<100xi32, #tpu.memory_space<vmem>>) semaphore(%arg16 : memref<!tpu.dma_semaphore, #tpu.memory_space<semaphore_mem>>)
      %gt3A_81 = arith.constant 0 : i32
      %gt3A_82 = arith.cmpi sgt, %scan3A_43, %gt3A_81 : i32
      %convert_element_type3A_83 = arith.extui %gt3A_82 : i1 to i32
      %cond3A_84 = arith.constant 0 : i32
      %cond3A_85 = arith.cmpi ne, %convert_element_type3A_83, %cond3A_84 : i32
      scf.if %cond3A_85 {
        %dma_wait3A_177 = arith.constant 0 : i32
        %dma_wait3A_178 = arith.constant 0 : i32
        %dma_wait3A_179 = tpu.memref_slice %arg8[%dma_wait3A_177, %dma_wait3A_178] : memref<100x100xi32, #tpu.memory_space<vmem>> -> memref<1x100xi32, #tpu.memory_space<vmem>>
        %dma_wait3A_180 = tpu.memref_squeeze %dma_wait3A_179 : memref<1x100xi32, #tpu.memory_space<vmem>> -> memref<100xi32, #tpu.memory_space<vmem>>
        %dma_wait3A_181 = arith.constant 0 : i32
        %dma_wait3A_182 = arith.constant 0 : i32
        %dma_wait3A_183 = tpu.memref_slice %arg24[%dma_wait3A_181, %dma_wait3A_182] : memref<10240x64xf32, #tpu.memory_space<vmem_shared>> -> memref<10240x64xf32, #tpu.memory_space<vmem_shared>>
        tpu.wait_indirect_dma semaphore(%arg22 : memref<!tpu.dma_semaphore, #tpu.memory_space<semaphore_mem>>) src(%arg12 : memref<100x64xf32, #tpu.memory_space<vmem>>) dst(%dma_wait3A_183 : memref<10240x64xf32, #tpu.memory_space<vmem_shared>>)
      } else {
      }
      %add3A_86 = arith.constant 3 : i32
      %add3A_87 = arith.addi %mul3A_45, %add3A_86 : i32
      %dma_start3A_88 = arith.constant 0 : i32
      %dma_start3A_89 = tpu.memref_slice %arg7[%add3A_87, %dma_start3A_88] : memref<100x100xi32, #tpu.memory_space<vmem>> -> memref<1x100xi32, #tpu.memory_space<vmem>>
      %dma_start3A_90 = tpu.memref_squeeze %dma_start3A_89 : memref<1x100xi32, #tpu.memory_space<vmem>> -> memref<100xi32, #tpu.memory_space<vmem>>
      %dma_start3A_91 = arith.constant 0 : i32
      %dma_start3A_92 = arith.constant 0 : i32
      %dma_start3A_93 = tpu.memref_slice %arg2[%dma_start3A_91, %dma_start3A_92] : memref<10000x64xf32, #tpu.memory_space<hbm>> -> memref<10000x64xf32, #tpu.memory_space<hbm>>
      tpu.enqueue_indirect_dma source(%dma_start3A_93 : memref<10000x64xf32, #tpu.memory_space<hbm>>) target(%arg12 : memref<100x64xf32, #tpu.memory_space<vmem>>) offsets(%dma_start3A_90 : memref<100xi32, #tpu.memory_space<vmem>>) semaphore(%arg17 : memref<!tpu.dma_semaphore, #tpu.memory_space<semaphore_mem>>)
      %gt3A_94 = arith.constant 0 : i32
      %gt3A_95 = arith.cmpi sgt, %scan3A_43, %gt3A_94 : i32
      %convert_element_type3A_96 = arith.extui %gt3A_95 : i1 to i32
      %cond3A_97 = arith.constant 0 : i32
      %cond3A_98 = arith.cmpi ne, %convert_element_type3A_96, %cond3A_97 : i32
      scf.if %cond3A_98 {
        %dma_wait3A_177 = arith.constant 0 : i32
        %dma_wait3A_178 = arith.constant 0 : i32
        %dma_wait3A_179 = tpu.memref_slice %arg8[%dma_wait3A_177, %dma_wait3A_178] : memref<100x100xi32, #tpu.memory_space<vmem>> -> memref<1x100xi32, #tpu.memory_space<vmem>>
        %dma_wait3A_180 = tpu.memref_squeeze %dma_wait3A_179 : memref<1x100xi32, #tpu.memory_space<vmem>> -> memref<100xi32, #tpu.memory_space<vmem>>
        %dma_wait3A_181 = arith.constant 0 : i32
        %dma_wait3A_182 = arith.constant 0 : i32
        %dma_wait3A_183 = tpu.memref_slice %arg24[%dma_wait3A_181, %dma_wait3A_182] : memref<10240x64xf32, #tpu.memory_space<vmem_shared>> -> memref<10240x64xf32, #tpu.memory_space<vmem_shared>>
        tpu.wait_indirect_dma semaphore(%arg23 : memref<!tpu.dma_semaphore, #tpu.memory_space<semaphore_mem>>) src(%arg13 : memref<100x64xf32, #tpu.memory_space<vmem>>) dst(%dma_wait3A_183 : memref<10240x64xf32, #tpu.memory_space<vmem_shared>>)
      } else {
      }
      %add3A_99 = arith.constant 4 : i32
      %add3A_100 = arith.addi %mul3A_45, %add3A_99 : i32
      %dma_start3A_101 = arith.constant 0 : i32
      %dma_start3A_102 = tpu.memref_slice %arg7[%add3A_100, %dma_start3A_101] : memref<100x100xi32, #tpu.memory_space<vmem>> -> memref<1x100xi32, #tpu.memory_space<vmem>>
      %dma_start3A_103 = tpu.memref_squeeze %dma_start3A_102 : memref<1x100xi32, #tpu.memory_space<vmem>> -> memref<100xi32, #tpu.memory_space<vmem>>
      %dma_start3A_104 = arith.constant 0 : i32
      %dma_start3A_105 = arith.constant 0 : i32
      %dma_start3A_106 = tpu.memref_slice %arg2[%dma_start3A_104, %dma_start3A_105] : memref<10000x64xf32, #tpu.memory_space<hbm>> -> memref<10000x64xf32, #tpu.memory_space<hbm>>
      tpu.enqueue_indirect_dma source(%dma_start3A_106 : memref<10000x64xf32, #tpu.memory_space<hbm>>) target(%arg13 : memref<100x64xf32, #tpu.memory_space<vmem>>) offsets(%dma_start3A_103 : memref<100xi32, #tpu.memory_space<vmem>>) semaphore(%arg18 : memref<!tpu.dma_semaphore, #tpu.memory_space<semaphore_mem>>)
      %dma_wait3A_107 = arith.constant 0 : i32
      %dma_wait3A_108 = tpu.memref_slice %arg7[%add3A_49, %dma_wait3A_107] : memref<100x100xi32, #tpu.memory_space<vmem>> -> memref<1x100xi32, #tpu.memory_space<vmem>>
      %dma_wait3A_109 = tpu.memref_squeeze %dma_wait3A_108 : memref<1x100xi32, #tpu.memory_space<vmem>> -> memref<100xi32, #tpu.memory_space<vmem>>
      %dma_wait3A_110 = arith.constant 0 : i32
      %dma_wait3A_111 = arith.constant 0 : i32
      %dma_wait3A_112 = tpu.memref_slice %arg2[%dma_wait3A_110, %dma_wait3A_111] : memref<10000x64xf32, #tpu.memory_space<hbm>> -> memref<10000x64xf32, #tpu.memory_space<hbm>>
      tpu.wait_indirect_dma semaphore(%arg14 : memref<!tpu.dma_semaphore, #tpu.memory_space<semaphore_mem>>) src(%dma_wait3A_112 : memref<10000x64xf32, #tpu.memory_space<hbm>>) dst(%arg9 : memref<100x64xf32, #tpu.memory_space<vmem>>)
      %add3A_113 = arith.constant 0 : i32
      %add3A_114 = arith.addi %mul3A_45, %add3A_113 : i32
      %dma_start3A_115 = arith.constant 0 : i32
      %dma_start3A_116 = tpu.memref_slice %arg8[%add3A_114, %dma_start3A_115] : memref<100x100xi32, #tpu.memory_space<vmem>> -> memref<1x100xi32, #tpu.memory_space<vmem>>
      %dma_start3A_117 = tpu.memref_squeeze %dma_start3A_116 : memref<1x100xi32, #tpu.memory_space<vmem>> -> memref<100xi32, #tpu.memory_space<vmem>>
      %dma_start3A_118 = arith.constant 0 : i32
      %dma_start3A_119 = arith.constant 0 : i32
      %dma_start3A_120 = tpu.memref_slice %arg24[%dma_start3A_118, %dma_start3A_119] : memref<10240x64xf32, #tpu.memory_space<vmem_shared>> -> memref<10240x64xf32, #tpu.memory_space<vmem_shared>>
      tpu.enqueue_indirect_dma source(%arg9 : memref<100x64xf32, #tpu.memory_space<vmem>>) target(%dma_start3A_120 : memref<10240x64xf32, #tpu.memory_space<vmem_shared>>) offsets(%dma_start3A_117 : memref<100xi32, #tpu.memory_space<vmem>>) semaphore(%arg19 : memref<!tpu.dma_semaphore, #tpu.memory_space<semaphore_mem>>) {add = true}
      %dma_wait3A_121 = arith.constant 0 : i32
      %dma_wait3A_122 = tpu.memref_slice %arg7[%add3A_61, %dma_wait3A_121] : memref<100x100xi32, #tpu.memory_space<vmem>> -> memref<1x100xi32, #tpu.memory_space<vmem>>
      %dma_wait3A_123 = tpu.memref_squeeze %dma_wait3A_122 : memref<1x100xi32, #tpu.memory_space<vmem>> -> memref<100xi32, #tpu.memory_space<vmem>>
      %dma_wait3A_124 = arith.constant 0 : i32
      %dma_wait3A_125 = arith.constant 0 : i32
      %dma_wait3A_126 = tpu.memref_slice %arg2[%dma_wait3A_124, %dma_wait3A_125] : memref<10000x64xf32, #tpu.memory_space<hbm>> -> memref<10000x64xf32, #tpu.memory_space<hbm>>
      tpu.wait_indirect_dma semaphore(%arg15 : memref<!tpu.dma_semaphore, #tpu.memory_space<semaphore_mem>>) src(%dma_wait3A_126 : memref<10000x64xf32, #tpu.memory_space<hbm>>) dst(%arg10 : memref<100x64xf32, #tpu.memory_space<vmem>>)
      %add3A_127 = arith.constant 1 : i32
      %add3A_128 = arith.addi %mul3A_45, %add3A_127 : i32
      %dma_start3A_129 = arith.constant 0 : i32
      %dma_start3A_130 = tpu.memref_slice %arg8[%add3A_128, %dma_start3A_129] : memref<100x100xi32, #tpu.memory_space<vmem>> -> memref<1x100xi32, #tpu.memory_space<vmem>>
      %dma_start3A_131 = tpu.memref_squeeze %dma_start3A_130 : memref<1x100xi32, #tpu.memory_space<vmem>> -> memref<100xi32, #tpu.memory_space<vmem>>
      %dma_start3A_132 = arith.constant 0 : i32
      %dma_start3A_133 = arith.constant 0 : i32
      %dma_start3A_134 = tpu.memref_slice %arg24[%dma_start3A_132, %dma_start3A_133] : memref<10240x64xf32, #tpu.memory_space<vmem_shared>> -> memref<10240x64xf32, #tpu.memory_space<vmem_shared>>
      tpu.enqueue_indirect_dma source(%arg10 : memref<100x64xf32, #tpu.memory_space<vmem>>) target(%dma_start3A_134 : memref<10240x64xf32, #tpu.memory_space<vmem_shared>>) offsets(%dma_start3A_131 : memref<100xi32, #tpu.memory_space<vmem>>) semaphore(%arg20 : memref<!tpu.dma_semaphore, #tpu.memory_space<semaphore_mem>>) {add = true}
      %dma_wait3A_135 = arith.constant 0 : i32
      %dma_wait3A_136 = tpu.memref_slice %arg7[%add3A_74, %dma_wait3A_135] : memref<100x100xi32, #tpu.memory_space<vmem>> -> memref<1x100xi32, #tpu.memory_space<vmem>>
      %dma_wait3A_137 = tpu.memref_squeeze %dma_wait3A_136 : memref<1x100xi32, #tpu.memory_space<vmem>> -> memref<100xi32, #tpu.memory_space<vmem>>
      %dma_wait3A_138 = arith.constant 0 : i32
      %dma_wait3A_139 = arith.constant 0 : i32
      %dma_wait3A_140 = tpu.memref_slice %arg2[%dma_wait3A_138, %dma_wait3A_139] : memref<10000x64xf32, #tpu.memory_space<hbm>> -> memref<10000x64xf32, #tpu.memory_space<hbm>>
      tpu.wait_indirect_dma semaphore(%arg16 : memref<!tpu.dma_semaphore, #tpu.memory_space<semaphore_mem>>) src(%dma_wait3A_140 : memref<10000x64xf32, #tpu.memory_space<hbm>>) dst(%arg11 : memref<100x64xf32, #tpu.memory_space<vmem>>)
      %add3A_141 = arith.constant 2 : i32
      %add3A_142 = arith.addi %mul3A_45, %add3A_141 : i32
      %dma_start3A_143 = arith.constant 0 : i32
      %dma_start3A_144 = tpu.memref_slice %arg8[%add3A_142, %dma_start3A_143] : memref<100x100xi32, #tpu.memory_space<vmem>> -> memref<1x100xi32, #tpu.memory_space<vmem>>
      %dma_start3A_145 = tpu.memref_squeeze %dma_start3A_144 : memref<1x100xi32, #tpu.memory_space<vmem>> -> memref<100xi32, #tpu.memory_space<vmem>>
      %dma_start3A_146 = arith.constant 0 : i32
      %dma_start3A_147 = arith.constant 0 : i32
      %dma_start3A_148 = tpu.memref_slice %arg24[%dma_start3A_146, %dma_start3A_147] : memref<10240x64xf32, #tpu.memory_space<vmem_shared>> -> memref<10240x64xf32, #tpu.memory_space<vmem_shared>>
      tpu.enqueue_indirect_dma source(%arg11 : memref<100x64xf32, #tpu.memory_space<vmem>>) target(%dma_start3A_148 : memref<10240x64xf32, #tpu.memory_space<vmem_shared>>) offsets(%dma_start3A_145 : memref<100xi32, #tpu.memory_space<vmem>>) semaphore(%arg21 : memref<!tpu.dma_semaphore, #tpu.memory_space<semaphore_mem>>) {add = true}
      %dma_wait3A_149 = arith.constant 0 : i32
      %dma_wait3A_150 = tpu.memref_slice %arg7[%add3A_87, %dma_wait3A_149] : memref<100x100xi32, #tpu.memory_space<vmem>> -> memref<1x100xi32, #tpu.memory_space<vmem>>
      %dma_wait3A_151 = tpu.memref_squeeze %dma_wait3A_150 : memref<1x100xi32, #tpu.memory_space<vmem>> -> memref<100xi32, #tpu.memory_space<vmem>>
      %dma_wait3A_152 = arith.constant 0 : i32
      %dma_wait3A_153 = arith.constant 0 : i32
      %dma_wait3A_154 = tpu.memref_slice %arg2[%dma_wait3A_152, %dma_wait3A_153] : memref<10000x64xf32, #tpu.memory_space<hbm>> -> memref<10000x64xf32, #tpu.memory_space<hbm>>
      tpu.wait_indirect_dma semaphore(%arg17 : memref<!tpu.dma_semaphore, #tpu.memory_space<semaphore_mem>>) src(%dma_wait3A_154 : memref<10000x64xf32, #tpu.memory_space<hbm>>) dst(%arg12 : memref<100x64xf32, #tpu.memory_space<vmem>>)
      %add3A_155 = arith.constant 3 : i32
      %add3A_156 = arith.addi %mul3A_45, %add3A_155 : i32
      %dma_start3A_157 = arith.constant 0 : i32
      %dma_start3A_158 = tpu.memref_slice %arg8[%add3A_156, %dma_start3A_157] : memref<100x100xi32, #tpu.memory_space<vmem>> -> memref<1x100xi32, #tpu.memory_space<vmem>>
      %dma_start3A_159 = tpu.memref_squeeze %dma_start3A_158 : memref<1x100xi32, #tpu.memory_space<vmem>> -> memref<100xi32, #tpu.memory_space<vmem>>
      %dma_start3A_160 = arith.constant 0 : i32
      %dma_start3A_161 = arith.constant 0 : i32
      %dma_start3A_162 = tpu.memref_slice %arg24[%dma_start3A_160, %dma_start3A_161] : memref<10240x64xf32, #tpu.memory_space<vmem_shared>> -> memref<10240x64xf32, #tpu.memory_space<vmem_shared>>
      tpu.enqueue_indirect_dma source(%arg12 : memref<100x64xf32, #tpu.memory_space<vmem>>) target(%dma_start3A_162 : memref<10240x64xf32, #tpu.memory_space<vmem_shared>>) offsets(%dma_start3A_159 : memref<100xi32, #tpu.memory_space<vmem>>) semaphore(%arg22 : memref<!tpu.dma_semaphore, #tpu.memory_space<semaphore_mem>>) {add = true}
      %dma_wait3A_163 = arith.constant 0 : i32
      %dma_wait3A_164 = tpu.memref_slice %arg7[%add3A_100, %dma_wait3A_163] : memref<100x100xi32, #tpu.memory_space<vmem>> -> memref<1x100xi32, #tpu.memory_space<vmem>>
      %dma_wait3A_165 = tpu.memref_squeeze %dma_wait3A_164 : memref<1x100xi32, #tpu.memory_space<vmem>> -> memref<100xi32, #tpu.memory_space<vmem>>
      %dma_wait3A_166 = arith.constant 0 : i32
      %dma_wait3A_167 = arith.constant 0 : i32
      %dma_wait3A_168 = tpu.memref_slice %arg2[%dma_wait3A_166, %dma_wait3A_167] : memref<10000x64xf32, #tpu.memory_space<hbm>> -> memref<10000x64xf32, #tpu.memory_space<hbm>>
      tpu.wait_indirect_dma semaphore(%arg18 : memref<!tpu.dma_semaphore, #tpu.memory_space<semaphore_mem>>) src(%dma_wait3A_168 : memref<10000x64xf32, #tpu.memory_space<hbm>>) dst(%arg13 : memref<100x64xf32, #tpu.memory_space<vmem>>)
      %add3A_169 = arith.constant 4 : i32
      %add3A_170 = arith.addi %mul3A_45, %add3A_169 : i32
      %dma_start3A_171 = arith.constant 0 : i32
      %dma_start3A_172 = tpu.memref_slice %arg8[%add3A_170, %dma_start3A_171] : memref<100x100xi32, #tpu.memory_space<vmem>> -> memref<1x100xi32, #tpu.memory_space<vmem>>
      %dma_start3A_173 = tpu.memref_squeeze %dma_start3A_172 : memref<1x100xi32, #tpu.memory_space<vmem>> -> memref<100xi32, #tpu.memory_space<vmem>>
      %dma_start3A_174 = arith.constant 0 : i32
      %dma_start3A_175 = arith.constant 0 : i32
      %dma_start3A_176 = tpu.memref_slice %arg24[%dma_start3A_174, %dma_start3A_175] : memref<10240x64xf32, #tpu.memory_space<vmem_shared>> -> memref<10240x64xf32, #tpu.memory_space<vmem_shared>>
      tpu.enqueue_indirect_dma source(%arg13 : memref<100x64xf32, #tpu.memory_space<vmem>>) target(%dma_start3A_176 : memref<10240x64xf32, #tpu.memory_space<vmem_shared>>) offsets(%dma_start3A_173 : memref<100xi32, #tpu.memory_space<vmem>>) semaphore(%arg23 : memref<!tpu.dma_semaphore, #tpu.memory_space<semaphore_mem>>) {add = true}
    }
    %scan3A_7 = arith.constant 20 : i32
    %dma_wait3A = arith.constant 0 : i32
    %dma_wait3A_8 = arith.constant 0 : i32
    %dma_wait3A_9 = tpu.memref_slice %arg8[%dma_wait3A, %dma_wait3A_8] : memref<100x100xi32, #tpu.memory_space<vmem>> -> memref<1x100xi32, #tpu.memory_space<vmem>>
    %dma_wait3A_10 = tpu.memref_squeeze %dma_wait3A_9 : memref<1x100xi32, #tpu.memory_space<vmem>> -> memref<100xi32, #tpu.memory_space<vmem>>
    %dma_wait3A_11 = arith.constant 0 : i32
    %dma_wait3A_12 = arith.constant 0 : i32
    %dma_wait3A_13 = tpu.memref_slice %arg24[%dma_wait3A_11, %dma_wait3A_12] : memref<10240x64xf32, #tpu.memory_space<vmem_shared>> -> memref<10240x64xf32, #tpu.memory_space<vmem_shared>>
    tpu.wait_indirect_dma semaphore(%arg19 : memref<!tpu.dma_semaphore, #tpu.memory_space<semaphore_mem>>) src(%arg9 : memref<100x64xf32, #tpu.memory_space<vmem>>) dst(%dma_wait3A_13 : memref<10240x64xf32, #tpu.memory_space<vmem_shared>>)
    %dma_wait3A_14 = arith.constant 0 : i32
    %dma_wait3A_15 = arith.constant 0 : i32
    %dma_wait3A_16 = tpu.memref_slice %arg8[%dma_wait3A_14, %dma_wait3A_15] : memref<100x100xi32, #tpu.memory_space<vmem>> -> memref<1x100xi32, #tpu.memory_space<vmem>>
    %dma_wait3A_17 = tpu.memref_squeeze %dma_wait3A_16 : memref<1x100xi32, #tpu.memory_space<vmem>> -> memref<100xi32, #tpu.memory_space<vmem>>
    %dma_wait3A_18 = arith.constant 0 : i32
    %dma_wait3A_19 = arith.constant 0 : i32
    %dma_wait3A_20 = tpu.memref_slice %arg24[%dma_wait3A_18, %dma_wait3A_19] : memref<10240x64xf32, #tpu.memory_space<vmem_shared>> -> memref<10240x64xf32, #tpu.memory_space<vmem_shared>>
    tpu.wait_indirect_dma semaphore(%arg20 : memref<!tpu.dma_semaphore, #tpu.memory_space<semaphore_mem>>) src(%arg10 : memref<100x64xf32, #tpu.memory_space<vmem>>) dst(%dma_wait3A_20 : memref<10240x64xf32, #tpu.memory_space<vmem_shared>>)
    %dma_wait3A_21 = arith.constant 0 : i32
    %dma_wait3A_22 = arith.constant 0 : i32
    %dma_wait3A_23 = tpu.memref_slice %arg8[%dma_wait3A_21, %dma_wait3A_22] : memref<100x100xi32, #tpu.memory_space<vmem>> -> memref<1x100xi32, #tpu.memory_space<vmem>>
    %dma_wait3A_24 = tpu.memref_squeeze %dma_wait3A_23 : memref<1x100xi32, #tpu.memory_space<vmem>> -> memref<100xi32, #tpu.memory_space<vmem>>
    %dma_wait3A_25 = arith.constant 0 : i32
    %dma_wait3A_26 = arith.constant 0 : i32
    %dma_wait3A_27 = tpu.memref_slice %arg24[%dma_wait3A_25, %dma_wait3A_26] : memref<10240x64xf32, #tpu.memory_space<vmem_shared>> -> memref<10240x64xf32, #tpu.memory_space<vmem_shared>>
    tpu.wait_indirect_dma semaphore(%arg21 : memref<!tpu.dma_semaphore, #tpu.memory_space<semaphore_mem>>) src(%arg11 : memref<100x64xf32, #tpu.memory_space<vmem>>) dst(%dma_wait3A_27 : memref<10240x64xf32, #tpu.memory_space<vmem_shared>>)
    %dma_wait3A_28 = arith.constant 0 : i32
    %dma_wait3A_29 = arith.constant 0 : i32
    %dma_wait3A_30 = tpu.memref_slice %arg8[%dma_wait3A_28, %dma_wait3A_29] : memref<100x100xi32, #tpu.memory_space<vmem>> -> memref<1x100xi32, #tpu.memory_space<vmem>>
    %dma_wait3A_31 = tpu.memref_squeeze %dma_wait3A_30 : memref<1x100xi32, #tpu.memory_space<vmem>> -> memref<100xi32, #tpu.memory_space<vmem>>
    %dma_wait3A_32 = arith.constant 0 : i32
    %dma_wait3A_33 = arith.constant 0 : i32
    %dma_wait3A_34 = tpu.memref_slice %arg24[%dma_wait3A_32, %dma_wait3A_33] : memref<10240x64xf32, #tpu.memory_space<vmem_shared>> -> memref<10240x64xf32, #tpu.memory_space<vmem_shared>>
    tpu.wait_indirect_dma semaphore(%arg22 : memref<!tpu.dma_semaphore, #tpu.memory_space<semaphore_mem>>) src(%arg12 : memref<100x64xf32, #tpu.memory_space<vmem>>) dst(%dma_wait3A_34 : memref<10240x64xf32, #tpu.memory_space<vmem_shared>>)
    %dma_wait3A_35 = arith.constant 0 : i32
    %dma_wait3A_36 = arith.constant 0 : i32
    %dma_wait3A_37 = tpu.memref_slice %arg8[%dma_wait3A_35, %dma_wait3A_36] : memref<100x100xi32, #tpu.memory_space<vmem>> -> memref<1x100xi32, #tpu.memory_space<vmem>>
    %dma_wait3A_38 = tpu.memref_squeeze %dma_wait3A_37 : memref<1x100xi32, #tpu.memory_space<vmem>> -> memref<100xi32, #tpu.memory_space<vmem>>
    %dma_wait3A_39 = arith.constant 0 : i32
    %dma_wait3A_40 = arith.constant 0 : i32
    %dma_wait3A_41 = tpu.memref_slice %arg24[%dma_wait3A_39, %dma_wait3A_40] : memref<10240x64xf32, #tpu.memory_space<vmem_shared>> -> memref<10240x64xf32, #tpu.memory_space<vmem_shared>>
    tpu.wait_indirect_dma semaphore(%arg23 : memref<!tpu.dma_semaphore, #tpu.memory_space<semaphore_mem>>) src(%arg13 : memref<100x64xf32, #tpu.memory_space<vmem>>) dst(%dma_wait3A_41 : memref<10240x64xf32, #tpu.memory_space<vmem_shared>>)
    %barrier3A_42 = arith.constant 0 : index
    tpu.barrier barrier_id(%barrier3A_42)
    "tpu.region"() ({
      %run_scoped3A = tpu.sem_alloc : memref<!tpu.dma_semaphore, #tpu.memory_space<semaphore_mem>>
      %dma_start3A = arith.constant 0 : i32
      %dma_start3A_43 = tpu.memref_slice %arg6[%arg0, %mul3A_2, %dma_start3A] : memref<2x10240x64xf32, #tpu.memory_space<hbm>> -> memref<1x640x64xf32, #tpu.memory_space<hbm>>
      %dma_start3A_44 = tpu.memref_squeeze %dma_start3A_43 : memref<1x640x64xf32, #tpu.memory_space<hbm>> -> memref<640x64xf32, #tpu.memory_space<hbm>>
      %dma_start3A_45 = arith.constant 0 : i32
      %dma_start3A_46 = tpu.memref_slice %arg24[%mul3A_2, %dma_start3A_45] : memref<10240x64xf32, #tpu.memory_space<vmem_shared>> -> memref<640x64xf32, #tpu.memory_space<vmem_shared>>
      tpu.enqueue_dma source(%dma_start3A_46 : memref<640x64xf32, #tpu.memory_space<vmem_shared>>) target(%dma_start3A_44 : memref<640x64xf32, #tpu.memory_space<hbm>>) target_semaphore(%run_scoped3A : memref<!tpu.dma_semaphore, #tpu.memory_space<semaphore_mem>>)
      %dma_wait3A_47 = arith.constant 0 : i32
      %dma_wait3A_48 = tpu.memref_slice %arg6[%arg0, %mul3A_2, %dma_wait3A_47] : memref<2x10240x64xf32, #tpu.memory_space<hbm>> -> memref<1x640x64xf32, #tpu.memory_space<hbm>>
      %dma_wait3A_49 = tpu.memref_squeeze %dma_wait3A_48 : memref<1x640x64xf32, #tpu.memory_space<hbm>> -> memref<640x64xf32, #tpu.memory_space<hbm>>
      %dma_wait3A_50 = arith.constant 0 : i32
      %dma_wait3A_51 = tpu.memref_slice %arg24[%mul3A_2, %dma_wait3A_50] : memref<10240x64xf32, #tpu.memory_space<vmem_shared>> -> memref<640x64xf32, #tpu.memory_space<vmem_shared>>
      tpu.wait_dma2 semaphore(%run_scoped3A : memref<!tpu.dma_semaphore, #tpu.memory_space<semaphore_mem>>) src(%dma_wait3A_51 : memref<640x64xf32, #tpu.memory_space<vmem_shared>>) dst(%dma_wait3A_49 : memref<640x64xf32, #tpu.memory_space<hbm>>)
      tpu.yield
    }) : () -> ()
    return
  }
}

#map = affine_map<(d0, d1) -> (0, 0)>
#map1 = affine_map<(d0, d1) -> (0, 0, 0)>
module attributes {stable_mosaic.version = 14 : i64} {
  func.func @body(%arg0: i32, %arg1: i32, %arg2: memref<10000x64xf32, #tpu.memory_space<hbm>>, %arg3: memref<32x100x100xi32, #tpu.memory_space<hbm>>, %arg4: memref<32x100x100xi32, #tpu.memory_space<hbm>>, %arg5: memref<640x64xf32, #tpu.memory_space<hbm>>, %arg6: memref<2x10240x64xf32, #tpu.memory_space<hbm>>, %arg7: memref<100x100xi32, #tpu.memory_space<vmem>>, %arg8: memref<100x100xi32, #tpu.memory_space<vmem>>, %arg9: memref<100x64xf32, #tpu.memory_space<vmem>>, %arg10: memref<100x64xf32, #tpu.memory_space<vmem>>, %arg11: memref<100x64xf32, #tpu.memory_space<vmem>>, %arg12: memref<100x64xf32, #tpu.memory_space<vmem>>, %arg13: memref<100x64xf32, #tpu.memory_space<vmem>>, %arg14: memref<!tpu.dma_semaphore, #tpu.memory_space<semaphore_mem>>, %arg15: memref<!tpu.dma_semaphore, #tpu.memory_space<semaphore_mem>>, %arg16: memref<!tpu.dma_semaphore, #tpu.memory_space<semaphore_mem>>, %arg17: memref<!tpu.dma_semaphore, #tpu.memory_space<semaphore_mem>>, %arg18: memref<!tpu.dma_semaphore, #tpu.memory_space<semaphore_mem>>, %arg19: memref<!tpu.dma_semaphore, #tpu.memory_space<semaphore_mem>>, %arg20: memref<!tpu.dma_semaphore, #tpu.memory_space<semaphore_mem>>, %arg21: memref<!tpu.dma_semaphore, #tpu.memory_space<semaphore_mem>>, %arg22: memref<!tpu.dma_semaphore, #tpu.memory_space<semaphore_mem>>, %arg23: memref<!tpu.dma_semaphore, #tpu.memory_space<semaphore_mem>>, %arg24: memref<10240x64xf32, #tpu.memory_space<vmem_shared>>) attributes {dimension_semantics = [#tpu.dimension_semantics<core_parallel>, #tpu.dimension_semantics<subcore_parallel>], iteration_bounds = array<i64: 2, 16>, scalar_prefetch = 0 : i64, scratch_operands = 18 : i64, tpu.core_type = #tpu.core_type<sc_vector_subcore>, window_params = [{transform_indices = #map}, {transform_indices = #map1}, {transform_indices = #map1}, {transform_indices = #map}, {transform_indices = #map1}]} {
    %mul3A = arith.constant 16 : i32
    %mul3A_0 = arith.muli %arg0, %mul3A : i32
    %add3A = arith.addi %mul3A_0, %arg1 : i32
    %mul3A_1 = arith.constant 640 : i32
    %mul3A_2 = arith.muli %arg1, %mul3A_1 : i32
    "tpu.region"() ({
      %run_scoped3A = tpu.sem_alloc : memref<!tpu.dma_semaphore, #tpu.memory_space<semaphore_mem>>
      %dma_start3A = arith.constant 0 : i32
      %dma_start3A_43 = arith.constant 0 : i32
      %dma_start3A_44 = tpu.memref_slice %arg3[%add3A, %dma_start3A, %dma_start3A_43] : memref<32x100x100xi32, #tpu.memory_space<hbm>> -> memref<1x100x100xi32, #tpu.memory_space<hbm>>
      %dma_start3A_45 = tpu.memref_squeeze %dma_start3A_44 : memref<1x100x100xi32, #tpu.memory_space<hbm>> -> memref<100x100xi32, #tpu.memory_space<hbm>>
      %dma_start3A_46 = arith.constant 0 : i32
      %dma_start3A_47 = arith.constant 0 : i32
      %dma_start3A_48 = tpu.memref_slice %arg3[%add3A, %dma_start3A_46, %dma_start3A_47] : memref<32x100x100xi32, #tpu.memory_space<hbm>> -> memref<1x100x100xi32, #tpu.memory_space<hbm>>
      %dma_start3A_49 = tpu.memref_squeeze %dma_start3A_48 : memref<1x100x100xi32, #tpu.memory_space<hbm>> -> memref<100x100xi32, #tpu.memory_space<hbm>>
      tpu.enqueue_dma source(%dma_start3A_49 : memref<100x100xi32, #tpu.memory_space<hbm>>) target(%arg7 : memref<100x100xi32, #tpu.memory_space<vmem>>) target_semaphore(%run_scoped3A : memref<!tpu.dma_semaphore, #tpu.memory_space<semaphore_mem>>)
      %dma_wait3A_50 = arith.constant 0 : i32
      %dma_wait3A_51 = arith.constant 0 : i32
      %dma_wait3A_52 = tpu.memref_slice %arg3[%add3A, %dma_wait3A_50, %dma_wait3A_51] : memref<32x100x100xi32, #tpu.memory_space<hbm>> -> memref<1x100x100xi32, #tpu.memory_space<hbm>>
      %dma_wait3A_53 = tpu.memref_squeeze %dma_wait3A_52 : memref<1x100x100xi32, #tpu.memory_space<hbm>> -> memref<100x100xi32, #tpu.memory_space<hbm>>
      %dma_wait3A_54 = arith.constant 0 : i32
      %dma_wait3A_55 = arith.constant 0 : i32
      %dma_wait3A_56 = tpu.memref_slice %arg3[%add3A, %dma_wait3A_54, %dma_wait3A_55] : memref<32x100x100xi32, #tpu.memory_space<hbm>> -> memref<1x100x100xi32, #tpu.memory_space<hbm>>
      %dma_wait3A_57 = tpu.memref_squeeze %dma_wait3A_56 : memref<1x100x100xi32, #tpu.memory_space<hbm>> -> memref<100x100xi32, #tpu.memory_space<hbm>>
      tpu.wait_dma2 semaphore(%run_scoped3A : memref<!tpu.dma_semaphore, #tpu.memory_space<semaphore_mem>>) src(%dma_wait3A_57 : memref<100x100xi32, #tpu.memory_space<hbm>>) dst(%arg7 : memref<100x100xi32, #tpu.memory_space<vmem>>)
      tpu.yield
    }) : () -> ()
    "tpu.region"() ({
      %run_scoped3A = tpu.sem_alloc : memref<!tpu.dma_semaphore, #tpu.memory_space<semaphore_mem>>
      %dma_start3A = arith.constant 0 : i32
      %dma_start3A_43 = arith.constant 0 : i32
      %dma_start3A_44 = tpu.memref_slice %arg4[%add3A, %dma_start3A, %dma_start3A_43] : memref<32x100x100xi32, #tpu.memory_space<hbm>> -> memref<1x100x100xi32, #tpu.memory_space<hbm>>
      %dma_start3A_45 = tpu.memref_squeeze %dma_start3A_44 : memref<1x100x100xi32, #tpu.memory_space<hbm>> -> memref<100x100xi32, #tpu.memory_space<hbm>>
      %dma_start3A_46 = arith.constant 0 : i32
      %dma_start3A_47 = arith.constant 0 : i32
      %dma_start3A_48 = tpu.memref_slice %arg4[%add3A, %dma_start3A_46, %dma_start3A_47] : memref<32x100x100xi32, #tpu.memory_space<hbm>> -> memref<1x100x100xi32, #tpu.memory_space<hbm>>
      %dma_start3A_49 = tpu.memref_squeeze %dma_start3A_48 : memref<1x100x100xi32, #tpu.memory_space<hbm>> -> memref<100x100xi32, #tpu.memory_space<hbm>>
      tpu.enqueue_dma source(%dma_start3A_49 : memref<100x100xi32, #tpu.memory_space<hbm>>) target(%arg8 : memref<100x100xi32, #tpu.memory_space<vmem>>) target_semaphore(%run_scoped3A : memref<!tpu.dma_semaphore, #tpu.memory_space<semaphore_mem>>)
      %dma_wait3A_50 = arith.constant 0 : i32
      %dma_wait3A_51 = arith.constant 0 : i32
      %dma_wait3A_52 = tpu.memref_slice %arg4[%add3A, %dma_wait3A_50, %dma_wait3A_51] : memref<32x100x100xi32, #tpu.memory_space<hbm>> -> memref<1x100x100xi32, #tpu.memory_space<hbm>>
      %dma_wait3A_53 = tpu.memref_squeeze %dma_wait3A_52 : memref<1x100x100xi32, #tpu.memory_space<hbm>> -> memref<100x100xi32, #tpu.memory_space<hbm>>
      %dma_wait3A_54 = arith.constant 0 : i32
      %dma_wait3A_55 = arith.constant 0 : i32
      %dma_wait3A_56 = tpu.memref_slice %arg4[%add3A, %dma_wait3A_54, %dma_wait3A_55] : memref<32x100x100xi32, #tpu.memory_space<hbm>> -> memref<1x100x100xi32, #tpu.memory_space<hbm>>
      %dma_wait3A_57 = tpu.memref_squeeze %dma_wait3A_56 : memref<1x100x100xi32, #tpu.memory_space<hbm>> -> memref<100x100xi32, #tpu.memory_space<hbm>>
      tpu.wait_dma2 semaphore(%run_scoped3A : memref<!tpu.dma_semaphore, #tpu.memory_space<semaphore_mem>>) src(%dma_wait3A_57 : memref<100x100xi32, #tpu.memory_space<hbm>>) dst(%arg8 : memref<100x100xi32, #tpu.memory_space<vmem>>)
      tpu.yield
    }) : () -> ()
    "tpu.region"() ({
      %run_scoped3A = tpu.sem_alloc : memref<!tpu.dma_semaphore, #tpu.memory_space<semaphore_mem>>
      %dma_start3A = arith.constant 0 : i32
      %dma_start3A_43 = tpu.memref_slice %arg24[%mul3A_2, %dma_start3A] : memref<10240x64xf32, #tpu.memory_space<vmem_shared>> -> memref<640x64xf32, #tpu.memory_space<vmem_shared>>
      tpu.enqueue_dma source(%arg5 : memref<640x64xf32, #tpu.memory_space<hbm>>) target(%dma_start3A_43 : memref<640x64xf32, #tpu.memory_space<vmem_shared>>) target_semaphore(%run_scoped3A : memref<!tpu.dma_semaphore, #tpu.memory_space<semaphore_mem>>)
      %dma_wait3A_44 = arith.constant 0 : i32
      %dma_wait3A_45 = tpu.memref_slice %arg24[%mul3A_2, %dma_wait3A_44] : memref<10240x64xf32, #tpu.memory_space<vmem_shared>> -> memref<640x64xf32, #tpu.memory_space<vmem_shared>>
      tpu.wait_dma2 semaphore(%run_scoped3A : memref<!tpu.dma_semaphore, #tpu.memory_space<semaphore_mem>>) src(%arg5 : memref<640x64xf32, #tpu.memory_space<hbm>>) dst(%dma_wait3A_45 : memref<640x64xf32, #tpu.memory_space<vmem_shared>>)
      tpu.yield
    }) : () -> ()
    %barrier3A = arith.constant 0 : index
    tpu.barrier barrier_id(%barrier3A)
    %scan3A = arith.constant 0 : i32
    %scan3A_3 = arith.constant 0 : i32
    %scan3A_4 = arith.constant 20 : i32
    %scan3A_5 = arith.addi %scan3A_3, %scan3A_4 : i32
    %scan3A_6 = arith.constant 1 : i32
    scf.for %scan3A_43 = %scan3A_3 to %scan3A_5 step %scan3A_6  : i32 {
      %mul3A_44 = arith.constant 5 : i32
      %mul3A_45 = arith.muli %scan3A_43, %mul3A_44 : i32
      %gt3A = arith.constant 0 : i32
      %gt3A_46 = arith.cmpi sgt, %scan3A_43, %gt3A : i32
      %convert_element_type3A = arith.extui %gt3A_46 : i1 to i32
      %cond3A = arith.constant 0 : i32
      %cond3A_47 = arith.cmpi ne, %convert_element_type3A, %cond3A : i32
      scf.if %cond3A_47 {
        %dma_wait3A_177 = arith.constant 0 : i32
        %dma_wait3A_178 = arith.constant 0 : i32
        %dma_wait3A_179 = tpu.memref_slice %arg8[%dma_wait3A_177, %dma_wait3A_178] : memref<100x100xi32, #tpu.memory_space<vmem>> -> memref<1x100xi32, #tpu.memory_space<vmem>>
        %dma_wait3A_180 = tpu.memref_squeeze %dma_wait3A_179 : memref<1x100xi32, #tpu.memory_space<vmem>> -> memref<100xi32, #tpu.memory_space<vmem>>
        %dma_wait3A_181 = arith.constant 0 : i32
        %dma_wait3A_182 = arith.constant 0 : i32
        %dma_wait3A_183 = tpu.memref_slice %arg24[%dma_wait3A_181, %dma_wait3A_182] : memref<10240x64xf32, #tpu.memory_space<vmem_shared>> -> memref<10240x64xf32, #tpu.memory_space<vmem_shared>>
        tpu.wait_indirect_dma semaphore(%arg19 : memref<!tpu.dma_semaphore, #tpu.memory_space<semaphore_mem>>) src(%arg9 : memref<100x64xf32, #tpu.memory_space<vmem>>) dst(%dma_wait3A_183 : memref<10240x64xf32, #tpu.memory_space<vmem_shared>>)
      } else {
      }
      %add3A_48 = arith.constant 0 : i32
      %add3A_49 = arith.addi %mul3A_45, %add3A_48 : i32
      %dma_start3A = arith.constant 0 : i32
      %dma_start3A_50 = tpu.memref_slice %arg7[%add3A_49, %dma_start3A] : memref<100x100xi32, #tpu.memory_space<vmem>> -> memref<1x100xi32, #tpu.memory_space<vmem>>
      %dma_start3A_51 = tpu.memref_squeeze %dma_start3A_50 : memref<1x100xi32, #tpu.memory_space<vmem>> -> memref<100xi32, #tpu.memory_space<vmem>>
      %dma_start3A_52 = arith.constant 0 : i32
      %dma_start3A_53 = arith.constant 0 : i32
      %dma_start3A_54 = tpu.memref_slice %arg2[%dma_start3A_52, %dma_start3A_53] : memref<10000x64xf32, #tpu.memory_space<hbm>> -> memref<10000x64xf32, #tpu.memory_space<hbm>>
      tpu.enqueue_indirect_dma source(%dma_start3A_54 : memref<10000x64xf32, #tpu.memory_space<hbm>>) target(%arg9 : memref<100x64xf32, #tpu.memory_space<vmem>>) offsets(%dma_start3A_51 : memref<100xi32, #tpu.memory_space<vmem>>) semaphore(%arg14 : memref<!tpu.dma_semaphore, #tpu.memory_space<semaphore_mem>>)
      %gt3A_55 = arith.constant 0 : i32
      %gt3A_56 = arith.cmpi sgt, %scan3A_43, %gt3A_55 : i32
      %convert_element_type3A_57 = arith.extui %gt3A_56 : i1 to i32
      %cond3A_58 = arith.constant 0 : i32
      %cond3A_59 = arith.cmpi ne, %convert_element_type3A_57, %cond3A_58 : i32
      scf.if %cond3A_59 {
        %dma_wait3A_177 = arith.constant 0 : i32
        %dma_wait3A_178 = arith.constant 0 : i32
        %dma_wait3A_179 = tpu.memref_slice %arg8[%dma_wait3A_177, %dma_wait3A_178] : memref<100x100xi32, #tpu.memory_space<vmem>> -> memref<1x100xi32, #tpu.memory_space<vmem>>
        %dma_wait3A_180 = tpu.memref_squeeze %dma_wait3A_179 : memref<1x100xi32, #tpu.memory_space<vmem>> -> memref<100xi32, #tpu.memory_space<vmem>>
        %dma_wait3A_181 = arith.constant 0 : i32
        %dma_wait3A_182 = arith.constant 0 : i32
        %dma_wait3A_183 = tpu.memref_slice %arg24[%dma_wait3A_181, %dma_wait3A_182] : memref<10240x64xf32, #tpu.memory_space<vmem_shared>> -> memref<10240x64xf32, #tpu.memory_space<vmem_shared>>
        tpu.wait_indirect_dma semaphore(%arg20 : memref<!tpu.dma_semaphore, #tpu.memory_space<semaphore_mem>>) src(%arg10 : memref<100x64xf32, #tpu.memory_space<vmem>>) dst(%dma_wait3A_183 : memref<10240x64xf32, #tpu.memory_space<vmem_shared>>)
      } else {
      }
      %add3A_60 = arith.constant 1 : i32
      %add3A_61 = arith.addi %mul3A_45, %add3A_60 : i32
      %dma_start3A_62 = arith.constant 0 : i32
      %dma_start3A_63 = tpu.memref_slice %arg7[%add3A_61, %dma_start3A_62] : memref<100x100xi32, #tpu.memory_space<vmem>> -> memref<1x100xi32, #tpu.memory_space<vmem>>
      %dma_start3A_64 = tpu.memref_squeeze %dma_start3A_63 : memref<1x100xi32, #tpu.memory_space<vmem>> -> memref<100xi32, #tpu.memory_space<vmem>>
      %dma_start3A_65 = arith.constant 0 : i32
      %dma_start3A_66 = arith.constant 0 : i32
      %dma_start3A_67 = tpu.memref_slice %arg2[%dma_start3A_65, %dma_start3A_66] : memref<10000x64xf32, #tpu.memory_space<hbm>> -> memref<10000x64xf32, #tpu.memory_space<hbm>>
      tpu.enqueue_indirect_dma source(%dma_start3A_67 : memref<10000x64xf32, #tpu.memory_space<hbm>>) target(%arg10 : memref<100x64xf32, #tpu.memory_space<vmem>>) offsets(%dma_start3A_64 : memref<100xi32, #tpu.memory_space<vmem>>) semaphore(%arg15 : memref<!tpu.dma_semaphore, #tpu.memory_space<semaphore_mem>>)
      %gt3A_68 = arith.constant 0 : i32
      %gt3A_69 = arith.cmpi sgt, %scan3A_43, %gt3A_68 : i32
      %convert_element_type3A_70 = arith.extui %gt3A_69 : i1 to i32
      %cond3A_71 = arith.constant 0 : i32
      %cond3A_72 = arith.cmpi ne, %convert_element_type3A_70, %cond3A_71 : i32
      scf.if %cond3A_72 {
        %dma_wait3A_177 = arith.constant 0 : i32
        %dma_wait3A_178 = arith.constant 0 : i32
        %dma_wait3A_179 = tpu.memref_slice %arg8[%dma_wait3A_177, %dma_wait3A_178] : memref<100x100xi32, #tpu.memory_space<vmem>> -> memref<1x100xi32, #tpu.memory_space<vmem>>
        %dma_wait3A_180 = tpu.memref_squeeze %dma_wait3A_179 : memref<1x100xi32, #tpu.memory_space<vmem>> -> memref<100xi32, #tpu.memory_space<vmem>>
        %dma_wait3A_181 = arith.constant 0 : i32
        %dma_wait3A_182 = arith.constant 0 : i32
        %dma_wait3A_183 = tpu.memref_slice %arg24[%dma_wait3A_181, %dma_wait3A_182] : memref<10240x64xf32, #tpu.memory_space<vmem_shared>> -> memref<10240x64xf32, #tpu.memory_space<vmem_shared>>
        tpu.wait_indirect_dma semaphore(%arg21 : memref<!tpu.dma_semaphore, #tpu.memory_space<semaphore_mem>>) src(%arg11 : memref<100x64xf32, #tpu.memory_space<vmem>>) dst(%dma_wait3A_183 : memref<10240x64xf32, #tpu.memory_space<vmem_shared>>)
      } else {
      }
      %add3A_73 = arith.constant 2 : i32
      %add3A_74 = arith.addi %mul3A_45, %add3A_73 : i32
      %dma_start3A_75 = arith.constant 0 : i32
      %dma_start3A_76 = tpu.memref_slice %arg7[%add3A_74, %dma_start3A_75] : memref<100x100xi32, #tpu.memory_space<vmem>> -> memref<1x100xi32, #tpu.memory_space<vmem>>
      %dma_start3A_77 = tpu.memref_squeeze %dma_start3A_76 : memref<1x100xi32, #tpu.memory_space<vmem>> -> memref<100xi32, #tpu.memory_space<vmem>>
      %dma_start3A_78 = arith.constant 0 : i32
      %dma_start3A_79 = arith.constant 0 : i32
      %dma_start3A_80 = tpu.memref_slice %arg2[%dma_start3A_78, %dma_start3A_79] : memref<10000x64xf32, #tpu.memory_space<hbm>> -> memref<10000x64xf32, #tpu.memory_space<hbm>>
      tpu.enqueue_indirect_dma source(%dma_start3A_80 : memref<10000x64xf32, #tpu.memory_space<hbm>>) target(%arg11 : memref<100x64xf32, #tpu.memory_space<vmem>>) offsets(%dma_start3A_77 : memref<100xi32, #tpu.memory_space<vmem>>) semaphore(%arg16 : memref<!tpu.dma_semaphore, #tpu.memory_space<semaphore_mem>>)
      %gt3A_81 = arith.constant 0 : i32
      %gt3A_82 = arith.cmpi sgt, %scan3A_43, %gt3A_81 : i32
      %convert_element_type3A_83 = arith.extui %gt3A_82 : i1 to i32
      %cond3A_84 = arith.constant 0 : i32
      %cond3A_85 = arith.cmpi ne, %convert_element_type3A_83, %cond3A_84 : i32
      scf.if %cond3A_85 {
        %dma_wait3A_177 = arith.constant 0 : i32
        %dma_wait3A_178 = arith.constant 0 : i32
        %dma_wait3A_179 = tpu.memref_slice %arg8[%dma_wait3A_177, %dma_wait3A_178] : memref<100x100xi32, #tpu.memory_space<vmem>> -> memref<1x100xi32, #tpu.memory_space<vmem>>
        %dma_wait3A_180 = tpu.memref_squeeze %dma_wait3A_179 : memref<1x100xi32, #tpu.memory_space<vmem>> -> memref<100xi32, #tpu.memory_space<vmem>>
        %dma_wait3A_181 = arith.constant 0 : i32
        %dma_wait3A_182 = arith.constant 0 : i32
        %dma_wait3A_183 = tpu.memref_slice %arg24[%dma_wait3A_181, %dma_wait3A_182] : memref<10240x64xf32, #tpu.memory_space<vmem_shared>> -> memref<10240x64xf32, #tpu.memory_space<vmem_shared>>
        tpu.wait_indirect_dma semaphore(%arg22 : memref<!tpu.dma_semaphore, #tpu.memory_space<semaphore_mem>>) src(%arg12 : memref<100x64xf32, #tpu.memory_space<vmem>>) dst(%dma_wait3A_183 : memref<10240x64xf32, #tpu.memory_space<vmem_shared>>)
      } else {
      }
      %add3A_86 = arith.constant 3 : i32
      %add3A_87 = arith.addi %mul3A_45, %add3A_86 : i32
      %dma_start3A_88 = arith.constant 0 : i32
      %dma_start3A_89 = tpu.memref_slice %arg7[%add3A_87, %dma_start3A_88] : memref<100x100xi32, #tpu.memory_space<vmem>> -> memref<1x100xi32, #tpu.memory_space<vmem>>
      %dma_start3A_90 = tpu.memref_squeeze %dma_start3A_89 : memref<1x100xi32, #tpu.memory_space<vmem>> -> memref<100xi32, #tpu.memory_space<vmem>>
      %dma_start3A_91 = arith.constant 0 : i32
      %dma_start3A_92 = arith.constant 0 : i32
      %dma_start3A_93 = tpu.memref_slice %arg2[%dma_start3A_91, %dma_start3A_92] : memref<10000x64xf32, #tpu.memory_space<hbm>> -> memref<10000x64xf32, #tpu.memory_space<hbm>>
      tpu.enqueue_indirect_dma source(%dma_start3A_93 : memref<10000x64xf32, #tpu.memory_space<hbm>>) target(%arg12 : memref<100x64xf32, #tpu.memory_space<vmem>>) offsets(%dma_start3A_90 : memref<100xi32, #tpu.memory_space<vmem>>) semaphore(%arg17 : memref<!tpu.dma_semaphore, #tpu.memory_space<semaphore_mem>>)
      %gt3A_94 = arith.constant 0 : i32
      %gt3A_95 = arith.cmpi sgt, %scan3A_43, %gt3A_94 : i32
      %convert_element_type3A_96 = arith.extui %gt3A_95 : i1 to i32
      %cond3A_97 = arith.constant 0 : i32
      %cond3A_98 = arith.cmpi ne, %convert_element_type3A_96, %cond3A_97 : i32
      scf.if %cond3A_98 {
        %dma_wait3A_177 = arith.constant 0 : i32
        %dma_wait3A_178 = arith.constant 0 : i32
        %dma_wait3A_179 = tpu.memref_slice %arg8[%dma_wait3A_177, %dma_wait3A_178] : memref<100x100xi32, #tpu.memory_space<vmem>> -> memref<1x100xi32, #tpu.memory_space<vmem>>
        %dma_wait3A_180 = tpu.memref_squeeze %dma_wait3A_179 : memref<1x100xi32, #tpu.memory_space<vmem>> -> memref<100xi32, #tpu.memory_space<vmem>>
        %dma_wait3A_181 = arith.constant 0 : i32
        %dma_wait3A_182 = arith.constant 0 : i32
        %dma_wait3A_183 = tpu.memref_slice %arg24[%dma_wait3A_181, %dma_wait3A_182] : memref<10240x64xf32, #tpu.memory_space<vmem_shared>> -> memref<10240x64xf32, #tpu.memory_space<vmem_shared>>
        tpu.wait_indirect_dma semaphore(%arg23 : memref<!tpu.dma_semaphore, #tpu.memory_space<semaphore_mem>>) src(%arg13 : memref<100x64xf32, #tpu.memory_space<vmem>>) dst(%dma_wait3A_183 : memref<10240x64xf32, #tpu.memory_space<vmem_shared>>)
      } else {
      }
      %add3A_99 = arith.constant 4 : i32
      %add3A_100 = arith.addi %mul3A_45, %add3A_99 : i32
      %dma_start3A_101 = arith.constant 0 : i32
      %dma_start3A_102 = tpu.memref_slice %arg7[%add3A_100, %dma_start3A_101] : memref<100x100xi32, #tpu.memory_space<vmem>> -> memref<1x100xi32, #tpu.memory_space<vmem>>
      %dma_start3A_103 = tpu.memref_squeeze %dma_start3A_102 : memref<1x100xi32, #tpu.memory_space<vmem>> -> memref<100xi32, #tpu.memory_space<vmem>>
      %dma_start3A_104 = arith.constant 0 : i32
      %dma_start3A_105 = arith.constant 0 : i32
      %dma_start3A_106 = tpu.memref_slice %arg2[%dma_start3A_104, %dma_start3A_105] : memref<10000x64xf32, #tpu.memory_space<hbm>> -> memref<10000x64xf32, #tpu.memory_space<hbm>>
      tpu.enqueue_indirect_dma source(%dma_start3A_106 : memref<10000x64xf32, #tpu.memory_space<hbm>>) target(%arg13 : memref<100x64xf32, #tpu.memory_space<vmem>>) offsets(%dma_start3A_103 : memref<100xi32, #tpu.memory_space<vmem>>) semaphore(%arg18 : memref<!tpu.dma_semaphore, #tpu.memory_space<semaphore_mem>>)
      %dma_wait3A_107 = arith.constant 0 : i32
      %dma_wait3A_108 = tpu.memref_slice %arg7[%add3A_49, %dma_wait3A_107] : memref<100x100xi32, #tpu.memory_space<vmem>> -> memref<1x100xi32, #tpu.memory_space<vmem>>
      %dma_wait3A_109 = tpu.memref_squeeze %dma_wait3A_108 : memref<1x100xi32, #tpu.memory_space<vmem>> -> memref<100xi32, #tpu.memory_space<vmem>>
      %dma_wait3A_110 = arith.constant 0 : i32
      %dma_wait3A_111 = arith.constant 0 : i32
      %dma_wait3A_112 = tpu.memref_slice %arg2[%dma_wait3A_110, %dma_wait3A_111] : memref<10000x64xf32, #tpu.memory_space<hbm>> -> memref<10000x64xf32, #tpu.memory_space<hbm>>
      tpu.wait_indirect_dma semaphore(%arg14 : memref<!tpu.dma_semaphore, #tpu.memory_space<semaphore_mem>>) src(%dma_wait3A_112 : memref<10000x64xf32, #tpu.memory_space<hbm>>) dst(%arg9 : memref<100x64xf32, #tpu.memory_space<vmem>>)
      %add3A_113 = arith.constant 0 : i32
      %add3A_114 = arith.addi %mul3A_45, %add3A_113 : i32
      %dma_start3A_115 = arith.constant 0 : i32
      %dma_start3A_116 = tpu.memref_slice %arg8[%add3A_114, %dma_start3A_115] : memref<100x100xi32, #tpu.memory_space<vmem>> -> memref<1x100xi32, #tpu.memory_space<vmem>>
      %dma_start3A_117 = tpu.memref_squeeze %dma_start3A_116 : memref<1x100xi32, #tpu.memory_space<vmem>> -> memref<100xi32, #tpu.memory_space<vmem>>
      %dma_start3A_118 = arith.constant 0 : i32
      %dma_start3A_119 = arith.constant 0 : i32
      %dma_start3A_120 = tpu.memref_slice %arg24[%dma_start3A_118, %dma_start3A_119] : memref<10240x64xf32, #tpu.memory_space<vmem_shared>> -> memref<10240x64xf32, #tpu.memory_space<vmem_shared>>
      tpu.enqueue_indirect_dma source(%arg9 : memref<100x64xf32, #tpu.memory_space<vmem>>) target(%dma_start3A_120 : memref<10240x64xf32, #tpu.memory_space<vmem_shared>>) offsets(%dma_start3A_117 : memref<100xi32, #tpu.memory_space<vmem>>) semaphore(%arg19 : memref<!tpu.dma_semaphore, #tpu.memory_space<semaphore_mem>>) {add = true}
      %dma_wait3A_121 = arith.constant 0 : i32
      %dma_wait3A_122 = tpu.memref_slice %arg7[%add3A_61, %dma_wait3A_121] : memref<100x100xi32, #tpu.memory_space<vmem>> -> memref<1x100xi32, #tpu.memory_space<vmem>>
      %dma_wait3A_123 = tpu.memref_squeeze %dma_wait3A_122 : memref<1x100xi32, #tpu.memory_space<vmem>> -> memref<100xi32, #tpu.memory_space<vmem>>
      %dma_wait3A_124 = arith.constant 0 : i32
      %dma_wait3A_125 = arith.constant 0 : i32
      %dma_wait3A_126 = tpu.memref_slice %arg2[%dma_wait3A_124, %dma_wait3A_125] : memref<10000x64xf32, #tpu.memory_space<hbm>> -> memref<10000x64xf32, #tpu.memory_space<hbm>>
      tpu.wait_indirect_dma semaphore(%arg15 : memref<!tpu.dma_semaphore, #tpu.memory_space<semaphore_mem>>) src(%dma_wait3A_126 : memref<10000x64xf32, #tpu.memory_space<hbm>>) dst(%arg10 : memref<100x64xf32, #tpu.memory_space<vmem>>)
      %add3A_127 = arith.constant 1 : i32
      %add3A_128 = arith.addi %mul3A_45, %add3A_127 : i32
      %dma_start3A_129 = arith.constant 0 : i32
      %dma_start3A_130 = tpu.memref_slice %arg8[%add3A_128, %dma_start3A_129] : memref<100x100xi32, #tpu.memory_space<vmem>> -> memref<1x100xi32, #tpu.memory_space<vmem>>
      %dma_start3A_131 = tpu.memref_squeeze %dma_start3A_130 : memref<1x100xi32, #tpu.memory_space<vmem>> -> memref<100xi32, #tpu.memory_space<vmem>>
      %dma_start3A_132 = arith.constant 0 : i32
      %dma_start3A_133 = arith.constant 0 : i32
      %dma_start3A_134 = tpu.memref_slice %arg24[%dma_start3A_132, %dma_start3A_133] : memref<10240x64xf32, #tpu.memory_space<vmem_shared>> -> memref<10240x64xf32, #tpu.memory_space<vmem_shared>>
      tpu.enqueue_indirect_dma source(%arg10 : memref<100x64xf32, #tpu.memory_space<vmem>>) target(%dma_start3A_134 : memref<10240x64xf32, #tpu.memory_space<vmem_shared>>) offsets(%dma_start3A_131 : memref<100xi32, #tpu.memory_space<vmem>>) semaphore(%arg20 : memref<!tpu.dma_semaphore, #tpu.memory_space<semaphore_mem>>) {add = true}
      %dma_wait3A_135 = arith.constant 0 : i32
      %dma_wait3A_136 = tpu.memref_slice %arg7[%add3A_74, %dma_wait3A_135] : memref<100x100xi32, #tpu.memory_space<vmem>> -> memref<1x100xi32, #tpu.memory_space<vmem>>
      %dma_wait3A_137 = tpu.memref_squeeze %dma_wait3A_136 : memref<1x100xi32, #tpu.memory_space<vmem>> -> memref<100xi32, #tpu.memory_space<vmem>>
      %dma_wait3A_138 = arith.constant 0 : i32
      %dma_wait3A_139 = arith.constant 0 : i32
      %dma_wait3A_140 = tpu.memref_slice %arg2[%dma_wait3A_138, %dma_wait3A_139] : memref<10000x64xf32, #tpu.memory_space<hbm>> -> memref<10000x64xf32, #tpu.memory_space<hbm>>
      tpu.wait_indirect_dma semaphore(%arg16 : memref<!tpu.dma_semaphore, #tpu.memory_space<semaphore_mem>>) src(%dma_wait3A_140 : memref<10000x64xf32, #tpu.memory_space<hbm>>) dst(%arg11 : memref<100x64xf32, #tpu.memory_space<vmem>>)
      %add3A_141 = arith.constant 2 : i32
      %add3A_142 = arith.addi %mul3A_45, %add3A_141 : i32
      %dma_start3A_143 = arith.constant 0 : i32
      %dma_start3A_144 = tpu.memref_slice %arg8[%add3A_142, %dma_start3A_143] : memref<100x100xi32, #tpu.memory_space<vmem>> -> memref<1x100xi32, #tpu.memory_space<vmem>>
      %dma_start3A_145 = tpu.memref_squeeze %dma_start3A_144 : memref<1x100xi32, #tpu.memory_space<vmem>> -> memref<100xi32, #tpu.memory_space<vmem>>
      %dma_start3A_146 = arith.constant 0 : i32
      %dma_start3A_147 = arith.constant 0 : i32
      %dma_start3A_148 = tpu.memref_slice %arg24[%dma_start3A_146, %dma_start3A_147] : memref<10240x64xf32, #tpu.memory_space<vmem_shared>> -> memref<10240x64xf32, #tpu.memory_space<vmem_shared>>
      tpu.enqueue_indirect_dma source(%arg11 : memref<100x64xf32, #tpu.memory_space<vmem>>) target(%dma_start3A_148 : memref<10240x64xf32, #tpu.memory_space<vmem_shared>>) offsets(%dma_start3A_145 : memref<100xi32, #tpu.memory_space<vmem>>) semaphore(%arg21 : memref<!tpu.dma_semaphore, #tpu.memory_space<semaphore_mem>>) {add = true}
      %dma_wait3A_149 = arith.constant 0 : i32
      %dma_wait3A_150 = tpu.memref_slice %arg7[%add3A_87, %dma_wait3A_149] : memref<100x100xi32, #tpu.memory_space<vmem>> -> memref<1x100xi32, #tpu.memory_space<vmem>>
      %dma_wait3A_151 = tpu.memref_squeeze %dma_wait3A_150 : memref<1x100xi32, #tpu.memory_space<vmem>> -> memref<100xi32, #tpu.memory_space<vmem>>
      %dma_wait3A_152 = arith.constant 0 : i32
      %dma_wait3A_153 = arith.constant 0 : i32
      %dma_wait3A_154 = tpu.memref_slice %arg2[%dma_wait3A_152, %dma_wait3A_153] : memref<10000x64xf32, #tpu.memory_space<hbm>> -> memref<10000x64xf32, #tpu.memory_space<hbm>>
      tpu.wait_indirect_dma semaphore(%arg17 : memref<!tpu.dma_semaphore, #tpu.memory_space<semaphore_mem>>) src(%dma_wait3A_154 : memref<10000x64xf32, #tpu.memory_space<hbm>>) dst(%arg12 : memref<100x64xf32, #tpu.memory_space<vmem>>)
      %add3A_155 = arith.constant 3 : i32
      %add3A_156 = arith.addi %mul3A_45, %add3A_155 : i32
      %dma_start3A_157 = arith.constant 0 : i32
      %dma_start3A_158 = tpu.memref_slice %arg8[%add3A_156, %dma_start3A_157] : memref<100x100xi32, #tpu.memory_space<vmem>> -> memref<1x100xi32, #tpu.memory_space<vmem>>
      %dma_start3A_159 = tpu.memref_squeeze %dma_start3A_158 : memref<1x100xi32, #tpu.memory_space<vmem>> -> memref<100xi32, #tpu.memory_space<vmem>>
      %dma_start3A_160 = arith.constant 0 : i32
      %dma_start3A_161 = arith.constant 0 : i32
      %dma_start3A_162 = tpu.memref_slice %arg24[%dma_start3A_160, %dma_start3A_161] : memref<10240x64xf32, #tpu.memory_space<vmem_shared>> -> memref<10240x64xf32, #tpu.memory_space<vmem_shared>>
      tpu.enqueue_indirect_dma source(%arg12 : memref<100x64xf32, #tpu.memory_space<vmem>>) target(%dma_start3A_162 : memref<10240x64xf32, #tpu.memory_space<vmem_shared>>) offsets(%dma_start3A_159 : memref<100xi32, #tpu.memory_space<vmem>>) semaphore(%arg22 : memref<!tpu.dma_semaphore, #tpu.memory_space<semaphore_mem>>) {add = true}
      %dma_wait3A_163 = arith.constant 0 : i32
      %dma_wait3A_164 = tpu.memref_slice %arg7[%add3A_100, %dma_wait3A_163] : memref<100x100xi32, #tpu.memory_space<vmem>> -> memref<1x100xi32, #tpu.memory_space<vmem>>
      %dma_wait3A_165 = tpu.memref_squeeze %dma_wait3A_164 : memref<1x100xi32, #tpu.memory_space<vmem>> -> memref<100xi32, #tpu.memory_space<vmem>>
      %dma_wait3A_166 = arith.constant 0 : i32
      %dma_wait3A_167 = arith.constant 0 : i32
      %dma_wait3A_168 = tpu.memref_slice %arg2[%dma_wait3A_166, %dma_wait3A_167] : memref<10000x64xf32, #tpu.memory_space<hbm>> -> memref<10000x64xf32, #tpu.memory_space<hbm>>
      tpu.wait_indirect_dma semaphore(%arg18 : memref<!tpu.dma_semaphore, #tpu.memory_space<semaphore_mem>>) src(%dma_wait3A_168 : memref<10000x64xf32, #tpu.memory_space<hbm>>) dst(%arg13 : memref<100x64xf32, #tpu.memory_space<vmem>>)
      %add3A_169 = arith.constant 4 : i32
      %add3A_170 = arith.addi %mul3A_45, %add3A_169 : i32
      %dma_start3A_171 = arith.constant 0 : i32
      %dma_start3A_172 = tpu.memref_slice %arg8[%add3A_170, %dma_start3A_171] : memref<100x100xi32, #tpu.memory_space<vmem>> -> memref<1x100xi32, #tpu.memory_space<vmem>>
      %dma_start3A_173 = tpu.memref_squeeze %dma_start3A_172 : memref<1x100xi32, #tpu.memory_space<vmem>> -> memref<100xi32, #tpu.memory_space<vmem>>
      %dma_start3A_174 = arith.constant 0 : i32
      %dma_start3A_175 = arith.constant 0 : i32
      %dma_start3A_176 = tpu.memref_slice %arg24[%dma_start3A_174, %dma_start3A_175] : memref<10240x64xf32, #tpu.memory_space<vmem_shared>> -> memref<10240x64xf32, #tpu.memory_space<vmem_shared>>
      tpu.enqueue_indirect_dma source(%arg13 : memref<100x64xf32, #tpu.memory_space<vmem>>) target(%dma_start3A_176 : memref<10240x64xf32, #tpu.memory_space<vmem_shared>>) offsets(%dma_start3A_173 : memref<100xi32, #tpu.memory_space<vmem>>) semaphore(%arg23 : memref<!tpu.dma_semaphore, #tpu.memory_space<semaphore_mem>>) {add = true}
    }
    %scan3A_7 = arith.constant 20 : i32
    %dma_wait3A = arith.constant 0 : i32
    %dma_wait3A_8 = arith.constant 0 : i32
    %dma_wait3A_9 = tpu.memref_slice %arg8[%dma_wait3A, %dma_wait3A_8] : memref<100x100xi32, #tpu.memory_space<vmem>> -> memref<1x100xi32, #tpu.memory_space<vmem>>
    %dma_wait3A_10 = tpu.memref_squeeze %dma_wait3A_9 : memref<1x100xi32, #tpu.memory_space<vmem>> -> memref<100xi32, #tpu.memory_space<vmem>>
    %dma_wait3A_11 = arith.constant 0 : i32
    %dma_wait3A_12 = arith.constant 0 : i32
    %dma_wait3A_13 = tpu.memref_slice %arg24[%dma_wait3A_11, %dma_wait3A_12] : memref<10240x64xf32, #tpu.memory_space<vmem_shared>> -> memref<10240x64xf32, #tpu.memory_space<vmem_shared>>
    tpu.wait_indirect_dma semaphore(%arg19 : memref<!tpu.dma_semaphore, #tpu.memory_space<semaphore_mem>>) src(%arg9 : memref<100x64xf32, #tpu.memory_space<vmem>>) dst(%dma_wait3A_13 : memref<10240x64xf32, #tpu.memory_space<vmem_shared>>)
    %dma_wait3A_14 = arith.constant 0 : i32
    %dma_wait3A_15 = arith.constant 0 : i32
    %dma_wait3A_16 = tpu.memref_slice %arg8[%dma_wait3A_14, %dma_wait3A_15] : memref<100x100xi32, #tpu.memory_space<vmem>> -> memref<1x100xi32, #tpu.memory_space<vmem>>
    %dma_wait3A_17 = tpu.memref_squeeze %dma_wait3A_16 : memref<1x100xi32, #tpu.memory_space<vmem>> -> memref<100xi32, #tpu.memory_space<vmem>>
    %dma_wait3A_18 = arith.constant 0 : i32
    %dma_wait3A_19 = arith.constant 0 : i32
    %dma_wait3A_20 = tpu.memref_slice %arg24[%dma_wait3A_18, %dma_wait3A_19] : memref<10240x64xf32, #tpu.memory_space<vmem_shared>> -> memref<10240x64xf32, #tpu.memory_space<vmem_shared>>
    tpu.wait_indirect_dma semaphore(%arg20 : memref<!tpu.dma_semaphore, #tpu.memory_space<semaphore_mem>>) src(%arg10 : memref<100x64xf32, #tpu.memory_space<vmem>>) dst(%dma_wait3A_20 : memref<10240x64xf32, #tpu.memory_space<vmem_shared>>)
    %dma_wait3A_21 = arith.constant 0 : i32
    %dma_wait3A_22 = arith.constant 0 : i32
    %dma_wait3A_23 = tpu.memref_slice %arg8[%dma_wait3A_21, %dma_wait3A_22] : memref<100x100xi32, #tpu.memory_space<vmem>> -> memref<1x100xi32, #tpu.memory_space<vmem>>
    %dma_wait3A_24 = tpu.memref_squeeze %dma_wait3A_23 : memref<1x100xi32, #tpu.memory_space<vmem>> -> memref<100xi32, #tpu.memory_space<vmem>>
    %dma_wait3A_25 = arith.constant 0 : i32
    %dma_wait3A_26 = arith.constant 0 : i32
    %dma_wait3A_27 = tpu.memref_slice %arg24[%dma_wait3A_25, %dma_wait3A_26] : memref<10240x64xf32, #tpu.memory_space<vmem_shared>> -> memref<10240x64xf32, #tpu.memory_space<vmem_shared>>
    tpu.wait_indirect_dma semaphore(%arg21 : memref<!tpu.dma_semaphore, #tpu.memory_space<semaphore_mem>>) src(%arg11 : memref<100x64xf32, #tpu.memory_space<vmem>>) dst(%dma_wait3A_27 : memref<10240x64xf32, #tpu.memory_space<vmem_shared>>)
    %dma_wait3A_28 = arith.constant 0 : i32
    %dma_wait3A_29 = arith.constant 0 : i32
    %dma_wait3A_30 = tpu.memref_slice %arg8[%dma_wait3A_28, %dma_wait3A_29] : memref<100x100xi32, #tpu.memory_space<vmem>> -> memref<1x100xi32, #tpu.memory_space<vmem>>
    %dma_wait3A_31 = tpu.memref_squeeze %dma_wait3A_30 : memref<1x100xi32, #tpu.memory_space<vmem>> -> memref<100xi32, #tpu.memory_space<vmem>>
    %dma_wait3A_32 = arith.constant 0 : i32
    %dma_wait3A_33 = arith.constant 0 : i32
    %dma_wait3A_34 = tpu.memref_slice %arg24[%dma_wait3A_32, %dma_wait3A_33] : memref<10240x64xf32, #tpu.memory_space<vmem_shared>> -> memref<10240x64xf32, #tpu.memory_space<vmem_shared>>
    tpu.wait_indirect_dma semaphore(%arg22 : memref<!tpu.dma_semaphore, #tpu.memory_space<semaphore_mem>>) src(%arg12 : memref<100x64xf32, #tpu.memory_space<vmem>>) dst(%dma_wait3A_34 : memref<10240x64xf32, #tpu.memory_space<vmem_shared>>)
    %dma_wait3A_35 = arith.constant 0 : i32
    %dma_wait3A_36 = arith.constant 0 : i32
    %dma_wait3A_37 = tpu.memref_slice %arg8[%dma_wait3A_35, %dma_wait3A_36] : memref<100x100xi32, #tpu.memory_space<vmem>> -> memref<1x100xi32, #tpu.memory_space<vmem>>
    %dma_wait3A_38 = tpu.memref_squeeze %dma_wait3A_37 : memref<1x100xi32, #tpu.memory_space<vmem>> -> memref<100xi32, #tpu.memory_space<vmem>>
    %dma_wait3A_39 = arith.constant 0 : i32
    %dma_wait3A_40 = arith.constant 0 : i32
    %dma_wait3A_41 = tpu.memref_slice %arg24[%dma_wait3A_39, %dma_wait3A_40] : memref<10240x64xf32, #tpu.memory_space<vmem_shared>> -> memref<10240x64xf32, #tpu.memory_space<vmem_shared>>
    tpu.wait_indirect_dma semaphore(%arg23 : memref<!tpu.dma_semaphore, #tpu.memory_space<semaphore_mem>>) src(%arg13 : memref<100x64xf32, #tpu.memory_space<vmem>>) dst(%dma_wait3A_41 : memref<10240x64xf32, #tpu.memory_space<vmem_shared>>)
    %barrier3A_42 = arith.constant 0 : index
    tpu.barrier barrier_id(%barrier3A_42)
    "tpu.region"() ({
      %run_scoped3A = tpu.sem_alloc : memref<!tpu.dma_semaphore, #tpu.memory_space<semaphore_mem>>
      %dma_start3A = arith.constant 0 : i32
      %dma_start3A_43 = tpu.memref_slice %arg6[%arg0, %mul3A_2, %dma_start3A] : memref<2x10240x64xf32, #tpu.memory_space<hbm>> -> memref<1x640x64xf32, #tpu.memory_space<hbm>>
      %dma_start3A_44 = tpu.memref_squeeze %dma_start3A_43 : memref<1x640x64xf32, #tpu.memory_space<hbm>> -> memref<640x64xf32, #tpu.memory_space<hbm>>
      %dma_start3A_45 = arith.constant 0 : i32
      %dma_start3A_46 = tpu.memref_slice %arg24[%mul3A_2, %dma_start3A_45] : memref<10240x64xf32, #tpu.memory_space<vmem_shared>> -> memref<640x64xf32, #tpu.memory_space<vmem_shared>>
      tpu.enqueue_dma source(%dma_start3A_46 : memref<640x64xf32, #tpu.memory_space<vmem_shared>>) target(%dma_start3A_44 : memref<640x64xf32, #tpu.memory_space<hbm>>) target_semaphore(%run_scoped3A : memref<!tpu.dma_semaphore, #tpu.memory_space<semaphore_mem>>)
      %dma_wait3A_47 = arith.constant 0 : i32
      %dma_wait3A_48 = tpu.memref_slice %arg6[%arg0, %mul3A_2, %dma_wait3A_47] : memref<2x10240x64xf32, #tpu.memory_space<hbm>> -> memref<1x640x64xf32, #tpu.memory_space<hbm>>
      %dma_wait3A_49 = tpu.memref_squeeze %dma_wait3A_48 : memref<1x640x64xf32, #tpu.memory_space<hbm>> -> memref<640x64xf32, #tpu.memory_space<hbm>>
      %dma_wait3A_50 = arith.constant 0 : i32
      %dma_wait3A_51 = tpu.memref_slice %arg24[%mul3A_2, %dma_wait3A_50] : memref<10240x64xf32, #tpu.memory_space<vmem_shared>> -> memref<640x64xf32, #tpu.memory_space<vmem_shared>>
      tpu.wait_dma2 semaphore(%run_scoped3A : memref<!tpu.dma_semaphore, #tpu.memory_space<semaphore_mem>>) src(%dma_wait3A_51 : memref<640x64xf32, #tpu.memory_space<vmem_shared>>) dst(%dma_wait3A_49 : memref<640x64xf32, #tpu.memory_space<hbm>>)
      tpu.yield
    }) : () -> ()
    return
  }
}

#map = affine_map<(d0, d1) -> (0, 0)>
#map1 = affine_map<(d0, d1) -> (0, 0, 0)>
module attributes {stable_mosaic.version = 14 : i64} {
  func.func @body(%arg0: i32, %arg1: i32, %arg2: memref<10000x64xf32, #tpu.memory_space<hbm>>, %arg3: memref<32x100x100xi32, #tpu.memory_space<hbm>>, %arg4: memref<32x100x100xi32, #tpu.memory_space<hbm>>, %arg5: memref<640x64xf32, #tpu.memory_space<hbm>>, %arg6: memref<2x10240x64xf32, #tpu.memory_space<hbm>>, %arg7: memref<100x100xi32, #tpu.memory_space<vmem>>, %arg8: memref<100x100xi32, #tpu.memory_space<vmem>>, %arg9: memref<100x64xf32, #tpu.memory_space<vmem>>, %arg10: memref<100x64xf32, #tpu.memory_space<vmem>>, %arg11: memref<100x64xf32, #tpu.memory_space<vmem>>, %arg12: memref<100x64xf32, #tpu.memory_space<vmem>>, %arg13: memref<100x64xf32, #tpu.memory_space<vmem>>, %arg14: memref<!tpu.dma_semaphore, #tpu.memory_space<semaphore_mem>>, %arg15: memref<!tpu.dma_semaphore, #tpu.memory_space<semaphore_mem>>, %arg16: memref<!tpu.dma_semaphore, #tpu.memory_space<semaphore_mem>>, %arg17: memref<!tpu.dma_semaphore, #tpu.memory_space<semaphore_mem>>, %arg18: memref<!tpu.dma_semaphore, #tpu.memory_space<semaphore_mem>>, %arg19: memref<!tpu.dma_semaphore, #tpu.memory_space<semaphore_mem>>, %arg20: memref<!tpu.dma_semaphore, #tpu.memory_space<semaphore_mem>>, %arg21: memref<!tpu.dma_semaphore, #tpu.memory_space<semaphore_mem>>, %arg22: memref<!tpu.dma_semaphore, #tpu.memory_space<semaphore_mem>>, %arg23: memref<!tpu.dma_semaphore, #tpu.memory_space<semaphore_mem>>, %arg24: memref<10240x64xf32, #tpu.memory_space<vmem_shared>>) attributes {dimension_semantics = [#tpu.dimension_semantics<core_parallel>, #tpu.dimension_semantics<subcore_parallel>], iteration_bounds = array<i64: 2, 16>, scalar_prefetch = 0 : i64, scratch_operands = 18 : i64, tpu.core_type = #tpu.core_type<sc_vector_subcore>, window_params = [{transform_indices = #map}, {transform_indices = #map1}, {transform_indices = #map1}, {transform_indices = #map}, {transform_indices = #map1}]} {
    %mul3A = arith.constant 16 : i32
    %mul3A_0 = arith.muli %arg0, %mul3A : i32
    %add3A = arith.addi %mul3A_0, %arg1 : i32
    %mul3A_1 = arith.constant 640 : i32
    %mul3A_2 = arith.muli %arg1, %mul3A_1 : i32
    "tpu.region"() ({
      %run_scoped3A = tpu.sem_alloc : memref<!tpu.dma_semaphore, #tpu.memory_space<semaphore_mem>>
      %dma_start3A = arith.constant 0 : i32
      %dma_start3A_43 = arith.constant 0 : i32
      %dma_start3A_44 = tpu.memref_slice %arg3[%add3A, %dma_start3A, %dma_start3A_43] : memref<32x100x100xi32, #tpu.memory_space<hbm>> -> memref<1x100x100xi32, #tpu.memory_space<hbm>>
      %dma_start3A_45 = tpu.memref_squeeze %dma_start3A_44 : memref<1x100x100xi32, #tpu.memory_space<hbm>> -> memref<100x100xi32, #tpu.memory_space<hbm>>
      %dma_start3A_46 = arith.constant 0 : i32
      %dma_start3A_47 = arith.constant 0 : i32
      %dma_start3A_48 = tpu.memref_slice %arg3[%add3A, %dma_start3A_46, %dma_start3A_47] : memref<32x100x100xi32, #tpu.memory_space<hbm>> -> memref<1x100x100xi32, #tpu.memory_space<hbm>>
      %dma_start3A_49 = tpu.memref_squeeze %dma_start3A_48 : memref<1x100x100xi32, #tpu.memory_space<hbm>> -> memref<100x100xi32, #tpu.memory_space<hbm>>
      tpu.enqueue_dma source(%dma_start3A_49 : memref<100x100xi32, #tpu.memory_space<hbm>>) target(%arg7 : memref<100x100xi32, #tpu.memory_space<vmem>>) target_semaphore(%run_scoped3A : memref<!tpu.dma_semaphore, #tpu.memory_space<semaphore_mem>>)
      %dma_wait3A_50 = arith.constant 0 : i32
      %dma_wait3A_51 = arith.constant 0 : i32
      %dma_wait3A_52 = tpu.memref_slice %arg3[%add3A, %dma_wait3A_50, %dma_wait3A_51] : memref<32x100x100xi32, #tpu.memory_space<hbm>> -> memref<1x100x100xi32, #tpu.memory_space<hbm>>
      %dma_wait3A_53 = tpu.memref_squeeze %dma_wait3A_52 : memref<1x100x100xi32, #tpu.memory_space<hbm>> -> memref<100x100xi32, #tpu.memory_space<hbm>>
      %dma_wait3A_54 = arith.constant 0 : i32
      %dma_wait3A_55 = arith.constant 0 : i32
      %dma_wait3A_56 = tpu.memref_slice %arg3[%add3A, %dma_wait3A_54, %dma_wait3A_55] : memref<32x100x100xi32, #tpu.memory_space<hbm>> -> memref<1x100x100xi32, #tpu.memory_space<hbm>>
      %dma_wait3A_57 = tpu.memref_squeeze %dma_wait3A_56 : memref<1x100x100xi32, #tpu.memory_space<hbm>> -> memref<100x100xi32, #tpu.memory_space<hbm>>
      tpu.wait_dma2 semaphore(%run_scoped3A : memref<!tpu.dma_semaphore, #tpu.memory_space<semaphore_mem>>) src(%dma_wait3A_57 : memref<100x100xi32, #tpu.memory_space<hbm>>) dst(%arg7 : memref<100x100xi32, #tpu.memory_space<vmem>>)
      tpu.yield
    }) : () -> ()
    "tpu.region"() ({
      %run_scoped3A = tpu.sem_alloc : memref<!tpu.dma_semaphore, #tpu.memory_space<semaphore_mem>>
      %dma_start3A = arith.constant 0 : i32
      %dma_start3A_43 = arith.constant 0 : i32
      %dma_start3A_44 = tpu.memref_slice %arg4[%add3A, %dma_start3A, %dma_start3A_43] : memref<32x100x100xi32, #tpu.memory_space<hbm>> -> memref<1x100x100xi32, #tpu.memory_space<hbm>>
      %dma_start3A_45 = tpu.memref_squeeze %dma_start3A_44 : memref<1x100x100xi32, #tpu.memory_space<hbm>> -> memref<100x100xi32, #tpu.memory_space<hbm>>
      %dma_start3A_46 = arith.constant 0 : i32
      %dma_start3A_47 = arith.constant 0 : i32
      %dma_start3A_48 = tpu.memref_slice %arg4[%add3A, %dma_start3A_46, %dma_start3A_47] : memref<32x100x100xi32, #tpu.memory_space<hbm>> -> memref<1x100x100xi32, #tpu.memory_space<hbm>>
      %dma_start3A_49 = tpu.memref_squeeze %dma_start3A_48 : memref<1x100x100xi32, #tpu.memory_space<hbm>> -> memref<100x100xi32, #tpu.memory_space<hbm>>
      tpu.enqueue_dma source(%dma_start3A_49 : memref<100x100xi32, #tpu.memory_space<hbm>>) target(%arg8 : memref<100x100xi32, #tpu.memory_space<vmem>>) target_semaphore(%run_scoped3A : memref<!tpu.dma_semaphore, #tpu.memory_space<semaphore_mem>>)
      %dma_wait3A_50 = arith.constant 0 : i32
      %dma_wait3A_51 = arith.constant 0 : i32
      %dma_wait3A_52 = tpu.memref_slice %arg4[%add3A, %dma_wait3A_50, %dma_wait3A_51] : memref<32x100x100xi32, #tpu.memory_space<hbm>> -> memref<1x100x100xi32, #tpu.memory_space<hbm>>
      %dma_wait3A_53 = tpu.memref_squeeze %dma_wait3A_52 : memref<1x100x100xi32, #tpu.memory_space<hbm>> -> memref<100x100xi32, #tpu.memory_space<hbm>>
      %dma_wait3A_54 = arith.constant 0 : i32
      %dma_wait3A_55 = arith.constant 0 : i32
      %dma_wait3A_56 = tpu.memref_slice %arg4[%add3A, %dma_wait3A_54, %dma_wait3A_55] : memref<32x100x100xi32, #tpu.memory_space<hbm>> -> memref<1x100x100xi32, #tpu.memory_space<hbm>>
      %dma_wait3A_57 = tpu.memref_squeeze %dma_wait3A_56 : memref<1x100x100xi32, #tpu.memory_space<hbm>> -> memref<100x100xi32, #tpu.memory_space<hbm>>
      tpu.wait_dma2 semaphore(%run_scoped3A : memref<!tpu.dma_semaphore, #tpu.memory_space<semaphore_mem>>) src(%dma_wait3A_57 : memref<100x100xi32, #tpu.memory_space<hbm>>) dst(%arg8 : memref<100x100xi32, #tpu.memory_space<vmem>>)
      tpu.yield
    }) : () -> ()
    "tpu.region"() ({
      %run_scoped3A = tpu.sem_alloc : memref<!tpu.dma_semaphore, #tpu.memory_space<semaphore_mem>>
      %dma_start3A = arith.constant 0 : i32
      %dma_start3A_43 = tpu.memref_slice %arg24[%mul3A_2, %dma_start3A] : memref<10240x64xf32, #tpu.memory_space<vmem_shared>> -> memref<640x64xf32, #tpu.memory_space<vmem_shared>>
      tpu.enqueue_dma source(%arg5 : memref<640x64xf32, #tpu.memory_space<hbm>>) target(%dma_start3A_43 : memref<640x64xf32, #tpu.memory_space<vmem_shared>>) target_semaphore(%run_scoped3A : memref<!tpu.dma_semaphore, #tpu.memory_space<semaphore_mem>>)
      %dma_wait3A_44 = arith.constant 0 : i32
      %dma_wait3A_45 = tpu.memref_slice %arg24[%mul3A_2, %dma_wait3A_44] : memref<10240x64xf32, #tpu.memory_space<vmem_shared>> -> memref<640x64xf32, #tpu.memory_space<vmem_shared>>
      tpu.wait_dma2 semaphore(%run_scoped3A : memref<!tpu.dma_semaphore, #tpu.memory_space<semaphore_mem>>) src(%arg5 : memref<640x64xf32, #tpu.memory_space<hbm>>) dst(%dma_wait3A_45 : memref<640x64xf32, #tpu.memory_space<vmem_shared>>)
      tpu.yield
    }) : () -> ()
    %barrier3A = arith.constant 0 : index
    tpu.barrier barrier_id(%barrier3A)
    %scan3A = arith.constant 0 : i32
    %scan3A_3 = arith.constant 0 : i32
    %scan3A_4 = arith.constant 20 : i32
    %scan3A_5 = arith.addi %scan3A_3, %scan3A_4 : i32
    %scan3A_6 = arith.constant 1 : i32
    scf.for %scan3A_43 = %scan3A_3 to %scan3A_5 step %scan3A_6  : i32 {
      %mul3A_44 = arith.constant 5 : i32
      %mul3A_45 = arith.muli %scan3A_43, %mul3A_44 : i32
      %gt3A = arith.constant 0 : i32
      %gt3A_46 = arith.cmpi sgt, %scan3A_43, %gt3A : i32
      %convert_element_type3A = arith.extui %gt3A_46 : i1 to i32
      %cond3A = arith.constant 0 : i32
      %cond3A_47 = arith.cmpi ne, %convert_element_type3A, %cond3A : i32
      scf.if %cond3A_47 {
        %dma_wait3A_177 = arith.constant 0 : i32
        %dma_wait3A_178 = arith.constant 0 : i32
        %dma_wait3A_179 = tpu.memref_slice %arg8[%dma_wait3A_177, %dma_wait3A_178] : memref<100x100xi32, #tpu.memory_space<vmem>> -> memref<1x100xi32, #tpu.memory_space<vmem>>
        %dma_wait3A_180 = tpu.memref_squeeze %dma_wait3A_179 : memref<1x100xi32, #tpu.memory_space<vmem>> -> memref<100xi32, #tpu.memory_space<vmem>>
        %dma_wait3A_181 = arith.constant 0 : i32
        %dma_wait3A_182 = arith.constant 0 : i32
        %dma_wait3A_183 = tpu.memref_slice %arg24[%dma_wait3A_181, %dma_wait3A_182] : memref<10240x64xf32, #tpu.memory_space<vmem_shared>> -> memref<10240x64xf32, #tpu.memory_space<vmem_shared>>
        tpu.wait_indirect_dma semaphore(%arg19 : memref<!tpu.dma_semaphore, #tpu.memory_space<semaphore_mem>>) src(%arg9 : memref<100x64xf32, #tpu.memory_space<vmem>>) dst(%dma_wait3A_183 : memref<10240x64xf32, #tpu.memory_space<vmem_shared>>)
      } else {
      }
      %add3A_48 = arith.constant 0 : i32
      %add3A_49 = arith.addi %mul3A_45, %add3A_48 : i32
      %dma_start3A = arith.constant 0 : i32
      %dma_start3A_50 = tpu.memref_slice %arg7[%add3A_49, %dma_start3A] : memref<100x100xi32, #tpu.memory_space<vmem>> -> memref<1x100xi32, #tpu.memory_space<vmem>>
      %dma_start3A_51 = tpu.memref_squeeze %dma_start3A_50 : memref<1x100xi32, #tpu.memory_space<vmem>> -> memref<100xi32, #tpu.memory_space<vmem>>
      %dma_start3A_52 = arith.constant 0 : i32
      %dma_start3A_53 = arith.constant 0 : i32
      %dma_start3A_54 = tpu.memref_slice %arg2[%dma_start3A_52, %dma_start3A_53] : memref<10000x64xf32, #tpu.memory_space<hbm>> -> memref<10000x64xf32, #tpu.memory_space<hbm>>
      tpu.enqueue_indirect_dma source(%dma_start3A_54 : memref<10000x64xf32, #tpu.memory_space<hbm>>) target(%arg9 : memref<100x64xf32, #tpu.memory_space<vmem>>) offsets(%dma_start3A_51 : memref<100xi32, #tpu.memory_space<vmem>>) semaphore(%arg14 : memref<!tpu.dma_semaphore, #tpu.memory_space<semaphore_mem>>)
      %gt3A_55 = arith.constant 0 : i32
      %gt3A_56 = arith.cmpi sgt, %scan3A_43, %gt3A_55 : i32
      %convert_element_type3A_57 = arith.extui %gt3A_56 : i1 to i32
      %cond3A_58 = arith.constant 0 : i32
      %cond3A_59 = arith.cmpi ne, %convert_element_type3A_57, %cond3A_58 : i32
      scf.if %cond3A_59 {
        %dma_wait3A_177 = arith.constant 0 : i32
        %dma_wait3A_178 = arith.constant 0 : i32
        %dma_wait3A_179 = tpu.memref_slice %arg8[%dma_wait3A_177, %dma_wait3A_178] : memref<100x100xi32, #tpu.memory_space<vmem>> -> memref<1x100xi32, #tpu.memory_space<vmem>>
        %dma_wait3A_180 = tpu.memref_squeeze %dma_wait3A_179 : memref<1x100xi32, #tpu.memory_space<vmem>> -> memref<100xi32, #tpu.memory_space<vmem>>
        %dma_wait3A_181 = arith.constant 0 : i32
        %dma_wait3A_182 = arith.constant 0 : i32
        %dma_wait3A_183 = tpu.memref_slice %arg24[%dma_wait3A_181, %dma_wait3A_182] : memref<10240x64xf32, #tpu.memory_space<vmem_shared>> -> memref<10240x64xf32, #tpu.memory_space<vmem_shared>>
        tpu.wait_indirect_dma semaphore(%arg20 : memref<!tpu.dma_semaphore, #tpu.memory_space<semaphore_mem>>) src(%arg10 : memref<100x64xf32, #tpu.memory_space<vmem>>) dst(%dma_wait3A_183 : memref<10240x64xf32, #tpu.memory_space<vmem_shared>>)
      } else {
      }
      %add3A_60 = arith.constant 1 : i32
      %add3A_61 = arith.addi %mul3A_45, %add3A_60 : i32
      %dma_start3A_62 = arith.constant 0 : i32
      %dma_start3A_63 = tpu.memref_slice %arg7[%add3A_61, %dma_start3A_62] : memref<100x100xi32, #tpu.memory_space<vmem>> -> memref<1x100xi32, #tpu.memory_space<vmem>>
      %dma_start3A_64 = tpu.memref_squeeze %dma_start3A_63 : memref<1x100xi32, #tpu.memory_space<vmem>> -> memref<100xi32, #tpu.memory_space<vmem>>
      %dma_start3A_65 = arith.constant 0 : i32
      %dma_start3A_66 = arith.constant 0 : i32
      %dma_start3A_67 = tpu.memref_slice %arg2[%dma_start3A_65, %dma_start3A_66] : memref<10000x64xf32, #tpu.memory_space<hbm>> -> memref<10000x64xf32, #tpu.memory_space<hbm>>
      tpu.enqueue_indirect_dma source(%dma_start3A_67 : memref<10000x64xf32, #tpu.memory_space<hbm>>) target(%arg10 : memref<100x64xf32, #tpu.memory_space<vmem>>) offsets(%dma_start3A_64 : memref<100xi32, #tpu.memory_space<vmem>>) semaphore(%arg15 : memref<!tpu.dma_semaphore, #tpu.memory_space<semaphore_mem>>)
      %gt3A_68 = arith.constant 0 : i32
      %gt3A_69 = arith.cmpi sgt, %scan3A_43, %gt3A_68 : i32
      %convert_element_type3A_70 = arith.extui %gt3A_69 : i1 to i32
      %cond3A_71 = arith.constant 0 : i32
      %cond3A_72 = arith.cmpi ne, %convert_element_type3A_70, %cond3A_71 : i32
      scf.if %cond3A_72 {
        %dma_wait3A_177 = arith.constant 0 : i32
        %dma_wait3A_178 = arith.constant 0 : i32
        %dma_wait3A_179 = tpu.memref_slice %arg8[%dma_wait3A_177, %dma_wait3A_178] : memref<100x100xi32, #tpu.memory_space<vmem>> -> memref<1x100xi32, #tpu.memory_space<vmem>>
        %dma_wait3A_180 = tpu.memref_squeeze %dma_wait3A_179 : memref<1x100xi32, #tpu.memory_space<vmem>> -> memref<100xi32, #tpu.memory_space<vmem>>
        %dma_wait3A_181 = arith.constant 0 : i32
        %dma_wait3A_182 = arith.constant 0 : i32
        %dma_wait3A_183 = tpu.memref_slice %arg24[%dma_wait3A_181, %dma_wait3A_182] : memref<10240x64xf32, #tpu.memory_space<vmem_shared>> -> memref<10240x64xf32, #tpu.memory_space<vmem_shared>>
        tpu.wait_indirect_dma semaphore(%arg21 : memref<!tpu.dma_semaphore, #tpu.memory_space<semaphore_mem>>) src(%arg11 : memref<100x64xf32, #tpu.memory_space<vmem>>) dst(%dma_wait3A_183 : memref<10240x64xf32, #tpu.memory_space<vmem_shared>>)
      } else {
      }
      %add3A_73 = arith.constant 2 : i32
      %add3A_74 = arith.addi %mul3A_45, %add3A_73 : i32
      %dma_start3A_75 = arith.constant 0 : i32
      %dma_start3A_76 = tpu.memref_slice %arg7[%add3A_74, %dma_start3A_75] : memref<100x100xi32, #tpu.memory_space<vmem>> -> memref<1x100xi32, #tpu.memory_space<vmem>>
      %dma_start3A_77 = tpu.memref_squeeze %dma_start3A_76 : memref<1x100xi32, #tpu.memory_space<vmem>> -> memref<100xi32, #tpu.memory_space<vmem>>
      %dma_start3A_78 = arith.constant 0 : i32
      %dma_start3A_79 = arith.constant 0 : i32
      %dma_start3A_80 = tpu.memref_slice %arg2[%dma_start3A_78, %dma_start3A_79] : memref<10000x64xf32, #tpu.memory_space<hbm>> -> memref<10000x64xf32, #tpu.memory_space<hbm>>
      tpu.enqueue_indirect_dma source(%dma_start3A_80 : memref<10000x64xf32, #tpu.memory_space<hbm>>) target(%arg11 : memref<100x64xf32, #tpu.memory_space<vmem>>) offsets(%dma_start3A_77 : memref<100xi32, #tpu.memory_space<vmem>>) semaphore(%arg16 : memref<!tpu.dma_semaphore, #tpu.memory_space<semaphore_mem>>)
      %gt3A_81 = arith.constant 0 : i32
      %gt3A_82 = arith.cmpi sgt, %scan3A_43, %gt3A_81 : i32
      %convert_element_type3A_83 = arith.extui %gt3A_82 : i1 to i32
      %cond3A_84 = arith.constant 0 : i32
      %cond3A_85 = arith.cmpi ne, %convert_element_type3A_83, %cond3A_84 : i32
      scf.if %cond3A_85 {
        %dma_wait3A_177 = arith.constant 0 : i32
        %dma_wait3A_178 = arith.constant 0 : i32
        %dma_wait3A_179 = tpu.memref_slice %arg8[%dma_wait3A_177, %dma_wait3A_178] : memref<100x100xi32, #tpu.memory_space<vmem>> -> memref<1x100xi32, #tpu.memory_space<vmem>>
        %dma_wait3A_180 = tpu.memref_squeeze %dma_wait3A_179 : memref<1x100xi32, #tpu.memory_space<vmem>> -> memref<100xi32, #tpu.memory_space<vmem>>
        %dma_wait3A_181 = arith.constant 0 : i32
        %dma_wait3A_182 = arith.constant 0 : i32
        %dma_wait3A_183 = tpu.memref_slice %arg24[%dma_wait3A_181, %dma_wait3A_182] : memref<10240x64xf32, #tpu.memory_space<vmem_shared>> -> memref<10240x64xf32, #tpu.memory_space<vmem_shared>>
        tpu.wait_indirect_dma semaphore(%arg22 : memref<!tpu.dma_semaphore, #tpu.memory_space<semaphore_mem>>) src(%arg12 : memref<100x64xf32, #tpu.memory_space<vmem>>) dst(%dma_wait3A_183 : memref<10240x64xf32, #tpu.memory_space<vmem_shared>>)
      } else {
      }
      %add3A_86 = arith.constant 3 : i32
      %add3A_87 = arith.addi %mul3A_45, %add3A_86 : i32
      %dma_start3A_88 = arith.constant 0 : i32
      %dma_start3A_89 = tpu.memref_slice %arg7[%add3A_87, %dma_start3A_88] : memref<100x100xi32, #tpu.memory_space<vmem>> -> memref<1x100xi32, #tpu.memory_space<vmem>>
      %dma_start3A_90 = tpu.memref_squeeze %dma_start3A_89 : memref<1x100xi32, #tpu.memory_space<vmem>> -> memref<100xi32, #tpu.memory_space<vmem>>
      %dma_start3A_91 = arith.constant 0 : i32
      %dma_start3A_92 = arith.constant 0 : i32
      %dma_start3A_93 = tpu.memref_slice %arg2[%dma_start3A_91, %dma_start3A_92] : memref<10000x64xf32, #tpu.memory_space<hbm>> -> memref<10000x64xf32, #tpu.memory_space<hbm>>
      tpu.enqueue_indirect_dma source(%dma_start3A_93 : memref<10000x64xf32, #tpu.memory_space<hbm>>) target(%arg12 : memref<100x64xf32, #tpu.memory_space<vmem>>) offsets(%dma_start3A_90 : memref<100xi32, #tpu.memory_space<vmem>>) semaphore(%arg17 : memref<!tpu.dma_semaphore, #tpu.memory_space<semaphore_mem>>)
      %gt3A_94 = arith.constant 0 : i32
      %gt3A_95 = arith.cmpi sgt, %scan3A_43, %gt3A_94 : i32
      %convert_element_type3A_96 = arith.extui %gt3A_95 : i1 to i32
      %cond3A_97 = arith.constant 0 : i32
      %cond3A_98 = arith.cmpi ne, %convert_element_type3A_96, %cond3A_97 : i32
      scf.if %cond3A_98 {
        %dma_wait3A_177 = arith.constant 0 : i32
        %dma_wait3A_178 = arith.constant 0 : i32
        %dma_wait3A_179 = tpu.memref_slice %arg8[%dma_wait3A_177, %dma_wait3A_178] : memref<100x100xi32, #tpu.memory_space<vmem>> -> memref<1x100xi32, #tpu.memory_space<vmem>>
        %dma_wait3A_180 = tpu.memref_squeeze %dma_wait3A_179 : memref<1x100xi32, #tpu.memory_space<vmem>> -> memref<100xi32, #tpu.memory_space<vmem>>
        %dma_wait3A_181 = arith.constant 0 : i32
        %dma_wait3A_182 = arith.constant 0 : i32
        %dma_wait3A_183 = tpu.memref_slice %arg24[%dma_wait3A_181, %dma_wait3A_182] : memref<10240x64xf32, #tpu.memory_space<vmem_shared>> -> memref<10240x64xf32, #tpu.memory_space<vmem_shared>>
        tpu.wait_indirect_dma semaphore(%arg23 : memref<!tpu.dma_semaphore, #tpu.memory_space<semaphore_mem>>) src(%arg13 : memref<100x64xf32, #tpu.memory_space<vmem>>) dst(%dma_wait3A_183 : memref<10240x64xf32, #tpu.memory_space<vmem_shared>>)
      } else {
      }
      %add3A_99 = arith.constant 4 : i32
      %add3A_100 = arith.addi %mul3A_45, %add3A_99 : i32
      %dma_start3A_101 = arith.constant 0 : i32
      %dma_start3A_102 = tpu.memref_slice %arg7[%add3A_100, %dma_start3A_101] : memref<100x100xi32, #tpu.memory_space<vmem>> -> memref<1x100xi32, #tpu.memory_space<vmem>>
      %dma_start3A_103 = tpu.memref_squeeze %dma_start3A_102 : memref<1x100xi32, #tpu.memory_space<vmem>> -> memref<100xi32, #tpu.memory_space<vmem>>
      %dma_start3A_104 = arith.constant 0 : i32
      %dma_start3A_105 = arith.constant 0 : i32
      %dma_start3A_106 = tpu.memref_slice %arg2[%dma_start3A_104, %dma_start3A_105] : memref<10000x64xf32, #tpu.memory_space<hbm>> -> memref<10000x64xf32, #tpu.memory_space<hbm>>
      tpu.enqueue_indirect_dma source(%dma_start3A_106 : memref<10000x64xf32, #tpu.memory_space<hbm>>) target(%arg13 : memref<100x64xf32, #tpu.memory_space<vmem>>) offsets(%dma_start3A_103 : memref<100xi32, #tpu.memory_space<vmem>>) semaphore(%arg18 : memref<!tpu.dma_semaphore, #tpu.memory_space<semaphore_mem>>)
      %dma_wait3A_107 = arith.constant 0 : i32
      %dma_wait3A_108 = tpu.memref_slice %arg7[%add3A_49, %dma_wait3A_107] : memref<100x100xi32, #tpu.memory_space<vmem>> -> memref<1x100xi32, #tpu.memory_space<vmem>>
      %dma_wait3A_109 = tpu.memref_squeeze %dma_wait3A_108 : memref<1x100xi32, #tpu.memory_space<vmem>> -> memref<100xi32, #tpu.memory_space<vmem>>
      %dma_wait3A_110 = arith.constant 0 : i32
      %dma_wait3A_111 = arith.constant 0 : i32
      %dma_wait3A_112 = tpu.memref_slice %arg2[%dma_wait3A_110, %dma_wait3A_111] : memref<10000x64xf32, #tpu.memory_space<hbm>> -> memref<10000x64xf32, #tpu.memory_space<hbm>>
      tpu.wait_indirect_dma semaphore(%arg14 : memref<!tpu.dma_semaphore, #tpu.memory_space<semaphore_mem>>) src(%dma_wait3A_112 : memref<10000x64xf32, #tpu.memory_space<hbm>>) dst(%arg9 : memref<100x64xf32, #tpu.memory_space<vmem>>)
      %add3A_113 = arith.constant 0 : i32
      %add3A_114 = arith.addi %mul3A_45, %add3A_113 : i32
      %dma_start3A_115 = arith.constant 0 : i32
      %dma_start3A_116 = tpu.memref_slice %arg8[%add3A_114, %dma_start3A_115] : memref<100x100xi32, #tpu.memory_space<vmem>> -> memref<1x100xi32, #tpu.memory_space<vmem>>
      %dma_start3A_117 = tpu.memref_squeeze %dma_start3A_116 : memref<1x100xi32, #tpu.memory_space<vmem>> -> memref<100xi32, #tpu.memory_space<vmem>>
      %dma_start3A_118 = arith.constant 0 : i32
      %dma_start3A_119 = arith.constant 0 : i32
      %dma_start3A_120 = tpu.memref_slice %arg24[%dma_start3A_118, %dma_start3A_119] : memref<10240x64xf32, #tpu.memory_space<vmem_shared>> -> memref<10240x64xf32, #tpu.memory_space<vmem_shared>>
      tpu.enqueue_indirect_dma source(%arg9 : memref<100x64xf32, #tpu.memory_space<vmem>>) target(%dma_start3A_120 : memref<10240x64xf32, #tpu.memory_space<vmem_shared>>) offsets(%dma_start3A_117 : memref<100xi32, #tpu.memory_space<vmem>>) semaphore(%arg19 : memref<!tpu.dma_semaphore, #tpu.memory_space<semaphore_mem>>) {add = true}
      %dma_wait3A_121 = arith.constant 0 : i32
      %dma_wait3A_122 = tpu.memref_slice %arg7[%add3A_61, %dma_wait3A_121] : memref<100x100xi32, #tpu.memory_space<vmem>> -> memref<1x100xi32, #tpu.memory_space<vmem>>
      %dma_wait3A_123 = tpu.memref_squeeze %dma_wait3A_122 : memref<1x100xi32, #tpu.memory_space<vmem>> -> memref<100xi32, #tpu.memory_space<vmem>>
      %dma_wait3A_124 = arith.constant 0 : i32
      %dma_wait3A_125 = arith.constant 0 : i32
      %dma_wait3A_126 = tpu.memref_slice %arg2[%dma_wait3A_124, %dma_wait3A_125] : memref<10000x64xf32, #tpu.memory_space<hbm>> -> memref<10000x64xf32, #tpu.memory_space<hbm>>
      tpu.wait_indirect_dma semaphore(%arg15 : memref<!tpu.dma_semaphore, #tpu.memory_space<semaphore_mem>>) src(%dma_wait3A_126 : memref<10000x64xf32, #tpu.memory_space<hbm>>) dst(%arg10 : memref<100x64xf32, #tpu.memory_space<vmem>>)
      %add3A_127 = arith.constant 1 : i32
      %add3A_128 = arith.addi %mul3A_45, %add3A_127 : i32
      %dma_start3A_129 = arith.constant 0 : i32
      %dma_start3A_130 = tpu.memref_slice %arg8[%add3A_128, %dma_start3A_129] : memref<100x100xi32, #tpu.memory_space<vmem>> -> memref<1x100xi32, #tpu.memory_space<vmem>>
      %dma_start3A_131 = tpu.memref_squeeze %dma_start3A_130 : memref<1x100xi32, #tpu.memory_space<vmem>> -> memref<100xi32, #tpu.memory_space<vmem>>
      %dma_start3A_132 = arith.constant 0 : i32
      %dma_start3A_133 = arith.constant 0 : i32
      %dma_start3A_134 = tpu.memref_slice %arg24[%dma_start3A_132, %dma_start3A_133] : memref<10240x64xf32, #tpu.memory_space<vmem_shared>> -> memref<10240x64xf32, #tpu.memory_space<vmem_shared>>
      tpu.enqueue_indirect_dma source(%arg10 : memref<100x64xf32, #tpu.memory_space<vmem>>) target(%dma_start3A_134 : memref<10240x64xf32, #tpu.memory_space<vmem_shared>>) offsets(%dma_start3A_131 : memref<100xi32, #tpu.memory_space<vmem>>) semaphore(%arg20 : memref<!tpu.dma_semaphore, #tpu.memory_space<semaphore_mem>>) {add = true}
      %dma_wait3A_135 = arith.constant 0 : i32
      %dma_wait3A_136 = tpu.memref_slice %arg7[%add3A_74, %dma_wait3A_135] : memref<100x100xi32, #tpu.memory_space<vmem>> -> memref<1x100xi32, #tpu.memory_space<vmem>>
      %dma_wait3A_137 = tpu.memref_squeeze %dma_wait3A_136 : memref<1x100xi32, #tpu.memory_space<vmem>> -> memref<100xi32, #tpu.memory_space<vmem>>
      %dma_wait3A_138 = arith.constant 0 : i32
      %dma_wait3A_139 = arith.constant 0 : i32
      %dma_wait3A_140 = tpu.memref_slice %arg2[%dma_wait3A_138, %dma_wait3A_139] : memref<10000x64xf32, #tpu.memory_space<hbm>> -> memref<10000x64xf32, #tpu.memory_space<hbm>>
      tpu.wait_indirect_dma semaphore(%arg16 : memref<!tpu.dma_semaphore, #tpu.memory_space<semaphore_mem>>) src(%dma_wait3A_140 : memref<10000x64xf32, #tpu.memory_space<hbm>>) dst(%arg11 : memref<100x64xf32, #tpu.memory_space<vmem>>)
      %add3A_141 = arith.constant 2 : i32
      %add3A_142 = arith.addi %mul3A_45, %add3A_141 : i32
      %dma_start3A_143 = arith.constant 0 : i32
      %dma_start3A_144 = tpu.memref_slice %arg8[%add3A_142, %dma_start3A_143] : memref<100x100xi32, #tpu.memory_space<vmem>> -> memref<1x100xi32, #tpu.memory_space<vmem>>
      %dma_start3A_145 = tpu.memref_squeeze %dma_start3A_144 : memref<1x100xi32, #tpu.memory_space<vmem>> -> memref<100xi32, #tpu.memory_space<vmem>>
      %dma_start3A_146 = arith.constant 0 : i32
      %dma_start3A_147 = arith.constant 0 : i32
      %dma_start3A_148 = tpu.memref_slice %arg24[%dma_start3A_146, %dma_start3A_147] : memref<10240x64xf32, #tpu.memory_space<vmem_shared>> -> memref<10240x64xf32, #tpu.memory_space<vmem_shared>>
      tpu.enqueue_indirect_dma source(%arg11 : memref<100x64xf32, #tpu.memory_space<vmem>>) target(%dma_start3A_148 : memref<10240x64xf32, #tpu.memory_space<vmem_shared>>) offsets(%dma_start3A_145 : memref<100xi32, #tpu.memory_space<vmem>>) semaphore(%arg21 : memref<!tpu.dma_semaphore, #tpu.memory_space<semaphore_mem>>) {add = true}
      %dma_wait3A_149 = arith.constant 0 : i32
      %dma_wait3A_150 = tpu.memref_slice %arg7[%add3A_87, %dma_wait3A_149] : memref<100x100xi32, #tpu.memory_space<vmem>> -> memref<1x100xi32, #tpu.memory_space<vmem>>
      %dma_wait3A_151 = tpu.memref_squeeze %dma_wait3A_150 : memref<1x100xi32, #tpu.memory_space<vmem>> -> memref<100xi32, #tpu.memory_space<vmem>>
      %dma_wait3A_152 = arith.constant 0 : i32
      %dma_wait3A_153 = arith.constant 0 : i32
      %dma_wait3A_154 = tpu.memref_slice %arg2[%dma_wait3A_152, %dma_wait3A_153] : memref<10000x64xf32, #tpu.memory_space<hbm>> -> memref<10000x64xf32, #tpu.memory_space<hbm>>
      tpu.wait_indirect_dma semaphore(%arg17 : memref<!tpu.dma_semaphore, #tpu.memory_space<semaphore_mem>>) src(%dma_wait3A_154 : memref<10000x64xf32, #tpu.memory_space<hbm>>) dst(%arg12 : memref<100x64xf32, #tpu.memory_space<vmem>>)
      %add3A_155 = arith.constant 3 : i32
      %add3A_156 = arith.addi %mul3A_45, %add3A_155 : i32
      %dma_start3A_157 = arith.constant 0 : i32
      %dma_start3A_158 = tpu.memref_slice %arg8[%add3A_156, %dma_start3A_157] : memref<100x100xi32, #tpu.memory_space<vmem>> -> memref<1x100xi32, #tpu.memory_space<vmem>>
      %dma_start3A_159 = tpu.memref_squeeze %dma_start3A_158 : memref<1x100xi32, #tpu.memory_space<vmem>> -> memref<100xi32, #tpu.memory_space<vmem>>
      %dma_start3A_160 = arith.constant 0 : i32
      %dma_start3A_161 = arith.constant 0 : i32
      %dma_start3A_162 = tpu.memref_slice %arg24[%dma_start3A_160, %dma_start3A_161] : memref<10240x64xf32, #tpu.memory_space<vmem_shared>> -> memref<10240x64xf32, #tpu.memory_space<vmem_shared>>
      tpu.enqueue_indirect_dma source(%arg12 : memref<100x64xf32, #tpu.memory_space<vmem>>) target(%dma_start3A_162 : memref<10240x64xf32, #tpu.memory_space<vmem_shared>>) offsets(%dma_start3A_159 : memref<100xi32, #tpu.memory_space<vmem>>) semaphore(%arg22 : memref<!tpu.dma_semaphore, #tpu.memory_space<semaphore_mem>>) {add = true}
      %dma_wait3A_163 = arith.constant 0 : i32
      %dma_wait3A_164 = tpu.memref_slice %arg7[%add3A_100, %dma_wait3A_163] : memref<100x100xi32, #tpu.memory_space<vmem>> -> memref<1x100xi32, #tpu.memory_space<vmem>>
      %dma_wait3A_165 = tpu.memref_squeeze %dma_wait3A_164 : memref<1x100xi32, #tpu.memory_space<vmem>> -> memref<100xi32, #tpu.memory_space<vmem>>
      %dma_wait3A_166 = arith.constant 0 : i32
      %dma_wait3A_167 = arith.constant 0 : i32
      %dma_wait3A_168 = tpu.memref_slice %arg2[%dma_wait3A_166, %dma_wait3A_167] : memref<10000x64xf32, #tpu.memory_space<hbm>> -> memref<10000x64xf32, #tpu.memory_space<hbm>>
      tpu.wait_indirect_dma semaphore(%arg18 : memref<!tpu.dma_semaphore, #tpu.memory_space<semaphore_mem>>) src(%dma_wait3A_168 : memref<10000x64xf32, #tpu.memory_space<hbm>>) dst(%arg13 : memref<100x64xf32, #tpu.memory_space<vmem>>)
      %add3A_169 = arith.constant 4 : i32
      %add3A_170 = arith.addi %mul3A_45, %add3A_169 : i32
      %dma_start3A_171 = arith.constant 0 : i32
      %dma_start3A_172 = tpu.memref_slice %arg8[%add3A_170, %dma_start3A_171] : memref<100x100xi32, #tpu.memory_space<vmem>> -> memref<1x100xi32, #tpu.memory_space<vmem>>
      %dma_start3A_173 = tpu.memref_squeeze %dma_start3A_172 : memref<1x100xi32, #tpu.memory_space<vmem>> -> memref<100xi32, #tpu.memory_space<vmem>>
      %dma_start3A_174 = arith.constant 0 : i32
      %dma_start3A_175 = arith.constant 0 : i32
      %dma_start3A_176 = tpu.memref_slice %arg24[%dma_start3A_174, %dma_start3A_175] : memref<10240x64xf32, #tpu.memory_space<vmem_shared>> -> memref<10240x64xf32, #tpu.memory_space<vmem_shared>>
      tpu.enqueue_indirect_dma source(%arg13 : memref<100x64xf32, #tpu.memory_space<vmem>>) target(%dma_start3A_176 : memref<10240x64xf32, #tpu.memory_space<vmem_shared>>) offsets(%dma_start3A_173 : memref<100xi32, #tpu.memory_space<vmem>>) semaphore(%arg23 : memref<!tpu.dma_semaphore, #tpu.memory_space<semaphore_mem>>) {add = true}
    }
    %scan3A_7 = arith.constant 20 : i32
    %dma_wait3A = arith.constant 0 : i32
    %dma_wait3A_8 = arith.constant 0 : i32
    %dma_wait3A_9 = tpu.memref_slice %arg8[%dma_wait3A, %dma_wait3A_8] : memref<100x100xi32, #tpu.memory_space<vmem>> -> memref<1x100xi32, #tpu.memory_space<vmem>>
    %dma_wait3A_10 = tpu.memref_squeeze %dma_wait3A_9 : memref<1x100xi32, #tpu.memory_space<vmem>> -> memref<100xi32, #tpu.memory_space<vmem>>
    %dma_wait3A_11 = arith.constant 0 : i32
    %dma_wait3A_12 = arith.constant 0 : i32
    %dma_wait3A_13 = tpu.memref_slice %arg24[%dma_wait3A_11, %dma_wait3A_12] : memref<10240x64xf32, #tpu.memory_space<vmem_shared>> -> memref<10240x64xf32, #tpu.memory_space<vmem_shared>>
    tpu.wait_indirect_dma semaphore(%arg19 : memref<!tpu.dma_semaphore, #tpu.memory_space<semaphore_mem>>) src(%arg9 : memref<100x64xf32, #tpu.memory_space<vmem>>) dst(%dma_wait3A_13 : memref<10240x64xf32, #tpu.memory_space<vmem_shared>>)
    %dma_wait3A_14 = arith.constant 0 : i32
    %dma_wait3A_15 = arith.constant 0 : i32
    %dma_wait3A_16 = tpu.memref_slice %arg8[%dma_wait3A_14, %dma_wait3A_15] : memref<100x100xi32, #tpu.memory_space<vmem>> -> memref<1x100xi32, #tpu.memory_space<vmem>>
    %dma_wait3A_17 = tpu.memref_squeeze %dma_wait3A_16 : memref<1x100xi32, #tpu.memory_space<vmem>> -> memref<100xi32, #tpu.memory_space<vmem>>
    %dma_wait3A_18 = arith.constant 0 : i32
    %dma_wait3A_19 = arith.constant 0 : i32
    %dma_wait3A_20 = tpu.memref_slice %arg24[%dma_wait3A_18, %dma_wait3A_19] : memref<10240x64xf32, #tpu.memory_space<vmem_shared>> -> memref<10240x64xf32, #tpu.memory_space<vmem_shared>>
    tpu.wait_indirect_dma semaphore(%arg20 : memref<!tpu.dma_semaphore, #tpu.memory_space<semaphore_mem>>) src(%arg10 : memref<100x64xf32, #tpu.memory_space<vmem>>) dst(%dma_wait3A_20 : memref<10240x64xf32, #tpu.memory_space<vmem_shared>>)
    %dma_wait3A_21 = arith.constant 0 : i32
    %dma_wait3A_22 = arith.constant 0 : i32
    %dma_wait3A_23 = tpu.memref_slice %arg8[%dma_wait3A_21, %dma_wait3A_22] : memref<100x100xi32, #tpu.memory_space<vmem>> -> memref<1x100xi32, #tpu.memory_space<vmem>>
    %dma_wait3A_24 = tpu.memref_squeeze %dma_wait3A_23 : memref<1x100xi32, #tpu.memory_space<vmem>> -> memref<100xi32, #tpu.memory_space<vmem>>
    %dma_wait3A_25 = arith.constant 0 : i32
    %dma_wait3A_26 = arith.constant 0 : i32
    %dma_wait3A_27 = tpu.memref_slice %arg24[%dma_wait3A_25, %dma_wait3A_26] : memref<10240x64xf32, #tpu.memory_space<vmem_shared>> -> memref<10240x64xf32, #tpu.memory_space<vmem_shared>>
    tpu.wait_indirect_dma semaphore(%arg21 : memref<!tpu.dma_semaphore, #tpu.memory_space<semaphore_mem>>) src(%arg11 : memref<100x64xf32, #tpu.memory_space<vmem>>) dst(%dma_wait3A_27 : memref<10240x64xf32, #tpu.memory_space<vmem_shared>>)
    %dma_wait3A_28 = arith.constant 0 : i32
    %dma_wait3A_29 = arith.constant 0 : i32
    %dma_wait3A_30 = tpu.memref_slice %arg8[%dma_wait3A_28, %dma_wait3A_29] : memref<100x100xi32, #tpu.memory_space<vmem>> -> memref<1x100xi32, #tpu.memory_space<vmem>>
    %dma_wait3A_31 = tpu.memref_squeeze %dma_wait3A_30 : memref<1x100xi32, #tpu.memory_space<vmem>> -> memref<100xi32, #tpu.memory_space<vmem>>
    %dma_wait3A_32 = arith.constant 0 : i32
    %dma_wait3A_33 = arith.constant 0 : i32
    %dma_wait3A_34 = tpu.memref_slice %arg24[%dma_wait3A_32, %dma_wait3A_33] : memref<10240x64xf32, #tpu.memory_space<vmem_shared>> -> memref<10240x64xf32, #tpu.memory_space<vmem_shared>>
    tpu.wait_indirect_dma semaphore(%arg22 : memref<!tpu.dma_semaphore, #tpu.memory_space<semaphore_mem>>) src(%arg12 : memref<100x64xf32, #tpu.memory_space<vmem>>) dst(%dma_wait3A_34 : memref<10240x64xf32, #tpu.memory_space<vmem_shared>>)
    %dma_wait3A_35 = arith.constant 0 : i32
    %dma_wait3A_36 = arith.constant 0 : i32
    %dma_wait3A_37 = tpu.memref_slice %arg8[%dma_wait3A_35, %dma_wait3A_36] : memref<100x100xi32, #tpu.memory_space<vmem>> -> memref<1x100xi32, #tpu.memory_space<vmem>>
    %dma_wait3A_38 = tpu.memref_squeeze %dma_wait3A_37 : memref<1x100xi32, #tpu.memory_space<vmem>> -> memref<100xi32, #tpu.memory_space<vmem>>
    %dma_wait3A_39 = arith.constant 0 : i32
    %dma_wait3A_40 = arith.constant 0 : i32
    %dma_wait3A_41 = tpu.memref_slice %arg24[%dma_wait3A_39, %dma_wait3A_40] : memref<10240x64xf32, #tpu.memory_space<vmem_shared>> -> memref<10240x64xf32, #tpu.memory_space<vmem_shared>>
    tpu.wait_indirect_dma semaphore(%arg23 : memref<!tpu.dma_semaphore, #tpu.memory_space<semaphore_mem>>) src(%arg13 : memref<100x64xf32, #tpu.memory_space<vmem>>) dst(%dma_wait3A_41 : memref<10240x64xf32, #tpu.memory_space<vmem_shared>>)
    %barrier3A_42 = arith.constant 0 : index
    tpu.barrier barrier_id(%barrier3A_42)
    "tpu.region"() ({
      %run_scoped3A = tpu.sem_alloc : memref<!tpu.dma_semaphore, #tpu.memory_space<semaphore_mem>>
      %dma_start3A = arith.constant 0 : i32
      %dma_start3A_43 = tpu.memref_slice %arg6[%arg0, %mul3A_2, %dma_start3A] : memref<2x10240x64xf32, #tpu.memory_space<hbm>> -> memref<1x640x64xf32, #tpu.memory_space<hbm>>
      %dma_start3A_44 = tpu.memref_squeeze %dma_start3A_43 : memref<1x640x64xf32, #tpu.memory_space<hbm>> -> memref<640x64xf32, #tpu.memory_space<hbm>>
      %dma_start3A_45 = arith.constant 0 : i32
      %dma_start3A_46 = tpu.memref_slice %arg24[%mul3A_2, %dma_start3A_45] : memref<10240x64xf32, #tpu.memory_space<vmem_shared>> -> memref<640x64xf32, #tpu.memory_space<vmem_shared>>
      tpu.enqueue_dma source(%dma_start3A_46 : memref<640x64xf32, #tpu.memory_space<vmem_shared>>) target(%dma_start3A_44 : memref<640x64xf32, #tpu.memory_space<hbm>>) target_semaphore(%run_scoped3A : memref<!tpu.dma_semaphore, #tpu.memory_space<semaphore_mem>>)
      %dma_wait3A_47 = arith.constant 0 : i32
      %dma_wait3A_48 = tpu.memref_slice %arg6[%arg0, %mul3A_2, %dma_wait3A_47] : memref<2x10240x64xf32, #tpu.memory_space<hbm>> -> memref<1x640x64xf32, #tpu.memory_space<hbm>>
      %dma_wait3A_49 = tpu.memref_squeeze %dma_wait3A_48 : memref<1x640x64xf32, #tpu.memory_space<hbm>> -> memref<640x64xf32, #tpu.memory_space<hbm>>
      %dma_wait3A_50 = arith.constant 0 : i32
      %dma_wait3A_51 = tpu.memref_slice %arg24[%mul3A_2, %dma_wait3A_50] : memref<10240x64xf32, #tpu.memory_space<vmem_shared>> -> memref<640x64xf32, #tpu.memory_space<vmem_shared>>
      tpu.wait_dma2 semaphore(%run_scoped3A : memref<!tpu.dma_semaphore, #tpu.memory_space<semaphore_mem>>) src(%dma_wait3A_51 : memref<640x64xf32, #tpu.memory_space<vmem_shared>>) dst(%dma_wait3A_49 : memref<640x64xf32, #tpu.memory_space<hbm>>)
      tpu.yield
    }) : () -> ()
    return
  }
}

#map = affine_map<(d0, d1) -> (0, 0)>
#map1 = affine_map<(d0, d1) -> (0, 0, 0)>
module attributes {stable_mosaic.version = 14 : i64} {
  func.func @body(%arg0: i32, %arg1: i32, %arg2: memref<10000x64xf32, #tpu.memory_space<hbm>>, %arg3: memref<32x100x100xi32, #tpu.memory_space<hbm>>, %arg4: memref<32x100x100xi32, #tpu.memory_space<hbm>>, %arg5: memref<640x64xf32, #tpu.memory_space<hbm>>, %arg6: memref<2x10240x64xf32, #tpu.memory_space<hbm>>, %arg7: memref<100x100xi32, #tpu.memory_space<vmem>>, %arg8: memref<100x100xi32, #tpu.memory_space<vmem>>, %arg9: memref<100x64xf32, #tpu.memory_space<vmem>>, %arg10: memref<100x64xf32, #tpu.memory_space<vmem>>, %arg11: memref<100x64xf32, #tpu.memory_space<vmem>>, %arg12: memref<100x64xf32, #tpu.memory_space<vmem>>, %arg13: memref<100x64xf32, #tpu.memory_space<vmem>>, %arg14: memref<!tpu.dma_semaphore, #tpu.memory_space<semaphore_mem>>, %arg15: memref<!tpu.dma_semaphore, #tpu.memory_space<semaphore_mem>>, %arg16: memref<!tpu.dma_semaphore, #tpu.memory_space<semaphore_mem>>, %arg17: memref<!tpu.dma_semaphore, #tpu.memory_space<semaphore_mem>>, %arg18: memref<!tpu.dma_semaphore, #tpu.memory_space<semaphore_mem>>, %arg19: memref<!tpu.dma_semaphore, #tpu.memory_space<semaphore_mem>>, %arg20: memref<!tpu.dma_semaphore, #tpu.memory_space<semaphore_mem>>, %arg21: memref<!tpu.dma_semaphore, #tpu.memory_space<semaphore_mem>>, %arg22: memref<!tpu.dma_semaphore, #tpu.memory_space<semaphore_mem>>, %arg23: memref<!tpu.dma_semaphore, #tpu.memory_space<semaphore_mem>>, %arg24: memref<10240x64xf32, #tpu.memory_space<vmem_shared>>) attributes {dimension_semantics = [#tpu.dimension_semantics<core_parallel>, #tpu.dimension_semantics<subcore_parallel>], iteration_bounds = array<i64: 2, 16>, scalar_prefetch = 0 : i64, scratch_operands = 18 : i64, tpu.core_type = #tpu.core_type<sc_vector_subcore>, window_params = [{transform_indices = #map}, {transform_indices = #map1}, {transform_indices = #map1}, {transform_indices = #map}, {transform_indices = #map1}]} {
    %mul3A = arith.constant 16 : i32
    %mul3A_0 = arith.muli %arg0, %mul3A : i32
    %add3A = arith.addi %mul3A_0, %arg1 : i32
    %mul3A_1 = arith.constant 640 : i32
    %mul3A_2 = arith.muli %arg1, %mul3A_1 : i32
    "tpu.region"() ({
      %run_scoped3A = tpu.sem_alloc : memref<!tpu.dma_semaphore, #tpu.memory_space<semaphore_mem>>
      %dma_start3A = arith.constant 0 : i32
      %dma_start3A_43 = arith.constant 0 : i32
      %dma_start3A_44 = tpu.memref_slice %arg3[%add3A, %dma_start3A, %dma_start3A_43] : memref<32x100x100xi32, #tpu.memory_space<hbm>> -> memref<1x100x100xi32, #tpu.memory_space<hbm>>
      %dma_start3A_45 = tpu.memref_squeeze %dma_start3A_44 : memref<1x100x100xi32, #tpu.memory_space<hbm>> -> memref<100x100xi32, #tpu.memory_space<hbm>>
      %dma_start3A_46 = arith.constant 0 : i32
      %dma_start3A_47 = arith.constant 0 : i32
      %dma_start3A_48 = tpu.memref_slice %arg3[%add3A, %dma_start3A_46, %dma_start3A_47] : memref<32x100x100xi32, #tpu.memory_space<hbm>> -> memref<1x100x100xi32, #tpu.memory_space<hbm>>
      %dma_start3A_49 = tpu.memref_squeeze %dma_start3A_48 : memref<1x100x100xi32, #tpu.memory_space<hbm>> -> memref<100x100xi32, #tpu.memory_space<hbm>>
      tpu.enqueue_dma source(%dma_start3A_49 : memref<100x100xi32, #tpu.memory_space<hbm>>) target(%arg7 : memref<100x100xi32, #tpu.memory_space<vmem>>) target_semaphore(%run_scoped3A : memref<!tpu.dma_semaphore, #tpu.memory_space<semaphore_mem>>)
      %dma_wait3A_50 = arith.constant 0 : i32
      %dma_wait3A_51 = arith.constant 0 : i32
      %dma_wait3A_52 = tpu.memref_slice %arg3[%add3A, %dma_wait3A_50, %dma_wait3A_51] : memref<32x100x100xi32, #tpu.memory_space<hbm>> -> memref<1x100x100xi32, #tpu.memory_space<hbm>>
      %dma_wait3A_53 = tpu.memref_squeeze %dma_wait3A_52 : memref<1x100x100xi32, #tpu.memory_space<hbm>> -> memref<100x100xi32, #tpu.memory_space<hbm>>
      %dma_wait3A_54 = arith.constant 0 : i32
      %dma_wait3A_55 = arith.constant 0 : i32
      %dma_wait3A_56 = tpu.memref_slice %arg3[%add3A, %dma_wait3A_54, %dma_wait3A_55] : memref<32x100x100xi32, #tpu.memory_space<hbm>> -> memref<1x100x100xi32, #tpu.memory_space<hbm>>
      %dma_wait3A_57 = tpu.memref_squeeze %dma_wait3A_56 : memref<1x100x100xi32, #tpu.memory_space<hbm>> -> memref<100x100xi32, #tpu.memory_space<hbm>>
      tpu.wait_dma2 semaphore(%run_scoped3A : memref<!tpu.dma_semaphore, #tpu.memory_space<semaphore_mem>>) src(%dma_wait3A_57 : memref<100x100xi32, #tpu.memory_space<hbm>>) dst(%arg7 : memref<100x100xi32, #tpu.memory_space<vmem>>)
      tpu.yield
    }) : () -> ()
    "tpu.region"() ({
      %run_scoped3A = tpu.sem_alloc : memref<!tpu.dma_semaphore, #tpu.memory_space<semaphore_mem>>
      %dma_start3A = arith.constant 0 : i32
      %dma_start3A_43 = arith.constant 0 : i32
      %dma_start3A_44 = tpu.memref_slice %arg4[%add3A, %dma_start3A, %dma_start3A_43] : memref<32x100x100xi32, #tpu.memory_space<hbm>> -> memref<1x100x100xi32, #tpu.memory_space<hbm>>
      %dma_start3A_45 = tpu.memref_squeeze %dma_start3A_44 : memref<1x100x100xi32, #tpu.memory_space<hbm>> -> memref<100x100xi32, #tpu.memory_space<hbm>>
      %dma_start3A_46 = arith.constant 0 : i32
      %dma_start3A_47 = arith.constant 0 : i32
      %dma_start3A_48 = tpu.memref_slice %arg4[%add3A, %dma_start3A_46, %dma_start3A_47] : memref<32x100x100xi32, #tpu.memory_space<hbm>> -> memref<1x100x100xi32, #tpu.memory_space<hbm>>
      %dma_start3A_49 = tpu.memref_squeeze %dma_start3A_48 : memref<1x100x100xi32, #tpu.memory_space<hbm>> -> memref<100x100xi32, #tpu.memory_space<hbm>>
      tpu.enqueue_dma source(%dma_start3A_49 : memref<100x100xi32, #tpu.memory_space<hbm>>) target(%arg8 : memref<100x100xi32, #tpu.memory_space<vmem>>) target_semaphore(%run_scoped3A : memref<!tpu.dma_semaphore, #tpu.memory_space<semaphore_mem>>)
      %dma_wait3A_50 = arith.constant 0 : i32
      %dma_wait3A_51 = arith.constant 0 : i32
      %dma_wait3A_52 = tpu.memref_slice %arg4[%add3A, %dma_wait3A_50, %dma_wait3A_51] : memref<32x100x100xi32, #tpu.memory_space<hbm>> -> memref<1x100x100xi32, #tpu.memory_space<hbm>>
      %dma_wait3A_53 = tpu.memref_squeeze %dma_wait3A_52 : memref<1x100x100xi32, #tpu.memory_space<hbm>> -> memref<100x100xi32, #tpu.memory_space<hbm>>
      %dma_wait3A_54 = arith.constant 0 : i32
      %dma_wait3A_55 = arith.constant 0 : i32
      %dma_wait3A_56 = tpu.memref_slice %arg4[%add3A, %dma_wait3A_54, %dma_wait3A_55] : memref<32x100x100xi32, #tpu.memory_space<hbm>> -> memref<1x100x100xi32, #tpu.memory_space<hbm>>
      %dma_wait3A_57 = tpu.memref_squeeze %dma_wait3A_56 : memref<1x100x100xi32, #tpu.memory_space<hbm>> -> memref<100x100xi32, #tpu.memory_space<hbm>>
      tpu.wait_dma2 semaphore(%run_scoped3A : memref<!tpu.dma_semaphore, #tpu.memory_space<semaphore_mem>>) src(%dma_wait3A_57 : memref<100x100xi32, #tpu.memory_space<hbm>>) dst(%arg8 : memref<100x100xi32, #tpu.memory_space<vmem>>)
      tpu.yield
    }) : () -> ()
    "tpu.region"() ({
      %run_scoped3A = tpu.sem_alloc : memref<!tpu.dma_semaphore, #tpu.memory_space<semaphore_mem>>
      %dma_start3A = arith.constant 0 : i32
      %dma_start3A_43 = tpu.memref_slice %arg24[%mul3A_2, %dma_start3A] : memref<10240x64xf32, #tpu.memory_space<vmem_shared>> -> memref<640x64xf32, #tpu.memory_space<vmem_shared>>
      tpu.enqueue_dma source(%arg5 : memref<640x64xf32, #tpu.memory_space<hbm>>) target(%dma_start3A_43 : memref<640x64xf32, #tpu.memory_space<vmem_shared>>) target_semaphore(%run_scoped3A : memref<!tpu.dma_semaphore, #tpu.memory_space<semaphore_mem>>)
      %dma_wait3A_44 = arith.constant 0 : i32
      %dma_wait3A_45 = tpu.memref_slice %arg24[%mul3A_2, %dma_wait3A_44] : memref<10240x64xf32, #tpu.memory_space<vmem_shared>> -> memref<640x64xf32, #tpu.memory_space<vmem_shared>>
      tpu.wait_dma2 semaphore(%run_scoped3A : memref<!tpu.dma_semaphore, #tpu.memory_space<semaphore_mem>>) src(%arg5 : memref<640x64xf32, #tpu.memory_space<hbm>>) dst(%dma_wait3A_45 : memref<640x64xf32, #tpu.memory_space<vmem_shared>>)
      tpu.yield
    }) : () -> ()
    %barrier3A = arith.constant 0 : index
    tpu.barrier barrier_id(%barrier3A)
    %scan3A = arith.constant 0 : i32
    %scan3A_3 = arith.constant 0 : i32
    %scan3A_4 = arith.constant 20 : i32
    %scan3A_5 = arith.addi %scan3A_3, %scan3A_4 : i32
    %scan3A_6 = arith.constant 1 : i32
    scf.for %scan3A_43 = %scan3A_3 to %scan3A_5 step %scan3A_6  : i32 {
      %mul3A_44 = arith.constant 5 : i32
      %mul3A_45 = arith.muli %scan3A_43, %mul3A_44 : i32
      %gt3A = arith.constant 0 : i32
      %gt3A_46 = arith.cmpi sgt, %scan3A_43, %gt3A : i32
      %convert_element_type3A = arith.extui %gt3A_46 : i1 to i32
      %cond3A = arith.constant 0 : i32
      %cond3A_47 = arith.cmpi ne, %convert_element_type3A, %cond3A : i32
      scf.if %cond3A_47 {
        %dma_wait3A_177 = arith.constant 0 : i32
        %dma_wait3A_178 = arith.constant 0 : i32
        %dma_wait3A_179 = tpu.memref_slice %arg8[%dma_wait3A_177, %dma_wait3A_178] : memref<100x100xi32, #tpu.memory_space<vmem>> -> memref<1x100xi32, #tpu.memory_space<vmem>>
        %dma_wait3A_180 = tpu.memref_squeeze %dma_wait3A_179 : memref<1x100xi32, #tpu.memory_space<vmem>> -> memref<100xi32, #tpu.memory_space<vmem>>
        %dma_wait3A_181 = arith.constant 0 : i32
        %dma_wait3A_182 = arith.constant 0 : i32
        %dma_wait3A_183 = tpu.memref_slice %arg24[%dma_wait3A_181, %dma_wait3A_182] : memref<10240x64xf32, #tpu.memory_space<vmem_shared>> -> memref<10240x64xf32, #tpu.memory_space<vmem_shared>>
        tpu.wait_indirect_dma semaphore(%arg19 : memref<!tpu.dma_semaphore, #tpu.memory_space<semaphore_mem>>) src(%arg9 : memref<100x64xf32, #tpu.memory_space<vmem>>) dst(%dma_wait3A_183 : memref<10240x64xf32, #tpu.memory_space<vmem_shared>>)
      } else {
      }
      %add3A_48 = arith.constant 0 : i32
      %add3A_49 = arith.addi %mul3A_45, %add3A_48 : i32
      %dma_start3A = arith.constant 0 : i32
      %dma_start3A_50 = tpu.memref_slice %arg7[%add3A_49, %dma_start3A] : memref<100x100xi32, #tpu.memory_space<vmem>> -> memref<1x100xi32, #tpu.memory_space<vmem>>
      %dma_start3A_51 = tpu.memref_squeeze %dma_start3A_50 : memref<1x100xi32, #tpu.memory_space<vmem>> -> memref<100xi32, #tpu.memory_space<vmem>>
      %dma_start3A_52 = arith.constant 0 : i32
      %dma_start3A_53 = arith.constant 0 : i32
      %dma_start3A_54 = tpu.memref_slice %arg2[%dma_start3A_52, %dma_start3A_53] : memref<10000x64xf32, #tpu.memory_space<hbm>> -> memref<10000x64xf32, #tpu.memory_space<hbm>>
      tpu.enqueue_indirect_dma source(%dma_start3A_54 : memref<10000x64xf32, #tpu.memory_space<hbm>>) target(%arg9 : memref<100x64xf32, #tpu.memory_space<vmem>>) offsets(%dma_start3A_51 : memref<100xi32, #tpu.memory_space<vmem>>) semaphore(%arg14 : memref<!tpu.dma_semaphore, #tpu.memory_space<semaphore_mem>>)
      %gt3A_55 = arith.constant 0 : i32
      %gt3A_56 = arith.cmpi sgt, %scan3A_43, %gt3A_55 : i32
      %convert_element_type3A_57 = arith.extui %gt3A_56 : i1 to i32
      %cond3A_58 = arith.constant 0 : i32
      %cond3A_59 = arith.cmpi ne, %convert_element_type3A_57, %cond3A_58 : i32
      scf.if %cond3A_59 {
        %dma_wait3A_177 = arith.constant 0 : i32
        %dma_wait3A_178 = arith.constant 0 : i32
        %dma_wait3A_179 = tpu.memref_slice %arg8[%dma_wait3A_177, %dma_wait3A_178] : memref<100x100xi32, #tpu.memory_space<vmem>> -> memref<1x100xi32, #tpu.memory_space<vmem>>
        %dma_wait3A_180 = tpu.memref_squeeze %dma_wait3A_179 : memref<1x100xi32, #tpu.memory_space<vmem>> -> memref<100xi32, #tpu.memory_space<vmem>>
        %dma_wait3A_181 = arith.constant 0 : i32
        %dma_wait3A_182 = arith.constant 0 : i32
        %dma_wait3A_183 = tpu.memref_slice %arg24[%dma_wait3A_181, %dma_wait3A_182] : memref<10240x64xf32, #tpu.memory_space<vmem_shared>> -> memref<10240x64xf32, #tpu.memory_space<vmem_shared>>
        tpu.wait_indirect_dma semaphore(%arg20 : memref<!tpu.dma_semaphore, #tpu.memory_space<semaphore_mem>>) src(%arg10 : memref<100x64xf32, #tpu.memory_space<vmem>>) dst(%dma_wait3A_183 : memref<10240x64xf32, #tpu.memory_space<vmem_shared>>)
      } else {
      }
      %add3A_60 = arith.constant 1 : i32
      %add3A_61 = arith.addi %mul3A_45, %add3A_60 : i32
      %dma_start3A_62 = arith.constant 0 : i32
      %dma_start3A_63 = tpu.memref_slice %arg7[%add3A_61, %dma_start3A_62] : memref<100x100xi32, #tpu.memory_space<vmem>> -> memref<1x100xi32, #tpu.memory_space<vmem>>
      %dma_start3A_64 = tpu.memref_squeeze %dma_start3A_63 : memref<1x100xi32, #tpu.memory_space<vmem>> -> memref<100xi32, #tpu.memory_space<vmem>>
      %dma_start3A_65 = arith.constant 0 : i32
      %dma_start3A_66 = arith.constant 0 : i32
      %dma_start3A_67 = tpu.memref_slice %arg2[%dma_start3A_65, %dma_start3A_66] : memref<10000x64xf32, #tpu.memory_space<hbm>> -> memref<10000x64xf32, #tpu.memory_space<hbm>>
      tpu.enqueue_indirect_dma source(%dma_start3A_67 : memref<10000x64xf32, #tpu.memory_space<hbm>>) target(%arg10 : memref<100x64xf32, #tpu.memory_space<vmem>>) offsets(%dma_start3A_64 : memref<100xi32, #tpu.memory_space<vmem>>) semaphore(%arg15 : memref<!tpu.dma_semaphore, #tpu.memory_space<semaphore_mem>>)
      %gt3A_68 = arith.constant 0 : i32
      %gt3A_69 = arith.cmpi sgt, %scan3A_43, %gt3A_68 : i32
      %convert_element_type3A_70 = arith.extui %gt3A_69 : i1 to i32
      %cond3A_71 = arith.constant 0 : i32
      %cond3A_72 = arith.cmpi ne, %convert_element_type3A_70, %cond3A_71 : i32
      scf.if %cond3A_72 {
        %dma_wait3A_177 = arith.constant 0 : i32
        %dma_wait3A_178 = arith.constant 0 : i32
        %dma_wait3A_179 = tpu.memref_slice %arg8[%dma_wait3A_177, %dma_wait3A_178] : memref<100x100xi32, #tpu.memory_space<vmem>> -> memref<1x100xi32, #tpu.memory_space<vmem>>
        %dma_wait3A_180 = tpu.memref_squeeze %dma_wait3A_179 : memref<1x100xi32, #tpu.memory_space<vmem>> -> memref<100xi32, #tpu.memory_space<vmem>>
        %dma_wait3A_181 = arith.constant 0 : i32
        %dma_wait3A_182 = arith.constant 0 : i32
        %dma_wait3A_183 = tpu.memref_slice %arg24[%dma_wait3A_181, %dma_wait3A_182] : memref<10240x64xf32, #tpu.memory_space<vmem_shared>> -> memref<10240x64xf32, #tpu.memory_space<vmem_shared>>
        tpu.wait_indirect_dma semaphore(%arg21 : memref<!tpu.dma_semaphore, #tpu.memory_space<semaphore_mem>>) src(%arg11 : memref<100x64xf32, #tpu.memory_space<vmem>>) dst(%dma_wait3A_183 : memref<10240x64xf32, #tpu.memory_space<vmem_shared>>)
      } else {
      }
      %add3A_73 = arith.constant 2 : i32
      %add3A_74 = arith.addi %mul3A_45, %add3A_73 : i32
      %dma_start3A_75 = arith.constant 0 : i32
      %dma_start3A_76 = tpu.memref_slice %arg7[%add3A_74, %dma_start3A_75] : memref<100x100xi32, #tpu.memory_space<vmem>> -> memref<1x100xi32, #tpu.memory_space<vmem>>
      %dma_start3A_77 = tpu.memref_squeeze %dma_start3A_76 : memref<1x100xi32, #tpu.memory_space<vmem>> -> memref<100xi32, #tpu.memory_space<vmem>>
      %dma_start3A_78 = arith.constant 0 : i32
      %dma_start3A_79 = arith.constant 0 : i32
      %dma_start3A_80 = tpu.memref_slice %arg2[%dma_start3A_78, %dma_start3A_79] : memref<10000x64xf32, #tpu.memory_space<hbm>> -> memref<10000x64xf32, #tpu.memory_space<hbm>>
      tpu.enqueue_indirect_dma source(%dma_start3A_80 : memref<10000x64xf32, #tpu.memory_space<hbm>>) target(%arg11 : memref<100x64xf32, #tpu.memory_space<vmem>>) offsets(%dma_start3A_77 : memref<100xi32, #tpu.memory_space<vmem>>) semaphore(%arg16 : memref<!tpu.dma_semaphore, #tpu.memory_space<semaphore_mem>>)
      %gt3A_81 = arith.constant 0 : i32
      %gt3A_82 = arith.cmpi sgt, %scan3A_43, %gt3A_81 : i32
      %convert_element_type3A_83 = arith.extui %gt3A_82 : i1 to i32
      %cond3A_84 = arith.constant 0 : i32
      %cond3A_85 = arith.cmpi ne, %convert_element_type3A_83, %cond3A_84 : i32
      scf.if %cond3A_85 {
        %dma_wait3A_177 = arith.constant 0 : i32
        %dma_wait3A_178 = arith.constant 0 : i32
        %dma_wait3A_179 = tpu.memref_slice %arg8[%dma_wait3A_177, %dma_wait3A_178] : memref<100x100xi32, #tpu.memory_space<vmem>> -> memref<1x100xi32, #tpu.memory_space<vmem>>
        %dma_wait3A_180 = tpu.memref_squeeze %dma_wait3A_179 : memref<1x100xi32, #tpu.memory_space<vmem>> -> memref<100xi32, #tpu.memory_space<vmem>>
        %dma_wait3A_181 = arith.constant 0 : i32
        %dma_wait3A_182 = arith.constant 0 : i32
        %dma_wait3A_183 = tpu.memref_slice %arg24[%dma_wait3A_181, %dma_wait3A_182] : memref<10240x64xf32, #tpu.memory_space<vmem_shared>> -> memref<10240x64xf32, #tpu.memory_space<vmem_shared>>
        tpu.wait_indirect_dma semaphore(%arg22 : memref<!tpu.dma_semaphore, #tpu.memory_space<semaphore_mem>>) src(%arg12 : memref<100x64xf32, #tpu.memory_space<vmem>>) dst(%dma_wait3A_183 : memref<10240x64xf32, #tpu.memory_space<vmem_shared>>)
      } else {
      }
      %add3A_86 = arith.constant 3 : i32
      %add3A_87 = arith.addi %mul3A_45, %add3A_86 : i32
      %dma_start3A_88 = arith.constant 0 : i32
      %dma_start3A_89 = tpu.memref_slice %arg7[%add3A_87, %dma_start3A_88] : memref<100x100xi32, #tpu.memory_space<vmem>> -> memref<1x100xi32, #tpu.memory_space<vmem>>
      %dma_start3A_90 = tpu.memref_squeeze %dma_start3A_89 : memref<1x100xi32, #tpu.memory_space<vmem>> -> memref<100xi32, #tpu.memory_space<vmem>>
      %dma_start3A_91 = arith.constant 0 : i32
      %dma_start3A_92 = arith.constant 0 : i32
      %dma_start3A_93 = tpu.memref_slice %arg2[%dma_start3A_91, %dma_start3A_92] : memref<10000x64xf32, #tpu.memory_space<hbm>> -> memref<10000x64xf32, #tpu.memory_space<hbm>>
      tpu.enqueue_indirect_dma source(%dma_start3A_93 : memref<10000x64xf32, #tpu.memory_space<hbm>>) target(%arg12 : memref<100x64xf32, #tpu.memory_space<vmem>>) offsets(%dma_start3A_90 : memref<100xi32, #tpu.memory_space<vmem>>) semaphore(%arg17 : memref<!tpu.dma_semaphore, #tpu.memory_space<semaphore_mem>>)
      %gt3A_94 = arith.constant 0 : i32
      %gt3A_95 = arith.cmpi sgt, %scan3A_43, %gt3A_94 : i32
      %convert_element_type3A_96 = arith.extui %gt3A_95 : i1 to i32
      %cond3A_97 = arith.constant 0 : i32
      %cond3A_98 = arith.cmpi ne, %convert_element_type3A_96, %cond3A_97 : i32
      scf.if %cond3A_98 {
        %dma_wait3A_177 = arith.constant 0 : i32
        %dma_wait3A_178 = arith.constant 0 : i32
        %dma_wait3A_179 = tpu.memref_slice %arg8[%dma_wait3A_177, %dma_wait3A_178] : memref<100x100xi32, #tpu.memory_space<vmem>> -> memref<1x100xi32, #tpu.memory_space<vmem>>
        %dma_wait3A_180 = tpu.memref_squeeze %dma_wait3A_179 : memref<1x100xi32, #tpu.memory_space<vmem>> -> memref<100xi32, #tpu.memory_space<vmem>>
        %dma_wait3A_181 = arith.constant 0 : i32
        %dma_wait3A_182 = arith.constant 0 : i32
        %dma_wait3A_183 = tpu.memref_slice %arg24[%dma_wait3A_181, %dma_wait3A_182] : memref<10240x64xf32, #tpu.memory_space<vmem_shared>> -> memref<10240x64xf32, #tpu.memory_space<vmem_shared>>
        tpu.wait_indirect_dma semaphore(%arg23 : memref<!tpu.dma_semaphore, #tpu.memory_space<semaphore_mem>>) src(%arg13 : memref<100x64xf32, #tpu.memory_space<vmem>>) dst(%dma_wait3A_183 : memref<10240x64xf32, #tpu.memory_space<vmem_shared>>)
      } else {
      }
      %add3A_99 = arith.constant 4 : i32
      %add3A_100 = arith.addi %mul3A_45, %add3A_99 : i32
      %dma_start3A_101 = arith.constant 0 : i32
      %dma_start3A_102 = tpu.memref_slice %arg7[%add3A_100, %dma_start3A_101] : memref<100x100xi32, #tpu.memory_space<vmem>> -> memref<1x100xi32, #tpu.memory_space<vmem>>
      %dma_start3A_103 = tpu.memref_squeeze %dma_start3A_102 : memref<1x100xi32, #tpu.memory_space<vmem>> -> memref<100xi32, #tpu.memory_space<vmem>>
      %dma_start3A_104 = arith.constant 0 : i32
      %dma_start3A_105 = arith.constant 0 : i32
      %dma_start3A_106 = tpu.memref_slice %arg2[%dma_start3A_104, %dma_start3A_105] : memref<10000x64xf32, #tpu.memory_space<hbm>> -> memref<10000x64xf32, #tpu.memory_space<hbm>>
      tpu.enqueue_indirect_dma source(%dma_start3A_106 : memref<10000x64xf32, #tpu.memory_space<hbm>>) target(%arg13 : memref<100x64xf32, #tpu.memory_space<vmem>>) offsets(%dma_start3A_103 : memref<100xi32, #tpu.memory_space<vmem>>) semaphore(%arg18 : memref<!tpu.dma_semaphore, #tpu.memory_space<semaphore_mem>>)
      %dma_wait3A_107 = arith.constant 0 : i32
      %dma_wait3A_108 = tpu.memref_slice %arg7[%add3A_49, %dma_wait3A_107] : memref<100x100xi32, #tpu.memory_space<vmem>> -> memref<1x100xi32, #tpu.memory_space<vmem>>
      %dma_wait3A_109 = tpu.memref_squeeze %dma_wait3A_108 : memref<1x100xi32, #tpu.memory_space<vmem>> -> memref<100xi32, #tpu.memory_space<vmem>>
      %dma_wait3A_110 = arith.constant 0 : i32
      %dma_wait3A_111 = arith.constant 0 : i32
      %dma_wait3A_112 = tpu.memref_slice %arg2[%dma_wait3A_110, %dma_wait3A_111] : memref<10000x64xf32, #tpu.memory_space<hbm>> -> memref<10000x64xf32, #tpu.memory_space<hbm>>
      tpu.wait_indirect_dma semaphore(%arg14 : memref<!tpu.dma_semaphore, #tpu.memory_space<semaphore_mem>>) src(%dma_wait3A_112 : memref<10000x64xf32, #tpu.memory_space<hbm>>) dst(%arg9 : memref<100x64xf32, #tpu.memory_space<vmem>>)
      %add3A_113 = arith.constant 0 : i32
      %add3A_114 = arith.addi %mul3A_45, %add3A_113 : i32
      %dma_start3A_115 = arith.constant 0 : i32
      %dma_start3A_116 = tpu.memref_slice %arg8[%add3A_114, %dma_start3A_115] : memref<100x100xi32, #tpu.memory_space<vmem>> -> memref<1x100xi32, #tpu.memory_space<vmem>>
      %dma_start3A_117 = tpu.memref_squeeze %dma_start3A_116 : memref<1x100xi32, #tpu.memory_space<vmem>> -> memref<100xi32, #tpu.memory_space<vmem>>
      %dma_start3A_118 = arith.constant 0 : i32
      %dma_start3A_119 = arith.constant 0 : i32
      %dma_start3A_120 = tpu.memref_slice %arg24[%dma_start3A_118, %dma_start3A_119] : memref<10240x64xf32, #tpu.memory_space<vmem_shared>> -> memref<10240x64xf32, #tpu.memory_space<vmem_shared>>
      tpu.enqueue_indirect_dma source(%arg9 : memref<100x64xf32, #tpu.memory_space<vmem>>) target(%dma_start3A_120 : memref<10240x64xf32, #tpu.memory_space<vmem_shared>>) offsets(%dma_start3A_117 : memref<100xi32, #tpu.memory_space<vmem>>) semaphore(%arg19 : memref<!tpu.dma_semaphore, #tpu.memory_space<semaphore_mem>>) {add = true}
      %dma_wait3A_121 = arith.constant 0 : i32
      %dma_wait3A_122 = tpu.memref_slice %arg7[%add3A_61, %dma_wait3A_121] : memref<100x100xi32, #tpu.memory_space<vmem>> -> memref<1x100xi32, #tpu.memory_space<vmem>>
      %dma_wait3A_123 = tpu.memref_squeeze %dma_wait3A_122 : memref<1x100xi32, #tpu.memory_space<vmem>> -> memref<100xi32, #tpu.memory_space<vmem>>
      %dma_wait3A_124 = arith.constant 0 : i32
      %dma_wait3A_125 = arith.constant 0 : i32
      %dma_wait3A_126 = tpu.memref_slice %arg2[%dma_wait3A_124, %dma_wait3A_125] : memref<10000x64xf32, #tpu.memory_space<hbm>> -> memref<10000x64xf32, #tpu.memory_space<hbm>>
      tpu.wait_indirect_dma semaphore(%arg15 : memref<!tpu.dma_semaphore, #tpu.memory_space<semaphore_mem>>) src(%dma_wait3A_126 : memref<10000x64xf32, #tpu.memory_space<hbm>>) dst(%arg10 : memref<100x64xf32, #tpu.memory_space<vmem>>)
      %add3A_127 = arith.constant 1 : i32
      %add3A_128 = arith.addi %mul3A_45, %add3A_127 : i32
      %dma_start3A_129 = arith.constant 0 : i32
      %dma_start3A_130 = tpu.memref_slice %arg8[%add3A_128, %dma_start3A_129] : memref<100x100xi32, #tpu.memory_space<vmem>> -> memref<1x100xi32, #tpu.memory_space<vmem>>
      %dma_start3A_131 = tpu.memref_squeeze %dma_start3A_130 : memref<1x100xi32, #tpu.memory_space<vmem>> -> memref<100xi32, #tpu.memory_space<vmem>>
      %dma_start3A_132 = arith.constant 0 : i32
      %dma_start3A_133 = arith.constant 0 : i32
      %dma_start3A_134 = tpu.memref_slice %arg24[%dma_start3A_132, %dma_start3A_133] : memref<10240x64xf32, #tpu.memory_space<vmem_shared>> -> memref<10240x64xf32, #tpu.memory_space<vmem_shared>>
      tpu.enqueue_indirect_dma source(%arg10 : memref<100x64xf32, #tpu.memory_space<vmem>>) target(%dma_start3A_134 : memref<10240x64xf32, #tpu.memory_space<vmem_shared>>) offsets(%dma_start3A_131 : memref<100xi32, #tpu.memory_space<vmem>>) semaphore(%arg20 : memref<!tpu.dma_semaphore, #tpu.memory_space<semaphore_mem>>) {add = true}
      %dma_wait3A_135 = arith.constant 0 : i32
      %dma_wait3A_136 = tpu.memref_slice %arg7[%add3A_74, %dma_wait3A_135] : memref<100x100xi32, #tpu.memory_space<vmem>> -> memref<1x100xi32, #tpu.memory_space<vmem>>
      %dma_wait3A_137 = tpu.memref_squeeze %dma_wait3A_136 : memref<1x100xi32, #tpu.memory_space<vmem>> -> memref<100xi32, #tpu.memory_space<vmem>>
      %dma_wait3A_138 = arith.constant 0 : i32
      %dma_wait3A_139 = arith.constant 0 : i32
      %dma_wait3A_140 = tpu.memref_slice %arg2[%dma_wait3A_138, %dma_wait3A_139] : memref<10000x64xf32, #tpu.memory_space<hbm>> -> memref<10000x64xf32, #tpu.memory_space<hbm>>
      tpu.wait_indirect_dma semaphore(%arg16 : memref<!tpu.dma_semaphore, #tpu.memory_space<semaphore_mem>>) src(%dma_wait3A_140 : memref<10000x64xf32, #tpu.memory_space<hbm>>) dst(%arg11 : memref<100x64xf32, #tpu.memory_space<vmem>>)
      %add3A_141 = arith.constant 2 : i32
      %add3A_142 = arith.addi %mul3A_45, %add3A_141 : i32
      %dma_start3A_143 = arith.constant 0 : i32
      %dma_start3A_144 = tpu.memref_slice %arg8[%add3A_142, %dma_start3A_143] : memref<100x100xi32, #tpu.memory_space<vmem>> -> memref<1x100xi32, #tpu.memory_space<vmem>>
      %dma_start3A_145 = tpu.memref_squeeze %dma_start3A_144 : memref<1x100xi32, #tpu.memory_space<vmem>> -> memref<100xi32, #tpu.memory_space<vmem>>
      %dma_start3A_146 = arith.constant 0 : i32
      %dma_start3A_147 = arith.constant 0 : i32
      %dma_start3A_148 = tpu.memref_slice %arg24[%dma_start3A_146, %dma_start3A_147] : memref<10240x64xf32, #tpu.memory_space<vmem_shared>> -> memref<10240x64xf32, #tpu.memory_space<vmem_shared>>
      tpu.enqueue_indirect_dma source(%arg11 : memref<100x64xf32, #tpu.memory_space<vmem>>) target(%dma_start3A_148 : memref<10240x64xf32, #tpu.memory_space<vmem_shared>>) offsets(%dma_start3A_145 : memref<100xi32, #tpu.memory_space<vmem>>) semaphore(%arg21 : memref<!tpu.dma_semaphore, #tpu.memory_space<semaphore_mem>>) {add = true}
      %dma_wait3A_149 = arith.constant 0 : i32
      %dma_wait3A_150 = tpu.memref_slice %arg7[%add3A_87, %dma_wait3A_149] : memref<100x100xi32, #tpu.memory_space<vmem>> -> memref<1x100xi32, #tpu.memory_space<vmem>>
      %dma_wait3A_151 = tpu.memref_squeeze %dma_wait3A_150 : memref<1x100xi32, #tpu.memory_space<vmem>> -> memref<100xi32, #tpu.memory_space<vmem>>
      %dma_wait3A_152 = arith.constant 0 : i32
      %dma_wait3A_153 = arith.constant 0 : i32
      %dma_wait3A_154 = tpu.memref_slice %arg2[%dma_wait3A_152, %dma_wait3A_153] : memref<10000x64xf32, #tpu.memory_space<hbm>> -> memref<10000x64xf32, #tpu.memory_space<hbm>>
      tpu.wait_indirect_dma semaphore(%arg17 : memref<!tpu.dma_semaphore, #tpu.memory_space<semaphore_mem>>) src(%dma_wait3A_154 : memref<10000x64xf32, #tpu.memory_space<hbm>>) dst(%arg12 : memref<100x64xf32, #tpu.memory_space<vmem>>)
      %add3A_155 = arith.constant 3 : i32
      %add3A_156 = arith.addi %mul3A_45, %add3A_155 : i32
      %dma_start3A_157 = arith.constant 0 : i32
      %dma_start3A_158 = tpu.memref_slice %arg8[%add3A_156, %dma_start3A_157] : memref<100x100xi32, #tpu.memory_space<vmem>> -> memref<1x100xi32, #tpu.memory_space<vmem>>
      %dma_start3A_159 = tpu.memref_squeeze %dma_start3A_158 : memref<1x100xi32, #tpu.memory_space<vmem>> -> memref<100xi32, #tpu.memory_space<vmem>>
      %dma_start3A_160 = arith.constant 0 : i32
      %dma_start3A_161 = arith.constant 0 : i32
      %dma_start3A_162 = tpu.memref_slice %arg24[%dma_start3A_160, %dma_start3A_161] : memref<10240x64xf32, #tpu.memory_space<vmem_shared>> -> memref<10240x64xf32, #tpu.memory_space<vmem_shared>>
      tpu.enqueue_indirect_dma source(%arg12 : memref<100x64xf32, #tpu.memory_space<vmem>>) target(%dma_start3A_162 : memref<10240x64xf32, #tpu.memory_space<vmem_shared>>) offsets(%dma_start3A_159 : memref<100xi32, #tpu.memory_space<vmem>>) semaphore(%arg22 : memref<!tpu.dma_semaphore, #tpu.memory_space<semaphore_mem>>) {add = true}
      %dma_wait3A_163 = arith.constant 0 : i32
      %dma_wait3A_164 = tpu.memref_slice %arg7[%add3A_100, %dma_wait3A_163] : memref<100x100xi32, #tpu.memory_space<vmem>> -> memref<1x100xi32, #tpu.memory_space<vmem>>
      %dma_wait3A_165 = tpu.memref_squeeze %dma_wait3A_164 : memref<1x100xi32, #tpu.memory_space<vmem>> -> memref<100xi32, #tpu.memory_space<vmem>>
      %dma_wait3A_166 = arith.constant 0 : i32
      %dma_wait3A_167 = arith.constant 0 : i32
      %dma_wait3A_168 = tpu.memref_slice %arg2[%dma_wait3A_166, %dma_wait3A_167] : memref<10000x64xf32, #tpu.memory_space<hbm>> -> memref<10000x64xf32, #tpu.memory_space<hbm>>
      tpu.wait_indirect_dma semaphore(%arg18 : memref<!tpu.dma_semaphore, #tpu.memory_space<semaphore_mem>>) src(%dma_wait3A_168 : memref<10000x64xf32, #tpu.memory_space<hbm>>) dst(%arg13 : memref<100x64xf32, #tpu.memory_space<vmem>>)
      %add3A_169 = arith.constant 4 : i32
      %add3A_170 = arith.addi %mul3A_45, %add3A_169 : i32
      %dma_start3A_171 = arith.constant 0 : i32
      %dma_start3A_172 = tpu.memref_slice %arg8[%add3A_170, %dma_start3A_171] : memref<100x100xi32, #tpu.memory_space<vmem>> -> memref<1x100xi32, #tpu.memory_space<vmem>>
      %dma_start3A_173 = tpu.memref_squeeze %dma_start3A_172 : memref<1x100xi32, #tpu.memory_space<vmem>> -> memref<100xi32, #tpu.memory_space<vmem>>
      %dma_start3A_174 = arith.constant 0 : i32
      %dma_start3A_175 = arith.constant 0 : i32
      %dma_start3A_176 = tpu.memref_slice %arg24[%dma_start3A_174, %dma_start3A_175] : memref<10240x64xf32, #tpu.memory_space<vmem_shared>> -> memref<10240x64xf32, #tpu.memory_space<vmem_shared>>
      tpu.enqueue_indirect_dma source(%arg13 : memref<100x64xf32, #tpu.memory_space<vmem>>) target(%dma_start3A_176 : memref<10240x64xf32, #tpu.memory_space<vmem_shared>>) offsets(%dma_start3A_173 : memref<100xi32, #tpu.memory_space<vmem>>) semaphore(%arg23 : memref<!tpu.dma_semaphore, #tpu.memory_space<semaphore_mem>>) {add = true}
    }
    %scan3A_7 = arith.constant 20 : i32
    %dma_wait3A = arith.constant 0 : i32
    %dma_wait3A_8 = arith.constant 0 : i32
    %dma_wait3A_9 = tpu.memref_slice %arg8[%dma_wait3A, %dma_wait3A_8] : memref<100x100xi32, #tpu.memory_space<vmem>> -> memref<1x100xi32, #tpu.memory_space<vmem>>
    %dma_wait3A_10 = tpu.memref_squeeze %dma_wait3A_9 : memref<1x100xi32, #tpu.memory_space<vmem>> -> memref<100xi32, #tpu.memory_space<vmem>>
    %dma_wait3A_11 = arith.constant 0 : i32
    %dma_wait3A_12 = arith.constant 0 : i32
    %dma_wait3A_13 = tpu.memref_slice %arg24[%dma_wait3A_11, %dma_wait3A_12] : memref<10240x64xf32, #tpu.memory_space<vmem_shared>> -> memref<10240x64xf32, #tpu.memory_space<vmem_shared>>
    tpu.wait_indirect_dma semaphore(%arg19 : memref<!tpu.dma_semaphore, #tpu.memory_space<semaphore_mem>>) src(%arg9 : memref<100x64xf32, #tpu.memory_space<vmem>>) dst(%dma_wait3A_13 : memref<10240x64xf32, #tpu.memory_space<vmem_shared>>)
    %dma_wait3A_14 = arith.constant 0 : i32
    %dma_wait3A_15 = arith.constant 0 : i32
    %dma_wait3A_16 = tpu.memref_slice %arg8[%dma_wait3A_14, %dma_wait3A_15] : memref<100x100xi32, #tpu.memory_space<vmem>> -> memref<1x100xi32, #tpu.memory_space<vmem>>
    %dma_wait3A_17 = tpu.memref_squeeze %dma_wait3A_16 : memref<1x100xi32, #tpu.memory_space<vmem>> -> memref<100xi32, #tpu.memory_space<vmem>>
    %dma_wait3A_18 = arith.constant 0 : i32
    %dma_wait3A_19 = arith.constant 0 : i32
    %dma_wait3A_20 = tpu.memref_slice %arg24[%dma_wait3A_18, %dma_wait3A_19] : memref<10240x64xf32, #tpu.memory_space<vmem_shared>> -> memref<10240x64xf32, #tpu.memory_space<vmem_shared>>
    tpu.wait_indirect_dma semaphore(%arg20 : memref<!tpu.dma_semaphore, #tpu.memory_space<semaphore_mem>>) src(%arg10 : memref<100x64xf32, #tpu.memory_space<vmem>>) dst(%dma_wait3A_20 : memref<10240x64xf32, #tpu.memory_space<vmem_shared>>)
    %dma_wait3A_21 = arith.constant 0 : i32
    %dma_wait3A_22 = arith.constant 0 : i32
    %dma_wait3A_23 = tpu.memref_slice %arg8[%dma_wait3A_21, %dma_wait3A_22] : memref<100x100xi32, #tpu.memory_space<vmem>> -> memref<1x100xi32, #tpu.memory_space<vmem>>
    %dma_wait3A_24 = tpu.memref_squeeze %dma_wait3A_23 : memref<1x100xi32, #tpu.memory_space<vmem>> -> memref<100xi32, #tpu.memory_space<vmem>>
    %dma_wait3A_25 = arith.constant 0 : i32
    %dma_wait3A_26 = arith.constant 0 : i32
    %dma_wait3A_27 = tpu.memref_slice %arg24[%dma_wait3A_25, %dma_wait3A_26] : memref<10240x64xf32, #tpu.memory_space<vmem_shared>> -> memref<10240x64xf32, #tpu.memory_space<vmem_shared>>
    tpu.wait_indirect_dma semaphore(%arg21 : memref<!tpu.dma_semaphore, #tpu.memory_space<semaphore_mem>>) src(%arg11 : memref<100x64xf32, #tpu.memory_space<vmem>>) dst(%dma_wait3A_27 : memref<10240x64xf32, #tpu.memory_space<vmem_shared>>)
    %dma_wait3A_28 = arith.constant 0 : i32
    %dma_wait3A_29 = arith.constant 0 : i32
    %dma_wait3A_30 = tpu.memref_slice %arg8[%dma_wait3A_28, %dma_wait3A_29] : memref<100x100xi32, #tpu.memory_space<vmem>> -> memref<1x100xi32, #tpu.memory_space<vmem>>
    %dma_wait3A_31 = tpu.memref_squeeze %dma_wait3A_30 : memref<1x100xi32, #tpu.memory_space<vmem>> -> memref<100xi32, #tpu.memory_space<vmem>>
    %dma_wait3A_32 = arith.constant 0 : i32
    %dma_wait3A_33 = arith.constant 0 : i32
    %dma_wait3A_34 = tpu.memref_slice %arg24[%dma_wait3A_32, %dma_wait3A_33] : memref<10240x64xf32, #tpu.memory_space<vmem_shared>> -> memref<10240x64xf32, #tpu.memory_space<vmem_shared>>
    tpu.wait_indirect_dma semaphore(%arg22 : memref<!tpu.dma_semaphore, #tpu.memory_space<semaphore_mem>>) src(%arg12 : memref<100x64xf32, #tpu.memory_space<vmem>>) dst(%dma_wait3A_34 : memref<10240x64xf32, #tpu.memory_space<vmem_shared>>)
    %dma_wait3A_35 = arith.constant 0 : i32
    %dma_wait3A_36 = arith.constant 0 : i32
    %dma_wait3A_37 = tpu.memref_slice %arg8[%dma_wait3A_35, %dma_wait3A_36] : memref<100x100xi32, #tpu.memory_space<vmem>> -> memref<1x100xi32, #tpu.memory_space<vmem>>
    %dma_wait3A_38 = tpu.memref_squeeze %dma_wait3A_37 : memref<1x100xi32, #tpu.memory_space<vmem>> -> memref<100xi32, #tpu.memory_space<vmem>>
    %dma_wait3A_39 = arith.constant 0 : i32
    %dma_wait3A_40 = arith.constant 0 : i32
    %dma_wait3A_41 = tpu.memref_slice %arg24[%dma_wait3A_39, %dma_wait3A_40] : memref<10240x64xf32, #tpu.memory_space<vmem_shared>> -> memref<10240x64xf32, #tpu.memory_space<vmem_shared>>
    tpu.wait_indirect_dma semaphore(%arg23 : memref<!tpu.dma_semaphore, #tpu.memory_space<semaphore_mem>>) src(%arg13 : memref<100x64xf32, #tpu.memory_space<vmem>>) dst(%dma_wait3A_41 : memref<10240x64xf32, #tpu.memory_space<vmem_shared>>)
    %barrier3A_42 = arith.constant 0 : index
    tpu.barrier barrier_id(%barrier3A_42)
    "tpu.region"() ({
      %run_scoped3A = tpu.sem_alloc : memref<!tpu.dma_semaphore, #tpu.memory_space<semaphore_mem>>
      %dma_start3A = arith.constant 0 : i32
      %dma_start3A_43 = tpu.memref_slice %arg6[%arg0, %mul3A_2, %dma_start3A] : memref<2x10240x64xf32, #tpu.memory_space<hbm>> -> memref<1x640x64xf32, #tpu.memory_space<hbm>>
      %dma_start3A_44 = tpu.memref_squeeze %dma_start3A_43 : memref<1x640x64xf32, #tpu.memory_space<hbm>> -> memref<640x64xf32, #tpu.memory_space<hbm>>
      %dma_start3A_45 = arith.constant 0 : i32
      %dma_start3A_46 = tpu.memref_slice %arg24[%mul3A_2, %dma_start3A_45] : memref<10240x64xf32, #tpu.memory_space<vmem_shared>> -> memref<640x64xf32, #tpu.memory_space<vmem_shared>>
      tpu.enqueue_dma source(%dma_start3A_46 : memref<640x64xf32, #tpu.memory_space<vmem_shared>>) target(%dma_start3A_44 : memref<640x64xf32, #tpu.memory_space<hbm>>) target_semaphore(%run_scoped3A : memref<!tpu.dma_semaphore, #tpu.memory_space<semaphore_mem>>)
      %dma_wait3A_47 = arith.constant 0 : i32
      %dma_wait3A_48 = tpu.memref_slice %arg6[%arg0, %mul3A_2, %dma_wait3A_47] : memref<2x10240x64xf32, #tpu.memory_space<hbm>> -> memref<1x640x64xf32, #tpu.memory_space<hbm>>
      %dma_wait3A_49 = tpu.memref_squeeze %dma_wait3A_48 : memref<1x640x64xf32, #tpu.memory_space<hbm>> -> memref<640x64xf32, #tpu.memory_space<hbm>>
      %dma_wait3A_50 = arith.constant 0 : i32
      %dma_wait3A_51 = tpu.memref_slice %arg24[%mul3A_2, %dma_wait3A_50] : memref<10240x64xf32, #tpu.memory_space<vmem_shared>> -> memref<640x64xf32, #tpu.memory_space<vmem_shared>>
      tpu.wait_dma2 semaphore(%run_scoped3A : memref<!tpu.dma_semaphore, #tpu.memory_space<semaphore_mem>>) src(%dma_wait3A_51 : memref<640x64xf32, #tpu.memory_space<vmem_shared>>) dst(%dma_wait3A_49 : memref<640x64xf32, #tpu.memory_space<hbm>>)
      tpu.yield
    }) : () -> ()
    return
  }
}

module attributes {stable_mosaic.version = 14 : i64} {
  func.func @_head_body(%arg0: i32, %arg1: memref<1000x128xf32, #tpu.memory_space<vmem>>, %arg2: memref<128x128xf32, #tpu.memory_space<vmem>>, %arg3: memref<1x128xf32, #tpu.memory_space<vmem>>, %arg4: memref<1x64xf32, #tpu.memory_space<vmem>>, %arg5: memref<1x64xf32, #tpu.memory_space<vmem>>, %arg6: memref<64x64xf32, #tpu.memory_space<vmem>>, %arg7: memref<1x64xf32, #tpu.memory_space<vmem>>, %arg8: memref<1000x64xf32, #tpu.memory_space<vmem>>, %arg9: memref<1000x64xf32, #tpu.memory_space<vmem>>, %arg10: memref<1000x64xf32, #tpu.memory_space<vmem>>, %arg11: memref<1000x80xf32, #tpu.memory_space<vmem>>) attributes {dimension_semantics = [#tpu.dimension_semantics<arbitrary>], iteration_bounds = array<i64: 10>, scalar_prefetch = 0 : i64, scratch_operands = 0 : i64, tpu.core_type = #tpu.core_type<tc>, window_params = [{transform_indices = @transform_0, window_bounds = array<i64: 1000, 128>}, {pipeline_mode = #tpu.pipeline_mode<synchronous>, transform_indices = @transform_1, window_bounds = array<i64: 128, 128>}, {pipeline_mode = #tpu.pipeline_mode<synchronous>, transform_indices = @transform_2, window_bounds = array<i64: 1, 128>}, {pipeline_mode = #tpu.pipeline_mode<synchronous>, transform_indices = @transform_3, window_bounds = array<i64: 1, 64>}, {pipeline_mode = #tpu.pipeline_mode<synchronous>, transform_indices = @transform_4, window_bounds = array<i64: 1, 64>}, {pipeline_mode = #tpu.pipeline_mode<synchronous>, transform_indices = @transform_5, window_bounds = array<i64: 64, 64>}, {pipeline_mode = #tpu.pipeline_mode<synchronous>, transform_indices = @transform_6, window_bounds = array<i64: 1, 64>}, {transform_indices = @transform_7, window_bounds = array<i64: 1000, 64>}, {transform_indices = @transform_8, window_bounds = array<i64: 1000, 64>}, {transform_indices = @transform_9, window_bounds = array<i64: 1000, 64>}, {transform_indices = @transform_10, window_bounds = array<i64: 1000, 80>}]} {
    %get3A = arith.constant 0 : index
    %get3A_0 = arith.constant 0 : index
    %get3A_1 = vector.load %arg1[%get3A, %get3A_0] : memref<1000x128xf32, #tpu.memory_space<vmem>>, vector<1000x128xf32>
    %get3A_2 = arith.constant 0 : index
    %get3A_3 = arith.constant 0 : index
    %get3A_4 = vector.load %arg2[%get3A_2, %get3A_3] : memref<128x128xf32, #tpu.memory_space<vmem>>, vector<128x128xf32>
    %dot_general3A = arith.constant dense<0.000000e+00> : vector<1000x128xf32>
    %dot_general3A_5 = tpu.matmul %get3A_1, %get3A_4, %dot_general3A {dimension_numbers = #tpu.dot_dimension_numbers<[1], [0], [0], [1], [0, 0, 1, 1], [], []>, transpose_lhs_hint = false} : vector<1000x128xf32>, vector<128x128xf32>, vector<1000x128xf32> -> vector<1000x128xf32>
    %get3A_6 = arith.constant 0 : index
    %get3A_7 = arith.constant 0 : index
    %get3A_8 = vector.load %arg3[%get3A_6, %get3A_7] : memref<1x128xf32, #tpu.memory_space<vmem>>, vector<1x128xf32>
    %add3A = vector.broadcast %get3A_8 : vector<1x128xf32> to vector<1000x128xf32>
    %add3A_9 = arith.addf %dot_general3A_5, %add3A : vector<1000x128xf32>
    %slice3A = vector.extract_strided_slice %add3A_9 {offsets = [0, 0], sizes = [1000, 64], strides = [1, 1]} : vector<1000x128xf32> to vector<1000x64xf32>
    %slice3A_10 = vector.extract_strided_slice %add3A_9 {offsets = [0, 64], sizes = [1000, 64], strides = [1, 1]} : vector<1000x128xf32> to vector<1000x64xf32>
    %swap3A = arith.constant 0 : index
    %swap3A_11 = arith.constant 0 : index
    %swap3A_12 = vector.load %arg8[%swap3A, %swap3A_11] : memref<1000x64xf32, #tpu.memory_space<vmem>>, vector<1000x64xf32>
    tpu.vector_store %arg8[%swap3A, %swap3A_11], %slice3A {strides = array<i32>} : memref<1000x64xf32, #tpu.memory_space<vmem>>, vector<1000x64xf32>,
    %swap3A_13 = arith.constant 0 : index
    %swap3A_14 = arith.constant 0 : index
    %swap3A_15 = vector.load %arg9[%swap3A_13, %swap3A_14] : memref<1000x64xf32, #tpu.memory_space<vmem>>, vector<1000x64xf32>
    tpu.vector_store %arg9[%swap3A_13, %swap3A_14], %slice3A_10 {strides = array<i32>} : memref<1000x64xf32, #tpu.memory_space<vmem>>, vector<1000x64xf32>,
    %get3A_16 = arith.constant 0 : index
    %get3A_17 = arith.constant 0 : index
    %get3A_18 = vector.load %arg4[%get3A_16, %get3A_17] : memref<1x64xf32, #tpu.memory_space<vmem>>, vector<1x64xf32>
    %get3A_19 = arith.constant 0 : index
    %get3A_20 = arith.constant 0 : index
    %get3A_21 = vector.load %arg5[%get3A_19, %get3A_20] : memref<1x64xf32, #tpu.memory_space<vmem>>, vector<1x64xf32>
    %reduce_sum3A = arith.constant dense<0.000000e+00> : vector<1000xf32>
    %reduce_sum3A_22 = vector.multi_reduction <add>, %slice3A_10, %reduce_sum3A [1] : vector<1000x64xf32> to vector<1000xf32>
    %broadcast_in_dim3A = vector.shape_cast %reduce_sum3A_22 : vector<1000xf32> to vector<1000x1xf32>
    %div3A = arith.constant 6.400000e+01 : f32
    %div3A_23 = vector.broadcast %div3A : f32 to vector<1000x1xf32>
    %div3A_24 = arith.divf %broadcast_in_dim3A, %div3A_23 : vector<1000x1xf32>
    %sub3A = vector.broadcast %div3A_24 : vector<1000x1xf32> to vector<1000x64xf32>
    %sub3A_25 = arith.subf %slice3A_10, %sub3A : vector<1000x64xf32>
    %integer_pow3A = arith.mulf %sub3A_25, %sub3A_25 : vector<1000x64xf32>
    %reduce_sum3A_26 = arith.constant dense<0.000000e+00> : vector<1000xf32>
    %reduce_sum3A_27 = vector.multi_reduction <add>, %integer_pow3A, %reduce_sum3A_26 [1] : vector<1000x64xf32> to vector<1000xf32>
    %broadcast_in_dim3A_28 = vector.shape_cast %reduce_sum3A_27 : vector<1000xf32> to vector<1000x1xf32>
    %div3A_29 = arith.constant 6.400000e+01 : f32
    %div3A_30 = vector.broadcast %div3A_29 : f32 to vector<1000x1xf32>
    %div3A_31 = arith.divf %broadcast_in_dim3A_28, %div3A_30 : vector<1000x1xf32>
    %sub3A_32 = vector.broadcast %div3A_24 : vector<1000x1xf32> to vector<1000x64xf32>
    %sub3A_33 = arith.subf %slice3A_10, %sub3A_32 : vector<1000x64xf32>
    %add3A_34 = arith.constant 9.99999974E-6 : f32
    %add3A_35 = vector.broadcast %add3A_34 : f32 to vector<1000x1xf32>
    %add3A_36 = arith.addf %div3A_31, %add3A_35 : vector<1000x1xf32>
    %sqrt3A = math.sqrt %add3A_36 : vector<1000x1xf32>
    %div3A_37 = vector.broadcast %sqrt3A : vector<1000x1xf32> to vector<1000x64xf32>
    %div3A_38 = arith.divf %sub3A_33, %div3A_37 : vector<1000x64xf32>
    %mul3A = vector.broadcast %get3A_18 : vector<1x64xf32> to vector<1000x64xf32>
    %mul3A_39 = arith.mulf %div3A_38, %mul3A : vector<1000x64xf32>
    %add3A_40 = vector.broadcast %get3A_21 : vector<1x64xf32> to vector<1000x64xf32>
    %add3A_41 = arith.addf %mul3A_39, %add3A_40 : vector<1000x64xf32>
    %max3A = arith.constant 0.000000e+00 : f32
    %max3A_42 = vector.broadcast %max3A : f32 to vector<1000x64xf32>
    %max3A_43 = arith.maximumf %add3A_41, %max3A_42 : vector<1000x64xf32>
    %swap3A_44 = arith.constant 0 : index
    %swap3A_45 = arith.constant 0 : index
    %swap3A_46 = vector.load %arg10[%swap3A_44, %swap3A_45] : memref<1000x64xf32, #tpu.memory_space<vmem>>, vector<1000x64xf32>
    tpu.vector_store %arg10[%swap3A_44, %swap3A_45], %max3A_43 {strides = array<i32>} : memref<1000x64xf32, #tpu.memory_space<vmem>>, vector<1000x64xf32>,
    %get3A_47 = arith.constant 0 : index
    %get3A_48 = arith.constant 0 : index
    %get3A_49 = vector.load %arg6[%get3A_47, %get3A_48] : memref<64x64xf32, #tpu.memory_space<vmem>>, vector<64x64xf32>
    %dot_general3A_50 = arith.constant dense<0.000000e+00> : vector<1000x64xf32>
    %dot_general3A_51 = tpu.matmul %max3A_43, %get3A_49, %dot_general3A_50 {dimension_numbers = #tpu.dot_dimension_numbers<[1], [0], [0], [1], [0, 0, 1, 1], [], []>, transpose_lhs_hint = false} : vector<1000x64xf32>, vector<64x64xf32>, vector<1000x64xf32> -> vector<1000x64xf32>
    %get3A_52 = arith.constant 0 : index
    %get3A_53 = arith.constant 0 : index
    %get3A_54 = vector.load %arg7[%get3A_52, %get3A_53] : memref<1x64xf32, #tpu.memory_space<vmem>>, vector<1x64xf32>
    %add3A_55 = vector.broadcast %get3A_54 : vector<1x64xf32> to vector<1000x64xf32>
    %add3A_56 = arith.addf %dot_general3A_51, %add3A_55 : vector<1000x64xf32>
    %max3A_57 = arith.constant 0.000000e+00 : f32
    %max3A_58 = vector.broadcast %max3A_57 : f32 to vector<1000x64xf32>
    %max3A_59 = arith.maximumf %add3A_56, %max3A_58 : vector<1000x64xf32>
    %broadcast_in_dim3A_60 = arith.constant 1.000000e+00 : f32
    %broadcast_in_dim3A_61 = vector.broadcast %broadcast_in_dim3A_60 : f32 to vector<1000x16xf32>
    %concatenate3A = tpu.concatenate %max3A_59, %broadcast_in_dim3A_61 in 1 : vector<1000x64xf32>, vector<1000x16xf32> -> vector<1000x80xf32>
    %swap3A_62 = arith.constant 0 : index
    %swap3A_63 = arith.constant 0 : index
    %swap3A_64 = vector.load %arg11[%swap3A_62, %swap3A_63] : memref<1000x80xf32, #tpu.memory_space<vmem>>, vector<1000x80xf32>
    tpu.vector_store %arg11[%swap3A_62, %swap3A_63], %concatenate3A {strides = array<i32>} : memref<1000x80xf32, #tpu.memory_space<vmem>>, vector<1000x80xf32>,
    return
  }
  func.func @transform_0(%arg0: i32) -> (i32, i32) {
    %c0_i32 = arith.constant 0 : i32
    %c0_i32_0 = arith.constant 0 : i32
    return %arg0, %c0_i32 : i32, i32
  }
  func.func @transform_1(%arg0: i32) -> (i32, i32) {
    %c0_i32 = arith.constant 0 : i32
    %c0_i32_0 = arith.constant 0 : i32
    %c0_i32_1 = arith.constant 0 : i32
    return %c0_i32, %c0_i32_0 : i32, i32
  }
  func.func @transform_2(%arg0: i32) -> (i32, i32) {
    %c0_i32 = arith.constant 0 : i32
    %c0_i32_0 = arith.constant 0 : i32
    %c0_i32_1 = arith.constant 0 : i32
    return %c0_i32, %c0_i32_0 : i32, i32
  }
  func.func @transform_3(%arg0: i32) -> (i32, i32) {
    %c0_i32 = arith.constant 0 : i32
    %c0_i32_0 = arith.constant 0 : i32
    %c0_i32_1 = arith.constant 0 : i32
    return %c0_i32, %c0_i32_0 : i32, i32
  }
  func.func @transform_4(%arg0: i32) -> (i32, i32) {
    %c0_i32 = arith.constant 0 : i32
    %c0_i32_0 = arith.constant 0 : i32
    %c0_i32_1 = arith.constant 0 : i32
    return %c0_i32, %c0_i32_0 : i32, i32
  }
  func.func @transform_5(%arg0: i32) -> (i32, i32) {
    %c0_i32 = arith.constant 0 : i32
    %c0_i32_0 = arith.constant 0 : i32
    %c0_i32_1 = arith.constant 0 : i32
    return %c0_i32, %c0_i32_0 : i32, i32
  }
  func.func @transform_6(%arg0: i32) -> (i32, i32) {
    %c0_i32 = arith.constant 0 : i32
    %c0_i32_0 = arith.constant 0 : i32
    %c0_i32_1 = arith.constant 0 : i32
    return %c0_i32, %c0_i32_0 : i32, i32
  }
  func.func @transform_7(%arg0: i32) -> (i32, i32) {
    %c0_i32 = arith.constant 0 : i32
    %c0_i32_0 = arith.constant 0 : i32
    return %arg0, %c0_i32 : i32, i32
  }
  func.func @transform_8(%arg0: i32) -> (i32, i32) {
    %c0_i32 = arith.constant 0 : i32
    %c0_i32_0 = arith.constant 0 : i32
    return %arg0, %c0_i32 : i32, i32
  }
  func.func @transform_9(%arg0: i32) -> (i32, i32) {
    %c0_i32 = arith.constant 0 : i32
    %c0_i32_0 = arith.constant 0 : i32
    return %arg0, %c0_i32 : i32, i32
  }
  func.func @transform_10(%arg0: i32) -> (i32, i32) {
    %c0_i32 = arith.constant 0 : i32
    %c0_i32_0 = arith.constant 0 : i32
    return %arg0, %c0_i32 : i32, i32
  }
}

module attributes {stable_mosaic.version = 14 : i64} {
  func.func @_step_first_body(%arg0: i32, %arg1: memref<1x1000x80xf32, #tpu.memory_space<vmem>>, %arg2: memref<1x1000x80xf32, #tpu.memory_space<vmem>>, %arg3: memref<1000x64xf32, #tpu.memory_space<vmem>>, %arg4: memref<1000x64xf32, #tpu.memory_space<vmem>>, %arg5: memref<64x64xf32, #tpu.memory_space<vmem>>, %arg6: memref<1x64xf32, #tpu.memory_space<vmem>>, %arg7: memref<64x64xf32, #tpu.memory_space<vmem>>, %arg8: memref<1x64xf32, #tpu.memory_space<vmem>>, %arg9: memref<1x64xf32, #tpu.memory_space<vmem>>, %arg10: memref<64x64xf32, #tpu.memory_space<vmem>>, %arg11: memref<1x64xf32, #tpu.memory_space<vmem>>, %arg12: memref<1000x64xf32, #tpu.memory_space<vmem>>, %arg13: memref<1000x64xf32, #tpu.memory_space<vmem>>, %arg14: memref<1000x64xf32, #tpu.memory_space<vmem>>, %arg15: memref<1000x8xf32, #tpu.memory_space<vmem>>) attributes {dimension_semantics = [#tpu.dimension_semantics<arbitrary>], iteration_bounds = array<i64: 10>, scalar_prefetch = 0 : i64, scratch_operands = 0 : i64, tpu.core_type = #tpu.core_type<tc>, window_params = [{transform_indices = @transform_0, window_bounds = array<i64: 1, 1000, 80>}, {transform_indices = @transform_1, window_bounds = array<i64: 1, 1000, 80>}, {transform_indices = @transform_2, window_bounds = array<i64: 1000, 64>}, {transform_indices = @transform_3, window_bounds = array<i64: 1000, 64>}, {pipeline_mode = #tpu.pipeline_mode<synchronous>, transform_indices = @transform_4, window_bounds = array<i64: 64, 64>}, {pipeline_mode = #tpu.pipeline_mode<synchronous>, transform_indices = @transform_5, window_bounds = array<i64: 1, 64>}, {pipeline_mode = #tpu.pipeline_mode<synchronous>, transform_indices = @transform_6, window_bounds = array<i64: 64, 64>}, {pipeline_mode = #tpu.pipeline_mode<synchronous>, transform_indices = @transform_7, window_bounds = array<i64: 1, 64>}, {pipeline_mode = #tpu.pipeline_mode<synchronous>, transform_indices = @transform_8, window_bounds = array<i64: 1, 64>}, {pipeline_mode = #tpu.pipeline_mode<synchronous>, transform_indices = @transform_9, window_bounds = array<i64: 64, 64>}, {pipeline_mode = #tpu.pipeline_mode<synchronous>, transform_indices = @transform_10, window_bounds = array<i64: 1, 64>}, {transform_indices = @transform_11, window_bounds = array<i64: 1000, 64>}, {transform_indices = @transform_12, window_bounds = array<i64: 1000, 64>}, {transform_indices = @transform_13, window_bounds = array<i64: 1000, 64>}, {transform_indices = @transform_14, window_bounds = array<i64: 1000, 8>}]} {
    %get3A = arith.constant 0 : index
    %get3A_0 = arith.constant 0 : index
    %get3A_1 = arith.constant 0 : index
    %get3A_2 = vector.load %arg1[%get3A, %get3A_0, %get3A_1] : memref<1x1000x80xf32, #tpu.memory_space<vmem>>, vector<1x1000x80xf32>
    %get3A_3 = vector.shape_cast %get3A_2 : vector<1x1000x80xf32> to vector<1000x80xf32>
    %get3A_4 = arith.constant 0 : index
    %get3A_5 = arith.constant 0 : index
    %get3A_6 = arith.constant 0 : index
    %get3A_7 = vector.load %arg2[%get3A_4, %get3A_5, %get3A_6] : memref<1x1000x80xf32, #tpu.memory_space<vmem>>, vector<1x1000x80xf32>
    %get3A_8 = vector.shape_cast %get3A_7 : vector<1x1000x80xf32> to vector<1000x80xf32>
    %slice3A = vector.extract_strided_slice %get3A_3 {offsets = [0, 64], sizes = [1000, 1], strides = [1, 1]} : vector<1000x80xf32> to vector<1000x1xf32>
    %slice3A_9 = vector.extract_strided_slice %get3A_8 {offsets = [0, 64], sizes = [1000, 1], strides = [1, 1]} : vector<1000x80xf32> to vector<1000x1xf32>
    %add3A = arith.addf %slice3A, %slice3A_9 : vector<1000x1xf32>
    %jit3A = arith.constant 1.000000e+00 : f32
    %max3A = vector.broadcast %jit3A : f32 to vector<1000x1xf32>
    %max3A_10 = arith.maximumf %max3A, %add3A : vector<1000x1xf32>
    %div3A = arith.constant 1.000000e+00 : f32
    %div3A_11 = vector.broadcast %div3A : f32 to vector<1000x1xf32>
    %div3A_12 = arith.divf %div3A_11, %max3A_10 : vector<1000x1xf32>
    %broadcast_in_dim3A = vector.shape_cast %div3A_12 : vector<1000x1xf32> to vector<1000x1xf32>
    %broadcast_in_dim3A_13 = vector.broadcast %broadcast_in_dim3A : vector<1000x1xf32> to vector<1000x8xf32>
    %swap3A = arith.constant 0 : index
    %swap3A_14 = arith.constant 0 : index
    %swap3A_15 = vector.load %arg15[%swap3A, %swap3A_14] : memref<1000x8xf32, #tpu.memory_space<vmem>>, vector<1000x8xf32>
    tpu.vector_store %arg15[%swap3A, %swap3A_14], %broadcast_in_dim3A_13 {strides = array<i32>} : memref<1000x8xf32, #tpu.memory_space<vmem>>, vector<1000x8xf32>,
    %slice3A_16 = vector.extract_strided_slice %get3A_3 {offsets = [0, 0], sizes = [1000, 64], strides = [1, 1]} : vector<1000x80xf32> to vector<1000x64xf32>
    %slice3A_17 = vector.extract_strided_slice %get3A_8 {offsets = [0, 0], sizes = [1000, 64], strides = [1, 1]} : vector<1000x80xf32> to vector<1000x64xf32>
    %add3A_18 = arith.addf %slice3A_16, %slice3A_17 : vector<1000x64xf32>
    %mul3A = vector.broadcast %div3A_12 : vector<1000x1xf32> to vector<1000x64xf32>
    %mul3A_19 = arith.mulf %add3A_18, %mul3A : vector<1000x64xf32>
    %get3A_20 = arith.constant 0 : index
    %get3A_21 = arith.constant 0 : index
    %get3A_22 = vector.load %arg3[%get3A_20, %get3A_21] : memref<1000x64xf32, #tpu.memory_space<vmem>>, vector<1000x64xf32>
    %get3A_23 = arith.constant 0 : index
    %get3A_24 = arith.constant 0 : index
    %get3A_25 = vector.load %arg5[%get3A_23, %get3A_24] : memref<64x64xf32, #tpu.memory_space<vmem>>, vector<64x64xf32>
    %dot_general3A = arith.constant dense<0.000000e+00> : vector<1000x64xf32>
    %dot_general3A_26 = tpu.matmul %mul3A_19, %get3A_25, %dot_general3A {dimension_numbers = #tpu.dot_dimension_numbers<[1], [0], [0], [1], [0, 0, 1, 1], [], []>, transpose_lhs_hint = false} : vector<1000x64xf32>, vector<64x64xf32>, vector<1000x64xf32> -> vector<1000x64xf32>
    %add3A_27 = arith.addf %get3A_22, %dot_general3A_26 : vector<1000x64xf32>
    %get3A_28 = arith.constant 0 : index
    %get3A_29 = arith.constant 0 : index
    %get3A_30 = vector.load %arg6[%get3A_28, %get3A_29] : memref<1x64xf32, #tpu.memory_space<vmem>>, vector<1x64xf32>
    %add3A_31 = vector.broadcast %get3A_30 : vector<1x64xf32> to vector<1000x64xf32>
    %add3A_32 = arith.addf %add3A_27, %add3A_31 : vector<1000x64xf32>
    %get3A_33 = arith.constant 0 : index
    %get3A_34 = arith.constant 0 : index
    %get3A_35 = vector.load %arg4[%get3A_33, %get3A_34] : memref<1000x64xf32, #tpu.memory_space<vmem>>, vector<1000x64xf32>
    %get3A_36 = arith.constant 0 : index
    %get3A_37 = arith.constant 0 : index
    %get3A_38 = vector.load %arg7[%get3A_36, %get3A_37] : memref<64x64xf32, #tpu.memory_space<vmem>>, vector<64x64xf32>
    %dot_general3A_39 = arith.constant dense<0.000000e+00> : vector<1000x64xf32>
    %dot_general3A_40 = tpu.matmul %get3A_35, %get3A_38, %dot_general3A_39 {dimension_numbers = #tpu.dot_dimension_numbers<[1], [0], [0], [1], [0, 0, 1, 1], [], []>, transpose_lhs_hint = false} : vector<1000x64xf32>, vector<64x64xf32>, vector<1000x64xf32> -> vector<1000x64xf32>
    %add3A_41 = arith.addf %add3A_32, %dot_general3A_40 : vector<1000x64xf32>
    %swap3A_42 = arith.constant 0 : index
    %swap3A_43 = arith.constant 0 : index
    %swap3A_44 = vector.load %arg12[%swap3A_42, %swap3A_43] : memref<1000x64xf32, #tpu.memory_space<vmem>>, vector<1000x64xf32>
    tpu.vector_store %arg12[%swap3A_42, %swap3A_43], %add3A_41 {strides = array<i32>} : memref<1000x64xf32, #tpu.memory_space<vmem>>, vector<1000x64xf32>,
    %get3A_45 = arith.constant 0 : index
    %get3A_46 = arith.constant 0 : index
    %get3A_47 = vector.load %arg8[%get3A_45, %get3A_46] : memref<1x64xf32, #tpu.memory_space<vmem>>, vector<1x64xf32>
    %get3A_48 = arith.constant 0 : index
    %get3A_49 = arith.constant 0 : index
    %get3A_50 = vector.load %arg9[%get3A_48, %get3A_49] : memref<1x64xf32, #tpu.memory_space<vmem>>, vector<1x64xf32>
    %reduce_sum3A = arith.constant dense<0.000000e+00> : vector<1000xf32>
    %reduce_sum3A_51 = vector.multi_reduction <add>, %add3A_41, %reduce_sum3A [1] : vector<1000x64xf32> to vector<1000xf32>
    %broadcast_in_dim3A_52 = vector.shape_cast %reduce_sum3A_51 : vector<1000xf32> to vector<1000x1xf32>
    %div3A_53 = arith.constant 6.400000e+01 : f32
    %div3A_54 = vector.broadcast %div3A_53 : f32 to vector<1000x1xf32>
    %div3A_55 = arith.divf %broadcast_in_dim3A_52, %div3A_54 : vector<1000x1xf32>
    %sub3A = vector.broadcast %div3A_55 : vector<1000x1xf32> to vector<1000x64xf32>
    %sub3A_56 = arith.subf %add3A_41, %sub3A : vector<1000x64xf32>
    %integer_pow3A = arith.mulf %sub3A_56, %sub3A_56 : vector<1000x64xf32>
    %reduce_sum3A_57 = arith.constant dense<0.000000e+00> : vector<1000xf32>
    %reduce_sum3A_58 = vector.multi_reduction <add>, %integer_pow3A, %reduce_sum3A_57 [1] : vector<1000x64xf32> to vector<1000xf32>
    %broadcast_in_dim3A_59 = vector.shape_cast %reduce_sum3A_58 : vector<1000xf32> to vector<1000x1xf32>
    %div3A_60 = arith.constant 6.400000e+01 : f32
    %div3A_61 = vector.broadcast %div3A_60 : f32 to vector<1000x1xf32>
    %div3A_62 = arith.divf %broadcast_in_dim3A_59, %div3A_61 : vector<1000x1xf32>
    %sub3A_63 = vector.broadcast %div3A_55 : vector<1000x1xf32> to vector<1000x64xf32>
    %sub3A_64 = arith.subf %add3A_41, %sub3A_63 : vector<1000x64xf32>
    %add3A_65 = arith.constant 9.99999974E-6 : f32
    %add3A_66 = vector.broadcast %add3A_65 : f32 to vector<1000x1xf32>
    %add3A_67 = arith.addf %div3A_62, %add3A_66 : vector<1000x1xf32>
    %sqrt3A = math.sqrt %add3A_67 : vector<1000x1xf32>
    %div3A_68 = vector.broadcast %sqrt3A : vector<1000x1xf32> to vector<1000x64xf32>
    %div3A_69 = arith.divf %sub3A_64, %div3A_68 : vector<1000x64xf32>
    %mul3A_70 = vector.broadcast %get3A_47 : vector<1x64xf32> to vector<1000x64xf32>
    %mul3A_71 = arith.mulf %div3A_69, %mul3A_70 : vector<1000x64xf32>
    %add3A_72 = vector.broadcast %get3A_50 : vector<1x64xf32> to vector<1000x64xf32>
    %add3A_73 = arith.addf %mul3A_71, %add3A_72 : vector<1000x64xf32>
    %max3A_74 = arith.constant 0.000000e+00 : f32
    %max3A_75 = vector.broadcast %max3A_74 : f32 to vector<1000x64xf32>
    %max3A_76 = arith.maximumf %add3A_73, %max3A_75 : vector<1000x64xf32>
    %swap3A_77 = arith.constant 0 : index
    %swap3A_78 = arith.constant 0 : index
    %swap3A_79 = vector.load %arg13[%swap3A_77, %swap3A_78] : memref<1000x64xf32, #tpu.memory_space<vmem>>, vector<1000x64xf32>
    tpu.vector_store %arg13[%swap3A_77, %swap3A_78], %max3A_76 {strides = array<i32>} : memref<1000x64xf32, #tpu.memory_space<vmem>>, vector<1000x64xf32>,
    %get3A_80 = arith.constant 0 : index
    %get3A_81 = arith.constant 0 : index
    %get3A_82 = vector.load %arg10[%get3A_80, %get3A_81] : memref<64x64xf32, #tpu.memory_space<vmem>>, vector<64x64xf32>
    %dot_general3A_83 = arith.constant dense<0.000000e+00> : vector<1000x64xf32>
    %dot_general3A_84 = tpu.matmul %max3A_76, %get3A_82, %dot_general3A_83 {dimension_numbers = #tpu.dot_dimension_numbers<[1], [0], [0], [1], [0, 0, 1, 1], [], []>, transpose_lhs_hint = false} : vector<1000x64xf32>, vector<64x64xf32>, vector<1000x64xf32> -> vector<1000x64xf32>
    %get3A_85 = arith.constant 0 : index
    %get3A_86 = arith.constant 0 : index
    %get3A_87 = vector.load %arg11[%get3A_85, %get3A_86] : memref<1x64xf32, #tpu.memory_space<vmem>>, vector<1x64xf32>
    %add3A_88 = vector.broadcast %get3A_87 : vector<1x64xf32> to vector<1000x64xf32>
    %add3A_89 = arith.addf %dot_general3A_84, %add3A_88 : vector<1000x64xf32>
    %max3A_90 = arith.constant 0.000000e+00 : f32
    %max3A_91 = vector.broadcast %max3A_90 : f32 to vector<1000x64xf32>
    %max3A_92 = arith.maximumf %add3A_89, %max3A_91 : vector<1000x64xf32>
    %swap3A_93 = arith.constant 0 : index
    %swap3A_94 = arith.constant 0 : index
    %swap3A_95 = vector.load %arg14[%swap3A_93, %swap3A_94] : memref<1000x64xf32, #tpu.memory_space<vmem>>, vector<1000x64xf32>
    tpu.vector_store %arg14[%swap3A_93, %swap3A_94], %max3A_92 {strides = array<i32>} : memref<1000x64xf32, #tpu.memory_space<vmem>>, vector<1000x64xf32>,
    return
  }
  func.func @transform_0(%arg0: i32) -> (i32, i32, i32) {
    %c0_i32 = arith.constant 0 : i32
    %c0_i32_0 = arith.constant 0 : i32
    %c0_i32_1 = arith.constant 0 : i32
    return %c0_i32, %arg0, %c0_i32_0 : i32, i32, i32
  }
  func.func @transform_1(%arg0: i32) -> (i32, i32, i32) {
    %c1_i32 = arith.constant 1 : i32
    %c0_i32 = arith.constant 0 : i32
    %c0_i32_0 = arith.constant 0 : i32
    return %c1_i32, %arg0, %c0_i32 : i32, i32, i32
  }
  func.func @transform_2(%arg0: i32) -> (i32, i32) {
    %c0_i32 = arith.constant 0 : i32
    %c0_i32_0 = arith.constant 0 : i32
    return %arg0, %c0_i32 : i32, i32
  }
  func.func @transform_3(%arg0: i32) -> (i32, i32) {
    %c0_i32 = arith.constant 0 : i32
    %c0_i32_0 = arith.constant 0 : i32
    return %arg0, %c0_i32 : i32, i32
  }
  func.func @transform_4(%arg0: i32) -> (i32, i32) {
    %c0_i32 = arith.constant 0 : i32
    %c0_i32_0 = arith.constant 0 : i32
    %c0_i32_1 = arith.constant 0 : i32
    return %c0_i32, %c0_i32_0 : i32, i32
  }
  func.func @transform_5(%arg0: i32) -> (i32, i32) {
    %c0_i32 = arith.constant 0 : i32
    %c0_i32_0 = arith.constant 0 : i32
    %c0_i32_1 = arith.constant 0 : i32
    return %c0_i32, %c0_i32_0 : i32, i32
  }
  func.func @transform_6(%arg0: i32) -> (i32, i32) {
    %c0_i32 = arith.constant 0 : i32
    %c0_i32_0 = arith.constant 0 : i32
    %c0_i32_1 = arith.constant 0 : i32
    return %c0_i32, %c0_i32_0 : i32, i32
  }
  func.func @transform_7(%arg0: i32) -> (i32, i32) {
    %c0_i32 = arith.constant 0 : i32
    %c0_i32_0 = arith.constant 0 : i32
    %c0_i32_1 = arith.constant 0 : i32
    return %c0_i32, %c0_i32_0 : i32, i32
  }
  func.func @transform_8(%arg0: i32) -> (i32, i32) {
    %c0_i32 = arith.constant 0 : i32
    %c0_i32_0 = arith.constant 0 : i32
    %c0_i32_1 = arith.constant 0 : i32
    return %c0_i32, %c0_i32_0 : i32, i32
  }
  func.func @transform_9(%arg0: i32) -> (i32, i32) {
    %c0_i32 = arith.constant 0 : i32
    %c0_i32_0 = arith.constant 0 : i32
    %c0_i32_1 = arith.constant 0 : i32
    return %c0_i32, %c0_i32_0 : i32, i32
  }
  func.func @transform_10(%arg0: i32) -> (i32, i32) {
    %c0_i32 = arith.constant 0 : i32
    %c0_i32_0 = arith.constant 0 : i32
    %c0_i32_1 = arith.constant 0 : i32
    return %c0_i32, %c0_i32_0 : i32, i32
  }
  func.func @transform_11(%arg0: i32) -> (i32, i32) {
    %c0_i32 = arith.constant 0 : i32
    %c0_i32_0 = arith.constant 0 : i32
    return %arg0, %c0_i32 : i32, i32
  }
  func.func @transform_12(%arg0: i32) -> (i32, i32) {
    %c0_i32 = arith.constant 0 : i32
    %c0_i32_0 = arith.constant 0 : i32
    return %arg0, %c0_i32 : i32, i32
  }
  func.func @transform_13(%arg0: i32) -> (i32, i32) {
    %c0_i32 = arith.constant 0 : i32
    %c0_i32_0 = arith.constant 0 : i32
    return %arg0, %c0_i32 : i32, i32
  }
  func.func @transform_14(%arg0: i32) -> (i32, i32) {
    %c0_i32 = arith.constant 0 : i32
    %c0_i32_0 = arith.constant 0 : i32
    return %arg0, %c0_i32 : i32, i32
  }
}

module attributes {stable_mosaic.version = 14 : i64} {
  func.func @_step_body(%arg0: i32, %arg1: memref<1x1000x64xf32, #tpu.memory_space<vmem>>, %arg2: memref<1x1000x64xf32, #tpu.memory_space<vmem>>, %arg3: memref<1000x8xf32, #tpu.memory_space<vmem>>, %arg4: memref<1000x64xf32, #tpu.memory_space<vmem>>, %arg5: memref<1000x64xf32, #tpu.memory_space<vmem>>, %arg6: memref<64x64xf32, #tpu.memory_space<vmem>>, %arg7: memref<1x64xf32, #tpu.memory_space<vmem>>, %arg8: memref<64x64xf32, #tpu.memory_space<vmem>>, %arg9: memref<1x64xf32, #tpu.memory_space<vmem>>, %arg10: memref<1x64xf32, #tpu.memory_space<vmem>>, %arg11: memref<64x64xf32, #tpu.memory_space<vmem>>, %arg12: memref<1x64xf32, #tpu.memory_space<vmem>>, %arg13: memref<1000x64xf32, #tpu.memory_space<vmem>>, %arg14: memref<1000x64xf32, #tpu.memory_space<vmem>>, %arg15: memref<1000x64xf32, #tpu.memory_space<vmem>>) attributes {dimension_semantics = [#tpu.dimension_semantics<arbitrary>], iteration_bounds = array<i64: 10>, scalar_prefetch = 0 : i64, scratch_operands = 0 : i64, tpu.core_type = #tpu.core_type<tc>, window_params = [{transform_indices = @transform_0, window_bounds = array<i64: 1, 1000, 64>}, {transform_indices = @transform_1, window_bounds = array<i64: 1, 1000, 64>}, {transform_indices = @transform_2, window_bounds = array<i64: 1000, 8>}, {transform_indices = @transform_3, window_bounds = array<i64: 1000, 64>}, {transform_indices = @transform_4, window_bounds = array<i64: 1000, 64>}, {pipeline_mode = #tpu.pipeline_mode<synchronous>, transform_indices = @transform_5, window_bounds = array<i64: 64, 64>}, {pipeline_mode = #tpu.pipeline_mode<synchronous>, transform_indices = @transform_6, window_bounds = array<i64: 1, 64>}, {pipeline_mode = #tpu.pipeline_mode<synchronous>, transform_indices = @transform_7, window_bounds = array<i64: 64, 64>}, {pipeline_mode = #tpu.pipeline_mode<synchronous>, transform_indices = @transform_8, window_bounds = array<i64: 1, 64>}, {pipeline_mode = #tpu.pipeline_mode<synchronous>, transform_indices = @transform_9, window_bounds = array<i64: 1, 64>}, {pipeline_mode = #tpu.pipeline_mode<synchronous>, transform_indices = @transform_10, window_bounds = array<i64: 64, 64>}, {pipeline_mode = #tpu.pipeline_mode<synchronous>, transform_indices = @transform_11, window_bounds = array<i64: 1, 64>}, {transform_indices = @transform_12, window_bounds = array<i64: 1000, 64>}, {transform_indices = @transform_13, window_bounds = array<i64: 1000, 64>}, {transform_indices = @transform_14, window_bounds = array<i64: 1000, 64>}]} {
    %get3A = arith.constant 0 : index
    %get3A_0 = arith.constant 0 : index
    %get3A_1 = arith.constant 0 : index
    %get3A_2 = vector.load %arg1[%get3A, %get3A_0, %get3A_1] : memref<1x1000x64xf32, #tpu.memory_space<vmem>>, vector<1x1000x64xf32>
    %get3A_3 = vector.shape_cast %get3A_2 : vector<1x1000x64xf32> to vector<1000x64xf32>
    %get3A_4 = arith.constant 0 : index
    %get3A_5 = arith.constant 0 : index
    %get3A_6 = arith.constant 0 : index
    %get3A_7 = vector.load %arg2[%get3A_4, %get3A_5, %get3A_6] : memref<1x1000x64xf32, #tpu.memory_space<vmem>>, vector<1x1000x64xf32>
    %get3A_8 = vector.shape_cast %get3A_7 : vector<1x1000x64xf32> to vector<1000x64xf32>
    %add3A = arith.addf %get3A_3, %get3A_8 : vector<1000x64xf32>
    %get3A_9 = arith.constant 0 : index
    %get3A_10 = arith.constant 0 : index
    %get3A_11 = vector.load %arg3[%get3A_9, %get3A_10] : memref<1000x8xf32, #tpu.memory_space<vmem>>, vector<1000x1xf32>
    %mul3A = vector.broadcast %get3A_11 : vector<1000x1xf32> to vector<1000x64xf32>
    %mul3A_12 = arith.mulf %add3A, %mul3A : vector<1000x64xf32>
    %get3A_13 = arith.constant 0 : index
    %get3A_14 = arith.constant 0 : index
    %get3A_15 = vector.load %arg4[%get3A_13, %get3A_14] : memref<1000x64xf32, #tpu.memory_space<vmem>>, vector<1000x64xf32>
    %get3A_16 = arith.constant 0 : index
    %get3A_17 = arith.constant 0 : index
    %get3A_18 = vector.load %arg6[%get3A_16, %get3A_17] : memref<64x64xf32, #tpu.memory_space<vmem>>, vector<64x64xf32>
    %dot_general3A = arith.constant dense<0.000000e+00> : vector<1000x64xf32>
    %dot_general3A_19 = tpu.matmul %mul3A_12, %get3A_18, %dot_general3A {dimension_numbers = #tpu.dot_dimension_numbers<[1], [0], [0], [1], [0, 0, 1, 1], [], []>, transpose_lhs_hint = false} : vector<1000x64xf32>, vector<64x64xf32>, vector<1000x64xf32> -> vector<1000x64xf32>
    %add3A_20 = arith.addf %get3A_15, %dot_general3A_19 : vector<1000x64xf32>
    %get3A_21 = arith.constant 0 : index
    %get3A_22 = arith.constant 0 : index
    %get3A_23 = vector.load %arg7[%get3A_21, %get3A_22] : memref<1x64xf32, #tpu.memory_space<vmem>>, vector<1x64xf32>
    %add3A_24 = vector.broadcast %get3A_23 : vector<1x64xf32> to vector<1000x64xf32>
    %add3A_25 = arith.addf %add3A_20, %add3A_24 : vector<1000x64xf32>
    %get3A_26 = arith.constant 0 : index
    %get3A_27 = arith.constant 0 : index
    %get3A_28 = vector.load %arg5[%get3A_26, %get3A_27] : memref<1000x64xf32, #tpu.memory_space<vmem>>, vector<1000x64xf32>
    %get3A_29 = arith.constant 0 : index
    %get3A_30 = arith.constant 0 : index
    %get3A_31 = vector.load %arg8[%get3A_29, %get3A_30] : memref<64x64xf32, #tpu.memory_space<vmem>>, vector<64x64xf32>
    %dot_general3A_32 = arith.constant dense<0.000000e+00> : vector<1000x64xf32>
    %dot_general3A_33 = tpu.matmul %get3A_28, %get3A_31, %dot_general3A_32 {dimension_numbers = #tpu.dot_dimension_numbers<[1], [0], [0], [1], [0, 0, 1, 1], [], []>, transpose_lhs_hint = false} : vector<1000x64xf32>, vector<64x64xf32>, vector<1000x64xf32> -> vector<1000x64xf32>
    %add3A_34 = arith.addf %add3A_25, %dot_general3A_33 : vector<1000x64xf32>
    %swap3A = arith.constant 0 : index
    %swap3A_35 = arith.constant 0 : index
    %swap3A_36 = vector.load %arg13[%swap3A, %swap3A_35] : memref<1000x64xf32, #tpu.memory_space<vmem>>, vector<1000x64xf32>
    tpu.vector_store %arg13[%swap3A, %swap3A_35], %add3A_34 {strides = array<i32>} : memref<1000x64xf32, #tpu.memory_space<vmem>>, vector<1000x64xf32>,
    %get3A_37 = arith.constant 0 : index
    %get3A_38 = arith.constant 0 : index
    %get3A_39 = vector.load %arg9[%get3A_37, %get3A_38] : memref<1x64xf32, #tpu.memory_space<vmem>>, vector<1x64xf32>
    %get3A_40 = arith.constant 0 : index
    %get3A_41 = arith.constant 0 : index
    %get3A_42 = vector.load %arg10[%get3A_40, %get3A_41] : memref<1x64xf32, #tpu.memory_space<vmem>>, vector<1x64xf32>
    %reduce_sum3A = arith.constant dense<0.000000e+00> : vector<1000xf32>
    %reduce_sum3A_43 = vector.multi_reduction <add>, %add3A_34, %reduce_sum3A [1] : vector<1000x64xf32> to vector<1000xf32>
    %broadcast_in_dim3A = vector.shape_cast %reduce_sum3A_43 : vector<1000xf32> to vector<1000x1xf32>
    %div3A = arith.constant 6.400000e+01 : f32
    %div3A_44 = vector.broadcast %div3A : f32 to vector<1000x1xf32>
    %div3A_45 = arith.divf %broadcast_in_dim3A, %div3A_44 : vector<1000x1xf32>
    %sub3A = vector.broadcast %div3A_45 : vector<1000x1xf32> to vector<1000x64xf32>
    %sub3A_46 = arith.subf %add3A_34, %sub3A : vector<1000x64xf32>
    %integer_pow3A = arith.mulf %sub3A_46, %sub3A_46 : vector<1000x64xf32>
    %reduce_sum3A_47 = arith.constant dense<0.000000e+00> : vector<1000xf32>
    %reduce_sum3A_48 = vector.multi_reduction <add>, %integer_pow3A, %reduce_sum3A_47 [1] : vector<1000x64xf32> to vector<1000xf32>
    %broadcast_in_dim3A_49 = vector.shape_cast %reduce_sum3A_48 : vector<1000xf32> to vector<1000x1xf32>
    %div3A_50 = arith.constant 6.400000e+01 : f32
    %div3A_51 = vector.broadcast %div3A_50 : f32 to vector<1000x1xf32>
    %div3A_52 = arith.divf %broadcast_in_dim3A_49, %div3A_51 : vector<1000x1xf32>
    %sub3A_53 = vector.broadcast %div3A_45 : vector<1000x1xf32> to vector<1000x64xf32>
    %sub3A_54 = arith.subf %add3A_34, %sub3A_53 : vector<1000x64xf32>
    %add3A_55 = arith.constant 9.99999974E-6 : f32
    %add3A_56 = vector.broadcast %add3A_55 : f32 to vector<1000x1xf32>
    %add3A_57 = arith.addf %div3A_52, %add3A_56 : vector<1000x1xf32>
    %sqrt3A = math.sqrt %add3A_57 : vector<1000x1xf32>
    %div3A_58 = vector.broadcast %sqrt3A : vector<1000x1xf32> to vector<1000x64xf32>
    %div3A_59 = arith.divf %sub3A_54, %div3A_58 : vector<1000x64xf32>
    %mul3A_60 = vector.broadcast %get3A_39 : vector<1x64xf32> to vector<1000x64xf32>
    %mul3A_61 = arith.mulf %div3A_59, %mul3A_60 : vector<1000x64xf32>
    %add3A_62 = vector.broadcast %get3A_42 : vector<1x64xf32> to vector<1000x64xf32>
    %add3A_63 = arith.addf %mul3A_61, %add3A_62 : vector<1000x64xf32>
    %max3A = arith.constant 0.000000e+00 : f32
    %max3A_64 = vector.broadcast %max3A : f32 to vector<1000x64xf32>
    %max3A_65 = arith.maximumf %add3A_63, %max3A_64 : vector<1000x64xf32>
    %swap3A_66 = arith.constant 0 : index
    %swap3A_67 = arith.constant 0 : index
    %swap3A_68 = vector.load %arg14[%swap3A_66, %swap3A_67] : memref<1000x64xf32, #tpu.memory_space<vmem>>, vector<1000x64xf32>
    tpu.vector_store %arg14[%swap3A_66, %swap3A_67], %max3A_65 {strides = array<i32>} : memref<1000x64xf32, #tpu.memory_space<vmem>>, vector<1000x64xf32>,
    %get3A_69 = arith.constant 0 : index
    %get3A_70 = arith.constant 0 : index
    %get3A_71 = vector.load %arg11[%get3A_69, %get3A_70] : memref<64x64xf32, #tpu.memory_space<vmem>>, vector<64x64xf32>
    %dot_general3A_72 = arith.constant dense<0.000000e+00> : vector<1000x64xf32>
    %dot_general3A_73 = tpu.matmul %max3A_65, %get3A_71, %dot_general3A_72 {dimension_numbers = #tpu.dot_dimension_numbers<[1], [0], [0], [1], [0, 0, 1, 1], [], []>, transpose_lhs_hint = false} : vector<1000x64xf32>, vector<64x64xf32>, vector<1000x64xf32> -> vector<1000x64xf32>
    %get3A_74 = arith.constant 0 : index
    %get3A_75 = arith.constant 0 : index
    %get3A_76 = vector.load %arg12[%get3A_74, %get3A_75] : memref<1x64xf32, #tpu.memory_space<vmem>>, vector<1x64xf32>
    %add3A_77 = vector.broadcast %get3A_76 : vector<1x64xf32> to vector<1000x64xf32>
    %add3A_78 = arith.addf %dot_general3A_73, %add3A_77 : vector<1000x64xf32>
    %max3A_79 = arith.constant 0.000000e+00 : f32
    %max3A_80 = vector.broadcast %max3A_79 : f32 to vector<1000x64xf32>
    %max3A_81 = arith.maximumf %add3A_78, %max3A_80 : vector<1000x64xf32>
    %swap3A_82 = arith.constant 0 : index
    %swap3A_83 = arith.constant 0 : index
    %swap3A_84 = vector.load %arg15[%swap3A_82, %swap3A_83] : memref<1000x64xf32, #tpu.memory_space<vmem>>, vector<1000x64xf32>
    tpu.vector_store %arg15[%swap3A_82, %swap3A_83], %max3A_81 {strides = array<i32>} : memref<1000x64xf32, #tpu.memory_space<vmem>>, vector<1000x64xf32>,
    return
  }
  func.func @transform_0(%arg0: i32) -> (i32, i32, i32) {
    %c0_i32 = arith.constant 0 : i32
    %c0_i32_0 = arith.constant 0 : i32
    %c0_i32_1 = arith.constant 0 : i32
    return %c0_i32, %arg0, %c0_i32_0 : i32, i32, i32
  }
  func.func @transform_1(%arg0: i32) -> (i32, i32, i32) {
    %c1_i32 = arith.constant 1 : i32
    %c0_i32 = arith.constant 0 : i32
    %c0_i32_0 = arith.constant 0 : i32
    return %c1_i32, %arg0, %c0_i32 : i32, i32, i32
  }
  func.func @transform_2(%arg0: i32) -> (i32, i32) {
    %c0_i32 = arith.constant 0 : i32
    %c0_i32_0 = arith.constant 0 : i32
    return %arg0, %c0_i32 : i32, i32
  }
  func.func @transform_3(%arg0: i32) -> (i32, i32) {
    %c0_i32 = arith.constant 0 : i32
    %c0_i32_0 = arith.constant 0 : i32
    return %arg0, %c0_i32 : i32, i32
  }
  func.func @transform_4(%arg0: i32) -> (i32, i32) {
    %c0_i32 = arith.constant 0 : i32
    %c0_i32_0 = arith.constant 0 : i32
    return %arg0, %c0_i32 : i32, i32
  }
  func.func @transform_5(%arg0: i32) -> (i32, i32) {
    %c0_i32 = arith.constant 0 : i32
    %c0_i32_0 = arith.constant 0 : i32
    %c0_i32_1 = arith.constant 0 : i32
    return %c0_i32, %c0_i32_0 : i32, i32
  }
  func.func @transform_6(%arg0: i32) -> (i32, i32) {
    %c0_i32 = arith.constant 0 : i32
    %c0_i32_0 = arith.constant 0 : i32
    %c0_i32_1 = arith.constant 0 : i32
    return %c0_i32, %c0_i32_0 : i32, i32
  }
  func.func @transform_7(%arg0: i32) -> (i32, i32) {
    %c0_i32 = arith.constant 0 : i32
    %c0_i32_0 = arith.constant 0 : i32
    %c0_i32_1 = arith.constant 0 : i32
    return %c0_i32, %c0_i32_0 : i32, i32
  }
  func.func @transform_8(%arg0: i32) -> (i32, i32) {
    %c0_i32 = arith.constant 0 : i32
    %c0_i32_0 = arith.constant 0 : i32
    %c0_i32_1 = arith.constant 0 : i32
    return %c0_i32, %c0_i32_0 : i32, i32
  }
  func.func @transform_9(%arg0: i32) -> (i32, i32) {
    %c0_i32 = arith.constant 0 : i32
    %c0_i32_0 = arith.constant 0 : i32
    %c0_i32_1 = arith.constant 0 : i32
    return %c0_i32, %c0_i32_0 : i32, i32
  }
  func.func @transform_10(%arg0: i32) -> (i32, i32) {
    %c0_i32 = arith.constant 0 : i32
    %c0_i32_0 = arith.constant 0 : i32
    %c0_i32_1 = arith.constant 0 : i32
    return %c0_i32, %c0_i32_0 : i32, i32
  }
  func.func @transform_11(%arg0: i32) -> (i32, i32) {
    %c0_i32 = arith.constant 0 : i32
    %c0_i32_0 = arith.constant 0 : i32
    %c0_i32_1 = arith.constant 0 : i32
    return %c0_i32, %c0_i32_0 : i32, i32
  }
  func.func @transform_12(%arg0: i32) -> (i32, i32) {
    %c0_i32 = arith.constant 0 : i32
    %c0_i32_0 = arith.constant 0 : i32
    return %arg0, %c0_i32 : i32, i32
  }
  func.func @transform_13(%arg0: i32) -> (i32, i32) {
    %c0_i32 = arith.constant 0 : i32
    %c0_i32_0 = arith.constant 0 : i32
    return %arg0, %c0_i32 : i32, i32
  }
  func.func @transform_14(%arg0: i32) -> (i32, i32) {
    %c0_i32 = arith.constant 0 : i32
    %c0_i32_0 = arith.constant 0 : i32
    return %arg0, %c0_i32 : i32, i32
  }
}

module attributes {stable_mosaic.version = 14 : i64} {
  func.func @_tail_body(%arg0: i32, %arg1: memref<1x1000x64xf32, #tpu.memory_space<vmem>>, %arg2: memref<1x1000x64xf32, #tpu.memory_space<vmem>>, %arg3: memref<1000x8xf32, #tpu.memory_space<vmem>>, %arg4: memref<1000x64xf32, #tpu.memory_space<vmem>>, %arg5: memref<1000x64xf32, #tpu.memory_space<vmem>>, %arg6: memref<64x64xf32, #tpu.memory_space<vmem>>, %arg7: memref<1x64xf32, #tpu.memory_space<vmem>>, %arg8: memref<64x64xf32, #tpu.memory_space<vmem>>, %arg9: memref<1000x64xf32, #tpu.memory_space<vmem>>, %arg10: memref<1x128xf32, #tpu.memory_space<vmem>>, %arg11: memref<1x128xf32, #tpu.memory_space<vmem>>, %arg12: memref<128x64xf32, #tpu.memory_space<vmem>>, %arg13: memref<1x64xf32, #tpu.memory_space<vmem>>, %arg14: memref<1000x64xf32, #tpu.memory_space<vmem>>) attributes {dimension_semantics = [#tpu.dimension_semantics<arbitrary>], iteration_bounds = array<i64: 10>, scalar_prefetch = 0 : i64, scratch_operands = 0 : i64, tpu.core_type = #tpu.core_type<tc>, window_params = [{transform_indices = @transform_0, window_bounds = array<i64: 1, 1000, 64>}, {transform_indices = @transform_1, window_bounds = array<i64: 1, 1000, 64>}, {transform_indices = @transform_2, window_bounds = array<i64: 1000, 8>}, {transform_indices = @transform_3, window_bounds = array<i64: 1000, 64>}, {transform_indices = @transform_4, window_bounds = array<i64: 1000, 64>}, {pipeline_mode = #tpu.pipeline_mode<synchronous>, transform_indices = @transform_5, window_bounds = array<i64: 64, 64>}, {pipeline_mode = #tpu.pipeline_mode<synchronous>, transform_indices = @transform_6, window_bounds = array<i64: 1, 64>}, {pipeline_mode = #tpu.pipeline_mode<synchronous>, transform_indices = @transform_7, window_bounds = array<i64: 64, 64>}, {transform_indices = @transform_8, window_bounds = array<i64: 1000, 64>}, {pipeline_mode = #tpu.pipeline_mode<synchronous>, transform_indices = @transform_9, window_bounds = array<i64: 1, 128>}, {pipeline_mode = #tpu.pipeline_mode<synchronous>, transform_indices = @transform_10, window_bounds = array<i64: 1, 128>}, {pipeline_mode = #tpu.pipeline_mode<synchronous>, transform_indices = @transform_11, window_bounds = array<i64: 128, 64>}, {pipeline_mode = #tpu.pipeline_mode<synchronous>, transform_indices = @transform_12, window_bounds = array<i64: 1, 64>}, {transform_indices = @transform_13, window_bounds = array<i64: 1000, 64>}]} {
    %get3A = arith.constant 0 : index
    %get3A_0 = arith.constant 0 : index
    %get3A_1 = arith.constant 0 : index
    %get3A_2 = vector.load %arg1[%get3A, %get3A_0, %get3A_1] : memref<1x1000x64xf32, #tpu.memory_space<vmem>>, vector<1x1000x64xf32>
    %get3A_3 = vector.shape_cast %get3A_2 : vector<1x1000x64xf32> to vector<1000x64xf32>
    %get3A_4 = arith.constant 0 : index
    %get3A_5 = arith.constant 0 : index
    %get3A_6 = arith.constant 0 : index
    %get3A_7 = vector.load %arg2[%get3A_4, %get3A_5, %get3A_6] : memref<1x1000x64xf32, #tpu.memory_space<vmem>>, vector<1x1000x64xf32>
    %get3A_8 = vector.shape_cast %get3A_7 : vector<1x1000x64xf32> to vector<1000x64xf32>
    %add3A = arith.addf %get3A_3, %get3A_8 : vector<1000x64xf32>
    %get3A_9 = arith.constant 0 : index
    %get3A_10 = arith.constant 0 : index
    %get3A_11 = vector.load %arg3[%get3A_9, %get3A_10] : memref<1000x8xf32, #tpu.memory_space<vmem>>, vector<1000x1xf32>
    %mul3A = vector.broadcast %get3A_11 : vector<1000x1xf32> to vector<1000x64xf32>
    %mul3A_12 = arith.mulf %add3A, %mul3A : vector<1000x64xf32>
    %get3A_13 = arith.constant 0 : index
    %get3A_14 = arith.constant 0 : index
    %get3A_15 = vector.load %arg4[%get3A_13, %get3A_14] : memref<1000x64xf32, #tpu.memory_space<vmem>>, vector<1000x64xf32>
    %get3A_16 = arith.constant 0 : index
    %get3A_17 = arith.constant 0 : index
    %get3A_18 = vector.load %arg6[%get3A_16, %get3A_17] : memref<64x64xf32, #tpu.memory_space<vmem>>, vector<64x64xf32>
    %dot_general3A = arith.constant dense<0.000000e+00> : vector<1000x64xf32>
    %dot_general3A_19 = tpu.matmul %mul3A_12, %get3A_18, %dot_general3A {dimension_numbers = #tpu.dot_dimension_numbers<[1], [0], [0], [1], [0, 0, 1, 1], [], []>, transpose_lhs_hint = false} : vector<1000x64xf32>, vector<64x64xf32>, vector<1000x64xf32> -> vector<1000x64xf32>
    %add3A_20 = arith.addf %get3A_15, %dot_general3A_19 : vector<1000x64xf32>
    %get3A_21 = arith.constant 0 : index
    %get3A_22 = arith.constant 0 : index
    %get3A_23 = vector.load %arg7[%get3A_21, %get3A_22] : memref<1x64xf32, #tpu.memory_space<vmem>>, vector<1x64xf32>
    %add3A_24 = vector.broadcast %get3A_23 : vector<1x64xf32> to vector<1000x64xf32>
    %add3A_25 = arith.addf %add3A_20, %add3A_24 : vector<1000x64xf32>
    %get3A_26 = arith.constant 0 : index
    %get3A_27 = arith.constant 0 : index
    %get3A_28 = vector.load %arg5[%get3A_26, %get3A_27] : memref<1000x64xf32, #tpu.memory_space<vmem>>, vector<1000x64xf32>
    %get3A_29 = arith.constant 0 : index
    %get3A_30 = arith.constant 0 : index
    %get3A_31 = vector.load %arg8[%get3A_29, %get3A_30] : memref<64x64xf32, #tpu.memory_space<vmem>>, vector<64x64xf32>
    %dot_general3A_32 = arith.constant dense<0.000000e+00> : vector<1000x64xf32>
    %dot_general3A_33 = tpu.matmul %get3A_28, %get3A_31, %dot_general3A_32 {dimension_numbers = #tpu.dot_dimension_numbers<[1], [0], [0], [1], [0, 0, 1, 1], [], []>, transpose_lhs_hint = false} : vector<1000x64xf32>, vector<64x64xf32>, vector<1000x64xf32> -> vector<1000x64xf32>
    %add3A_34 = arith.addf %add3A_25, %dot_general3A_33 : vector<1000x64xf32>
    %get3A_35 = arith.constant 0 : index
    %get3A_36 = arith.constant 0 : index
    %get3A_37 = vector.load %arg9[%get3A_35, %get3A_36] : memref<1000x64xf32, #tpu.memory_space<vmem>>, vector<1000x64xf32>
    %concatenate3A = tpu.concatenate %get3A_37, %add3A_34 in 1 : vector<1000x64xf32>, vector<1000x64xf32> -> vector<1000x128xf32>
    %get3A_38 = arith.constant 0 : index
    %get3A_39 = arith.constant 0 : index
    %get3A_40 = vector.load %arg10[%get3A_38, %get3A_39] : memref<1x128xf32, #tpu.memory_space<vmem>>, vector<1x128xf32>
    %get3A_41 = arith.constant 0 : index
    %get3A_42 = arith.constant 0 : index
    %get3A_43 = vector.load %arg11[%get3A_41, %get3A_42] : memref<1x128xf32, #tpu.memory_space<vmem>>, vector<1x128xf32>
    %reduce_sum3A = arith.constant dense<0.000000e+00> : vector<1000xf32>
    %reduce_sum3A_44 = vector.multi_reduction <add>, %concatenate3A, %reduce_sum3A [1] : vector<1000x128xf32> to vector<1000xf32>
    %broadcast_in_dim3A = vector.shape_cast %reduce_sum3A_44 : vector<1000xf32> to vector<1000x1xf32>
    %div3A = arith.constant 1.280000e+02 : f32
    %div3A_45 = vector.broadcast %div3A : f32 to vector<1000x1xf32>
    %div3A_46 = arith.divf %broadcast_in_dim3A, %div3A_45 : vector<1000x1xf32>
    %sub3A = vector.broadcast %div3A_46 : vector<1000x1xf32> to vector<1000x128xf32>
    %sub3A_47 = arith.subf %concatenate3A, %sub3A : vector<1000x128xf32>
    %integer_pow3A = arith.mulf %sub3A_47, %sub3A_47 : vector<1000x128xf32>
    %reduce_sum3A_48 = arith.constant dense<0.000000e+00> : vector<1000xf32>
    %reduce_sum3A_49 = vector.multi_reduction <add>, %integer_pow3A, %reduce_sum3A_48 [1] : vector<1000x128xf32> to vector<1000xf32>
    %broadcast_in_dim3A_50 = vector.shape_cast %reduce_sum3A_49 : vector<1000xf32> to vector<1000x1xf32>
    %div3A_51 = arith.constant 1.280000e+02 : f32
    %div3A_52 = vector.broadcast %div3A_51 : f32 to vector<1000x1xf32>
    %div3A_53 = arith.divf %broadcast_in_dim3A_50, %div3A_52 : vector<1000x1xf32>
    %sub3A_54 = vector.broadcast %div3A_46 : vector<1000x1xf32> to vector<1000x128xf32>
    %sub3A_55 = arith.subf %concatenate3A, %sub3A_54 : vector<1000x128xf32>
    %add3A_56 = arith.constant 9.99999974E-6 : f32
    %add3A_57 = vector.broadcast %add3A_56 : f32 to vector<1000x1xf32>
    %add3A_58 = arith.addf %div3A_53, %add3A_57 : vector<1000x1xf32>
    %sqrt3A = math.sqrt %add3A_58 : vector<1000x1xf32>
    %div3A_59 = vector.broadcast %sqrt3A : vector<1000x1xf32> to vector<1000x128xf32>
    %div3A_60 = arith.divf %sub3A_55, %div3A_59 : vector<1000x128xf32>
    %mul3A_61 = vector.broadcast %get3A_40 : vector<1x128xf32> to vector<1000x128xf32>
    %mul3A_62 = arith.mulf %div3A_60, %mul3A_61 : vector<1000x128xf32>
    %add3A_63 = vector.broadcast %get3A_43 : vector<1x128xf32> to vector<1000x128xf32>
    %add3A_64 = arith.addf %mul3A_62, %add3A_63 : vector<1000x128xf32>
    %max3A = arith.constant 0.000000e+00 : f32
    %max3A_65 = vector.broadcast %max3A : f32 to vector<1000x128xf32>
    %max3A_66 = arith.maximumf %add3A_64, %max3A_65 : vector<1000x128xf32>
    %get3A_67 = arith.constant 0 : index
    %get3A_68 = arith.constant 0 : index
    %get3A_69 = vector.load %arg12[%get3A_67, %get3A_68] : memref<128x64xf32, #tpu.memory_space<vmem>>, vector<128x64xf32>
    %dot_general3A_70 = arith.constant dense<0.000000e+00> : vector<1000x64xf32>
    %dot_general3A_71 = tpu.matmul %max3A_66, %get3A_69, %dot_general3A_70 {dimension_numbers = #tpu.dot_dimension_numbers<[1], [0], [0], [1], [0, 0, 1, 1], [], []>, transpose_lhs_hint = false} : vector<1000x128xf32>, vector<128x64xf32>, vector<1000x64xf32> -> vector<1000x64xf32>
    %get3A_72 = arith.constant 0 : index
    %get3A_73 = arith.constant 0 : index
    %get3A_74 = vector.load %arg13[%get3A_72, %get3A_73] : memref<1x64xf32, #tpu.memory_space<vmem>>, vector<1x64xf32>
    %add3A_75 = vector.broadcast %get3A_74 : vector<1x64xf32> to vector<1000x64xf32>
    %add3A_76 = arith.addf %dot_general3A_71, %add3A_75 : vector<1000x64xf32>
    %swap3A = arith.constant 0 : index
    %swap3A_77 = arith.constant 0 : index
    %swap3A_78 = vector.load %arg14[%swap3A, %swap3A_77] : memref<1000x64xf32, #tpu.memory_space<vmem>>, vector<1000x64xf32>
    tpu.vector_store %arg14[%swap3A, %swap3A_77], %add3A_76 {strides = array<i32>} : memref<1000x64xf32, #tpu.memory_space<vmem>>, vector<1000x64xf32>,
    return
  }
  func.func @transform_0(%arg0: i32) -> (i32, i32, i32) {
    %c0_i32 = arith.constant 0 : i32
    %c0_i32_0 = arith.constant 0 : i32
    %c0_i32_1 = arith.constant 0 : i32
    return %c0_i32, %arg0, %c0_i32_0 : i32, i32, i32
  }
  func.func @transform_1(%arg0: i32) -> (i32, i32, i32) {
    %c1_i32 = arith.constant 1 : i32
    %c0_i32 = arith.constant 0 : i32
    %c0_i32_0 = arith.constant 0 : i32
    return %c1_i32, %arg0, %c0_i32 : i32, i32, i32
  }
  func.func @transform_2(%arg0: i32) -> (i32, i32) {
    %c0_i32 = arith.constant 0 : i32
    %c0_i32_0 = arith.constant 0 : i32
    return %arg0, %c0_i32 : i32, i32
  }
  func.func @transform_3(%arg0: i32) -> (i32, i32) {
    %c0_i32 = arith.constant 0 : i32
    %c0_i32_0 = arith.constant 0 : i32
    return %arg0, %c0_i32 : i32, i32
  }
  func.func @transform_4(%arg0: i32) -> (i32, i32) {
    %c0_i32 = arith.constant 0 : i32
    %c0_i32_0 = arith.constant 0 : i32
    return %arg0, %c0_i32 : i32, i32
  }
  func.func @transform_5(%arg0: i32) -> (i32, i32) {
    %c0_i32 = arith.constant 0 : i32
    %c0_i32_0 = arith.constant 0 : i32
    %c0_i32_1 = arith.constant 0 : i32
    return %c0_i32, %c0_i32_0 : i32, i32
  }
  func.func @transform_6(%arg0: i32) -> (i32, i32) {
    %c0_i32 = arith.constant 0 : i32
    %c0_i32_0 = arith.constant 0 : i32
    %c0_i32_1 = arith.constant 0 : i32
    return %c0_i32, %c0_i32_0 : i32, i32
  }
  func.func @transform_7(%arg0: i32) -> (i32, i32) {
    %c0_i32 = arith.constant 0 : i32
    %c0_i32_0 = arith.constant 0 : i32
    %c0_i32_1 = arith.constant 0 : i32
    return %c0_i32, %c0_i32_0 : i32, i32
  }
  func.func @transform_8(%arg0: i32) -> (i32, i32) {
    %c0_i32 = arith.constant 0 : i32
    %c0_i32_0 = arith.constant 0 : i32
    return %arg0, %c0_i32 : i32, i32
  }
  func.func @transform_9(%arg0: i32) -> (i32, i32) {
    %c0_i32 = arith.constant 0 : i32
    %c0_i32_0 = arith.constant 0 : i32
    %c0_i32_1 = arith.constant 0 : i32
    return %c0_i32, %c0_i32_0 : i32, i32
  }
  func.func @transform_10(%arg0: i32) -> (i32, i32) {
    %c0_i32 = arith.constant 0 : i32
    %c0_i32_0 = arith.constant 0 : i32
    %c0_i32_1 = arith.constant 0 : i32
    return %c0_i32, %c0_i32_0 : i32, i32
  }
  func.func @transform_11(%arg0: i32) -> (i32, i32) {
    %c0_i32 = arith.constant 0 : i32
    %c0_i32_0 = arith.constant 0 : i32
    %c0_i32_1 = arith.constant 0 : i32
    return %c0_i32, %c0_i32_0 : i32, i32
  }
  func.func @transform_12(%arg0: i32) -> (i32, i32) {
    %c0_i32 = arith.constant 0 : i32
    %c0_i32_0 = arith.constant 0 : i32
    %c0_i32_1 = arith.constant 0 : i32
    return %c0_i32, %c0_i32_0 : i32, i32
  }
  func.func @transform_13(%arg0: i32) -> (i32, i32) {
    %c0_i32 = arith.constant 0 : i32
    %c0_i32_0 = arith.constant 0 : i32
    return %arg0, %c0_i32 : i32, i32
  }
}

</mosaic_0001>

<sc_bundles>
// kernel: kernel.15.cloned.1.call-start
scs
__scs_entry_jumppad:
0x0: {  	(pc) =	sbr.rel $0x88, $3  }
0x1: {  	(tag) =	ssettag $0x0;
	lr =	simm.s32 $0x1  }
0x2: {  	[smem:$0x3F92] =	sst lr;
	_ =	strace $0xD0000000  }
0x3: {  	_ = 	snop  }
0x4: {  	_ = 	snop  }
0x5: {  	_ = 	snop  }
0x6: {  	_ = 	snop  }
0x7: {  	_ = 	snop  }
__scs_overlays_trampoline_lowered:
0x8: {  	[smem:$0x3FA1] =	sst s0  }
0x9: {  	[smem:$0x3FA2] =	sst s1  }
0xa: {  	[smem:$0x3FA3] =	sst s2  }
0xb: {  	[smem:$0x3FA4] =	sst s3  }
0xc: {  	[smem:$0x3FA5] =	sst s4  }
0xd: {  	[smem:$0x3FA6] =	sst s5  }
0xe: {  	[smem:$0x3FA7] =	sst s6  }
0xf: {  	[smem:$0x3FA8] =	sst s7  }
0x10: {  	[smem:$0x3FA9] =	sst s8  }
0x11: {  	[smem:$0x3FAA] =	sst s9;
	s0 =	simm.s32 @!p0 $0x0  }
0x12: {  	s1 =	sld [smem:$0x3F90];
	s0 =	simm.s32 @p0 $0x1  }
0x13: {  	[smem:$0x3FAB] =	sst s0;
	s0 =	simm.s32 @!p1 $0x0  }
0x14: {  	s2 =	sld [smem:$0x3F8F];
	s0 =	simm.s32 @p1 $0x1  }
0x15: {  	[smem:$0x3FAC] =	sst s0;
	s0 =	simm.s32 @!p2 $0x0  }
0x16: {  	s3 =	sld [smem:$0x3FDB];
	s0 =	simm.s32 @p2 $0x1  }
0x17: {  	s4 =	simm.s32 $0x1BF5;
	[smem:$0x3FAE] =	sst s0  }
0x18: {  	s0 =	sld [smem:$0x3F91];
	_ =	swait.ge [sflag:s4], $0x0  }
0x19: {  	s7 =	sld [smem:$0x3F92]  }
0x1a: {  	s8 =	sadd.s32 $0xFFFFE003, lr  }
0x1b: {  	s9 =	sadd.s32 $0xFFFFFEF7, lr;
	s5 =	simm.s32 $0xFFFFFFFF;
	p2 =	slt.u32 s8, $0xFFFFF086  }
0x1c: {  	p1 =	slt.u32 s9, $0xF7A;
	s5 =	simm.s32 @!p2 $0x0  }
0x1d: {  	s5 =	simm.s32 @p1 $0x1;
	p0 =	seq.s32 s7, s2  }
0x1e: {  	s7 =	smul.u32 @!p0 $0xF7A, s2;
	p2 =	seq.s32 @!p0 s5, $0x0  }
0x1f: {  	s9 =	smul.u32 $0xF7A, s1;
	s8 =	simm.s32 @!p0 $0x1BF5;
	p2 =	por !p2, p0  }
0x20: {  	[sflag:s8] =	ssyncset.s32 @!p0 $0xFFFFF086;
	s6 =	sadd.s32 @!p0 s3, s7;
	s7 =	simm.s32 @!p0 $0x108  }
0x21: {  	s3 =	sadd.s32 s3, s9;
	s6 =	sadd.s32 @!p0 $0x88, s6;
	s7 =	simm.s32 @p2 $0x1082  }
0x22: {  	[simem:s7], [sflag:s8] =	dma.local @!p0 [hbm:s6], $0xF7A  }
0x23: {  	s9 =	sor.u32 $0xD0000000, s2;
	s6 =	simm.s32 $0x108;
	_ =	swait.ge @!p0 [sflag:s8], $0x0  }
0x24: {  	s3 =	sadd.s32 $0x88, s3;
	s6 =	simm.s32 @!p1 $0x1082;
	[sflag:s4] =	ssyncset.s32 $0xFFFFF086  }
0x25: {  	[simem:s6], [sflag:s4] =	dma.local [hbm:s3], $0xF7A  }
0x26: {  	[smem:$0x3F92] =	sst s1;
	(tag) =	ssettag s2;
	_ =	strace s9  }
0x27: {  	s1 =	sld [smem:$0x3FA2]  }
0x28: {  	s2 =	sld [smem:$0x3FA3]  }
0x29: {  	s4 =	sld [smem:$0x3FA5]  }
0x2a: {  	p0 =	seq.s32 s5, $0x0;
	s5 =	sld [smem:$0x3FA6]  }
0x2b: {  	s6 =	sld [smem:$0x3FA7]  }
0x2c: {  	s7 =	sld [smem:$0x3FA8]  }
0x2d: {  	s3 =	simm.s32 $0x108;
	s8 =	sld [smem:$0x3FA9]  }
0x2e: {  	s3 =	simm.s32 @!p0 $0x1082;
	s9 =	sld [smem:$0x3FAA]  }
0x2f: {  	lr =	sadd.s32 s0, s3;
	s0 =	sld [smem:$0x3FA1]  }
0x30: {  	s3 =	sld [smem:$0x3FA4]  }
0x31: {  	[smem:$0x3FAD] =	sst s10  }
0x32: {  	s10 =	sld [smem:$0x3FAB];
	_ =	sdelay $0x3  }
0x33: {  	p0 =	seq.s32 s10, $0x1;
	s10 =	sld [smem:$0x3FAD];
	_ =	sdelay $0x3  }
0x34: {  	[smem:$0x3FAD] =	sst s10  }
0x35: {  	s10 =	sld [smem:$0x3FAC];
	_ =	sdelay $0x3  }
0x36: {  	p1 =	seq.s32 s10, $0x1;
	s10 =	sld [smem:$0x3FAD];
	_ =	sdelay $0x3  }
0x37: {  	[smem:$0x3FAD] =	sst s10  }
0x38: {  	s10 =	sld [smem:$0x3FAE]  }
0x39: {  	_ = 	snop;
	(pc) =	sbr.ind lr, $3  }
0x3a: {  	_ = 	snop  }
0x3b: {  	_ = 	snop  }
0x3c: {  	p2 =	seq.s32 s10, $0x1;
	s10 =	sld [smem:$0x3FAD]  }
0x3d: {  	_ =	shalt  }
0x3e: {  	_ =	shalt  }
0x3f: {  	_ =	shalt  }
0x40: {  	_ =	shalt  }
0x41: {  	_ =	shalt  }
0x42: {  	_ =	shalt  }
0x43: {  	_ =	shalt  }
0x44: {  	_ =	shalt  }
0x45: {  	_ =	shalt  }
0x46: {  	_ =	shalt  }
0x47: {  	_ =	shalt  }
0x48: {  	_ =	shalt  }
0x49: {  	_ =	shalt  }
0x4a: {  	_ =	shalt  }
0x4b: {  	_ =	shalt  }
0x4c: {  	_ =	shalt  }
0x4d: {  	_ =	shalt  }
0x4e: {  	_ =	shalt  }
0x4f: {  	_ =	shalt  }
0x50: {  	_ =	shalt  }
0x51: {  	_ =	shalt  }
0x52: {  	_ =	shalt  }
0x53: {  	_ =	shalt  }
0x54: {  	_ =	shalt  }
0x55: {  	_ =	shalt  }
0x56: {  	_ =	shalt  }
0x57: {  	_ =	shalt  }
0x58: {  	_ =	shalt  }
0x59: {  	_ =	shalt  }
0x5a: {  	_ =	shalt  }
0x5b: {  	_ =	shalt  }
0x5c: {  	_ =	shalt  }
0x5d: {  	_ =	shalt  }
0x5e: {  	_ =	shalt  }
0x5f: {  	_ =	shalt  }
0x60: {  	_ =	shalt  }
0x61: {  	_ =	shalt  }
0x62: {  	_ =	shalt  }
0x63: {  	_ =	shalt  }
0x64: {  	_ =	shalt  }
0x65: {  	_ =	shalt  }
0x66: {  	_ =	shalt  }
0x67: {  	_ =	shalt  }
0x68: {  	_ =	shalt  }
0x69: {  	_ =	shalt  }
0x6a: {  	_ =	shalt  }
0x6b: {  	_ =	shalt  }
0x6c: {  	_ =	shalt  }
0x6d: {  	_ =	shalt  }
0x6e: {  	_ =	shalt  }
0x6f: {  	_ =	shalt  }
0x70: {  	_ =	shalt  }
0x71: {  	_ =	shalt  }
0x72: {  	_ =	shalt  }
0x73: {  	_ =	shalt  }
0x74: {  	_ =	shalt  }
0x75: {  	_ =	shalt  }
0x76: {  	_ =	shalt  }
0x77: {  	_ =	shalt  }
0x78: {  	_ =	shalt  }
0x79: {  	_ =	shalt  }
0x7a: {  	_ =	shalt  }
0x7b: {  	_ =	shalt  }
0x7c: {  	_ =	shalt  }
0x7d: {  	_ =	shalt  }
0x7e: {  	_ =	shalt  }
0x7f: {  	_ =	shalt  }
0x80: {  	_ =	shalt  }
0x81: {  	_ =	shalt  }
0x82: {  	_ =	shalt  }
0x83: {  	_ =	shalt  }
0x84: {  	_ =	shalt  }
0x85: {  	_ =	shalt  }
0x86: {  	_ =	shalt  }
0x87: {  	_ =	shalt  }
.Lfunc_end0:
.L_simem_size_0:
called_computation_lowered:
.L_overlay_start_0:
0x88: {  	s2 =	sld [smem:$0x3FD9]  }
0x89: {  	s3 =	sld [smem:$0x3FFE];
	_ =	sdelay $0x1  }
0x8a: {  	s1 =	srdreg.scid  }
0x8b: {  	s0 =	sand.u32 $0x1, s1  }
0x8c: {  	s17 =	sshll.u32 s0, $0xA;
	s2 =	sadd.s32 s3, s2  }
0x8d: {  	s2 =	sadd.s32 s2, s17  }
0x8e: {  	[smem:$0x3FB9] =	sst s2  }
0x8f: {  	_ = 	snop  }
0x90: {  	s2 =	sld [smem:$0x3FD0];
	(tm) =	ssettm $0x1  }
0x91: {  	s18 =	sld [smem:$0x3FFB];
	_ =	sdelay $0x3  }
0x92: {  	_ =	strace s18  }
0x93: {  	s3 =	sld [smem:$0x3FFC];
	_ =	sdelay $0x3  }
0x94: {  	_ =	strace s3  }
0x95: {  	s3 =	sld [smem:$0x3FFD];
	_ =	sdelay $0x3  }
0x96: {  	_ =	strace s3  }
0x97: {  	_ =	strace $0x8FFFFFFF  }
0x98: {  	s19 =	sld [smem:$0x3FDB];
	_ =	sdelay $0x1  }
0x99: {  	s4 =	simm.s32 $_scs_section_size  }
0x9a: {  	s5 =	simm.s32 $_size__tile_overlayer_lowered;
	s6 =	simm.s32 $_tile_overlayer_lowered  }
0x9b: {  	s22 =	simm.s32 $0x1BFF;
	s21 =	sshll.u32 s6, $0x1;
	s3 =	sadd.s32 s4, s19  }
0x9c: {  	s7 =	simm.s32 $0x0;
	s20 =	sshll.u32 s5, $0x1;
	s5 =	sadd.s32 s21, s3  }
0x9d: {  	[timem:s7], [sflag:s22] =	dma.local [hbm:s5], s20  }
0x9e: {  	_ =	swait.ge [sflag:s22], s20  }
0x9f: {  	s4 =	ssub.s32 $0x0, s20;
	[sflag:s22] =	ssyncset.done $0x0  }
0xa0: {  	[sflag:s22] =	ssyncadd.s32 s4;
	_ =	sdelay $0x1  }
0xa1: {  	s23 =	simm.s32 $0x1B8B  }
0xa2: {  	_ =	swait.ge [sflag:s23], $0x1  }
0xa3: {  	[sflag:s23] =	ssyncset.done $0x0  }
0xa4: {  	s25 =	simm.s32 $0x1B8E;
	s24 =	sld [smem:$0x3FFE];
	[sflag:s23] =	ssyncadd.s32 $0xFFFFFFFF  }
0xa5: {  	s26 =	simm.s32 $execute0_lowered;
	[smem:$0x3FD2] =	sst s25  }
0xa6: {  	s5 =	sshll.u32 s26, $0x1;
	_ =	strace $0x80000046;
	[dreg:$0x1] =	wrdreg $0xFFFFFFFF  }
0xa7: {  	s28 =	simm.s32 $_size_execute0_lowered;
	s3 =	sadd.s32 s3, s5;
	[dreg:$0x0] =	wrdreg $0x0  }
0xa8: {  	s5 =	sshll.u32 s28, $0x1;
	[dreg:$0x2] =	wrdreg s3  }
0xa9: {  	[dreg:$0x3] =	wrdreg s5  }
0xaa: {  	[dreg:$0x4] =	wrdreg $0xC0  }
0xab: {  	_ =	task [dreg:s7], $0x5FFFF  }
0xac: {  	[dreg:$0x1] =	wrdreg $0xFFFFFFFF  }
0xad: {  	[dreg:$0x0] =	wrdreg $0x60  }
0xae: {  	[dreg:$0x2] =	wrdreg s24  }
0xaf: {  	[dreg:$0x3] =	wrdreg s2  }
0xb0: {  	[dreg:$0x4] =	wrdreg $0xED800  }
0xb1: {  	[dreg:$0x5] =	wrdreg $0x9  }
0xb2: {  	_ =	task.clear_ibuf [dreg:s7], $0x6FFFF;
	_ =	strace $0x90000046  }
0xb3: {  	s29 =	simm.s32 $0x9;
	_ =	strace $0x80000048  }
0xb4: {  	_ =	swait.ge [sflag:s29], $0x1  }
0xb5: {  	[sflag:s29] =	ssyncadd.s32 $0xFFFFFFFF  }
0xb6: {  	_ =	strace $0x90000048  }
0xb7: {  	_ =	sfence  }
0xb8: {  	s30 =	sld [smem:$0x0];
	_ =	sdelay $0x2  }
0xb9: {  	s31 =	sshll.u32 s1, $0xD;
	s1 =	sshrl.u32 s1, $0x2  }
0xba: {  	s3 =	sand.u32 $0x4000, s31;
	s1 =	sadd.s32 s1, s30  }
0xbb: {  	s0 =	sor.u32 s3, s0;
	s1 =	sshll.u32 s1, $0x11  }
0xbc: {  	s0 =	sor.u32 s1, s0  }
0xbd: {  	s0 =	sadd.s32 $0x8F2B, s0  }
0xbe: {  	[sflag:s0] =	ssyncadd.remote.s32 $0x1  }
0xbf: {  	_ =	sfence.sel $0xFFFF  }
0xc0: {  	[dreg:$0x0] =	wrdreg $0xFFFFFFFF;
	(pc) =	sbr.abs _section_cstart, $3  }
0xc1: {  	[dreg:$0x1] =	wrdreg $0xFFFFFFFF  }
0xc2: {  	_ =	task.clear_ibuf [dreg:s7], $0x2FFFF;
	_ =	strace $0x9FFFFFFF  }
0xc3: {  	(tm) =	ssettm $0x7FFFFFFF  }
tec
execute0_lowered:
.L_overlay_start_1:
0x0: {  	(tag) =	ssettag $0x1  }
0x1: {  	s0 =	rddreg [dreg:$0x0]  }
0x2: {  	s3 =	rddreg [dreg:$0x2];
	s1 =	srdreg.scid  }
0x3: {  	s12 =	stileid.u32;
	s4 =	simm.s32 $0x0;
	s10 =	simm.s32 $0xB  }
0x4: {  	s11 =	simm.s32 $0x28A0;
	s14 =	simm.s32 $0x64;
	s15 =	simm.s32 $0x5140  }
0x5: {  	s17 =	simm.s32 $0x7080;
	s19 =	simm.s32 $0x8FC0;
	s21 =	simm.s32 $0xAF00  }
0x6: {  	s23 =	simm.s32 $0xCE40;
	s24 =	simm.s32 $0x1;
	s25 =	simm.s32 $0x2  }
0x7: {  	s28 =	simm.s32 $0x3;
	s30 =	simm.s32 $0x4;
	s16 =	simm.s32 $0x7  }
0x8: {  	s18 =	simm.s32 $0x8;
	s20 =	simm.s32 $0x9;
	s22 =	simm.s32 $0xA  }
0x9: {  	s26 =	simm.s32 $0x0;
	s1 =	sand.u32 $0x1, s1;
	s2 =	smul.u32 $0xC800, s12  }
0xa: {  	[smem:$0x7FF] =	sst s4;
	s31 =	sshll.u32 s12, $0x6;
	s5 =	sshll.u32 s1, $0x4  }
0xb: {  	s6 =	smul.u32 $0xC8000, s1;
	_ =	strace $0x80000047;
	s1 =	ssub.s32 $0x2, s1  }
0xc: {  	s5 =	sor.u32 s12, s5;
	s29 =	sshrl.u32 s1, $0x1;
	s12 =	sor.u32 $0x1C0B, s31  }
0xd: {  	s7 =	smul.u32 $0x514, s5;
	s6 =	sadd.s32 s2, s6;
	s5 =	sadd.s32 $0x7A600, s0  }
0xe: {  	s1 =	ssub.s32 s1, s29;
	s2 =	sadd.s32 s2, s3;
	s6 =	sshrl.u32 s6, $0x3  }
0xf: {  	s9 =	smax.u32 s1, $0x1;
	s13 =	sshrl.u32 s2, $0x3;
	s7 =	sadd.s32 s7, s0  }
0x10: {  	s2 =	simm.s32 $0x6;
	s0 =	sadd.s32 s6, s0;
	s6 =	sadd.s32 $0x9D200, s7  }
0x11: {  	s7 =	sadd.s32 $0x92E00, s7;
	s8 =	sadd.s32 $0xA7600, s0;
	s0 =	simm.s32 $0x5  }
.LBB2_1:
0x12: {  	[tilespmem:s4], [sflag:$0xB] =	stream.linear.gather [hbm4b:s6+s4], $0x28A0, $0x38;
	[tilespmem:$0x1B580] =	vst v63  }
0x13: {  	_ =	swait.ge [sflag:s10], $0x28A0  }
0x14: {  	[sflag:s10] =	ssyncset.done $0x0  }
0x15: {  	[sflag:s10] =	ssyncadd.s32 $0xFFFFD760  }
0x16: {  	[tilespmem:s11], [sflag:$0xB] =	stream.linear.gather [hbm4b:s7+s4], $0x28A0, $0x38;
	[tilespmem:$0x1B580] =	vst v63  }
0x17: {  	_ =	swait.ge [sflag:s10], $0x28A0  }
0x18: {  	[sflag:s10] =	ssyncset.done $0x0  }
0x19: {  	[sflag:s10] =	ssyncadd.s32 $0xFFFFD760  }
0x1a: {  	s1 =	rddreg [dreg:$0x1]  }
0x1b: {  	[spmem:s13], [sflag:s12] =	dma.local [hbm:s1], $0x1900  }
0x1c: {  	_ =	swait.ge [sflag:s10], $0x1900  }
0x1d: {  	[sflag:s10] =	ssyncset.done $0x0  }
0x1e: {  	[sflag:s10] =	ssyncadd.s32 $0xFFFFE700  }
0x1f: {  	[bflag:$0x0] =	sbarrier.arrive $0xFFFF  }
0x20: {  	[tilespmem:s15], [sflag:$0x1] =	stream.indirect.gather [hbm4b:s5+s14], $0x50, s4, s14, $0xb8;
	[tilespmem:$0x1B580] =	vst v63  }
0x21: {  	s1 =	simm.s32 $0x68  }
0x22: {  	[tilespmem:s17], [sflag:$0x2] =	stream.indirect.gather [hbm4b:s5+s14], $0x50, s1, s14, $0xb8;
	[tilespmem:$0x1B580] =	vst v63  }
0x23: {  	s1 =	simm.s32 $0xD0  }
0x24: {  	[tilespmem:s19], [sflag:$0x3] =	stream.indirect.gather [hbm4b:s5+s14], $0x50, s1, s14, $0xb8;
	[tilespmem:$0x1B580] =	vst v63  }
0x25: {  	s1 =	simm.s32 $0x138  }
0x26: {  	[tilespmem:s21], [sflag:$0x4] =	stream.indirect.gather [hbm4b:s5+s14], $0x50, s1, s14, $0xb8;
	[tilespmem:$0x1B580] =	vst v63  }
0x27: {  	s1 =	simm.s32 $0x1A0  }
0x28: {  	[tilespmem:s23], [sflag:$0x5] =	stream.indirect.gather [hbm4b:s5+s14], $0x50, s1, s14, $0xb8;
	[tilespmem:$0x1B580] =	vst v63  }
0x29: {  	_ =	swait.ge [sflag:s24], $0x1F40  }
0x2a: {  	[sflag:s24] =	ssyncset.done $0x0  }
0x2b: {  	[sflag:s24] =	ssyncadd.s32 $0xFFFFE0C0  }
0x2c: {  	[spmem:s3] =	stream.indirect.scatter.add.f32 [tilespmem:s15], [sflag:$0x6], $0x50, s11, s14, $0xb8;
	[tilespmem:$0x1B580] =	vst v63  }
0x2d: {  	_ =	swait.ge [sflag:s25], $0x1F40  }
0x2e: {  	[sflag:s25] =	ssyncset.done $0x0  }
0x2f: {  	s1 =	simm.s32 $0x2908;
	[sflag:s25] =	ssyncadd.s32 $0xFFFFE0C0  }
0x30: {  	[spmem:s3] =	stream.indirect.scatter.add.f32 [tilespmem:s17], [sflag:$0x7], $0x50, s1, s14, $0xb8;
	[tilespmem:$0x1B580] =	vst v63  }
0x31: {  	_ =	swait.ge [sflag:s28], $0x1F40  }
0x32: {  	[sflag:s28] =	ssyncset.done $0x0  }
0x33: {  	s1 =	simm.s32 $0x2970;
	[sflag:s28] =	ssyncadd.s32 $0xFFFFE0C0  }
0x34: {  	[spmem:s3] =	stream.indirect.scatter.add.f32 [tilespmem:s19], [sflag:$0x8], $0x50, s1, s14, $0xb8;
	[tilespmem:$0x1B580] =	vst v63  }
0x35: {  	_ =	swait.ge [sflag:s30], $0x1F40  }
0x36: {  	[sflag:s30] =	ssyncset.done $0x0  }
0x37: {  	s1 =	simm.s32 $0x29D8;
	[sflag:s30] =	ssyncadd.s32 $0xFFFFE0C0  }
0x38: {  	[spmem:s3] =	stream.indirect.scatter.add.f32 [tilespmem:s21], [sflag:$0x9], $0x50, s1, s14, $0xb8;
	[tilespmem:$0x1B580] =	vst v63  }
0x39: {  	_ =	swait.ge [sflag:s0], $0x1F40  }
0x3a: {  	[sflag:s0] =	ssyncset.done $0x0  }
0x3b: {  	s1 =	simm.s32 $0x2A40;
	[sflag:s0] =	ssyncadd.s32 $0xFFFFE0C0  }
0x3c: {  	[spmem:s3] =	stream.indirect.scatter.add.f32 [tilespmem:s23], [sflag:$0xA], $0x50, s1, s14, $0xb8;
	[tilespmem:$0x1B580] =	vst v63  }
0x3d: {  	_ =	swait.ge [sflag:s2], $0x1F40  }
0x3e: {  	[sflag:s2] =	ssyncset.done $0x0  }
0x3f: {  	s29 =	simm.s32 $0x208;
	[sflag:s2] =	ssyncadd.s32 $0xFFFFE0C0  }
0x40: {  	[tilespmem:s15], [sflag:$0x1] =	stream.indirect.gather [hbm4b:s5+s14], $0x50, s29, s14, $0xb8;
	[tilespmem:$0x1B580] =	vst v63  }
0x41: {  	_ =	swait.ge [sflag:s16], $0x1F40  }
0x42: {  	[sflag:s16] =	ssyncset.done $0x0  }
0x43: {  	s29 =	simm.s32 $0x270;
	[sflag:s16] =	ssyncadd.s32 $0xFFFFE0C0  }
0x44: {  	[tilespmem:s17], [sflag:$0x2] =	stream.indirect.gather [hbm4b:s5+s14], $0x50, s29, s14, $0xb8;
	[tilespmem:$0x1B580] =	vst v63  }
0x45: {  	_ =	swait.ge [sflag:s18], $0x1F40  }
0x46: {  	[sflag:s18] =	ssyncset.done $0x0  }
0x47: {  	s29 =	simm.s32 $0x2D8;
	[sflag:s18] =	ssyncadd.s32 $0xFFFFE0C0  }
0x48: {  	[tilespmem:s19], [sflag:$0x3] =	stream.indirect.gather [hbm4b:s5+s14], $0x50, s29, s14, $0xb8;
	[tilespmem:$0x1B580] =	vst v63  }
0x49: {  	_ =	swait.ge [sflag:s20], $0x1F40  }
0x4a: {  	[sflag:s20] =	ssyncset.done $0x0  }
0x4b: {  	s29 =	simm.s32 $0x340;
	[sflag:s20] =	ssyncadd.s32 $0xFFFFE0C0  }
0x4c: {  	[tilespmem:s21], [sflag:$0x4] =	stream.indirect.gather [hbm4b:s5+s14], $0x50, s29, s14, $0xb8;
	[tilespmem:$0x1B580] =	vst v63  }
0x4d: {  	_ =	swait.ge [sflag:s22], $0x1F40  }
0x4e: {  	[sflag:s22] =	ssyncset.done $0x0  }
0x4f: {  	s29 =	simm.s32 $0x3A8;
	[sflag:s22] =	ssyncadd.s32 $0xFFFFE0C0  }
0x50: {  	[tilespmem:s23], [sflag:$0x5] =	stream.indirect.gather [hbm4b:s5+s14], $0x50, s29, s14, $0xb8;
	[tilespmem:$0x1B580] =	vst v63  }
0x51: {  	_ =	swait.ge [sflag:s24], $0x1F40  }
0x52: {  	[sflag:s24] =	ssyncset.done $0x0  }
0x53: {  	s29 =	simm.s32 $0x2AA8;
	[sflag:s24] =	ssyncadd.s32 $0xFFFFE0C0  }
0x54: {  	[spmem:s3] =	stream.indirect.scatter.add.f32 [tilespmem:s15], [sflag:$0x6], $0x50, s29, s14, $0xb8;
	[tilespmem:$0x1B580] =	vst v63  }
0x55: {  	_ =	swait.ge [sflag:s25], $0x1F40  }
0x56: {  	[sflag:s25] =	ssyncset.done $0x0  }
0x57: {  	s29 =	simm.s32 $0x2B10;
	[sflag:s25] =	ssyncadd.s32 $0xFFFFE0C0  }
0x58: {  	[spmem:s3] =	stream.indirect.scatter.add.f32 [tilespmem:s17], [sflag:$0x7], $0x50, s29, s14, $0xb8;
	[tilespmem:$0x1B580] =	vst v63  }
0x59: {  	_ =	swait.ge [sflag:s28], $0x1F40  }
0x5a: {  	[sflag:s28] =	ssyncset.done $0x0  }
0x5b: {  	s29 =	simm.s32 $0x2B78;
	[sflag:s28] =	ssyncadd.s32 $0xFFFFE0C0  }
0x5c: {  	[spmem:s3] =	stream.indirect.scatter.add.f32 [tilespmem:s19], [sflag:$0x8], $0x50, s29, s14, $0xb8;
	[tilespmem:$0x1B580] =	vst v63  }
0x5d: {  	_ =	swait.ge [sflag:s30], $0x1F40  }
0x5e: {  	[sflag:s30] =	ssyncset.done $0x0  }
0x5f: {  	s29 =	simm.s32 $0x2BE0;
	[sflag:s30] =	ssyncadd.s32 $0xFFFFE0C0  }
0x60: {  	[spmem:s3] =	stream.indirect.scatter.add.f32 [tilespmem:s21], [sflag:$0x9], $0x50, s29, s14, $0xb8;
	[tilespmem:$0x1B580] =	vst v63  }
0x61: {  	_ =	swait.ge [sflag:s0], $0x1F40  }
0x62: {  	[sflag:s0] =	ssyncset.done $0x0  }
0x63: {  	s31 =	simm.s32 $0x2C48;
	s29 =	simm.s32 $0x820;
	[sflag:s0] =	ssyncadd.s32 $0xFFFFE0C0  }
.LBB2_2:
0x64: {  	[spmem:s3] =	stream.indirect.scatter.add.f32 [tilespmem:s23], [sflag:$0xA], $0x50, s31, s14, $0xb8;
	[tilespmem:$0x1B580] =	vst v63  }
0x65: {  	s31 =	smov.u32 s29  }
0x66: {  	p0 =	sne.s32 s29, $0x9240;
	s29 =	sadd.s32 $0x820, s29;
	_ =	swait.ge [sflag:s2], $0x1F40  }
0x67: {  	s31 =	sshra.s32 s31, $0x2;
	[sflag:s2] =	ssyncset.done $0x0  }
0x68: {  	s1 =	sadd.s32 $0x208, s31;
	[sflag:s2] =	ssyncadd.s32 $0xFFFFE0C0  }
0x69: {  	[tilespmem:s15], [sflag:$0x1] =	stream.indirect.gather [hbm4b:s5+s14], $0x50, s1, s14, $0xb8;
	[tilespmem:$0x1B580] =	vst v63  }
0x6a: {  	_ =	swait.ge [sflag:s16], $0x1F40  }
0x6b: {  	[sflag:s16] =	ssyncset.done $0x0  }
0x6c: {  	s1 =	sadd.s32 $0x270, s31;
	[sflag:s16] =	ssyncadd.s32 $0xFFFFE0C0  }
0x6d: {  	[tilespmem:s17], [sflag:$0x2] =	stream.indirect.gather [hbm4b:s5+s14], $0x50, s1, s14, $0xb8;
	[tilespmem:$0x1B580] =	vst v63  }
0x6e: {  	_ =	swait.ge [sflag:s18], $0x1F40  }
0x6f: {  	[sflag:s18] =	ssyncset.done $0x0  }
0x70: {  	s1 =	sadd.s32 $0x2D8, s31;
	[sflag:s18] =	ssyncadd.s32 $0xFFFFE0C0  }
0x71: {  	[tilespmem:s19], [sflag:$0x3] =	stream.indirect.gather [hbm4b:s5+s14], $0x50, s1, s14, $0xb8;
	[tilespmem:$0x1B580] =	vst v63  }
0x72: {  	_ =	swait.ge [sflag:s20], $0x1F40  }
0x73: {  	[sflag:s20] =	ssyncset.done $0x0  }
0x74: {  	s1 =	sadd.s32 $0x340, s31;
	[sflag:s20] =	ssyncadd.s32 $0xFFFFE0C0  }
0x75: {  	[tilespmem:s21], [sflag:$0x4] =	stream.indirect.gather [hbm4b:s5+s14], $0x50, s1, s14, $0xb8;
	[tilespmem:$0x1B580] =	vst v63  }
0x76: {  	_ =	swait.ge [sflag:s22], $0x1F40  }
0x77: {  	[sflag:s22] =	ssyncset.done $0x0  }
0x78: {  	s1 =	sadd.s32 $0x3A8, s31;
	[sflag:s22] =	ssyncadd.s32 $0xFFFFE0C0  }
0x79: {  	[tilespmem:s23], [sflag:$0x5] =	stream.indirect.gather [hbm4b:s5+s14], $0x50, s1, s14, $0xb8;
	[tilespmem:$0x1B580] =	vst v63  }
0x7a: {  	_ =	swait.ge [sflag:s24], $0x1F40  }
0x7b: {  	[sflag:s24] =	ssyncset.done $0x0  }
0x7c: {  	s1 =	sadd.s32 $0x2AA8, s31;
	[sflag:s24] =	ssyncadd.s32 $0xFFFFE0C0  }
0x7d: {  	[spmem:s3] =	stream.indirect.scatter.add.f32 [tilespmem:s15], [sflag:$0x6], $0x50, s1, s14, $0xb8;
	[tilespmem:$0x1B580] =	vst v63  }
0x7e: {  	_ =	swait.ge [sflag:s25], $0x1F40  }
0x7f: {  	[sflag:s25] =	ssyncset.done $0x0  }
0x80: {  	s1 =	sadd.s32 $0x2B10, s31;
	[sflag:s25] =	ssyncadd.s32 $0xFFFFE0C0  }
0x81: {  	[spmem:s3] =	stream.indirect.scatter.add.f32 [tilespmem:s17], [sflag:$0x7], $0x50, s1, s14, $0xb8;
	[tilespmem:$0x1B580] =	vst v63  }
0x82: {  	_ =	swait.ge [sflag:s28], $0x1F40  }
0x83: {  	[sflag:s28] =	ssyncset.done $0x0  }
0x84: {  	s1 =	sadd.s32 $0x2B78, s31;
	[sflag:s28] =	ssyncadd.s32 $0xFFFFE0C0  }
0x85: {  	[spmem:s3] =	stream.indirect.scatter.add.f32 [tilespmem:s19], [sflag:$0x8], $0x50, s1, s14, $0xb8;
	[tilespmem:$0x1B580] =	vst v63  }
0x86: {  	_ =	swait.ge [sflag:s30], $0x1F40  }
0x87: {  	[sflag:s30] =	ssyncset.done $0x0  }
.Ltmp0:
0x88: {  	s1 =	sadd.s32 $0x2BE0, s31;
	[sflag:s30] =	ssyncadd.s32 $0xFFFFE0C0;
	(pc) =	sbr.rel @p0 .LBB2_2-.Ltmp0, $4  }
0x89: {  	[spmem:s3] =	stream.indirect.scatter.add.f32 [tilespmem:s21], [sflag:$0x9], $0x50, s1, s14, $0xb8;
	[tilespmem:$0x1B580] =	vst v63  }
0x8a: {  	_ =	swait.ge [sflag:s0], $0x1F40  }
0x8b: {  	[sflag:s0] =	ssyncset.done $0x0  }
0x8c: {  	s31 =	sadd.s32 $0x2C48, s31;
	[sflag:s0] =	ssyncadd.s32 $0xFFFFE0C0  }
0x8d: {  	[spmem:s3] =	stream.indirect.scatter.add.f32 [tilespmem:s23], [sflag:$0xA], $0x50, s31, s14, $0xb8;
	[tilespmem:$0x1B580] =	vst v63  }
0x8e: {  	_ =	swait.ge [sflag:s2], $0x1F40  }
0x8f: {  	[sflag:s2] =	ssyncset.done $0x0  }
0x90: {  	[sflag:s2] =	ssyncadd.s32 $0xFFFFE0C0  }
0x91: {  	_ =	swait.ge [sflag:s16], $0x1F40  }
0x92: {  	[sflag:s16] =	ssyncset.done $0x0  }
0x93: {  	[sflag:s16] =	ssyncadd.s32 $0xFFFFE0C0  }
0x94: {  	_ =	swait.ge [sflag:s18], $0x1F40  }
0x95: {  	[sflag:s18] =	ssyncset.done $0x0  }
0x96: {  	[sflag:s18] =	ssyncadd.s32 $0xFFFFE0C0  }
0x97: {  	_ =	swait.ge [sflag:s20], $0x1F40  }
0x98: {  	[sflag:s20] =	ssyncset.done $0x0  }
0x99: {  	[sflag:s20] =	ssyncadd.s32 $0xFFFFE0C0  }
0x9a: {  	_ =	swait.ge [sflag:s22], $0x1F40  }
0x9b: {  	s26 =	sadd.s32 $0x1, s26;
	[sflag:s22] =	ssyncset.done $0x0  }
0x9c: {  	p0 =	sne.s32 s26, s9;
	[sflag:s22] =	ssyncadd.s32 $0xFFFFE0C0  }
.Ltmp1:
0x9d: {  	[bflag:$0x0] =	sbarrier.arrive $0xFFFF;
	(pc) =	sbr.rel @p0 .LBB2_1-.Ltmp1, $4  }
0x9e: {  	[hbm:s8], [sflag:s12] =	dma.local [spmem:s13], $0x1900  }
0x9f: {  	_ =	swait.ge [sflag:s10], $0x1900  }
0xa0: {  	[sflag:s10] =	ssyncset.done $0x0  }
0xa1: {  	[sflag:s10] =	ssyncadd.s32 $0xFFFFE700  }
0xa2: {  	_ =	sfence.sel $0x180000  }
0xa3: {  	[bflag:$0x0] =	sbarrier.arrive $0xFFFF  }
0xa4: {  	_ =	strace $0x90000047  }
0xa5: {  	s0 =	stileid.u32;
	[bflag:$0x2] =	sbarrier.arrive $0xFFFF  }
0xa6: {  	p0 =	sne.s32 s0, $0x0;
	s0 =	rddreg [dreg:$0x3]  }
0xa7: {  	s0 =	sadd.s32 @!p0 $0x100000, s0  }
0xa8: {  	[sflag:s0] =	ssyncadd.tile.s32 @!p0 $0x1;
	_ =	shalt  }
.Lfunc_end2:
_tile_overlayer_lowered:
.L_overlay_start_2:
0xa9: {  	(tag) =	ssettag $0x2  }
0xaa: {  	s0 =	rddreg [dreg:$0x0];
	s2 =	stileid.u32  }
0xab: {  	s1 =	rddreg [dreg:$0x1];
	p0 =	sne.s32 s2, $0x0  }
0xac: {  	s3 =	rddreg [dreg:$0x2];
	[bflag:$0x3] =	sbarrier.arrive $0xFFFF;
	s2 =	simm.s32 @!p0 $0x1C0B  }
0xad: {  	[timem:s3], [sflag:s2] =	dma.local @!p0 [hbm:s0], s1  }
0xae: {  	s0 =	simm.s32 @!p0 $0xB  }
0xaf: {  	_ =	swait.ge @!p0 [sflag:s0], s1  }
0xb0: {  	s1 =	ssub.s32 @!p0 $0x0, s1;
	[sflag:s0] =	ssyncset.done @!p0 $0x0  }
0xb1: {  	[sflag:s0] =	ssyncadd.s32 @!p0 s1  }
0xb2: {  	[bflag:$0x3] =	sbarrier.arrive $0xFFFF  }
0xb3: {  	_ =	shalt  }

// kernel: kernel.18.cloned.1.call-start
scs
__scs_entry_jumppad:
0x0: {  	(pc) =	sbr.rel $0x88, $3  }
0x1: {  	(tag) =	ssettag $0x0;
	lr =	simm.s32 $0x1  }
0x2: {  	[smem:$0x3F92] =	sst lr;
	_ =	strace $0xD0000000  }
0x3: {  	_ = 	snop  }
0x4: {  	_ = 	snop  }
0x5: {  	_ = 	snop  }
0x6: {  	_ = 	snop  }
0x7: {  	_ = 	snop  }
__scs_overlays_trampoline_lowered:
0x8: {  	[smem:$0x3FA1] =	sst s0  }
0x9: {  	[smem:$0x3FA2] =	sst s1  }
0xa: {  	[smem:$0x3FA3] =	sst s2  }
0xb: {  	[smem:$0x3FA4] =	sst s3  }
0xc: {  	[smem:$0x3FA5] =	sst s4  }
0xd: {  	[smem:$0x3FA6] =	sst s5  }
0xe: {  	[smem:$0x3FA7] =	sst s6  }
0xf: {  	[smem:$0x3FA8] =	sst s7  }
0x10: {  	[smem:$0x3FA9] =	sst s8  }
0x11: {  	[smem:$0x3FAA] =	sst s9;
	s0 =	simm.s32 @!p0 $0x0  }
0x12: {  	s1 =	sld [smem:$0x3F90];
	s0 =	simm.s32 @p0 $0x1  }
0x13: {  	[smem:$0x3FAB] =	sst s0;
	s0 =	simm.s32 @!p1 $0x0  }
0x14: {  	s2 =	sld [smem:$0x3F8F];
	s0 =	simm.s32 @p1 $0x1  }
0x15: {  	[smem:$0x3FAC] =	sst s0;
	s0 =	simm.s32 @!p2 $0x0  }
0x16: {  	s3 =	sld [smem:$0x3FDB];
	s0 =	simm.s32 @p2 $0x1  }
0x17: {  	s4 =	simm.s32 $0x1BF5;
	[smem:$0x3FAE] =	sst s0  }
0x18: {  	s0 =	sld [smem:$0x3F91];
	_ =	swait.ge [sflag:s4], $0x0  }
0x19: {  	s7 =	sld [smem:$0x3F92]  }
0x1a: {  	s8 =	sadd.s32 $0xFFFFE003, lr  }
0x1b: {  	s9 =	sadd.s32 $0xFFFFFEF7, lr;
	s5 =	simm.s32 $0xFFFFFFFF;
	p2 =	slt.u32 s8, $0xFFFFF086  }
0x1c: {  	p1 =	slt.u32 s9, $0xF7A;
	s5 =	simm.s32 @!p2 $0x0  }
0x1d: {  	s5 =	simm.s32 @p1 $0x1;
	p0 =	seq.s32 s7, s2  }
0x1e: {  	s7 =	smul.u32 @!p0 $0xF7A, s2;
	p2 =	seq.s32 @!p0 s5, $0x0  }
0x1f: {  	s9 =	smul.u32 $0xF7A, s1;
	s8 =	simm.s32 @!p0 $0x1BF5;
	p2 =	por !p2, p0  }
0x20: {  	[sflag:s8] =	ssyncset.s32 @!p0 $0xFFFFF086;
	s6 =	sadd.s32 @!p0 s3, s7;
	s7 =	simm.s32 @!p0 $0x108  }
0x21: {  	s3 =	sadd.s32 s3, s9;
	s6 =	sadd.s32 @!p0 $0x88, s6;
	s7 =	simm.s32 @p2 $0x1082  }
0x22: {  	[simem:s7], [sflag:s8] =	dma.local @!p0 [hbm:s6], $0xF7A  }
0x23: {  	s9 =	sor.u32 $0xD0000000, s2;
	s6 =	simm.s32 $0x108;
	_ =	swait.ge @!p0 [sflag:s8], $0x0  }
0x24: {  	s3 =	sadd.s32 $0x88, s3;
	s6 =	simm.s32 @!p1 $0x1082;
	[sflag:s4] =	ssyncset.s32 $0xFFFFF086  }
0x25: {  	[simem:s6], [sflag:s4] =	dma.local [hbm:s3], $0xF7A  }
0x26: {  	[smem:$0x3F92] =	sst s1;
	(tag) =	ssettag s2;
	_ =	strace s9  }
0x27: {  	s1 =	sld [smem:$0x3FA2]  }
0x28: {  	s2 =	sld [smem:$0x3FA3]  }
0x29: {  	s4 =	sld [smem:$0x3FA5]  }
0x2a: {  	p0 =	seq.s32 s5, $0x0;
	s5 =	sld [smem:$0x3FA6]  }
0x2b: {  	s6 =	sld [smem:$0x3FA7]  }
0x2c: {  	s7 =	sld [smem:$0x3FA8]  }
0x2d: {  	s3 =	simm.s32 $0x108;
	s8 =	sld [smem:$0x3FA9]  }
0x2e: {  	s3 =	simm.s32 @!p0 $0x1082;
	s9 =	sld [smem:$0x3FAA]  }
0x2f: {  	lr =	sadd.s32 s0, s3;
	s0 =	sld [smem:$0x3FA1]  }
0x30: {  	s3 =	sld [smem:$0x3FA4]  }
0x31: {  	[smem:$0x3FAD] =	sst s10  }
0x32: {  	s10 =	sld [smem:$0x3FAB];
	_ =	sdelay $0x3  }
0x33: {  	p0 =	seq.s32 s10, $0x1;
	s10 =	sld [smem:$0x3FAD];
	_ =	sdelay $0x3  }
0x34: {  	[smem:$0x3FAD] =	sst s10  }
0x35: {  	s10 =	sld [smem:$0x3FAC];
	_ =	sdelay $0x3  }
0x36: {  	p1 =	seq.s32 s10, $0x1;
	s10 =	sld [smem:$0x3FAD];
	_ =	sdelay $0x3  }
0x37: {  	[smem:$0x3FAD] =	sst s10  }
0x38: {  	s10 =	sld [smem:$0x3FAE]  }
0x39: {  	_ = 	snop;
	(pc) =	sbr.ind lr, $3  }
0x3a: {  	_ = 	snop  }
0x3b: {  	_ = 	snop  }
0x3c: {  	p2 =	seq.s32 s10, $0x1;
	s10 =	sld [smem:$0x3FAD]  }
0x3d: {  	_ =	shalt  }
0x3e: {  	_ =	shalt  }
0x3f: {  	_ =	shalt  }
0x40: {  	_ =	shalt  }
0x41: {  	_ =	shalt  }
0x42: {  	_ =	shalt  }
0x43: {  	_ =	shalt  }
0x44: {  	_ =	shalt  }
0x45: {  	_ =	shalt  }
0x46: {  	_ =	shalt  }
0x47: {  	_ =	shalt  }
0x48: {  	_ =	shalt  }
0x49: {  	_ =	shalt  }
0x4a: {  	_ =	shalt  }
0x4b: {  	_ =	shalt  }
0x4c: {  	_ =	shalt  }
0x4d: {  	_ =	shalt  }
0x4e: {  	_ =	shalt  }
0x4f: {  	_ =	shalt  }
0x50: {  	_ =	shalt  }
0x51: {  	_ =	shalt  }
0x52: {  	_ =	shalt  }
0x53: {  	_ =	shalt  }
0x54: {  	_ =	shalt  }
0x55: {  	_ =	shalt  }
0x56: {  	_ =	shalt  }
0x57: {  	_ =	shalt  }
0x58: {  	_ =	shalt  }
0x59: {  	_ =	shalt  }
0x5a: {  	_ =	shalt  }
0x5b: {  	_ =	shalt  }
0x5c: {  	_ =	shalt  }
0x5d: {  	_ =	shalt  }
0x5e: {  	_ =	shalt  }
0x5f: {  	_ =	shalt  }
0x60: {  	_ =	shalt  }
0x61: {  	_ =	shalt  }
0x62: {  	_ =	shalt  }
0x63: {  	_ =	shalt  }
0x64: {  	_ =	shalt  }
0x65: {  	_ =	shalt  }
0x66: {  	_ =	shalt  }
0x67: {  	_ =	shalt  }
0x68: {  	_ =	shalt  }
0x69: {  	_ =	shalt  }
0x6a: {  	_ =	shalt  }
0x6b: {  	_ =	shalt  }
0x6c: {  	_ =	shalt  }
0x6d: {  	_ =	shalt  }
0x6e: {  	_ =	shalt  }
0x6f: {  	_ =	shalt  }
0x70: {  	_ =	shalt  }
0x71: {  	_ =	shalt  }
0x72: {  	_ =	shalt  }
0x73: {  	_ =	shalt  }
0x74: {  	_ =	shalt  }
0x75: {  	_ =	shalt  }
0x76: {  	_ =	shalt  }
0x77: {  	_ =	shalt  }
0x78: {  	_ =	shalt  }
0x79: {  	_ =	shalt  }
0x7a: {  	_ =	shalt  }
0x7b: {  	_ =	shalt  }
0x7c: {  	_ =	shalt  }
0x7d: {  	_ =	shalt  }
0x7e: {  	_ =	shalt  }
0x7f: {  	_ =	shalt  }
0x80: {  	_ =	shalt  }
0x81: {  	_ =	shalt  }
0x82: {  	_ =	shalt  }
0x83: {  	_ =	shalt  }
0x84: {  	_ =	shalt  }
0x85: {  	_ =	shalt  }
0x86: {  	_ =	shalt  }
0x87: {  	_ =	shalt  }
.Lfunc_end0:
.L_simem_size_0:
called_computation.1_lowered:
.L_overlay_start_0:
0x88: {  	s2 =	sld [smem:$0x3FD9]  }
0x89: {  	s3 =	sld [smem:$0x3FFE];
	_ =	sdelay $0x1  }
0x8a: {  	s1 =	srdreg.scid  }
0x8b: {  	s0 =	sand.u32 $0x1, s1  }
0x8c: {  	s17 =	sshll.u32 s0, $0xA;
	s2 =	sadd.s32 s3, s2  }
0x8d: {  	s2 =	sadd.s32 s2, s17  }
0x8e: {  	[smem:$0x3FB9] =	sst s2  }
0x8f: {  	_ = 	snop  }
0x90: {  	s2 =	sld [smem:$0x3FD0];
	(tm) =	ssettm $0x1  }
0x91: {  	s18 =	sld [smem:$0x3FFB];
	_ =	sdelay $0x3  }
0x92: {  	_ =	strace s18  }
0x93: {  	s3 =	sld [smem:$0x3FFC];
	_ =	sdelay $0x3  }
0x94: {  	_ =	strace s3  }
0x95: {  	s3 =	sld [smem:$0x3FFD];
	_ =	sdelay $0x3  }
0x96: {  	_ =	strace s3  }
0x97: {  	_ =	strace $0x8FFFFFFF  }
0x98: {  	s19 =	sld [smem:$0x3FDB];
	_ =	sdelay $0x1  }
0x99: {  	s4 =	simm.s32 $_scs_section_size  }
0x9a: {  	s5 =	simm.s32 $_size__tile_overlayer_lowered;
	s6 =	simm.s32 $_tile_overlayer_lowered  }
0x9b: {  	s22 =	simm.s32 $0x1BFF;
	s21 =	sshll.u32 s6, $0x1;
	s3 =	sadd.s32 s4, s19  }
0x9c: {  	s7 =	simm.s32 $0x0;
	s20 =	sshll.u32 s5, $0x1;
	s5 =	sadd.s32 s21, s3  }
0x9d: {  	[timem:s7], [sflag:s22] =	dma.local [hbm:s5], s20  }
0x9e: {  	_ =	swait.ge [sflag:s22], s20  }
0x9f: {  	s4 =	ssub.s32 $0x0, s20;
	[sflag:s22] =	ssyncset.done $0x0  }
0xa0: {  	[sflag:s22] =	ssyncadd.s32 s4;
	_ =	sdelay $0x1  }
0xa1: {  	s23 =	simm.s32 $0x1B8B  }
0xa2: {  	_ =	swait.ge [sflag:s23], $0x1  }
0xa3: {  	[sflag:s23] =	ssyncset.done $0x0  }
0xa4: {  	s25 =	simm.s32 $0x1B8E;
	s24 =	sld [smem:$0x3FFE];
	[sflag:s23] =	ssyncadd.s32 $0xFFFFFFFF  }
0xa5: {  	s26 =	simm.s32 $execute0_lowered;
	[smem:$0x3FD2] =	sst s25  }
0xa6: {  	s5 =	sshll.u32 s26, $0x1;
	_ =	strace $0x80000049;
	[dreg:$0x1] =	wrdreg $0xFFFFFFFF  }
0xa7: {  	s28 =	simm.s32 $_size_execute0_lowered;
	s3 =	sadd.s32 s3, s5;
	[dreg:$0x0] =	wrdreg $0x0  }
0xa8: {  	s5 =	sshll.u32 s28, $0x1;
	[dreg:$0x2] =	wrdreg s3  }
0xa9: {  	[dreg:$0x3] =	wrdreg s5  }
0xaa: {  	[dreg:$0x4] =	wrdreg $0xC0  }
0xab: {  	_ =	task [dreg:s7], $0x5FFFF  }
0xac: {  	[dreg:$0x1] =	wrdreg $0xFFFFFFFF  }
0xad: {  	[dreg:$0x0] =	wrdreg $0x60  }
0xae: {  	[dreg:$0x2] =	wrdreg s2  }
0xaf: {  	[dreg:$0x3] =	wrdreg s24  }
0xb0: {  	[dreg:$0x4] =	wrdreg $0xCE400  }
0xb1: {  	[dreg:$0x5] =	wrdreg $0x9  }
0xb2: {  	_ =	task.clear_ibuf [dreg:s7], $0x6FFFF;
	_ =	strace $0x90000049  }
0xb3: {  	s29 =	simm.s32 $0x9;
	_ =	strace $0x8000004B  }
0xb4: {  	_ =	swait.ge [sflag:s29], $0x1  }
0xb5: {  	[sflag:s29] =	ssyncadd.s32 $0xFFFFFFFF  }
0xb6: {  	_ =	strace $0x9000004B  }
0xb7: {  	_ =	sfence  }
0xb8: {  	s30 =	sld [smem:$0x0];
	_ =	sdelay $0x2  }
0xb9: {  	s31 =	sshll.u32 s1, $0xD;
	s1 =	sshrl.u32 s1, $0x2  }
0xba: {  	s3 =	sand.u32 $0x4000, s31;
	s1 =	sadd.s32 s1, s30  }
0xbb: {  	s0 =	sor.u32 s3, s0;
	s1 =	sshll.u32 s1, $0x11  }
0xbc: {  	s0 =	sor.u32 s1, s0  }
0xbd: {  	s0 =	sadd.s32 $0x8F2B, s0  }
0xbe: {  	[sflag:s0] =	ssyncadd.remote.s32 $0x1  }
0xbf: {  	_ =	sfence.sel $0xFFFF  }
0xc0: {  	[dreg:$0x0] =	wrdreg $0xFFFFFFFF;
	(pc) =	sbr.abs _section_cstart, $3  }
0xc1: {  	[dreg:$0x1] =	wrdreg $0xFFFFFFFF  }
0xc2: {  	_ =	task.clear_ibuf [dreg:s7], $0x2FFFF;
	_ =	strace $0x9FFFFFFF  }
0xc3: {  	(tm) =	ssettm $0x7FFFFFFF  }
tec
execute0_lowered:
.L_overlay_start_1:
0x0: {  	(tag) =	ssettag $0x1  }
0x1: {  	s2 =	rddreg [dreg:$0x0]  }
0x2: {  	s0 =	rddreg [dreg:$0x1];
	s1 =	srdreg.scid  }
0x3: {  	s3 =	rddreg [dreg:$0x2];
	s12 =	stileid.u32  }
0x4: {  	s4 =	simm.s32 $0x0;
	s10 =	simm.s32 $0xB;
	s11 =	simm.s32 $0x28A0  }
0x5: {  	s14 =	simm.s32 $0x64;
	s15 =	simm.s32 $0x5140;
	s17 =	simm.s32 $0x6A40  }
0x6: {  	s19 =	simm.s32 $0x8340;
	s21 =	simm.s32 $0x9C40;
	s23 =	simm.s32 $0xB540  }
0x7: {  	s24 =	simm.s32 $0x1;
	s28 =	simm.s32 $0x3;
	s30 =	simm.s32 $0x4  }
0x8: {  	s16 =	simm.s32 $0x6;
	s18 =	simm.s32 $0x7;
	s20 =	simm.s32 $0x8  }
0x9: {  	s22 =	simm.s32 $0x9;
	s29 =	simm.s32 $0x0;
	s1 =	sand.u32 $0x1, s1  }
0xa: {  	s8 =	smul.u32 $0xA000, s12;
	[smem:$0x7FF] =	sst s4;
	s25 =	sadd.s32 $0x7A600, s0  }
0xb: {  	s31 =	sshll.u32 s12, $0x6;
	s5 =	sshll.u32 s1, $0x4;
	s6 =	smul.u32 $0xA0000, s1  }
0xc: {  	_ =	strace $0x8000004A;
	s1 =	ssub.s32 $0x2, s1;
	[dreg:$0x4] =	wrdreg s25  }
0xd: {  	s25 =	simm.s32 $0x2;
	s5 =	sor.u32 s12, s5;
	s26 =	sshrl.u32 s1, $0x1  }
0xe: {  	s13 =	sadd.s32 s8, s3;
	s12 =	sor.u32 $0x1C0B, s31;
	s5 =	smul.u32 $0x514, s5  }
0xf: {  	s6 =	sadd.s32 s8, s6;
	s1 =	ssub.s32 s1, s26;
	s13 =	sshrl.u32 s13, $0x3  }
0x10: {  	s26 =	simm.s32 $0xA;
	s6 =	sshrl.u32 s6, $0x3;
	s7 =	sadd.s32 s5, s0  }
0x11: {  	s9 =	smax.u32 s1, $0x1;
	s0 =	sadd.s32 s6, s0;
	s6 =	sadd.s32 $0x9D200, s7  }
0x12: {  	s7 =	sadd.s32 $0x92E00, s7;
	s8 =	sadd.s32 $0xA7600, s0;
	s0 =	simm.s32 $0x5  }
.LBB2_1:
0x13: {  	[tilespmem:s4], [sflag:$0xB] =	stream.linear.gather [hbm4b:s6+s4], $0x28A0, $0x38;
	[tilespmem:$0x16E40] =	vst v63  }
0x14: {  	_ =	swait.ge [sflag:s10], $0x28A0  }
0x15: {  	[sflag:s10] =	ssyncset.done $0x0  }
0x16: {  	[sflag:s10] =	ssyncadd.s32 $0xFFFFD760  }
0x17: {  	[tilespmem:s11], [sflag:$0xB] =	stream.linear.gather [hbm4b:s7+s4], $0x28A0, $0x38;
	[tilespmem:$0x16E40] =	vst v63  }
0x18: {  	_ =	swait.ge [sflag:s10], $0x28A0  }
0x19: {  	[sflag:s10] =	ssyncset.done $0x0  }
0x1a: {  	s1 =	rddreg [dreg:$0x4];
	[sflag:s10] =	ssyncadd.s32 $0xFFFFD760  }
0x1b: {  	[spmem:s13], [sflag:s12] =	dma.local [hbm:s1], $0x1400  }
0x1c: {  	_ =	swait.ge [sflag:s10], $0x1400  }
0x1d: {  	[sflag:s10] =	ssyncset.done $0x0  }
0x1e: {  	[sflag:s10] =	ssyncadd.s32 $0xFFFFEC00  }
0x1f: {  	[bflag:$0x0] =	sbarrier.arrive $0xFFFF  }
0x20: {  	[tilespmem:s15], [sflag:$0x1] =	stream.indirect.gather [hbm4b:s2+s14], $0x40, s4, s14, $0xb8;
	[tilespmem:$0x16E40] =	vst v63  }
0x21: {  	s5 =	simm.s32 $0x68  }
0x22: {  	[tilespmem:s17], [sflag:$0x2] =	stream.indirect.gather [hbm4b:s2+s14], $0x40, s5, s14, $0xb8;
	[tilespmem:$0x16E40] =	vst v63  }
0x23: {  	s5 =	simm.s32 $0xD0  }
0x24: {  	[tilespmem:s19], [sflag:$0x3] =	stream.indirect.gather [hbm4b:s2+s14], $0x40, s5, s14, $0xb8;
	[tilespmem:$0x16E40] =	vst v63  }
0x25: {  	s5 =	simm.s32 $0x138  }
0x26: {  	[tilespmem:s21], [sflag:$0x4] =	stream.indirect.gather [hbm4b:s2+s14], $0x40, s5, s14, $0xb8;
	[tilespmem:$0x16E40] =	vst v63  }
0x27: {  	s5 =	simm.s32 $0x1A0  }
0x28: {  	[tilespmem:s23], [sflag:$0x5] =	stream.indirect.gather [hbm4b:s2+s14], $0x40, s5, s14, $0xb8;
	[tilespmem:$0x16E40] =	vst v63  }
0x29: {  	_ =	swait.ge [sflag:s24], $0x1900  }
0x2a: {  	[sflag:s24] =	ssyncset.done $0x0  }
0x2b: {  	[sflag:s24] =	ssyncadd.s32 $0xFFFFE700  }
0x2c: {  	[spmem:s3] =	stream.indirect.scatter.add.f32 [tilespmem:s15], [sflag:$0x6], $0x40, s11, s14, $0xb8;
	[tilespmem:$0x16E40] =	vst v63  }
0x2d: {  	_ =	swait.ge [sflag:s25], $0x1900  }
0x2e: {  	[sflag:s25] =	ssyncset.done $0x0  }
0x2f: {  	s5 =	simm.s32 $0x2908;
	[sflag:s25] =	ssyncadd.s32 $0xFFFFE700  }
0x30: {  	[spmem:s3] =	stream.indirect.scatter.add.f32 [tilespmem:s17], [sflag:$0x7], $0x40, s5, s14, $0xb8;
	[tilespmem:$0x16E40] =	vst v63  }
0x31: {  	_ =	swait.ge [sflag:s28], $0x1900  }
0x32: {  	[sflag:s28] =	ssyncset.done $0x0  }
0x33: {  	s5 =	simm.s32 $0x2970;
	[sflag:s28] =	ssyncadd.s32 $0xFFFFE700  }
0x34: {  	[spmem:s3] =	stream.indirect.scatter.add.f32 [tilespmem:s19], [sflag:$0x8], $0x40, s5, s14, $0xb8;
	[tilespmem:$0x16E40] =	vst v63  }
0x35: {  	_ =	swait.ge [sflag:s30], $0x1900  }
0x36: {  	[sflag:s30] =	ssyncset.done $0x0  }
0x37: {  	s5 =	simm.s32 $0x29D8;
	[sflag:s30] =	ssyncadd.s32 $0xFFFFE700  }
0x38: {  	[spmem:s3] =	stream.indirect.scatter.add.f32 [tilespmem:s21], [sflag:$0x9], $0x40, s5, s14, $0xb8;
	[tilespmem:$0x16E40] =	vst v63  }
0x39: {  	_ =	swait.ge [sflag:s0], $0x1900  }
0x3a: {  	[sflag:s0] =	ssyncset.done $0x0  }
0x3b: {  	s5 =	simm.s32 $0x2A40;
	[sflag:s0] =	ssyncadd.s32 $0xFFFFE700  }
0x3c: {  	[spmem:s3] =	stream.indirect.scatter.add.f32 [tilespmem:s23], [sflag:$0xA], $0x40, s5, s14, $0xb8;
	[tilespmem:$0x16E40] =	vst v63  }
0x3d: {  	_ =	swait.ge [sflag:s16], $0x1900  }
0x3e: {  	[sflag:s16] =	ssyncset.done $0x0  }
0x3f: {  	s5 =	simm.s32 $0x208;
	[sflag:s16] =	ssyncadd.s32 $0xFFFFE700  }
0x40: {  	[tilespmem:s15], [sflag:$0x1] =	stream.indirect.gather [hbm4b:s2+s14], $0x40, s5, s14, $0xb8;
	[tilespmem:$0x16E40] =	vst v63  }
0x41: {  	_ =	swait.ge [sflag:s18], $0x1900  }
0x42: {  	[sflag:s18] =	ssyncset.done $0x0  }
0x43: {  	s5 =	simm.s32 $0x270;
	[sflag:s18] =	ssyncadd.s32 $0xFFFFE700  }
0x44: {  	[tilespmem:s17], [sflag:$0x2] =	stream.indirect.gather [hbm4b:s2+s14], $0x40, s5, s14, $0xb8;
	[tilespmem:$0x16E40] =	vst v63  }
0x45: {  	_ =	swait.ge [sflag:s20], $0x1900  }
0x46: {  	[sflag:s20] =	ssyncset.done $0x0  }
0x47: {  	s5 =	simm.s32 $0x2D8;
	[sflag:s20] =	ssyncadd.s32 $0xFFFFE700  }
0x48: {  	[tilespmem:s19], [sflag:$0x3] =	stream.indirect.gather [hbm4b:s2+s14], $0x40, s5, s14, $0xb8;
	[tilespmem:$0x16E40] =	vst v63  }
0x49: {  	_ =	swait.ge [sflag:s22], $0x1900  }
0x4a: {  	[sflag:s22] =	ssyncset.done $0x0  }
0x4b: {  	s5 =	simm.s32 $0x340;
	[sflag:s22] =	ssyncadd.s32 $0xFFFFE700  }
0x4c: {  	[tilespmem:s21], [sflag:$0x4] =	stream.indirect.gather [hbm4b:s2+s14], $0x40, s5, s14, $0xb8;
	[tilespmem:$0x16E40] =	vst v63  }
0x4d: {  	_ =	swait.ge [sflag:s26], $0x1900  }
0x4e: {  	[sflag:s26] =	ssyncset.done $0x0  }
0x4f: {  	s5 =	simm.s32 $0x3A8;
	[sflag:s26] =	ssyncadd.s32 $0xFFFFE700  }
0x50: {  	[tilespmem:s23], [sflag:$0x5] =	stream.indirect.gather [hbm4b:s2+s14], $0x40, s5, s14, $0xb8;
	[tilespmem:$0x16E40] =	vst v63  }
0x51: {  	_ =	swait.ge [sflag:s24], $0x1900  }
0x52: {  	[sflag:s24] =	ssyncset.done $0x0  }
0x53: {  	s5 =	simm.s32 $0x2AA8;
	[sflag:s24] =	ssyncadd.s32 $0xFFFFE700  }
0x54: {  	[spmem:s3] =	stream.indirect.scatter.add.f32 [tilespmem:s15], [sflag:$0x6], $0x40, s5, s14, $0xb8;
	[tilespmem:$0x16E40] =	vst v63  }
0x55: {  	_ =	swait.ge [sflag:s25], $0x1900  }
0x56: {  	[sflag:s25] =	ssyncset.done $0x0  }
0x57: {  	s5 =	simm.s32 $0x2B10;
	[sflag:s25] =	ssyncadd.s32 $0xFFFFE700  }
0x58: {  	[spmem:s3] =	stream.indirect.scatter.add.f32 [tilespmem:s17], [sflag:$0x7], $0x40, s5, s14, $0xb8;
	[tilespmem:$0x16E40] =	vst v63  }
0x59: {  	_ =	swait.ge [sflag:s28], $0x1900  }
0x5a: {  	[sflag:s28] =	ssyncset.done $0x0  }
0x5b: {  	s5 =	simm.s32 $0x2B78;
	[sflag:s28] =	ssyncadd.s32 $0xFFFFE700  }
0x5c: {  	[spmem:s3] =	stream.indirect.scatter.add.f32 [tilespmem:s19], [sflag:$0x8], $0x40, s5, s14, $0xb8;
	[tilespmem:$0x16E40] =	vst v63  }
0x5d: {  	_ =	swait.ge [sflag:s30], $0x1900  }
0x5e: {  	[sflag:s30] =	ssyncset.done $0x0  }
0x5f: {  	s5 =	simm.s32 $0x2BE0;
	[sflag:s30] =	ssyncadd.s32 $0xFFFFE700  }
0x60: {  	[spmem:s3] =	stream.indirect.scatter.add.f32 [tilespmem:s21], [sflag:$0x9], $0x40, s5, s14, $0xb8;
	[tilespmem:$0x16E40] =	vst v63  }
0x61: {  	_ =	swait.ge [sflag:s0], $0x1900  }
0x62: {  	[sflag:s0] =	ssyncset.done $0x0  }
0x63: {  	s31 =	simm.s32 $0x820;
	s1 =	simm.s32 $0x2C48;
	[sflag:s0] =	ssyncadd.s32 $0xFFFFE700  }
.LBB2_2:
0x64: {  	[spmem:s3] =	stream.indirect.scatter.add.f32 [tilespmem:s23], [sflag:$0xA], $0x40, s1, s14, $0xb8;
	[tilespmem:$0x16E40] =	vst v63  }
0x65: {  	s1 =	smov.u32 s31  }
0x66: {  	p0 =	sne.s32 s31, $0x9240;
	s31 =	sadd.s32 $0x820, s31;
	_ =	swait.ge [sflag:s16], $0x1900  }
0x67: {  	s1 =	sshra.s32 s1, $0x2;
	[sflag:s16] =	ssyncset.done $0x0  }
0x68: {  	s5 =	sadd.s32 $0x208, s1;
	[sflag:s16] =	ssyncadd.s32 $0xFFFFE700  }
0x69: {  	[tilespmem:s15], [sflag:$0x1] =	stream.indirect.gather [hbm4b:s2+s14], $0x40, s5, s14, $0xb8;
	[tilespmem:$0x16E40] =	vst v63  }
0x6a: {  	_ =	swait.ge [sflag:s18], $0x1900  }
0x6b: {  	[sflag:s18] =	ssyncset.done $0x0  }
0x6c: {  	s5 =	sadd.s32 $0x270, s1;
	[sflag:s18] =	ssyncadd.s32 $0xFFFFE700  }
0x6d: {  	[tilespmem:s17], [sflag:$0x2] =	stream.indirect.gather [hbm4b:s2+s14], $0x40, s5, s14, $0xb8;
	[tilespmem:$0x16E40] =	vst v63  }
0x6e: {  	_ =	swait.ge [sflag:s20], $0x1900  }
0x6f: {  	[sflag:s20] =	ssyncset.done $0x0  }
0x70: {  	s5 =	sadd.s32 $0x2D8, s1;
	[sflag:s20] =	ssyncadd.s32 $0xFFFFE700  }
0x71: {  	[tilespmem:s19], [sflag:$0x3] =	stream.indirect.gather [hbm4b:s2+s14], $0x40, s5, s14, $0xb8;
	[tilespmem:$0x16E40] =	vst v63  }
0x72: {  	_ =	swait.ge [sflag:s22], $0x1900  }
0x73: {  	[sflag:s22] =	ssyncset.done $0x0  }
0x74: {  	s5 =	sadd.s32 $0x340, s1;
	[sflag:s22] =	ssyncadd.s32 $0xFFFFE700  }
0x75: {  	[tilespmem:s21], [sflag:$0x4] =	stream.indirect.gather [hbm4b:s2+s14], $0x40, s5, s14, $0xb8;
	[tilespmem:$0x16E40] =	vst v63  }
0x76: {  	_ =	swait.ge [sflag:s26], $0x1900  }
0x77: {  	[sflag:s26] =	ssyncset.done $0x0  }
0x78: {  	s5 =	sadd.s32 $0x3A8, s1;
	[sflag:s26] =	ssyncadd.s32 $0xFFFFE700  }
0x79: {  	[tilespmem:s23], [sflag:$0x5] =	stream.indirect.gather [hbm4b:s2+s14], $0x40, s5, s14, $0xb8;
	[tilespmem:$0x16E40] =	vst v63  }
0x7a: {  	_ =	swait.ge [sflag:s24], $0x1900  }
0x7b: {  	[sflag:s24] =	ssyncset.done $0x0  }
0x7c: {  	s5 =	sadd.s32 $0x2AA8, s1;
	[sflag:s24] =	ssyncadd.s32 $0xFFFFE700  }
0x7d: {  	[spmem:s3] =	stream.indirect.scatter.add.f32 [tilespmem:s15], [sflag:$0x6], $0x40, s5, s14, $0xb8;
	[tilespmem:$0x16E40] =	vst v63  }
0x7e: {  	_ =	swait.ge [sflag:s25], $0x1900  }
0x7f: {  	[sflag:s25] =	ssyncset.done $0x0  }
0x80: {  	s5 =	sadd.s32 $0x2B10, s1;
	[sflag:s25] =	ssyncadd.s32 $0xFFFFE700  }
0x81: {  	[spmem:s3] =	stream.indirect.scatter.add.f32 [tilespmem:s17], [sflag:$0x7], $0x40, s5, s14, $0xb8;
	[tilespmem:$0x16E40] =	vst v63  }
0x82: {  	_ =	swait.ge [sflag:s28], $0x1900  }
0x83: {  	[sflag:s28] =	ssyncset.done $0x0  }
0x84: {  	s5 =	sadd.s32 $0x2B78, s1;
	[sflag:s28] =	ssyncadd.s32 $0xFFFFE700  }
0x85: {  	[spmem:s3] =	stream.indirect.scatter.add.f32 [tilespmem:s19], [sflag:$0x8], $0x40, s5, s14, $0xb8;
	[tilespmem:$0x16E40] =	vst v63  }
0x86: {  	_ =	swait.ge [sflag:s30], $0x1900  }
0x87: {  	[sflag:s30] =	ssyncset.done $0x0  }
.Ltmp0:
0x88: {  	s5 =	sadd.s32 $0x2BE0, s1;
	[sflag:s30] =	ssyncadd.s32 $0xFFFFE700;
	(pc) =	sbr.rel @p0 .LBB2_2-.Ltmp0, $4  }
0x89: {  	[spmem:s3] =	stream.indirect.scatter.add.f32 [tilespmem:s21], [sflag:$0x9], $0x40, s5, s14, $0xb8;
	[tilespmem:$0x16E40] =	vst v63  }
0x8a: {  	_ =	swait.ge [sflag:s0], $0x1900  }
0x8b: {  	[sflag:s0] =	ssyncset.done $0x0  }
0x8c: {  	s1 =	sadd.s32 $0x2C48, s1;
	[sflag:s0] =	ssyncadd.s32 $0xFFFFE700  }
0x8d: {  	[spmem:s3] =	stream.indirect.scatter.add.f32 [tilespmem:s23], [sflag:$0xA], $0x40, s1, s14, $0xb8;
	[tilespmem:$0x16E40] =	vst v63  }
0x8e: {  	_ =	swait.ge [sflag:s16], $0x1900  }
0x8f: {  	[sflag:s16] =	ssyncset.done $0x0  }
0x90: {  	[sflag:s16] =	ssyncadd.s32 $0xFFFFE700  }
0x91: {  	_ =	swait.ge [sflag:s18], $0x1900  }
0x92: {  	[sflag:s18] =	ssyncset.done $0x0  }
0x93: {  	[sflag:s18] =	ssyncadd.s32 $0xFFFFE700  }
0x94: {  	_ =	swait.ge [sflag:s20], $0x1900  }
0x95: {  	[sflag:s20] =	ssyncset.done $0x0  }
0x96: {  	[sflag:s20] =	ssyncadd.s32 $0xFFFFE700  }
0x97: {  	_ =	swait.ge [sflag:s22], $0x1900  }
0x98: {  	[sflag:s22] =	ssyncset.done $0x0  }
0x99: {  	[sflag:s22] =	ssyncadd.s32 $0xFFFFE700  }
0x9a: {  	_ =	swait.ge [sflag:s26], $0x1900  }
0x9b: {  	s29 =	sadd.s32 $0x1, s29;
	[sflag:s26] =	ssyncset.done $0x0  }
0x9c: {  	p0 =	sne.s32 s29, s9;
	[sflag:s26] =	ssyncadd.s32 $0xFFFFE700  }
.Ltmp1:
0x9d: {  	[bflag:$0x0] =	sbarrier.arrive $0xFFFF;
	(pc) =	sbr.rel @p0 .LBB2_1-.Ltmp1, $4  }
0x9e: {  	[hbm:s8], [sflag:s12] =	dma.local [spmem:s13], $0x1400  }
0x9f: {  	_ =	swait.ge [sflag:s10], $0x1400  }
0xa0: {  	[sflag:s10] =	ssyncset.done $0x0  }
0xa1: {  	[sflag:s10] =	ssyncadd.s32 $0xFFFFEC00  }
0xa2: {  	_ =	sfence.sel $0x180000  }
0xa3: {  	[bflag:$0x0] =	sbarrier.arrive $0xFFFF  }
0xa4: {  	_ =	strace $0x9000004A  }
0xa5: {  	s0 =	stileid.u32;
	[bflag:$0x2] =	sbarrier.arrive $0xFFFF  }
0xa6: {  	p0 =	sne.s32 s0, $0x0;
	s0 =	rddreg [dreg:$0x3]  }
0xa7: {  	s0 =	sadd.s32 @!p0 $0x100000, s0  }
0xa8: {  	[sflag:s0] =	ssyncadd.tile.s32 @!p0 $0x1;
	_ =	shalt  }
.Lfunc_end2:
_tile_overlayer_lowered:
.L_overlay_start_2:
0xa9: {  	(tag) =	ssettag $0x2  }
0xaa: {  	s0 =	rddreg [dreg:$0x0];
	s2 =	stileid.u32  }
0xab: {  	s1 =	rddreg [dreg:$0x1];
	p0 =	sne.s32 s2, $0x0  }
0xac: {  	s3 =	rddreg [dreg:$0x2];
	[bflag:$0x3] =	sbarrier.arrive $0xFFFF;
	s2 =	simm.s32 @!p0 $0x1C0B  }
0xad: {  	[timem:s3], [sflag:s2] =	dma.local @!p0 [hbm:s0], s1  }
0xae: {  	s0 =	simm.s32 @!p0 $0xB  }
0xaf: {  	_ =	swait.ge @!p0 [sflag:s0], s1  }
0xb0: {  	s1 =	ssub.s32 @!p0 $0x0, s1;
	[sflag:s0] =	ssyncset.done @!p0 $0x0  }
0xb1: {  	[sflag:s0] =	ssyncadd.s32 @!p0 s1  }
0xb2: {  	[bflag:$0x3] =	sbarrier.arrive $0xFFFF  }
0xb3: {  	_ =	shalt  }

// kernel: kernel.21.cloned.1.call-start
scs
__scs_entry_jumppad:
0x0: {  	(pc) =	sbr.rel $0x88, $3  }
0x1: {  	(tag) =	ssettag $0x0;
	lr =	simm.s32 $0x1  }
0x2: {  	[smem:$0x3F92] =	sst lr;
	_ =	strace $0xD0000000  }
0x3: {  	_ = 	snop  }
0x4: {  	_ = 	snop  }
0x5: {  	_ = 	snop  }
0x6: {  	_ = 	snop  }
0x7: {  	_ = 	snop  }
__scs_overlays_trampoline_lowered:
0x8: {  	[smem:$0x3FA1] =	sst s0  }
0x9: {  	[smem:$0x3FA2] =	sst s1  }
0xa: {  	[smem:$0x3FA3] =	sst s2  }
0xb: {  	[smem:$0x3FA4] =	sst s3  }
0xc: {  	[smem:$0x3FA5] =	sst s4  }
0xd: {  	[smem:$0x3FA6] =	sst s5  }
0xe: {  	[smem:$0x3FA7] =	sst s6  }
0xf: {  	[smem:$0x3FA8] =	sst s7  }
0x10: {  	[smem:$0x3FA9] =	sst s8  }
0x11: {  	[smem:$0x3FAA] =	sst s9;
	s0 =	simm.s32 @!p0 $0x0  }
0x12: {  	s1 =	sld [smem:$0x3F90];
	s0 =	simm.s32 @p0 $0x1  }
0x13: {  	[smem:$0x3FAB] =	sst s0;
	s0 =	simm.s32 @!p1 $0x0  }
0x14: {  	s2 =	sld [smem:$0x3F8F];
	s0 =	simm.s32 @p1 $0x1  }
0x15: {  	[smem:$0x3FAC] =	sst s0;
	s0 =	simm.s32 @!p2 $0x0  }
0x16: {  	s3 =	sld [smem:$0x3FDB];
	s0 =	simm.s32 @p2 $0x1  }
0x17: {  	s4 =	simm.s32 $0x1BF5;
	[smem:$0x3FAE] =	sst s0  }
0x18: {  	s0 =	sld [smem:$0x3F91];
	_ =	swait.ge [sflag:s4], $0x0  }
0x19: {  	s7 =	sld [smem:$0x3F92]  }
0x1a: {  	s8 =	sadd.s32 $0xFFFFE003, lr  }
0x1b: {  	s9 =	sadd.s32 $0xFFFFFEF7, lr;
	s5 =	simm.s32 $0xFFFFFFFF;
	p2 =	slt.u32 s8, $0xFFFFF086  }
0x1c: {  	p1 =	slt.u32 s9, $0xF7A;
	s5 =	simm.s32 @!p2 $0x0  }
0x1d: {  	s5 =	simm.s32 @p1 $0x1;
	p0 =	seq.s32 s7, s2  }
0x1e: {  	s7 =	smul.u32 @!p0 $0xF7A, s2;
	p2 =	seq.s32 @!p0 s5, $0x0  }
0x1f: {  	s9 =	smul.u32 $0xF7A, s1;
	s8 =	simm.s32 @!p0 $0x1BF5;
	p2 =	por !p2, p0  }
0x20: {  	[sflag:s8] =	ssyncset.s32 @!p0 $0xFFFFF086;
	s6 =	sadd.s32 @!p0 s3, s7;
	s7 =	simm.s32 @!p0 $0x108  }
0x21: {  	s3 =	sadd.s32 s3, s9;
	s6 =	sadd.s32 @!p0 $0x88, s6;
	s7 =	simm.s32 @p2 $0x1082  }
0x22: {  	[simem:s7], [sflag:s8] =	dma.local @!p0 [hbm:s6], $0xF7A  }
0x23: {  	s9 =	sor.u32 $0xD0000000, s2;
	s6 =	simm.s32 $0x108;
	_ =	swait.ge @!p0 [sflag:s8], $0x0  }
0x24: {  	s3 =	sadd.s32 $0x88, s3;
	s6 =	simm.s32 @!p1 $0x1082;
	[sflag:s4] =	ssyncset.s32 $0xFFFFF086  }
0x25: {  	[simem:s6], [sflag:s4] =	dma.local [hbm:s3], $0xF7A  }
0x26: {  	[smem:$0x3F92] =	sst s1;
	(tag) =	ssettag s2;
	_ =	strace s9  }
0x27: {  	s1 =	sld [smem:$0x3FA2]  }
0x28: {  	s2 =	sld [smem:$0x3FA3]  }
0x29: {  	s4 =	sld [smem:$0x3FA5]  }
0x2a: {  	p0 =	seq.s32 s5, $0x0;
	s5 =	sld [smem:$0x3FA6]  }
0x2b: {  	s6 =	sld [smem:$0x3FA7]  }
0x2c: {  	s7 =	sld [smem:$0x3FA8]  }
0x2d: {  	s3 =	simm.s32 $0x108;
	s8 =	sld [smem:$0x3FA9]  }
0x2e: {  	s3 =	simm.s32 @!p0 $0x1082;
	s9 =	sld [smem:$0x3FAA]  }
0x2f: {  	lr =	sadd.s32 s0, s3;
	s0 =	sld [smem:$0x3FA1]  }
0x30: {  	s3 =	sld [smem:$0x3FA4]  }
0x31: {  	[smem:$0x3FAD] =	sst s10  }
0x32: {  	s10 =	sld [smem:$0x3FAB];
	_ =	sdelay $0x3  }
0x33: {  	p0 =	seq.s32 s10, $0x1;
	s10 =	sld [smem:$0x3FAD];
	_ =	sdelay $0x3  }
0x34: {  	[smem:$0x3FAD] =	sst s10  }
0x35: {  	s10 =	sld [smem:$0x3FAC];
	_ =	sdelay $0x3  }
0x36: {  	p1 =	seq.s32 s10, $0x1;
	s10 =	sld [smem:$0x3FAD];
	_ =	sdelay $0x3  }
0x37: {  	[smem:$0x3FAD] =	sst s10  }
0x38: {  	s10 =	sld [smem:$0x3FAE]  }
0x39: {  	_ = 	snop;
	(pc) =	sbr.ind lr, $3  }
0x3a: {  	_ = 	snop  }
0x3b: {  	_ = 	snop  }
0x3c: {  	p2 =	seq.s32 s10, $0x1;
	s10 =	sld [smem:$0x3FAD]  }
0x3d: {  	_ =	shalt  }
0x3e: {  	_ =	shalt  }
0x3f: {  	_ =	shalt  }
0x40: {  	_ =	shalt  }
0x41: {  	_ =	shalt  }
0x42: {  	_ =	shalt  }
0x43: {  	_ =	shalt  }
0x44: {  	_ =	shalt  }
0x45: {  	_ =	shalt  }
0x46: {  	_ =	shalt  }
0x47: {  	_ =	shalt  }
0x48: {  	_ =	shalt  }
0x49: {  	_ =	shalt  }
0x4a: {  	_ =	shalt  }
0x4b: {  	_ =	shalt  }
0x4c: {  	_ =	shalt  }
0x4d: {  	_ =	shalt  }
0x4e: {  	_ =	shalt  }
0x4f: {  	_ =	shalt  }
0x50: {  	_ =	shalt  }
0x51: {  	_ =	shalt  }
0x52: {  	_ =	shalt  }
0x53: {  	_ =	shalt  }
0x54: {  	_ =	shalt  }
0x55: {  	_ =	shalt  }
0x56: {  	_ =	shalt  }
0x57: {  	_ =	shalt  }
0x58: {  	_ =	shalt  }
0x59: {  	_ =	shalt  }
0x5a: {  	_ =	shalt  }
0x5b: {  	_ =	shalt  }
0x5c: {  	_ =	shalt  }
0x5d: {  	_ =	shalt  }
0x5e: {  	_ =	shalt  }
0x5f: {  	_ =	shalt  }
0x60: {  	_ =	shalt  }
0x61: {  	_ =	shalt  }
0x62: {  	_ =	shalt  }
0x63: {  	_ =	shalt  }
0x64: {  	_ =	shalt  }
0x65: {  	_ =	shalt  }
0x66: {  	_ =	shalt  }
0x67: {  	_ =	shalt  }
0x68: {  	_ =	shalt  }
0x69: {  	_ =	shalt  }
0x6a: {  	_ =	shalt  }
0x6b: {  	_ =	shalt  }
0x6c: {  	_ =	shalt  }
0x6d: {  	_ =	shalt  }
0x6e: {  	_ =	shalt  }
0x6f: {  	_ =	shalt  }
0x70: {  	_ =	shalt  }
0x71: {  	_ =	shalt  }
0x72: {  	_ =	shalt  }
0x73: {  	_ =	shalt  }
0x74: {  	_ =	shalt  }
0x75: {  	_ =	shalt  }
0x76: {  	_ =	shalt  }
0x77: {  	_ =	shalt  }
0x78: {  	_ =	shalt  }
0x79: {  	_ =	shalt  }
0x7a: {  	_ =	shalt  }
0x7b: {  	_ =	shalt  }
0x7c: {  	_ =	shalt  }
0x7d: {  	_ =	shalt  }
0x7e: {  	_ =	shalt  }
0x7f: {  	_ =	shalt  }
0x80: {  	_ =	shalt  }
0x81: {  	_ =	shalt  }
0x82: {  	_ =	shalt  }
0x83: {  	_ =	shalt  }
0x84: {  	_ =	shalt  }
0x85: {  	_ =	shalt  }
0x86: {  	_ =	shalt  }
0x87: {  	_ =	shalt  }
.Lfunc_end0:
.L_simem_size_0:
called_computation.2_lowered:
.L_overlay_start_0:
0x88: {  	s2 =	sld [smem:$0x3FD9]  }
0x89: {  	s3 =	sld [smem:$0x3FFE];
	_ =	sdelay $0x1  }
0x8a: {  	s1 =	srdreg.scid  }
0x8b: {  	s0 =	sand.u32 $0x1, s1  }
0x8c: {  	s17 =	sshll.u32 s0, $0xA;
	s2 =	sadd.s32 s3, s2  }
0x8d: {  	s2 =	sadd.s32 s2, s17  }
0x8e: {  	[smem:$0x3FB9] =	sst s2  }
0x8f: {  	_ = 	snop  }
0x90: {  	s2 =	sld [smem:$0x3FD0];
	(tm) =	ssettm $0x1  }
0x91: {  	s18 =	sld [smem:$0x3FFB];
	_ =	sdelay $0x3  }
0x92: {  	_ =	strace s18  }
0x93: {  	s3 =	sld [smem:$0x3FFC];
	_ =	sdelay $0x3  }
0x94: {  	_ =	strace s3  }
0x95: {  	s3 =	sld [smem:$0x3FFD];
	_ =	sdelay $0x3  }
0x96: {  	_ =	strace s3  }
0x97: {  	_ =	strace $0x8FFFFFFF  }
0x98: {  	s19 =	sld [smem:$0x3FDB];
	_ =	sdelay $0x1  }
0x99: {  	s4 =	simm.s32 $_scs_section_size  }
0x9a: {  	s5 =	simm.s32 $_size__tile_overlayer_lowered;
	s6 =	simm.s32 $_tile_overlayer_lowered  }
0x9b: {  	s22 =	simm.s32 $0x1BFF;
	s21 =	sshll.u32 s6, $0x1;
	s3 =	sadd.s32 s4, s19  }
0x9c: {  	s7 =	simm.s32 $0x0;
	s20 =	sshll.u32 s5, $0x1;
	s5 =	sadd.s32 s21, s3  }
0x9d: {  	[timem:s7], [sflag:s22] =	dma.local [hbm:s5], s20  }
0x9e: {  	_ =	swait.ge [sflag:s22], s20  }
0x9f: {  	s4 =	ssub.s32 $0x0, s20;
	[sflag:s22] =	ssyncset.done $0x0  }
0xa0: {  	[sflag:s22] =	ssyncadd.s32 s4;
	_ =	sdelay $0x1  }
0xa1: {  	s23 =	simm.s32 $0x1B8B  }
0xa2: {  	_ =	swait.ge [sflag:s23], $0x1  }
0xa3: {  	[sflag:s23] =	ssyncset.done $0x0  }
0xa4: {  	s25 =	simm.s32 $0x1B8E;
	s24 =	sld [smem:$0x3FFE];
	[sflag:s23] =	ssyncadd.s32 $0xFFFFFFFF  }
0xa5: {  	s26 =	simm.s32 $execute0_lowered;
	[smem:$0x3FD2] =	sst s25  }
0xa6: {  	s5 =	sshll.u32 s26, $0x1;
	_ =	strace $0x8000004C;
	[dreg:$0x1] =	wrdreg $0xFFFFFFFF  }
0xa7: {  	s28 =	simm.s32 $_size_execute0_lowered;
	s3 =	sadd.s32 s3, s5;
	[dreg:$0x0] =	wrdreg $0x0  }
0xa8: {  	s5 =	sshll.u32 s28, $0x1;
	[dreg:$0x2] =	wrdreg s3  }
0xa9: {  	[dreg:$0x3] =	wrdreg s5  }
0xaa: {  	[dreg:$0x4] =	wrdreg $0xC0  }
0xab: {  	_ =	task [dreg:s7], $0x5FFFF  }
0xac: {  	[dreg:$0x1] =	wrdreg $0xFFFFFFFF  }
0xad: {  	[dreg:$0x0] =	wrdreg $0x60  }
0xae: {  	[dreg:$0x2] =	wrdreg s2  }
0xaf: {  	[dreg:$0x3] =	wrdreg s24  }
0xb0: {  	[dreg:$0x4] =	wrdreg $0xCE400  }
0xb1: {  	[dreg:$0x5] =	wrdreg $0x9  }
0xb2: {  	_ =	task.clear_ibuf [dreg:s7], $0x6FFFF;
	_ =	strace $0x9000004C  }
0xb3: {  	s29 =	simm.s32 $0x9;
	_ =	strace $0x8000004E  }
0xb4: {  	_ =	swait.ge [sflag:s29], $0x1  }
0xb5: {  	[sflag:s29] =	ssyncadd.s32 $0xFFFFFFFF  }
0xb6: {  	_ =	strace $0x9000004E  }
0xb7: {  	_ =	sfence  }
0xb8: {  	s30 =	sld [smem:$0x0];
	_ =	sdelay $0x2  }
0xb9: {  	s31 =	sshll.u32 s1, $0xD;
	s1 =	sshrl.u32 s1, $0x2  }
0xba: {  	s3 =	sand.u32 $0x4000, s31;
	s1 =	sadd.s32 s1, s30  }
0xbb: {  	s0 =	sor.u32 s3, s0;
	s1 =	sshll.u32 s1, $0x11  }
0xbc: {  	s0 =	sor.u32 s1, s0  }
0xbd: {  	s0 =	sadd.s32 $0x8F2B, s0  }
0xbe: {  	[sflag:s0] =	ssyncadd.remote.s32 $0x1  }
0xbf: {  	_ =	sfence.sel $0xFFFF  }
0xc0: {  	[dreg:$0x0] =	wrdreg $0xFFFFFFFF;
	(pc) =	sbr.abs _section_cstart, $3  }
0xc1: {  	[dreg:$0x1] =	wrdreg $0xFFFFFFFF  }
0xc2: {  	_ =	task.clear_ibuf [dreg:s7], $0x2FFFF;
	_ =	strace $0x9FFFFFFF  }
0xc3: {  	(tm) =	ssettm $0x7FFFFFFF  }
tec
execute0_lowered:
.L_overlay_start_1:
0x0: {  	(tag) =	ssettag $0x1  }
0x1: {  	s2 =	rddreg [dreg:$0x0]  }
0x2: {  	s0 =	rddreg [dreg:$0x1];
	s1 =	srdreg.scid  }
0x3: {  	s3 =	rddreg [dreg:$0x2];
	s12 =	stileid.u32  }
0x4: {  	s4 =	simm.s32 $0x0;
	s10 =	simm.s32 $0xB;
	s11 =	simm.s32 $0x28A0  }
0x5: {  	s14 =	simm.s32 $0x64;
	s15 =	simm.s32 $0x5140;
	s17 =	simm.s32 $0x6A40  }
0x6: {  	s19 =	simm.s32 $0x8340;
	s21 =	simm.s32 $0x9C40;
	s23 =	simm.s32 $0xB540  }
0x7: {  	s24 =	simm.s32 $0x1;
	s28 =	simm.s32 $0x3;
	s30 =	simm.s32 $0x4  }
0x8: {  	s16 =	simm.s32 $0x6;
	s18 =	simm.s32 $0x7;
	s20 =	simm.s32 $0x8  }
0x9: {  	s22 =	simm.s32 $0x9;
	s29 =	simm.s32 $0x0;
	s1 =	sand.u32 $0x1, s1  }
0xa: {  	s8 =	smul.u32 $0xA000, s12;
	[smem:$0x7FF] =	sst s4;
	s25 =	sadd.s32 $0x7A600, s0  }
0xb: {  	s31 =	sshll.u32 s12, $0x6;
	s5 =	sshll.u32 s1, $0x4;
	s6 =	smul.u32 $0xA0000, s1  }
0xc: {  	_ =	strace $0x8000004D;
	s1 =	ssub.s32 $0x2, s1;
	[dreg:$0x4] =	wrdreg s25  }
0xd: {  	s25 =	simm.s32 $0x2;
	s5 =	sor.u32 s12, s5;
	s26 =	sshrl.u32 s1, $0x1  }
0xe: {  	s13 =	sadd.s32 s8, s3;
	s12 =	sor.u32 $0x1C0B, s31;
	s5 =	smul.u32 $0x514, s5  }
0xf: {  	s6 =	sadd.s32 s8, s6;
	s1 =	ssub.s32 s1, s26;
	s13 =	sshrl.u32 s13, $0x3  }
0x10: {  	s26 =	simm.s32 $0xA;
	s6 =	sshrl.u32 s6, $0x3;
	s7 =	sadd.s32 s5, s0  }
0x11: {  	s9 =	smax.u32 s1, $0x1;
	s0 =	sadd.s32 s6, s0;
	s6 =	sadd.s32 $0x9D200, s7  }
0x12: {  	s7 =	sadd.s32 $0x92E00, s7;
	s8 =	sadd.s32 $0xA7600, s0;
	s0 =	simm.s32 $0x5  }
.LBB2_1:
0x13: {  	[tilespmem:s4], [sflag:$0xB] =	stream.linear.gather [hbm4b:s6+s4], $0x28A0, $0x38;
	[tilespmem:$0x16E40] =	vst v63  }
0x14: {  	_ =	swait.ge [sflag:s10], $0x28A0  }
0x15: {  	[sflag:s10] =	ssyncset.done $0x0  }
0x16: {  	[sflag:s10] =	ssyncadd.s32 $0xFFFFD760  }
0x17: {  	[tilespmem:s11], [sflag:$0xB] =	stream.linear.gather [hbm4b:s7+s4], $0x28A0, $0x38;
	[tilespmem:$0x16E40] =	vst v63  }
0x18: {  	_ =	swait.ge [sflag:s10], $0x28A0  }
0x19: {  	[sflag:s10] =	ssyncset.done $0x0  }
0x1a: {  	s1 =	rddreg [dreg:$0x4];
	[sflag:s10] =	ssyncadd.s32 $0xFFFFD760  }
0x1b: {  	[spmem:s13], [sflag:s12] =	dma.local [hbm:s1], $0x1400  }
0x1c: {  	_ =	swait.ge [sflag:s10], $0x1400  }
0x1d: {  	[sflag:s10] =	ssyncset.done $0x0  }
0x1e: {  	[sflag:s10] =	ssyncadd.s32 $0xFFFFEC00  }
0x1f: {  	[bflag:$0x0] =	sbarrier.arrive $0xFFFF  }
0x20: {  	[tilespmem:s15], [sflag:$0x1] =	stream.indirect.gather [hbm4b:s2+s14], $0x40, s4, s14, $0xb8;
	[tilespmem:$0x16E40] =	vst v63  }
0x21: {  	s5 =	simm.s32 $0x68  }
0x22: {  	[tilespmem:s17], [sflag:$0x2] =	stream.indirect.gather [hbm4b:s2+s14], $0x40, s5, s14, $0xb8;
	[tilespmem:$0x16E40] =	vst v63  }
0x23: {  	s5 =	simm.s32 $0xD0  }
0x24: {  	[tilespmem:s19], [sflag:$0x3] =	stream.indirect.gather [hbm4b:s2+s14], $0x40, s5, s14, $0xb8;
	[tilespmem:$0x16E40] =	vst v63  }
0x25: {  	s5 =	simm.s32 $0x138  }
0x26: {  	[tilespmem:s21], [sflag:$0x4] =	stream.indirect.gather [hbm4b:s2+s14], $0x40, s5, s14, $0xb8;
	[tilespmem:$0x16E40] =	vst v63  }
0x27: {  	s5 =	simm.s32 $0x1A0  }
0x28: {  	[tilespmem:s23], [sflag:$0x5] =	stream.indirect.gather [hbm4b:s2+s14], $0x40, s5, s14, $0xb8;
	[tilespmem:$0x16E40] =	vst v63  }
0x29: {  	_ =	swait.ge [sflag:s24], $0x1900  }
0x2a: {  	[sflag:s24] =	ssyncset.done $0x0  }
0x2b: {  	[sflag:s24] =	ssyncadd.s32 $0xFFFFE700  }
0x2c: {  	[spmem:s3] =	stream.indirect.scatter.add.f32 [tilespmem:s15], [sflag:$0x6], $0x40, s11, s14, $0xb8;
	[tilespmem:$0x16E40] =	vst v63  }
0x2d: {  	_ =	swait.ge [sflag:s25], $0x1900  }
0x2e: {  	[sflag:s25] =	ssyncset.done $0x0  }
0x2f: {  	s5 =	simm.s32 $0x2908;
	[sflag:s25] =	ssyncadd.s32 $0xFFFFE700  }
0x30: {  	[spmem:s3] =	stream.indirect.scatter.add.f32 [tilespmem:s17], [sflag:$0x7], $0x40, s5, s14, $0xb8;
	[tilespmem:$0x16E40] =	vst v63  }
0x31: {  	_ =	swait.ge [sflag:s28], $0x1900  }
0x32: {  	[sflag:s28] =	ssyncset.done $0x0  }
0x33: {  	s5 =	simm.s32 $0x2970;
	[sflag:s28] =	ssyncadd.s32 $0xFFFFE700  }
0x34: {  	[spmem:s3] =	stream.indirect.scatter.add.f32 [tilespmem:s19], [sflag:$0x8], $0x40, s5, s14, $0xb8;
	[tilespmem:$0x16E40] =	vst v63  }
0x35: {  	_ =	swait.ge [sflag:s30], $0x1900  }
0x36: {  	[sflag:s30] =	ssyncset.done $0x0  }
0x37: {  	s5 =	simm.s32 $0x29D8;
	[sflag:s30] =	ssyncadd.s32 $0xFFFFE700  }
0x38: {  	[spmem:s3] =	stream.indirect.scatter.add.f32 [tilespmem:s21], [sflag:$0x9], $0x40, s5, s14, $0xb8;
	[tilespmem:$0x16E40] =	vst v63  }
0x39: {  	_ =	swait.ge [sflag:s0], $0x1900  }
0x3a: {  	[sflag:s0] =	ssyncset.done $0x0  }
0x3b: {  	s5 =	simm.s32 $0x2A40;
	[sflag:s0] =	ssyncadd.s32 $0xFFFFE700  }
0x3c: {  	[spmem:s3] =	stream.indirect.scatter.add.f32 [tilespmem:s23], [sflag:$0xA], $0x40, s5, s14, $0xb8;
	[tilespmem:$0x16E40] =	vst v63  }
0x3d: {  	_ =	swait.ge [sflag:s16], $0x1900  }
0x3e: {  	[sflag:s16] =	ssyncset.done $0x0  }
0x3f: {  	s5 =	simm.s32 $0x208;
	[sflag:s16] =	ssyncadd.s32 $0xFFFFE700  }
0x40: {  	[tilespmem:s15], [sflag:$0x1] =	stream.indirect.gather [hbm4b:s2+s14], $0x40, s5, s14, $0xb8;
	[tilespmem:$0x16E40] =	vst v63  }
0x41: {  	_ =	swait.ge [sflag:s18], $0x1900  }
0x42: {  	[sflag:s18] =	ssyncset.done $0x0  }
0x43: {  	s5 =	simm.s32 $0x270;
	[sflag:s18] =	ssyncadd.s32 $0xFFFFE700  }
0x44: {  	[tilespmem:s17], [sflag:$0x2] =	stream.indirect.gather [hbm4b:s2+s14], $0x40, s5, s14, $0xb8;
	[tilespmem:$0x16E40] =	vst v63  }
0x45: {  	_ =	swait.ge [sflag:s20], $0x1900  }
0x46: {  	[sflag:s20] =	ssyncset.done $0x0  }
0x47: {  	s5 =	simm.s32 $0x2D8;
	[sflag:s20] =	ssyncadd.s32 $0xFFFFE700  }
0x48: {  	[tilespmem:s19], [sflag:$0x3] =	stream.indirect.gather [hbm4b:s2+s14], $0x40, s5, s14, $0xb8;
	[tilespmem:$0x16E40] =	vst v63  }
0x49: {  	_ =	swait.ge [sflag:s22], $0x1900  }
0x4a: {  	[sflag:s22] =	ssyncset.done $0x0  }
0x4b: {  	s5 =	simm.s32 $0x340;
	[sflag:s22] =	ssyncadd.s32 $0xFFFFE700  }
0x4c: {  	[tilespmem:s21], [sflag:$0x4] =	stream.indirect.gather [hbm4b:s2+s14], $0x40, s5, s14, $0xb8;
	[tilespmem:$0x16E40] =	vst v63  }
0x4d: {  	_ =	swait.ge [sflag:s26], $0x1900  }
0x4e: {  	[sflag:s26] =	ssyncset.done $0x0  }
0x4f: {  	s5 =	simm.s32 $0x3A8;
	[sflag:s26] =	ssyncadd.s32 $0xFFFFE700  }
0x50: {  	[tilespmem:s23], [sflag:$0x5] =	stream.indirect.gather [hbm4b:s2+s14], $0x40, s5, s14, $0xb8;
	[tilespmem:$0x16E40] =	vst v63  }
0x51: {  	_ =	swait.ge [sflag:s24], $0x1900  }
0x52: {  	[sflag:s24] =	ssyncset.done $0x0  }
0x53: {  	s5 =	simm.s32 $0x2AA8;
	[sflag:s24] =	ssyncadd.s32 $0xFFFFE700  }
0x54: {  	[spmem:s3] =	stream.indirect.scatter.add.f32 [tilespmem:s15], [sflag:$0x6], $0x40, s5, s14, $0xb8;
	[tilespmem:$0x16E40] =	vst v63  }
0x55: {  	_ =	swait.ge [sflag:s25], $0x1900  }
0x56: {  	[sflag:s25] =	ssyncset.done $0x0  }
0x57: {  	s5 =	simm.s32 $0x2B10;
	[sflag:s25] =	ssyncadd.s32 $0xFFFFE700  }
0x58: {  	[spmem:s3] =	stream.indirect.scatter.add.f32 [tilespmem:s17], [sflag:$0x7], $0x40, s5, s14, $0xb8;
	[tilespmem:$0x16E40] =	vst v63  }
0x59: {  	_ =	swait.ge [sflag:s28], $0x1900  }
0x5a: {  	[sflag:s28] =	ssyncset.done $0x0  }
0x5b: {  	s5 =	simm.s32 $0x2B78;
	[sflag:s28] =	ssyncadd.s32 $0xFFFFE700  }
0x5c: {  	[spmem:s3] =	stream.indirect.scatter.add.f32 [tilespmem:s19], [sflag:$0x8], $0x40, s5, s14, $0xb8;
	[tilespmem:$0x16E40] =	vst v63  }
0x5d: {  	_ =	swait.ge [sflag:s30], $0x1900  }
0x5e: {  	[sflag:s30] =	ssyncset.done $0x0  }
0x5f: {  	s5 =	simm.s32 $0x2BE0;
	[sflag:s30] =	ssyncadd.s32 $0xFFFFE700  }
0x60: {  	[spmem:s3] =	stream.indirect.scatter.add.f32 [tilespmem:s21], [sflag:$0x9], $0x40, s5, s14, $0xb8;
	[tilespmem:$0x16E40] =	vst v63  }
0x61: {  	_ =	swait.ge [sflag:s0], $0x1900  }
0x62: {  	[sflag:s0] =	ssyncset.done $0x0  }
0x63: {  	s31 =	simm.s32 $0x820;
	s1 =	simm.s32 $0x2C48;
	[sflag:s0] =	ssyncadd.s32 $0xFFFFE700  }
.LBB2_2:
0x64: {  	[spmem:s3] =	stream.indirect.scatter.add.f32 [tilespmem:s23], [sflag:$0xA], $0x40, s1, s14, $0xb8;
	[tilespmem:$0x16E40] =	vst v63  }
0x65: {  	s1 =	smov.u32 s31  }
0x66: {  	p0 =	sne.s32 s31, $0x9240;
	s31 =	sadd.s32 $0x820, s31;
	_ =	swait.ge [sflag:s16], $0x1900  }
0x67: {  	s1 =	sshra.s32 s1, $0x2;
	[sflag:s16] =	ssyncset.done $0x0  }
0x68: {  	s5 =	sadd.s32 $0x208, s1;
	[sflag:s16] =	ssyncadd.s32 $0xFFFFE700  }
0x69: {  	[tilespmem:s15], [sflag:$0x1] =	stream.indirect.gather [hbm4b:s2+s14], $0x40, s5, s14, $0xb8;
	[tilespmem:$0x16E40] =	vst v63  }
0x6a: {  	_ =	swait.ge [sflag:s18], $0x1900  }
0x6b: {  	[sflag:s18] =	ssyncset.done $0x0  }
0x6c: {  	s5 =	sadd.s32 $0x270, s1;
	[sflag:s18] =	ssyncadd.s32 $0xFFFFE700  }
0x6d: {  	[tilespmem:s17], [sflag:$0x2] =	stream.indirect.gather [hbm4b:s2+s14], $0x40, s5, s14, $0xb8;
	[tilespmem:$0x16E40] =	vst v63  }
0x6e: {  	_ =	swait.ge [sflag:s20], $0x1900  }
0x6f: {  	[sflag:s20] =	ssyncset.done $0x0  }
0x70: {  	s5 =	sadd.s32 $0x2D8, s1;
	[sflag:s20] =	ssyncadd.s32 $0xFFFFE700  }
0x71: {  	[tilespmem:s19], [sflag:$0x3] =	stream.indirect.gather [hbm4b:s2+s14], $0x40, s5, s14, $0xb8;
	[tilespmem:$0x16E40] =	vst v63  }
0x72: {  	_ =	swait.ge [sflag:s22], $0x1900  }
0x73: {  	[sflag:s22] =	ssyncset.done $0x0  }
0x74: {  	s5 =	sadd.s32 $0x340, s1;
	[sflag:s22] =	ssyncadd.s32 $0xFFFFE700  }
0x75: {  	[tilespmem:s21], [sflag:$0x4] =	stream.indirect.gather [hbm4b:s2+s14], $0x40, s5, s14, $0xb8;
	[tilespmem:$0x16E40] =	vst v63  }
0x76: {  	_ =	swait.ge [sflag:s26], $0x1900  }
0x77: {  	[sflag:s26] =	ssyncset.done $0x0  }
0x78: {  	s5 =	sadd.s32 $0x3A8, s1;
	[sflag:s26] =	ssyncadd.s32 $0xFFFFE700  }
0x79: {  	[tilespmem:s23], [sflag:$0x5] =	stream.indirect.gather [hbm4b:s2+s14], $0x40, s5, s14, $0xb8;
	[tilespmem:$0x16E40] =	vst v63  }
0x7a: {  	_ =	swait.ge [sflag:s24], $0x1900  }
0x7b: {  	[sflag:s24] =	ssyncset.done $0x0  }
0x7c: {  	s5 =	sadd.s32 $0x2AA8, s1;
	[sflag:s24] =	ssyncadd.s32 $0xFFFFE700  }
0x7d: {  	[spmem:s3] =	stream.indirect.scatter.add.f32 [tilespmem:s15], [sflag:$0x6], $0x40, s5, s14, $0xb8;
	[tilespmem:$0x16E40] =	vst v63  }
0x7e: {  	_ =	swait.ge [sflag:s25], $0x1900  }
0x7f: {  	[sflag:s25] =	ssyncset.done $0x0  }
0x80: {  	s5 =	sadd.s32 $0x2B10, s1;
	[sflag:s25] =	ssyncadd.s32 $0xFFFFE700  }
0x81: {  	[spmem:s3] =	stream.indirect.scatter.add.f32 [tilespmem:s17], [sflag:$0x7], $0x40, s5, s14, $0xb8;
	[tilespmem:$0x16E40] =	vst v63  }
0x82: {  	_ =	swait.ge [sflag:s28], $0x1900  }
0x83: {  	[sflag:s28] =	ssyncset.done $0x0  }
0x84: {  	s5 =	sadd.s32 $0x2B78, s1;
	[sflag:s28] =	ssyncadd.s32 $0xFFFFE700  }
0x85: {  	[spmem:s3] =	stream.indirect.scatter.add.f32 [tilespmem:s19], [sflag:$0x8], $0x40, s5, s14, $0xb8;
	[tilespmem:$0x16E40] =	vst v63  }
0x86: {  	_ =	swait.ge [sflag:s30], $0x1900  }
0x87: {  	[sflag:s30] =	ssyncset.done $0x0  }
.Ltmp0:
0x88: {  	s5 =	sadd.s32 $0x2BE0, s1;
	[sflag:s30] =	ssyncadd.s32 $0xFFFFE700;
	(pc) =	sbr.rel @p0 .LBB2_2-.Ltmp0, $4  }
0x89: {  	[spmem:s3] =	stream.indirect.scatter.add.f32 [tilespmem:s21], [sflag:$0x9], $0x40, s5, s14, $0xb8;
	[tilespmem:$0x16E40] =	vst v63  }
0x8a: {  	_ =	swait.ge [sflag:s0], $0x1900  }
0x8b: {  	[sflag:s0] =	ssyncset.done $0x0  }
0x8c: {  	s1 =	sadd.s32 $0x2C48, s1;
	[sflag:s0] =	ssyncadd.s32 $0xFFFFE700  }
0x8d: {  	[spmem:s3] =	stream.indirect.scatter.add.f32 [tilespmem:s23], [sflag:$0xA], $0x40, s1, s14, $0xb8;
	[tilespmem:$0x16E40] =	vst v63  }
0x8e: {  	_ =	swait.ge [sflag:s16], $0x1900  }
0x8f: {  	[sflag:s16] =	ssyncset.done $0x0  }
0x90: {  	[sflag:s16] =	ssyncadd.s32 $0xFFFFE700  }
0x91: {  	_ =	swait.ge [sflag:s18], $0x1900  }
0x92: {  	[sflag:s18] =	ssyncset.done $0x0  }
0x93: {  	[sflag:s18] =	ssyncadd.s32 $0xFFFFE700  }
0x94: {  	_ =	swait.ge [sflag:s20], $0x1900  }
0x95: {  	[sflag:s20] =	ssyncset.done $0x0  }
0x96: {  	[sflag:s20] =	ssyncadd.s32 $0xFFFFE700  }
0x97: {  	_ =	swait.ge [sflag:s22], $0x1900  }
0x98: {  	[sflag:s22] =	ssyncset.done $0x0  }
0x99: {  	[sflag:s22] =	ssyncadd.s32 $0xFFFFE700  }
0x9a: {  	_ =	swait.ge [sflag:s26], $0x1900  }
0x9b: {  	s29 =	sadd.s32 $0x1, s29;
	[sflag:s26] =	ssyncset.done $0x0  }
0x9c: {  	p0 =	sne.s32 s29, s9;
	[sflag:s26] =	ssyncadd.s32 $0xFFFFE700  }
.Ltmp1:
0x9d: {  	[bflag:$0x0] =	sbarrier.arrive $0xFFFF;
	(pc) =	sbr.rel @p0 .LBB2_1-.Ltmp1, $4  }
0x9e: {  	[hbm:s8], [sflag:s12] =	dma.local [spmem:s13], $0x1400  }
0x9f: {  	_ =	swait.ge [sflag:s10], $0x1400  }
0xa0: {  	[sflag:s10] =	ssyncset.done $0x0  }
0xa1: {  	[sflag:s10] =	ssyncadd.s32 $0xFFFFEC00  }
0xa2: {  	_ =	sfence.sel $0x180000  }
0xa3: {  	[bflag:$0x0] =	sbarrier.arrive $0xFFFF  }
0xa4: {  	_ =	strace $0x9000004D  }
0xa5: {  	s0 =	stileid.u32;
	[bflag:$0x2] =	sbarrier.arrive $0xFFFF  }
0xa6: {  	p0 =	sne.s32 s0, $0x0;
	s0 =	rddreg [dreg:$0x3]  }
0xa7: {  	s0 =	sadd.s32 @!p0 $0x100000, s0  }
0xa8: {  	[sflag:s0] =	ssyncadd.tile.s32 @!p0 $0x1;
	_ =	shalt  }
.Lfunc_end2:
_tile_overlayer_lowered:
.L_overlay_start_2:
0xa9: {  	(tag) =	ssettag $0x2  }
0xaa: {  	s0 =	rddreg [dreg:$0x0];
	s2 =	stileid.u32  }
0xab: {  	s1 =	rddreg [dreg:$0x1];
	p0 =	sne.s32 s2, $0x0  }
0xac: {  	s3 =	rddreg [dreg:$0x2];
	[bflag:$0x3] =	sbarrier.arrive $0xFFFF;
	s2 =	simm.s32 @!p0 $0x1C0B  }
0xad: {  	[timem:s3], [sflag:s2] =	dma.local @!p0 [hbm:s0], s1  }
0xae: {  	s0 =	simm.s32 @!p0 $0xB  }
0xaf: {  	_ =	swait.ge @!p0 [sflag:s0], s1  }
0xb0: {  	s1 =	ssub.s32 @!p0 $0x0, s1;
	[sflag:s0] =	ssyncset.done @!p0 $0x0  }
0xb1: {  	[sflag:s0] =	ssyncadd.s32 @!p0 s1  }
0xb2: {  	[bflag:$0x3] =	sbarrier.arrive $0xFFFF  }
0xb3: {  	_ =	shalt  }

// kernel: kernel.24.cloned.1.call-start
scs
__scs_entry_jumppad:
0x0: {  	(pc) =	sbr.rel $0x88, $3  }
0x1: {  	(tag) =	ssettag $0x0;
	lr =	simm.s32 $0x1  }
0x2: {  	[smem:$0x3F92] =	sst lr;
	_ =	strace $0xD0000000  }
0x3: {  	_ = 	snop  }
0x4: {  	_ = 	snop  }
0x5: {  	_ = 	snop  }
0x6: {  	_ = 	snop  }
0x7: {  	_ = 	snop  }
__scs_overlays_trampoline_lowered:
0x8: {  	[smem:$0x3FA1] =	sst s0  }
0x9: {  	[smem:$0x3FA2] =	sst s1  }
0xa: {  	[smem:$0x3FA3] =	sst s2  }
0xb: {  	[smem:$0x3FA4] =	sst s3  }
0xc: {  	[smem:$0x3FA5] =	sst s4  }
0xd: {  	[smem:$0x3FA6] =	sst s5  }
0xe: {  	[smem:$0x3FA7] =	sst s6  }
0xf: {  	[smem:$0x3FA8] =	sst s7  }
0x10: {  	[smem:$0x3FA9] =	sst s8  }
0x11: {  	[smem:$0x3FAA] =	sst s9;
	s0 =	simm.s32 @!p0 $0x0  }
0x12: {  	s1 =	sld [smem:$0x3F90];
	s0 =	simm.s32 @p0 $0x1  }
0x13: {  	[smem:$0x3FAB] =	sst s0;
	s0 =	simm.s32 @!p1 $0x0  }
0x14: {  	s2 =	sld [smem:$0x3F8F];
	s0 =	simm.s32 @p1 $0x1  }
0x15: {  	[smem:$0x3FAC] =	sst s0;
	s0 =	simm.s32 @!p2 $0x0  }
0x16: {  	s3 =	sld [smem:$0x3FDB];
	s0 =	simm.s32 @p2 $0x1  }
0x17: {  	s4 =	simm.s32 $0x1BF5;
	[smem:$0x3FAE] =	sst s0  }
0x18: {  	s0 =	sld [smem:$0x3F91];
	_ =	swait.ge [sflag:s4], $0x0  }
0x19: {  	s7 =	sld [smem:$0x3F92]  }
0x1a: {  	s8 =	sadd.s32 $0xFFFFE003, lr  }
0x1b: {  	s9 =	sadd.s32 $0xFFFFFEF7, lr;
	s5 =	simm.s32 $0xFFFFFFFF;
	p2 =	slt.u32 s8, $0xFFFFF086  }
0x1c: {  	p1 =	slt.u32 s9, $0xF7A;
	s5 =	simm.s32 @!p2 $0x0  }
0x1d: {  	s5 =	simm.s32 @p1 $0x1;
	p0 =	seq.s32 s7, s2  }
0x1e: {  	s7 =	smul.u32 @!p0 $0xF7A, s2;
	p2 =	seq.s32 @!p0 s5, $0x0  }
0x1f: {  	s9 =	smul.u32 $0xF7A, s1;
	s8 =	simm.s32 @!p0 $0x1BF5;
	p2 =	por !p2, p0  }
0x20: {  	[sflag:s8] =	ssyncset.s32 @!p0 $0xFFFFF086;
	s6 =	sadd.s32 @!p0 s3, s7;
	s7 =	simm.s32 @!p0 $0x108  }
0x21: {  	s3 =	sadd.s32 s3, s9;
	s6 =	sadd.s32 @!p0 $0x88, s6;
	s7 =	simm.s32 @p2 $0x1082  }
0x22: {  	[simem:s7], [sflag:s8] =	dma.local @!p0 [hbm:s6], $0xF7A  }
0x23: {  	s9 =	sor.u32 $0xD0000000, s2;
	s6 =	simm.s32 $0x108;
	_ =	swait.ge @!p0 [sflag:s8], $0x0  }
0x24: {  	s3 =	sadd.s32 $0x88, s3;
	s6 =	simm.s32 @!p1 $0x1082;
	[sflag:s4] =	ssyncset.s32 $0xFFFFF086  }
0x25: {  	[simem:s6], [sflag:s4] =	dma.local [hbm:s3], $0xF7A  }
0x26: {  	[smem:$0x3F92] =	sst s1;
	(tag) =	ssettag s2;
	_ =	strace s9  }
0x27: {  	s1 =	sld [smem:$0x3FA2]  }
0x28: {  	s2 =	sld [smem:$0x3FA3]  }
0x29: {  	s4 =	sld [smem:$0x3FA5]  }
0x2a: {  	p0 =	seq.s32 s5, $0x0;
	s5 =	sld [smem:$0x3FA6]  }
0x2b: {  	s6 =	sld [smem:$0x3FA7]  }
0x2c: {  	s7 =	sld [smem:$0x3FA8]  }
0x2d: {  	s3 =	simm.s32 $0x108;
	s8 =	sld [smem:$0x3FA9]  }
0x2e: {  	s3 =	simm.s32 @!p0 $0x1082;
	s9 =	sld [smem:$0x3FAA]  }
0x2f: {  	lr =	sadd.s32 s0, s3;
	s0 =	sld [smem:$0x3FA1]  }
0x30: {  	s3 =	sld [smem:$0x3FA4]  }
0x31: {  	[smem:$0x3FAD] =	sst s10  }
0x32: {  	s10 =	sld [smem:$0x3FAB];
	_ =	sdelay $0x3  }
0x33: {  	p0 =	seq.s32 s10, $0x1;
	s10 =	sld [smem:$0x3FAD];
	_ =	sdelay $0x3  }
0x34: {  	[smem:$0x3FAD] =	sst s10  }
0x35: {  	s10 =	sld [smem:$0x3FAC];
	_ =	sdelay $0x3  }
0x36: {  	p1 =	seq.s32 s10, $0x1;
	s10 =	sld [smem:$0x3FAD];
	_ =	sdelay $0x3  }
0x37: {  	[smem:$0x3FAD] =	sst s10  }
0x38: {  	s10 =	sld [smem:$0x3FAE]  }
0x39: {  	_ = 	snop;
	(pc) =	sbr.ind lr, $3  }
0x3a: {  	_ = 	snop  }
0x3b: {  	_ = 	snop  }
0x3c: {  	p2 =	seq.s32 s10, $0x1;
	s10 =	sld [smem:$0x3FAD]  }
0x3d: {  	_ =	shalt  }
0x3e: {  	_ =	shalt  }
0x3f: {  	_ =	shalt  }
0x40: {  	_ =	shalt  }
0x41: {  	_ =	shalt  }
0x42: {  	_ =	shalt  }
0x43: {  	_ =	shalt  }
0x44: {  	_ =	shalt  }
0x45: {  	_ =	shalt  }
0x46: {  	_ =	shalt  }
0x47: {  	_ =	shalt  }
0x48: {  	_ =	shalt  }
0x49: {  	_ =	shalt  }
0x4a: {  	_ =	shalt  }
0x4b: {  	_ =	shalt  }
0x4c: {  	_ =	shalt  }
0x4d: {  	_ =	shalt  }
0x4e: {  	_ =	shalt  }
0x4f: {  	_ =	shalt  }
0x50: {  	_ =	shalt  }
0x51: {  	_ =	shalt  }
0x52: {  	_ =	shalt  }
0x53: {  	_ =	shalt  }
0x54: {  	_ =	shalt  }
0x55: {  	_ =	shalt  }
0x56: {  	_ =	shalt  }
0x57: {  	_ =	shalt  }
0x58: {  	_ =	shalt  }
0x59: {  	_ =	shalt  }
0x5a: {  	_ =	shalt  }
0x5b: {  	_ =	shalt  }
0x5c: {  	_ =	shalt  }
0x5d: {  	_ =	shalt  }
0x5e: {  	_ =	shalt  }
0x5f: {  	_ =	shalt  }
0x60: {  	_ =	shalt  }
0x61: {  	_ =	shalt  }
0x62: {  	_ =	shalt  }
0x63: {  	_ =	shalt  }
0x64: {  	_ =	shalt  }
0x65: {  	_ =	shalt  }
0x66: {  	_ =	shalt  }
0x67: {  	_ =	shalt  }
0x68: {  	_ =	shalt  }
0x69: {  	_ =	shalt  }
0x6a: {  	_ =	shalt  }
0x6b: {  	_ =	shalt  }
0x6c: {  	_ =	shalt  }
0x6d: {  	_ =	shalt  }
0x6e: {  	_ =	shalt  }
0x6f: {  	_ =	shalt  }
0x70: {  	_ =	shalt  }
0x71: {  	_ =	shalt  }
0x72: {  	_ =	shalt  }
0x73: {  	_ =	shalt  }
0x74: {  	_ =	shalt  }
0x75: {  	_ =	shalt  }
0x76: {  	_ =	shalt  }
0x77: {  	_ =	shalt  }
0x78: {  	_ =	shalt  }
0x79: {  	_ =	shalt  }
0x7a: {  	_ =	shalt  }
0x7b: {  	_ =	shalt  }
0x7c: {  	_ =	shalt  }
0x7d: {  	_ =	shalt  }
0x7e: {  	_ =	shalt  }
0x7f: {  	_ =	shalt  }
0x80: {  	_ =	shalt  }
0x81: {  	_ =	shalt  }
0x82: {  	_ =	shalt  }
0x83: {  	_ =	shalt  }
0x84: {  	_ =	shalt  }
0x85: {  	_ =	shalt  }
0x86: {  	_ =	shalt  }
0x87: {  	_ =	shalt  }
.Lfunc_end0:
.L_simem_size_0:
called_computation.3_lowered:
.L_overlay_start_0:
0x88: {  	s2 =	sld [smem:$0x3FD9]  }
0x89: {  	s3 =	sld [smem:$0x3FFE];
	_ =	sdelay $0x1  }
0x8a: {  	s1 =	srdreg.scid  }
0x8b: {  	s0 =	sand.u32 $0x1, s1  }
0x8c: {  	s17 =	sshll.u32 s0, $0xA;
	s2 =	sadd.s32 s3, s2  }
0x8d: {  	s2 =	sadd.s32 s2, s17  }
0x8e: {  	[smem:$0x3FB9] =	sst s2  }
0x8f: {  	_ = 	snop  }
0x90: {  	s2 =	sld [smem:$0x3FD0];
	(tm) =	ssettm $0x1  }
0x91: {  	s18 =	sld [smem:$0x3FFB];
	_ =	sdelay $0x3  }
0x92: {  	_ =	strace s18  }
0x93: {  	s3 =	sld [smem:$0x3FFC];
	_ =	sdelay $0x3  }
0x94: {  	_ =	strace s3  }
0x95: {  	s3 =	sld [smem:$0x3FFD];
	_ =	sdelay $0x3  }
0x96: {  	_ =	strace s3  }
0x97: {  	_ =	strace $0x8FFFFFFF  }
0x98: {  	s19 =	sld [smem:$0x3FDB];
	_ =	sdelay $0x1  }
0x99: {  	s4 =	simm.s32 $_scs_section_size  }
0x9a: {  	s5 =	simm.s32 $_size__tile_overlayer_lowered;
	s6 =	simm.s32 $_tile_overlayer_lowered  }
0x9b: {  	s22 =	simm.s32 $0x1BFF;
	s21 =	sshll.u32 s6, $0x1;
	s3 =	sadd.s32 s4, s19  }
0x9c: {  	s7 =	simm.s32 $0x0;
	s20 =	sshll.u32 s5, $0x1;
	s5 =	sadd.s32 s21, s3  }
0x9d: {  	[timem:s7], [sflag:s22] =	dma.local [hbm:s5], s20  }
0x9e: {  	_ =	swait.ge [sflag:s22], s20  }
0x9f: {  	s4 =	ssub.s32 $0x0, s20;
	[sflag:s22] =	ssyncset.done $0x0  }
0xa0: {  	[sflag:s22] =	ssyncadd.s32 s4;
	_ =	sdelay $0x1  }
0xa1: {  	s23 =	simm.s32 $0x1B8B  }
0xa2: {  	_ =	swait.ge [sflag:s23], $0x1  }
0xa3: {  	[sflag:s23] =	ssyncset.done $0x0  }
0xa4: {  	s25 =	simm.s32 $0x1B8E;
	s24 =	sld [smem:$0x3FFE];
	[sflag:s23] =	ssyncadd.s32 $0xFFFFFFFF  }
0xa5: {  	s26 =	simm.s32 $execute0_lowered;
	[smem:$0x3FD2] =	sst s25  }
0xa6: {  	s5 =	sshll.u32 s26, $0x1;
	_ =	strace $0x8000004F;
	[dreg:$0x1] =	wrdreg $0xFFFFFFFF  }
0xa7: {  	s28 =	simm.s32 $_size_execute0_lowered;
	s3 =	sadd.s32 s3, s5;
	[dreg:$0x0] =	wrdreg $0x0  }
0xa8: {  	s5 =	sshll.u32 s28, $0x1;
	[dreg:$0x2] =	wrdreg s3  }
0xa9: {  	[dreg:$0x3] =	wrdreg s5  }
0xaa: {  	[dreg:$0x4] =	wrdreg $0xC0  }
0xab: {  	_ =	task [dreg:s7], $0x5FFFF  }
0xac: {  	[dreg:$0x1] =	wrdreg $0xFFFFFFFF  }
0xad: {  	[dreg:$0x0] =	wrdreg $0x60  }
0xae: {  	[dreg:$0x2] =	wrdreg s2  }
0xaf: {  	[dreg:$0x3] =	wrdreg s24  }
0xb0: {  	[dreg:$0x4] =	wrdreg $0xCE400  }
0xb1: {  	[dreg:$0x5] =	wrdreg $0x9  }
0xb2: {  	_ =	task.clear_ibuf [dreg:s7], $0x6FFFF;
	_ =	strace $0x9000004F  }
0xb3: {  	s29 =	simm.s32 $0x9;
	_ =	strace $0x80000051  }
0xb4: {  	_ =	swait.ge [sflag:s29], $0x1  }
0xb5: {  	[sflag:s29] =	ssyncadd.s32 $0xFFFFFFFF  }
0xb6: {  	_ =	strace $0x90000051  }
0xb7: {  	_ =	sfence  }
0xb8: {  	s30 =	sld [smem:$0x0];
	_ =	sdelay $0x2  }
0xb9: {  	s31 =	sshll.u32 s1, $0xD;
	s1 =	sshrl.u32 s1, $0x2  }
0xba: {  	s3 =	sand.u32 $0x4000, s31;
	s1 =	sadd.s32 s1, s30  }
0xbb: {  	s0 =	sor.u32 s3, s0;
	s1 =	sshll.u32 s1, $0x11  }
0xbc: {  	s0 =	sor.u32 s1, s0  }
0xbd: {  	s0 =	sadd.s32 $0x8F2B, s0  }
0xbe: {  	[sflag:s0] =	ssyncadd.remote.s32 $0x1  }
0xbf: {  	_ =	sfence.sel $0xFFFF  }
0xc0: {  	[dreg:$0x0] =	wrdreg $0xFFFFFFFF;
	(pc) =	sbr.abs _section_cstart, $3  }
0xc1: {  	[dreg:$0x1] =	wrdreg $0xFFFFFFFF  }
0xc2: {  	_ =	task.clear_ibuf [dreg:s7], $0x2FFFF;
	_ =	strace $0x9FFFFFFF  }
0xc3: {  	(tm) =	ssettm $0x7FFFFFFF  }
tec
execute0_lowered:
.L_overlay_start_1:
0x0: {  	(tag) =	ssettag $0x1  }
0x1: {  	s2 =	rddreg [dreg:$0x0]  }
0x2: {  	s0 =	rddreg [dreg:$0x1];
	s1 =	srdreg.scid  }
0x3: {  	s3 =	rddreg [dreg:$0x2];
	s12 =	stileid.u32  }
0x4: {  	s4 =	simm.s32 $0x0;
	s10 =	simm.s32 $0xB;
	s11 =	simm.s32 $0x28A0  }
0x5: {  	s14 =	simm.s32 $0x64;
	s15 =	simm.s32 $0x5140;
	s17 =	simm.s32 $0x6A40  }
0x6: {  	s19 =	simm.s32 $0x8340;
	s21 =	simm.s32 $0x9C40;
	s23 =	simm.s32 $0xB540  }
0x7: {  	s24 =	simm.s32 $0x1;
	s28 =	simm.s32 $0x3;
	s30 =	simm.s32 $0x4  }
0x8: {  	s16 =	simm.s32 $0x6;
	s18 =	simm.s32 $0x7;
	s20 =	simm.s32 $0x8  }
0x9: {  	s22 =	simm.s32 $0x9;
	s29 =	simm.s32 $0x0;
	s1 =	sand.u32 $0x1, s1  }
0xa: {  	s8 =	smul.u32 $0xA000, s12;
	[smem:$0x7FF] =	sst s4;
	s25 =	sadd.s32 $0x7A600, s0  }
0xb: {  	s31 =	sshll.u32 s12, $0x6;
	s5 =	sshll.u32 s1, $0x4;
	s6 =	smul.u32 $0xA0000, s1  }
0xc: {  	_ =	strace $0x80000050;
	s1 =	ssub.s32 $0x2, s1;
	[dreg:$0x4] =	wrdreg s25  }
0xd: {  	s25 =	simm.s32 $0x2;
	s5 =	sor.u32 s12, s5;
	s26 =	sshrl.u32 s1, $0x1  }
0xe: {  	s13 =	sadd.s32 s8, s3;
	s12 =	sor.u32 $0x1C0B, s31;
	s5 =	smul.u32 $0x514, s5  }
0xf: {  	s6 =	sadd.s32 s8, s6;
	s1 =	ssub.s32 s1, s26;
	s13 =	sshrl.u32 s13, $0x3  }
0x10: {  	s26 =	simm.s32 $0xA;
	s6 =	sshrl.u32 s6, $0x3;
	s7 =	sadd.s32 s5, s0  }
0x11: {  	s9 =	smax.u32 s1, $0x1;
	s0 =	sadd.s32 s6, s0;
	s6 =	sadd.s32 $0x9D200, s7  }
0x12: {  	s7 =	sadd.s32 $0x92E00, s7;
	s8 =	sadd.s32 $0xA7600, s0;
	s0 =	simm.s32 $0x5  }
.LBB2_1:
0x13: {  	[tilespmem:s4], [sflag:$0xB] =	stream.linear.gather [hbm4b:s6+s4], $0x28A0, $0x38;
	[tilespmem:$0x16E40] =	vst v63  }
0x14: {  	_ =	swait.ge [sflag:s10], $0x28A0  }
0x15: {  	[sflag:s10] =	ssyncset.done $0x0  }
0x16: {  	[sflag:s10] =	ssyncadd.s32 $0xFFFFD760  }
0x17: {  	[tilespmem:s11], [sflag:$0xB] =	stream.linear.gather [hbm4b:s7+s4], $0x28A0, $0x38;
	[tilespmem:$0x16E40] =	vst v63  }
0x18: {  	_ =	swait.ge [sflag:s10], $0x28A0  }
0x19: {  	[sflag:s10] =	ssyncset.done $0x0  }
0x1a: {  	s1 =	rddreg [dreg:$0x4];
	[sflag:s10] =	ssyncadd.s32 $0xFFFFD760  }
0x1b: {  	[spmem:s13], [sflag:s12] =	dma.local [hbm:s1], $0x1400  }
0x1c: {  	_ =	swait.ge [sflag:s10], $0x1400  }
0x1d: {  	[sflag:s10] =	ssyncset.done $0x0  }
0x1e: {  	[sflag:s10] =	ssyncadd.s32 $0xFFFFEC00  }
0x1f: {  	[bflag:$0x0] =	sbarrier.arrive $0xFFFF  }
0x20: {  	[tilespmem:s15], [sflag:$0x1] =	stream.indirect.gather [hbm4b:s2+s14], $0x40, s4, s14, $0xb8;
	[tilespmem:$0x16E40] =	vst v63  }
0x21: {  	s5 =	simm.s32 $0x68  }
0x22: {  	[tilespmem:s17], [sflag:$0x2] =	stream.indirect.gather [hbm4b:s2+s14], $0x40, s5, s14, $0xb8;
	[tilespmem:$0x16E40] =	vst v63  }
0x23: {  	s5 =	simm.s32 $0xD0  }
0x24: {  	[tilespmem:s19], [sflag:$0x3] =	stream.indirect.gather [hbm4b:s2+s14], $0x40, s5, s14, $0xb8;
	[tilespmem:$0x16E40] =	vst v63  }
0x25: {  	s5 =	simm.s32 $0x138  }
0x26: {  	[tilespmem:s21], [sflag:$0x4] =	stream.indirect.gather [hbm4b:s2+s14], $0x40, s5, s14, $0xb8;
	[tilespmem:$0x16E40] =	vst v63  }
0x27: {  	s5 =	simm.s32 $0x1A0  }
0x28: {  	[tilespmem:s23], [sflag:$0x5] =	stream.indirect.gather [hbm4b:s2+s14], $0x40, s5, s14, $0xb8;
	[tilespmem:$0x16E40] =	vst v63  }
0x29: {  	_ =	swait.ge [sflag:s24], $0x1900  }
0x2a: {  	[sflag:s24] =	ssyncset.done $0x0  }
0x2b: {  	[sflag:s24] =	ssyncadd.s32 $0xFFFFE700  }
0x2c: {  	[spmem:s3] =	stream.indirect.scatter.add.f32 [tilespmem:s15], [sflag:$0x6], $0x40, s11, s14, $0xb8;
	[tilespmem:$0x16E40] =	vst v63  }
0x2d: {  	_ =	swait.ge [sflag:s25], $0x1900  }
0x2e: {  	[sflag:s25] =	ssyncset.done $0x0  }
0x2f: {  	s5 =	simm.s32 $0x2908;
	[sflag:s25] =	ssyncadd.s32 $0xFFFFE700  }
0x30: {  	[spmem:s3] =	stream.indirect.scatter.add.f32 [tilespmem:s17], [sflag:$0x7], $0x40, s5, s14, $0xb8;
	[tilespmem:$0x16E40] =	vst v63  }
0x31: {  	_ =	swait.ge [sflag:s28], $0x1900  }
0x32: {  	[sflag:s28] =	ssyncset.done $0x0  }
0x33: {  	s5 =	simm.s32 $0x2970;
	[sflag:s28] =	ssyncadd.s32 $0xFFFFE700  }
0x34: {  	[spmem:s3] =	stream.indirect.scatter.add.f32 [tilespmem:s19], [sflag:$0x8], $0x40, s5, s14, $0xb8;
	[tilespmem:$0x16E40] =	vst v63  }
0x35: {  	_ =	swait.ge [sflag:s30], $0x1900  }
0x36: {  	[sflag:s30] =	ssyncset.done $0x0  }
0x37: {  	s5 =	simm.s32 $0x29D8;
	[sflag:s30] =	ssyncadd.s32 $0xFFFFE700  }
0x38: {  	[spmem:s3] =	stream.indirect.scatter.add.f32 [tilespmem:s21], [sflag:$0x9], $0x40, s5, s14, $0xb8;
	[tilespmem:$0x16E40] =	vst v63  }
0x39: {  	_ =	swait.ge [sflag:s0], $0x1900  }
0x3a: {  	[sflag:s0] =	ssyncset.done $0x0  }
0x3b: {  	s5 =	simm.s32 $0x2A40;
	[sflag:s0] =	ssyncadd.s32 $0xFFFFE700  }
0x3c: {  	[spmem:s3] =	stream.indirect.scatter.add.f32 [tilespmem:s23], [sflag:$0xA], $0x40, s5, s14, $0xb8;
	[tilespmem:$0x16E40] =	vst v63  }
0x3d: {  	_ =	swait.ge [sflag:s16], $0x1900  }
0x3e: {  	[sflag:s16] =	ssyncset.done $0x0  }
0x3f: {  	s5 =	simm.s32 $0x208;
	[sflag:s16] =	ssyncadd.s32 $0xFFFFE700  }
0x40: {  	[tilespmem:s15], [sflag:$0x1] =	stream.indirect.gather [hbm4b:s2+s14], $0x40, s5, s14, $0xb8;
	[tilespmem:$0x16E40] =	vst v63  }
0x41: {  	_ =	swait.ge [sflag:s18], $0x1900  }
0x42: {  	[sflag:s18] =	ssyncset.done $0x0  }
0x43: {  	s5 =	simm.s32 $0x270;
	[sflag:s18] =	ssyncadd.s32 $0xFFFFE700  }
0x44: {  	[tilespmem:s17], [sflag:$0x2] =	stream.indirect.gather [hbm4b:s2+s14], $0x40, s5, s14, $0xb8;
	[tilespmem:$0x16E40] =	vst v63  }
0x45: {  	_ =	swait.ge [sflag:s20], $0x1900  }
0x46: {  	[sflag:s20] =	ssyncset.done $0x0  }
0x47: {  	s5 =	simm.s32 $0x2D8;
	[sflag:s20] =	ssyncadd.s32 $0xFFFFE700  }
0x48: {  	[tilespmem:s19], [sflag:$0x3] =	stream.indirect.gather [hbm4b:s2+s14], $0x40, s5, s14, $0xb8;
	[tilespmem:$0x16E40] =	vst v63  }
0x49: {  	_ =	swait.ge [sflag:s22], $0x1900  }
0x4a: {  	[sflag:s22] =	ssyncset.done $0x0  }
0x4b: {  	s5 =	simm.s32 $0x340;
	[sflag:s22] =	ssyncadd.s32 $0xFFFFE700  }
0x4c: {  	[tilespmem:s21], [sflag:$0x4] =	stream.indirect.gather [hbm4b:s2+s14], $0x40, s5, s14, $0xb8;
	[tilespmem:$0x16E40] =	vst v63  }
0x4d: {  	_ =	swait.ge [sflag:s26], $0x1900  }
0x4e: {  	[sflag:s26] =	ssyncset.done $0x0  }
0x4f: {  	s5 =	simm.s32 $0x3A8;
	[sflag:s26] =	ssyncadd.s32 $0xFFFFE700  }
0x50: {  	[tilespmem:s23], [sflag:$0x5] =	stream.indirect.gather [hbm4b:s2+s14], $0x40, s5, s14, $0xb8;
	[tilespmem:$0x16E40] =	vst v63  }
0x51: {  	_ =	swait.ge [sflag:s24], $0x1900  }
0x52: {  	[sflag:s24] =	ssyncset.done $0x0  }
0x53: {  	s5 =	simm.s32 $0x2AA8;
	[sflag:s24] =	ssyncadd.s32 $0xFFFFE700  }
0x54: {  	[spmem:s3] =	stream.indirect.scatter.add.f32 [tilespmem:s15], [sflag:$0x6], $0x40, s5, s14, $0xb8;
	[tilespmem:$0x16E40] =	vst v63  }
0x55: {  	_ =	swait.ge [sflag:s25], $0x1900  }
0x56: {  	[sflag:s25] =	ssyncset.done $0x0  }
0x57: {  	s5 =	simm.s32 $0x2B10;
	[sflag:s25] =	ssyncadd.s32 $0xFFFFE700  }
0x58: {  	[spmem:s3] =	stream.indirect.scatter.add.f32 [tilespmem:s17], [sflag:$0x7], $0x40, s5, s14, $0xb8;
	[tilespmem:$0x16E40] =	vst v63  }
0x59: {  	_ =	swait.ge [sflag:s28], $0x1900  }
0x5a: {  	[sflag:s28] =	ssyncset.done $0x0  }
0x5b: {  	s5 =	simm.s32 $0x2B78;
	[sflag:s28] =	ssyncadd.s32 $0xFFFFE700  }
0x5c: {  	[spmem:s3] =	stream.indirect.scatter.add.f32 [tilespmem:s19], [sflag:$0x8], $0x40, s5, s14, $0xb8;
	[tilespmem:$0x16E40] =	vst v63  }
0x5d: {  	_ =	swait.ge [sflag:s30], $0x1900  }
0x5e: {  	[sflag:s30] =	ssyncset.done $0x0  }
0x5f: {  	s5 =	simm.s32 $0x2BE0;
	[sflag:s30] =	ssyncadd.s32 $0xFFFFE700  }
0x60: {  	[spmem:s3] =	stream.indirect.scatter.add.f32 [tilespmem:s21], [sflag:$0x9], $0x40, s5, s14, $0xb8;
	[tilespmem:$0x16E40] =	vst v63  }
0x61: {  	_ =	swait.ge [sflag:s0], $0x1900  }
0x62: {  	[sflag:s0] =	ssyncset.done $0x0  }
0x63: {  	s31 =	simm.s32 $0x820;
	s1 =	simm.s32 $0x2C48;
	[sflag:s0] =	ssyncadd.s32 $0xFFFFE700  }
.LBB2_2:
0x64: {  	[spmem:s3] =	stream.indirect.scatter.add.f32 [tilespmem:s23], [sflag:$0xA], $0x40, s1, s14, $0xb8;
	[tilespmem:$0x16E40] =	vst v63  }
0x65: {  	s1 =	smov.u32 s31  }
0x66: {  	p0 =	sne.s32 s31, $0x9240;
	s31 =	sadd.s32 $0x820, s31;
	_ =	swait.ge [sflag:s16], $0x1900  }
0x67: {  	s1 =	sshra.s32 s1, $0x2;
	[sflag:s16] =	ssyncset.done $0x0  }
0x68: {  	s5 =	sadd.s32 $0x208, s1;
	[sflag:s16] =	ssyncadd.s32 $0xFFFFE700  }
0x69: {  	[tilespmem:s15], [sflag:$0x1] =	stream.indirect.gather [hbm4b:s2+s14], $0x40, s5, s14, $0xb8;
	[tilespmem:$0x16E40] =	vst v63  }
0x6a: {  	_ =	swait.ge [sflag:s18], $0x1900  }
0x6b: {  	[sflag:s18] =	ssyncset.done $0x0  }
0x6c: {  	s5 =	sadd.s32 $0x270, s1;
	[sflag:s18] =	ssyncadd.s32 $0xFFFFE700  }
0x6d: {  	[tilespmem:s17], [sflag:$0x2] =	stream.indirect.gather [hbm4b:s2+s14], $0x40, s5, s14, $0xb8;
	[tilespmem:$0x16E40] =	vst v63  }
0x6e: {  	_ =	swait.ge [sflag:s20], $0x1900  }
0x6f: {  	[sflag:s20] =	ssyncset.done $0x0  }
0x70: {  	s5 =	sadd.s32 $0x2D8, s1;
	[sflag:s20] =	ssyncadd.s32 $0xFFFFE700  }
0x71: {  	[tilespmem:s19], [sflag:$0x3] =	stream.indirect.gather [hbm4b:s2+s14], $0x40, s5, s14, $0xb8;
	[tilespmem:$0x16E40] =	vst v63  }
0x72: {  	_ =	swait.ge [sflag:s22], $0x1900  }
0x73: {  	[sflag:s22] =	ssyncset.done $0x0  }
0x74: {  	s5 =	sadd.s32 $0x340, s1;
	[sflag:s22] =	ssyncadd.s32 $0xFFFFE700  }
0x75: {  	[tilespmem:s21], [sflag:$0x4] =	stream.indirect.gather [hbm4b:s2+s14], $0x40, s5, s14, $0xb8;
	[tilespmem:$0x16E40] =	vst v63  }
0x76: {  	_ =	swait.ge [sflag:s26], $0x1900  }
0x77: {  	[sflag:s26] =	ssyncset.done $0x0  }
0x78: {  	s5 =	sadd.s32 $0x3A8, s1;
	[sflag:s26] =	ssyncadd.s32 $0xFFFFE700  }
0x79: {  	[tilespmem:s23], [sflag:$0x5] =	stream.indirect.gather [hbm4b:s2+s14], $0x40, s5, s14, $0xb8;
	[tilespmem:$0x16E40] =	vst v63  }
0x7a: {  	_ =	swait.ge [sflag:s24], $0x1900  }
0x7b: {  	[sflag:s24] =	ssyncset.done $0x0  }
0x7c: {  	s5 =	sadd.s32 $0x2AA8, s1;
	[sflag:s24] =	ssyncadd.s32 $0xFFFFE700  }
0x7d: {  	[spmem:s3] =	stream.indirect.scatter.add.f32 [tilespmem:s15], [sflag:$0x6], $0x40, s5, s14, $0xb8;
	[tilespmem:$0x16E40] =	vst v63  }
0x7e: {  	_ =	swait.ge [sflag:s25], $0x1900  }
0x7f: {  	[sflag:s25] =	ssyncset.done $0x0  }
0x80: {  	s5 =	sadd.s32 $0x2B10, s1;
	[sflag:s25] =	ssyncadd.s32 $0xFFFFE700  }
0x81: {  	[spmem:s3] =	stream.indirect.scatter.add.f32 [tilespmem:s17], [sflag:$0x7], $0x40, s5, s14, $0xb8;
	[tilespmem:$0x16E40] =	vst v63  }
0x82: {  	_ =	swait.ge [sflag:s28], $0x1900  }
0x83: {  	[sflag:s28] =	ssyncset.done $0x0  }
0x84: {  	s5 =	sadd.s32 $0x2B78, s1;
	[sflag:s28] =	ssyncadd.s32 $0xFFFFE700  }
0x85: {  	[spmem:s3] =	stream.indirect.scatter.add.f32 [tilespmem:s19], [sflag:$0x8], $0x40, s5, s14, $0xb8;
	[tilespmem:$0x16E40] =	vst v63  }
0x86: {  	_ =	swait.ge [sflag:s30], $0x1900  }
0x87: {  	[sflag:s30] =	ssyncset.done $0x0  }
.Ltmp0:
0x88: {  	s5 =	sadd.s32 $0x2BE0, s1;
	[sflag:s30] =	ssyncadd.s32 $0xFFFFE700;
	(pc) =	sbr.rel @p0 .LBB2_2-.Ltmp0, $4  }
0x89: {  	[spmem:s3] =	stream.indirect.scatter.add.f32 [tilespmem:s21], [sflag:$0x9], $0x40, s5, s14, $0xb8;
	[tilespmem:$0x16E40] =	vst v63  }
0x8a: {  	_ =	swait.ge [sflag:s0], $0x1900  }
0x8b: {  	[sflag:s0] =	ssyncset.done $0x0  }
0x8c: {  	s1 =	sadd.s32 $0x2C48, s1;
	[sflag:s0] =	ssyncadd.s32 $0xFFFFE700  }
0x8d: {  	[spmem:s3] =	stream.indirect.scatter.add.f32 [tilespmem:s23], [sflag:$0xA], $0x40, s1, s14, $0xb8;
	[tilespmem:$0x16E40] =	vst v63  }
0x8e: {  	_ =	swait.ge [sflag:s16], $0x1900  }
0x8f: {  	[sflag:s16] =	ssyncset.done $0x0  }
0x90: {  	[sflag:s16] =	ssyncadd.s32 $0xFFFFE700  }
0x91: {  	_ =	swait.ge [sflag:s18], $0x1900  }
0x92: {  	[sflag:s18] =	ssyncset.done $0x0  }
0x93: {  	[sflag:s18] =	ssyncadd.s32 $0xFFFFE700  }
0x94: {  	_ =	swait.ge [sflag:s20], $0x1900  }
0x95: {  	[sflag:s20] =	ssyncset.done $0x0  }
0x96: {  	[sflag:s20] =	ssyncadd.s32 $0xFFFFE700  }
0x97: {  	_ =	swait.ge [sflag:s22], $0x1900  }
0x98: {  	[sflag:s22] =	ssyncset.done $0x0  }
0x99: {  	[sflag:s22] =	ssyncadd.s32 $0xFFFFE700  }
0x9a: {  	_ =	swait.ge [sflag:s26], $0x1900  }
0x9b: {  	s29 =	sadd.s32 $0x1, s29;
	[sflag:s26] =	ssyncset.done $0x0  }
0x9c: {  	p0 =	sne.s32 s29, s9;
	[sflag:s26] =	ssyncadd.s32 $0xFFFFE700  }
.Ltmp1:
0x9d: {  	[bflag:$0x0] =	sbarrier.arrive $0xFFFF;
	(pc) =	sbr.rel @p0 .LBB2_1-.Ltmp1, $4  }
0x9e: {  	[hbm:s8], [sflag:s12] =	dma.local [spmem:s13], $0x1400  }
0x9f: {  	_ =	swait.ge [sflag:s10], $0x1400  }
0xa0: {  	[sflag:s10] =	ssyncset.done $0x0  }
0xa1: {  	[sflag:s10] =	ssyncadd.s32 $0xFFFFEC00  }
0xa2: {  	_ =	sfence.sel $0x180000  }
0xa3: {  	[bflag:$0x0] =	sbarrier.arrive $0xFFFF  }
0xa4: {  	_ =	strace $0x90000050  }
0xa5: {  	s0 =	stileid.u32;
	[bflag:$0x2] =	sbarrier.arrive $0xFFFF  }
0xa6: {  	p0 =	sne.s32 s0, $0x0;
	s0 =	rddreg [dreg:$0x3]  }
0xa7: {  	s0 =	sadd.s32 @!p0 $0x100000, s0  }
0xa8: {  	[sflag:s0] =	ssyncadd.tile.s32 @!p0 $0x1;
	_ =	shalt  }
.Lfunc_end2:
_tile_overlayer_lowered:
.L_overlay_start_2:
0xa9: {  	(tag) =	ssettag $0x2  }
0xaa: {  	s0 =	rddreg [dreg:$0x0];
	s2 =	stileid.u32  }
0xab: {  	s1 =	rddreg [dreg:$0x1];
	p0 =	sne.s32 s2, $0x0  }
0xac: {  	s3 =	rddreg [dreg:$0x2];
	[bflag:$0x3] =	sbarrier.arrive $0xFFFF;
	s2 =	simm.s32 @!p0 $0x1C0B  }
0xad: {  	[timem:s3], [sflag:s2] =	dma.local @!p0 [hbm:s0], s1  }
0xae: {  	s0 =	simm.s32 @!p0 $0xB  }
0xaf: {  	_ =	swait.ge @!p0 [sflag:s0], s1  }
0xb0: {  	s1 =	ssub.s32 @!p0 $0x0, s1;
	[sflag:s0] =	ssyncset.done @!p0 $0x0  }
0xb1: {  	[sflag:s0] =	ssyncadd.s32 @!p0 s1  }
0xb2: {  	[bflag:$0x3] =	sbarrier.arrive $0xFFFF  }
0xb3: {  	_ =	shalt  }

// kernel: kernel.27.cloned.1.call-start
scs
__scs_entry_jumppad:
0x0: {  	(pc) =	sbr.rel $0x88, $3  }
0x1: {  	(tag) =	ssettag $0x0;
	lr =	simm.s32 $0x1  }
0x2: {  	[smem:$0x3F92] =	sst lr;
	_ =	strace $0xD0000000  }
0x3: {  	_ = 	snop  }
0x4: {  	_ = 	snop  }
0x5: {  	_ = 	snop  }
0x6: {  	_ = 	snop  }
0x7: {  	_ = 	snop  }
__scs_overlays_trampoline_lowered:
0x8: {  	[smem:$0x3FA1] =	sst s0  }
0x9: {  	[smem:$0x3FA2] =	sst s1  }
0xa: {  	[smem:$0x3FA3] =	sst s2  }
0xb: {  	[smem:$0x3FA4] =	sst s3  }
0xc: {  	[smem:$0x3FA5] =	sst s4  }
0xd: {  	[smem:$0x3FA6] =	sst s5  }
0xe: {  	[smem:$0x3FA7] =	sst s6  }
0xf: {  	[smem:$0x3FA8] =	sst s7  }
0x10: {  	[smem:$0x3FA9] =	sst s8  }
0x11: {  	[smem:$0x3FAA] =	sst s9;
	s0 =	simm.s32 @!p0 $0x0  }
0x12: {  	s1 =	sld [smem:$0x3F90];
	s0 =	simm.s32 @p0 $0x1  }
0x13: {  	[smem:$0x3FAB] =	sst s0;
	s0 =	simm.s32 @!p1 $0x0  }
0x14: {  	s2 =	sld [smem:$0x3F8F];
	s0 =	simm.s32 @p1 $0x1  }
0x15: {  	[smem:$0x3FAC] =	sst s0;
	s0 =	simm.s32 @!p2 $0x0  }
0x16: {  	s3 =	sld [smem:$0x3FDB];
	s0 =	simm.s32 @p2 $0x1  }
0x17: {  	s4 =	simm.s32 $0x1BF5;
	[smem:$0x3FAE] =	sst s0  }
0x18: {  	s0 =	sld [smem:$0x3F91];
	_ =	swait.ge [sflag:s4], $0x0  }
0x19: {  	s7 =	sld [smem:$0x3F92]  }
0x1a: {  	s8 =	sadd.s32 $0xFFFFE003, lr  }
0x1b: {  	s9 =	sadd.s32 $0xFFFFFEF7, lr;
	s5 =	simm.s32 $0xFFFFFFFF;
	p2 =	slt.u32 s8, $0xFFFFF086  }
0x1c: {  	p1 =	slt.u32 s9, $0xF7A;
	s5 =	simm.s32 @!p2 $0x0  }
0x1d: {  	s5 =	simm.s32 @p1 $0x1;
	p0 =	seq.s32 s7, s2  }
0x1e: {  	s7 =	smul.u32 @!p0 $0xF7A, s2;
	p2 =	seq.s32 @!p0 s5, $0x0  }
0x1f: {  	s9 =	smul.u32 $0xF7A, s1;
	s8 =	simm.s32 @!p0 $0x1BF5;
	p2 =	por !p2, p0  }
0x20: {  	[sflag:s8] =	ssyncset.s32 @!p0 $0xFFFFF086;
	s6 =	sadd.s32 @!p0 s3, s7;
	s7 =	simm.s32 @!p0 $0x108  }
0x21: {  	s3 =	sadd.s32 s3, s9;
	s6 =	sadd.s32 @!p0 $0x88, s6;
	s7 =	simm.s32 @p2 $0x1082  }
0x22: {  	[simem:s7], [sflag:s8] =	dma.local @!p0 [hbm:s6], $0xF7A  }
0x23: {  	s9 =	sor.u32 $0xD0000000, s2;
	s6 =	simm.s32 $0x108;
	_ =	swait.ge @!p0 [sflag:s8], $0x0  }
0x24: {  	s3 =	sadd.s32 $0x88, s3;
	s6 =	simm.s32 @!p1 $0x1082;
	[sflag:s4] =	ssyncset.s32 $0xFFFFF086  }
0x25: {  	[simem:s6], [sflag:s4] =	dma.local [hbm:s3], $0xF7A  }
0x26: {  	[smem:$0x3F92] =	sst s1;
	(tag) =	ssettag s2;
	_ =	strace s9  }
0x27: {  	s1 =	sld [smem:$0x3FA2]  }
0x28: {  	s2 =	sld [smem:$0x3FA3]  }
0x29: {  	s4 =	sld [smem:$0x3FA5]  }
0x2a: {  	p0 =	seq.s32 s5, $0x0;
	s5 =	sld [smem:$0x3FA6]  }
0x2b: {  	s6 =	sld [smem:$0x3FA7]  }
0x2c: {  	s7 =	sld [smem:$0x3FA8]  }
0x2d: {  	s3 =	simm.s32 $0x108;
	s8 =	sld [smem:$0x3FA9]  }
0x2e: {  	s3 =	simm.s32 @!p0 $0x1082;
	s9 =	sld [smem:$0x3FAA]  }
0x2f: {  	lr =	sadd.s32 s0, s3;
	s0 =	sld [smem:$0x3FA1]  }
0x30: {  	s3 =	sld [smem:$0x3FA4]  }
0x31: {  	[smem:$0x3FAD] =	sst s10  }
0x32: {  	s10 =	sld [smem:$0x3FAB];
	_ =	sdelay $0x3  }
0x33: {  	p0 =	seq.s32 s10, $0x1;
	s10 =	sld [smem:$0x3FAD];
	_ =	sdelay $0x3  }
0x34: {  	[smem:$0x3FAD] =	sst s10  }
0x35: {  	s10 =	sld [smem:$0x3FAC];
	_ =	sdelay $0x3  }
0x36: {  	p1 =	seq.s32 s10, $0x1;
	s10 =	sld [smem:$0x3FAD];
	_ =	sdelay $0x3  }
0x37: {  	[smem:$0x3FAD] =	sst s10  }
0x38: {  	s10 =	sld [smem:$0x3FAE]  }
0x39: {  	_ = 	snop;
	(pc) =	sbr.ind lr, $3  }
0x3a: {  	_ = 	snop  }
0x3b: {  	_ = 	snop  }
0x3c: {  	p2 =	seq.s32 s10, $0x1;
	s10 =	sld [smem:$0x3FAD]  }
0x3d: {  	_ =	shalt  }
0x3e: {  	_ =	shalt  }
0x3f: {  	_ =	shalt  }
0x40: {  	_ =	shalt  }
0x41: {  	_ =	shalt  }
0x42: {  	_ =	shalt  }
0x43: {  	_ =	shalt  }
0x44: {  	_ =	shalt  }
0x45: {  	_ =	shalt  }
0x46: {  	_ =	shalt  }
0x47: {  	_ =	shalt  }
0x48: {  	_ =	shalt  }
0x49: {  	_ =	shalt  }
0x4a: {  	_ =	shalt  }
0x4b: {  	_ =	shalt  }
0x4c: {  	_ =	shalt  }
0x4d: {  	_ =	shalt  }
0x4e: {  	_ =	shalt  }
0x4f: {  	_ =	shalt  }
0x50: {  	_ =	shalt  }
0x51: {  	_ =	shalt  }
0x52: {  	_ =	shalt  }
0x53: {  	_ =	shalt  }
0x54: {  	_ =	shalt  }
0x55: {  	_ =	shalt  }
0x56: {  	_ =	shalt  }
0x57: {  	_ =	shalt  }
0x58: {  	_ =	shalt  }
0x59: {  	_ =	shalt  }
0x5a: {  	_ =	shalt  }
0x5b: {  	_ =	shalt  }
0x5c: {  	_ =	shalt  }
0x5d: {  	_ =	shalt  }
0x5e: {  	_ =	shalt  }
0x5f: {  	_ =	shalt  }
0x60: {  	_ =	shalt  }
0x61: {  	_ =	shalt  }
0x62: {  	_ =	shalt  }
0x63: {  	_ =	shalt  }
0x64: {  	_ =	shalt  }
0x65: {  	_ =	shalt  }
0x66: {  	_ =	shalt  }
0x67: {  	_ =	shalt  }
0x68: {  	_ =	shalt  }
0x69: {  	_ =	shalt  }
0x6a: {  	_ =	shalt  }
0x6b: {  	_ =	shalt  }
0x6c: {  	_ =	shalt  }
0x6d: {  	_ =	shalt  }
0x6e: {  	_ =	shalt  }
0x6f: {  	_ =	shalt  }
0x70: {  	_ =	shalt  }
0x71: {  	_ =	shalt  }
0x72: {  	_ =	shalt  }
0x73: {  	_ =	shalt  }
0x74: {  	_ =	shalt  }
0x75: {  	_ =	shalt  }
0x76: {  	_ =	shalt  }
0x77: {  	_ =	shalt  }
0x78: {  	_ =	shalt  }
0x79: {  	_ =	shalt  }
0x7a: {  	_ =	shalt  }
0x7b: {  	_ =	shalt  }
0x7c: {  	_ =	shalt  }
0x7d: {  	_ =	shalt  }
0x7e: {  	_ =	shalt  }
0x7f: {  	_ =	shalt  }
0x80: {  	_ =	shalt  }
0x81: {  	_ =	shalt  }
0x82: {  	_ =	shalt  }
0x83: {  	_ =	shalt  }
0x84: {  	_ =	shalt  }
0x85: {  	_ =	shalt  }
0x86: {  	_ =	shalt  }
0x87: {  	_ =	shalt  }
.Lfunc_end0:
.L_simem_size_0:
called_computation.4_lowered:
.L_overlay_start_0:
0x88: {  	s2 =	sld [smem:$0x3FD9]  }
0x89: {  	s3 =	sld [smem:$0x3FFE];
	_ =	sdelay $0x1  }
0x8a: {  	s1 =	srdreg.scid  }
0x8b: {  	s0 =	sand.u32 $0x1, s1  }
0x8c: {  	s17 =	sshll.u32 s0, $0xA;
	s2 =	sadd.s32 s3, s2  }
0x8d: {  	s2 =	sadd.s32 s2, s17  }
0x8e: {  	[smem:$0x3FB9] =	sst s2  }
0x8f: {  	_ = 	snop  }
0x90: {  	s2 =	sld [smem:$0x3FD0];
	(tm) =	ssettm $0x1  }
0x91: {  	s18 =	sld [smem:$0x3FFB];
	_ =	sdelay $0x3  }
0x92: {  	_ =	strace s18  }
0x93: {  	s3 =	sld [smem:$0x3FFC];
	_ =	sdelay $0x3  }
0x94: {  	_ =	strace s3  }
0x95: {  	s3 =	sld [smem:$0x3FFD];
	_ =	sdelay $0x3  }
0x96: {  	_ =	strace s3  }
0x97: {  	_ =	strace $0x8FFFFFFF  }
0x98: {  	s19 =	sld [smem:$0x3FDB];
	_ =	sdelay $0x1  }
0x99: {  	s4 =	simm.s32 $_scs_section_size  }
0x9a: {  	s5 =	simm.s32 $_size__tile_overlayer_lowered;
	s6 =	simm.s32 $_tile_overlayer_lowered  }
0x9b: {  	s22 =	simm.s32 $0x1BFF;
	s21 =	sshll.u32 s6, $0x1;
	s3 =	sadd.s32 s4, s19  }
0x9c: {  	s7 =	simm.s32 $0x0;
	s20 =	sshll.u32 s5, $0x1;
	s5 =	sadd.s32 s21, s3  }
0x9d: {  	[timem:s7], [sflag:s22] =	dma.local [hbm:s5], s20  }
0x9e: {  	_ =	swait.ge [sflag:s22], s20  }
0x9f: {  	s4 =	ssub.s32 $0x0, s20;
	[sflag:s22] =	ssyncset.done $0x0  }
0xa0: {  	[sflag:s22] =	ssyncadd.s32 s4;
	_ =	sdelay $0x1  }
0xa1: {  	s23 =	simm.s32 $0x1B8B  }
0xa2: {  	_ =	swait.ge [sflag:s23], $0x1  }
0xa3: {  	[sflag:s23] =	ssyncset.done $0x0  }
0xa4: {  	s25 =	simm.s32 $0x1B8E;
	s24 =	sld [smem:$0x3FFE];
	[sflag:s23] =	ssyncadd.s32 $0xFFFFFFFF  }
0xa5: {  	s26 =	simm.s32 $execute0_lowered;
	[smem:$0x3FD2] =	sst s25  }
0xa6: {  	s5 =	sshll.u32 s26, $0x1;
	_ =	strace $0x80000052;
	[dreg:$0x1] =	wrdreg $0xFFFFFFFF  }
0xa7: {  	s28 =	simm.s32 $_size_execute0_lowered;
	s3 =	sadd.s32 s3, s5;
	[dreg:$0x0] =	wrdreg $0x0  }
0xa8: {  	s5 =	sshll.u32 s28, $0x1;
	[dreg:$0x2] =	wrdreg s3  }
0xa9: {  	[dreg:$0x3] =	wrdreg s5  }
0xaa: {  	[dreg:$0x4] =	wrdreg $0xC0  }
0xab: {  	_ =	task [dreg:s7], $0x5FFFF  }
0xac: {  	[dreg:$0x1] =	wrdreg $0xFFFFFFFF  }
0xad: {  	[dreg:$0x0] =	wrdreg $0x60  }
0xae: {  	[dreg:$0x2] =	wrdreg s2  }
0xaf: {  	[dreg:$0x3] =	wrdreg s24  }
0xb0: {  	[dreg:$0x4] =	wrdreg $0xCE400  }
0xb1: {  	[dreg:$0x5] =	wrdreg $0x9  }
0xb2: {  	_ =	task.clear_ibuf [dreg:s7], $0x6FFFF;
	_ =	strace $0x90000052  }
0xb3: {  	s29 =	simm.s32 $0x9;
	_ =	strace $0x80000054  }
0xb4: {  	_ =	swait.ge [sflag:s29], $0x1  }
0xb5: {  	[sflag:s29] =	ssyncadd.s32 $0xFFFFFFFF  }
0xb6: {  	_ =	strace $0x90000054  }
0xb7: {  	_ =	sfence  }
0xb8: {  	s30 =	sld [smem:$0x0];
	_ =	sdelay $0x2  }
0xb9: {  	s31 =	sshll.u32 s1, $0xD;
	s1 =	sshrl.u32 s1, $0x2  }
0xba: {  	s3 =	sand.u32 $0x4000, s31;
	s1 =	sadd.s32 s1, s30  }
0xbb: {  	s0 =	sor.u32 s3, s0;
	s1 =	sshll.u32 s1, $0x11  }
0xbc: {  	s0 =	sor.u32 s1, s0  }
0xbd: {  	s0 =	sadd.s32 $0x8F2B, s0  }
0xbe: {  	[sflag:s0] =	ssyncadd.remote.s32 $0x1  }
0xbf: {  	_ =	sfence.sel $0xFFFF  }
0xc0: {  	[dreg:$0x0] =	wrdreg $0xFFFFFFFF;
	(pc) =	sbr.abs _section_cstart, $3  }
0xc1: {  	[dreg:$0x1] =	wrdreg $0xFFFFFFFF  }
0xc2: {  	_ =	task.clear_ibuf [dreg:s7], $0x2FFFF;
	_ =	strace $0x9FFFFFFF  }
0xc3: {  	(tm) =	ssettm $0x7FFFFFFF  }
tec
execute0_lowered:
.L_overlay_start_1:
0x0: {  	(tag) =	ssettag $0x1  }
0x1: {  	s2 =	rddreg [dreg:$0x0]  }
0x2: {  	s0 =	rddreg [dreg:$0x1];
	s1 =	srdreg.scid  }
0x3: {  	s3 =	rddreg [dreg:$0x2];
	s12 =	stileid.u32  }
0x4: {  	s4 =	simm.s32 $0x0;
	s10 =	simm.s32 $0xB;
	s11 =	simm.s32 $0x28A0  }
0x5: {  	s14 =	simm.s32 $0x64;
	s15 =	simm.s32 $0x5140;
	s17 =	simm.s32 $0x6A40  }
0x6: {  	s19 =	simm.s32 $0x8340;
	s21 =	simm.s32 $0x9C40;
	s23 =	simm.s32 $0xB540  }
0x7: {  	s24 =	simm.s32 $0x1;
	s28 =	simm.s32 $0x3;
	s30 =	simm.s32 $0x4  }
0x8: {  	s16 =	simm.s32 $0x6;
	s18 =	simm.s32 $0x7;
	s20 =	simm.s32 $0x8  }
0x9: {  	s22 =	simm.s32 $0x9;
	s29 =	simm.s32 $0x0;
	s1 =	sand.u32 $0x1, s1  }
0xa: {  	s8 =	smul.u32 $0xA000, s12;
	[smem:$0x7FF] =	sst s4;
	s25 =	sadd.s32 $0x7A600, s0  }
0xb: {  	s31 =	sshll.u32 s12, $0x6;
	s5 =	sshll.u32 s1, $0x4;
	s6 =	smul.u32 $0xA0000, s1  }
0xc: {  	_ =	strace $0x80000053;
	s1 =	ssub.s32 $0x2, s1;
	[dreg:$0x4] =	wrdreg s25  }
0xd: {  	s25 =	simm.s32 $0x2;
	s5 =	sor.u32 s12, s5;
	s26 =	sshrl.u32 s1, $0x1  }
0xe: {  	s13 =	sadd.s32 s8, s3;
	s12 =	sor.u32 $0x1C0B, s31;
	s5 =	smul.u32 $0x514, s5  }
0xf: {  	s6 =	sadd.s32 s8, s6;
	s1 =	ssub.s32 s1, s26;
	s13 =	sshrl.u32 s13, $0x3  }
0x10: {  	s26 =	simm.s32 $0xA;
	s6 =	sshrl.u32 s6, $0x3;
	s7 =	sadd.s32 s5, s0  }
0x11: {  	s9 =	smax.u32 s1, $0x1;
	s0 =	sadd.s32 s6, s0;
	s6 =	sadd.s32 $0x9D200, s7  }
0x12: {  	s7 =	sadd.s32 $0x92E00, s7;
	s8 =	sadd.s32 $0xA7600, s0;
	s0 =	simm.s32 $0x5  }
.LBB2_1:
0x13: {  	[tilespmem:s4], [sflag:$0xB] =	stream.linear.gather [hbm4b:s6+s4], $0x28A0, $0x38;
	[tilespmem:$0x16E40] =	vst v63  }
0x14: {  	_ =	swait.ge [sflag:s10], $0x28A0  }
0x15: {  	[sflag:s10] =	ssyncset.done $0x0  }
0x16: {  	[sflag:s10] =	ssyncadd.s32 $0xFFFFD760  }
0x17: {  	[tilespmem:s11], [sflag:$0xB] =	stream.linear.gather [hbm4b:s7+s4], $0x28A0, $0x38;
	[tilespmem:$0x16E40] =	vst v63  }
0x18: {  	_ =	swait.ge [sflag:s10], $0x28A0  }
0x19: {  	[sflag:s10] =	ssyncset.done $0x0  }
0x1a: {  	s1 =	rddreg [dreg:$0x4];
	[sflag:s10] =	ssyncadd.s32 $0xFFFFD760  }
0x1b: {  	[spmem:s13], [sflag:s12] =	dma.local [hbm:s1], $0x1400  }
0x1c: {  	_ =	swait.ge [sflag:s10], $0x1400  }
0x1d: {  	[sflag:s10] =	ssyncset.done $0x0  }
0x1e: {  	[sflag:s10] =	ssyncadd.s32 $0xFFFFEC00  }
0x1f: {  	[bflag:$0x0] =	sbarrier.arrive $0xFFFF  }
0x20: {  	[tilespmem:s15], [sflag:$0x1] =	stream.indirect.gather [hbm4b:s2+s14], $0x40, s4, s14, $0xb8;
	[tilespmem:$0x16E40] =	vst v63  }
0x21: {  	s5 =	simm.s32 $0x68  }
0x22: {  	[tilespmem:s17], [sflag:$0x2] =	stream.indirect.gather [hbm4b:s2+s14], $0x40, s5, s14, $0xb8;
	[tilespmem:$0x16E40] =	vst v63  }
0x23: {  	s5 =	simm.s32 $0xD0  }
0x24: {  	[tilespmem:s19], [sflag:$0x3] =	stream.indirect.gather [hbm4b:s2+s14], $0x40, s5, s14, $0xb8;
	[tilespmem:$0x16E40] =	vst v63  }
0x25: {  	s5 =	simm.s32 $0x138  }
0x26: {  	[tilespmem:s21], [sflag:$0x4] =	stream.indirect.gather [hbm4b:s2+s14], $0x40, s5, s14, $0xb8;
	[tilespmem:$0x16E40] =	vst v63  }
0x27: {  	s5 =	simm.s32 $0x1A0  }
0x28: {  	[tilespmem:s23], [sflag:$0x5] =	stream.indirect.gather [hbm4b:s2+s14], $0x40, s5, s14, $0xb8;
	[tilespmem:$0x16E40] =	vst v63  }
0x29: {  	_ =	swait.ge [sflag:s24], $0x1900  }
0x2a: {  	[sflag:s24] =	ssyncset.done $0x0  }
0x2b: {  	[sflag:s24] =	ssyncadd.s32 $0xFFFFE700  }
0x2c: {  	[spmem:s3] =	stream.indirect.scatter.add.f32 [tilespmem:s15], [sflag:$0x6], $0x40, s11, s14, $0xb8;
	[tilespmem:$0x16E40] =	vst v63  }
0x2d: {  	_ =	swait.ge [sflag:s25], $0x1900  }
0x2e: {  	[sflag:s25] =	ssyncset.done $0x0  }
0x2f: {  	s5 =	simm.s32 $0x2908;
	[sflag:s25] =	ssyncadd.s32 $0xFFFFE700  }
0x30: {  	[spmem:s3] =	stream.indirect.scatter.add.f32 [tilespmem:s17], [sflag:$0x7], $0x40, s5, s14, $0xb8;
	[tilespmem:$0x16E40] =	vst v63  }
0x31: {  	_ =	swait.ge [sflag:s28], $0x1900  }
0x32: {  	[sflag:s28] =	ssyncset.done $0x0  }
0x33: {  	s5 =	simm.s32 $0x2970;
	[sflag:s28] =	ssyncadd.s32 $0xFFFFE700  }
0x34: {  	[spmem:s3] =	stream.indirect.scatter.add.f32 [tilespmem:s19], [sflag:$0x8], $0x40, s5, s14, $0xb8;
	[tilespmem:$0x16E40] =	vst v63  }
0x35: {  	_ =	swait.ge [sflag:s30], $0x1900  }
0x36: {  	[sflag:s30] =	ssyncset.done $0x0  }
0x37: {  	s5 =	simm.s32 $0x29D8;
	[sflag:s30] =	ssyncadd.s32 $0xFFFFE700  }
0x38: {  	[spmem:s3] =	stream.indirect.scatter.add.f32 [tilespmem:s21], [sflag:$0x9], $0x40, s5, s14, $0xb8;
	[tilespmem:$0x16E40] =	vst v63  }
0x39: {  	_ =	swait.ge [sflag:s0], $0x1900  }
0x3a: {  	[sflag:s0] =	ssyncset.done $0x0  }
0x3b: {  	s5 =	simm.s32 $0x2A40;
	[sflag:s0] =	ssyncadd.s32 $0xFFFFE700  }
0x3c: {  	[spmem:s3] =	stream.indirect.scatter.add.f32 [tilespmem:s23], [sflag:$0xA], $0x40, s5, s14, $0xb8;
	[tilespmem:$0x16E40] =	vst v63  }
0x3d: {  	_ =	swait.ge [sflag:s16], $0x1900  }
0x3e: {  	[sflag:s16] =	ssyncset.done $0x0  }
0x3f: {  	s5 =	simm.s32 $0x208;
	[sflag:s16] =	ssyncadd.s32 $0xFFFFE700  }
0x40: {  	[tilespmem:s15], [sflag:$0x1] =	stream.indirect.gather [hbm4b:s2+s14], $0x40, s5, s14, $0xb8;
	[tilespmem:$0x16E40] =	vst v63  }
0x41: {  	_ =	swait.ge [sflag:s18], $0x1900  }
0x42: {  	[sflag:s18] =	ssyncset.done $0x0  }
0x43: {  	s5 =	simm.s32 $0x270;
	[sflag:s18] =	ssyncadd.s32 $0xFFFFE700  }
0x44: {  	[tilespmem:s17], [sflag:$0x2] =	stream.indirect.gather [hbm4b:s2+s14], $0x40, s5, s14, $0xb8;
	[tilespmem:$0x16E40] =	vst v63  }
0x45: {  	_ =	swait.ge [sflag:s20], $0x1900  }
0x46: {  	[sflag:s20] =	ssyncset.done $0x0  }
0x47: {  	s5 =	simm.s32 $0x2D8;
	[sflag:s20] =	ssyncadd.s32 $0xFFFFE700  }
0x48: {  	[tilespmem:s19], [sflag:$0x3] =	stream.indirect.gather [hbm4b:s2+s14], $0x40, s5, s14, $0xb8;
	[tilespmem:$0x16E40] =	vst v63  }
0x49: {  	_ =	swait.ge [sflag:s22], $0x1900  }
0x4a: {  	[sflag:s22] =	ssyncset.done $0x0  }
0x4b: {  	s5 =	simm.s32 $0x340;
	[sflag:s22] =	ssyncadd.s32 $0xFFFFE700  }
0x4c: {  	[tilespmem:s21], [sflag:$0x4] =	stream.indirect.gather [hbm4b:s2+s14], $0x40, s5, s14, $0xb8;
	[tilespmem:$0x16E40] =	vst v63  }
0x4d: {  	_ =	swait.ge [sflag:s26], $0x1900  }
0x4e: {  	[sflag:s26] =	ssyncset.done $0x0  }
0x4f: {  	s5 =	simm.s32 $0x3A8;
	[sflag:s26] =	ssyncadd.s32 $0xFFFFE700  }
0x50: {  	[tilespmem:s23], [sflag:$0x5] =	stream.indirect.gather [hbm4b:s2+s14], $0x40, s5, s14, $0xb8;
	[tilespmem:$0x16E40] =	vst v63  }
0x51: {  	_ =	swait.ge [sflag:s24], $0x1900  }
0x52: {  	[sflag:s24] =	ssyncset.done $0x0  }
0x53: {  	s5 =	simm.s32 $0x2AA8;
	[sflag:s24] =	ssyncadd.s32 $0xFFFFE700  }
0x54: {  	[spmem:s3] =	stream.indirect.scatter.add.f32 [tilespmem:s15], [sflag:$0x6], $0x40, s5, s14, $0xb8;
	[tilespmem:$0x16E40] =	vst v63  }
0x55: {  	_ =	swait.ge [sflag:s25], $0x1900  }
0x56: {  	[sflag:s25] =	ssyncset.done $0x0  }
0x57: {  	s5 =	simm.s32 $0x2B10;
	[sflag:s25] =	ssyncadd.s32 $0xFFFFE700  }
0x58: {  	[spmem:s3] =	stream.indirect.scatter.add.f32 [tilespmem:s17], [sflag:$0x7], $0x40, s5, s14, $0xb8;
	[tilespmem:$0x16E40] =	vst v63  }
0x59: {  	_ =	swait.ge [sflag:s28], $0x1900  }
0x5a: {  	[sflag:s28] =	ssyncset.done $0x0  }
0x5b: {  	s5 =	simm.s32 $0x2B78;
	[sflag:s28] =	ssyncadd.s32 $0xFFFFE700  }
0x5c: {  	[spmem:s3] =	stream.indirect.scatter.add.f32 [tilespmem:s19], [sflag:$0x8], $0x40, s5, s14, $0xb8;
	[tilespmem:$0x16E40] =	vst v63  }
0x5d: {  	_ =	swait.ge [sflag:s30], $0x1900  }
0x5e: {  	[sflag:s30] =	ssyncset.done $0x0  }
0x5f: {  	s5 =	simm.s32 $0x2BE0;
	[sflag:s30] =	ssyncadd.s32 $0xFFFFE700  }
0x60: {  	[spmem:s3] =	stream.indirect.scatter.add.f32 [tilespmem:s21], [sflag:$0x9], $0x40, s5, s14, $0xb8;
	[tilespmem:$0x16E40] =	vst v63  }
0x61: {  	_ =	swait.ge [sflag:s0], $0x1900  }
0x62: {  	[sflag:s0] =	ssyncset.done $0x0  }
0x63: {  	s31 =	simm.s32 $0x820;
	s1 =	simm.s32 $0x2C48;
	[sflag:s0] =	ssyncadd.s32 $0xFFFFE700  }
.LBB2_2:
0x64: {  	[spmem:s3] =	stream.indirect.scatter.add.f32 [tilespmem:s23], [sflag:$0xA], $0x40, s1, s14, $0xb8;
	[tilespmem:$0x16E40] =	vst v63  }
0x65: {  	s1 =	smov.u32 s31  }
0x66: {  	p0 =	sne.s32 s31, $0x9240;
	s31 =	sadd.s32 $0x820, s31;
	_ =	swait.ge [sflag:s16], $0x1900  }
0x67: {  	s1 =	sshra.s32 s1, $0x2;
	[sflag:s16] =	ssyncset.done $0x0  }
0x68: {  	s5 =	sadd.s32 $0x208, s1;
	[sflag:s16] =	ssyncadd.s32 $0xFFFFE700  }
0x69: {  	[tilespmem:s15], [sflag:$0x1] =	stream.indirect.gather [hbm4b:s2+s14], $0x40, s5, s14, $0xb8;
	[tilespmem:$0x16E40] =	vst v63  }
0x6a: {  	_ =	swait.ge [sflag:s18], $0x1900  }
0x6b: {  	[sflag:s18] =	ssyncset.done $0x0  }
0x6c: {  	s5 =	sadd.s32 $0x270, s1;
	[sflag:s18] =	ssyncadd.s32 $0xFFFFE700  }
0x6d: {  	[tilespmem:s17], [sflag:$0x2] =	stream.indirect.gather [hbm4b:s2+s14], $0x40, s5, s14, $0xb8;
	[tilespmem:$0x16E40] =	vst v63  }
0x6e: {  	_ =	swait.ge [sflag:s20], $0x1900  }
0x6f: {  	[sflag:s20] =	ssyncset.done $0x0  }
0x70: {  	s5 =	sadd.s32 $0x2D8, s1;
	[sflag:s20] =	ssyncadd.s32 $0xFFFFE700  }
0x71: {  	[tilespmem:s19], [sflag:$0x3] =	stream.indirect.gather [hbm4b:s2+s14], $0x40, s5, s14, $0xb8;
	[tilespmem:$0x16E40] =	vst v63  }
0x72: {  	_ =	swait.ge [sflag:s22], $0x1900  }
0x73: {  	[sflag:s22] =	ssyncset.done $0x0  }
0x74: {  	s5 =	sadd.s32 $0x340, s1;
	[sflag:s22] =	ssyncadd.s32 $0xFFFFE700  }
0x75: {  	[tilespmem:s21], [sflag:$0x4] =	stream.indirect.gather [hbm4b:s2+s14], $0x40, s5, s14, $0xb8;
	[tilespmem:$0x16E40] =	vst v63  }
0x76: {  	_ =	swait.ge [sflag:s26], $0x1900  }
0x77: {  	[sflag:s26] =	ssyncset.done $0x0  }
0x78: {  	s5 =	sadd.s32 $0x3A8, s1;
	[sflag:s26] =	ssyncadd.s32 $0xFFFFE700  }
0x79: {  	[tilespmem:s23], [sflag:$0x5] =	stream.indirect.gather [hbm4b:s2+s14], $0x40, s5, s14, $0xb8;
	[tilespmem:$0x16E40] =	vst v63  }
0x7a: {  	_ =	swait.ge [sflag:s24], $0x1900  }
0x7b: {  	[sflag:s24] =	ssyncset.done $0x0  }
0x7c: {  	s5 =	sadd.s32 $0x2AA8, s1;
	[sflag:s24] =	ssyncadd.s32 $0xFFFFE700  }
0x7d: {  	[spmem:s3] =	stream.indirect.scatter.add.f32 [tilespmem:s15], [sflag:$0x6], $0x40, s5, s14, $0xb8;
	[tilespmem:$0x16E40] =	vst v63  }
0x7e: {  	_ =	swait.ge [sflag:s25], $0x1900  }
0x7f: {  	[sflag:s25] =	ssyncset.done $0x0  }
0x80: {  	s5 =	sadd.s32 $0x2B10, s1;
	[sflag:s25] =	ssyncadd.s32 $0xFFFFE700  }
0x81: {  	[spmem:s3] =	stream.indirect.scatter.add.f32 [tilespmem:s17], [sflag:$0x7], $0x40, s5, s14, $0xb8;
	[tilespmem:$0x16E40] =	vst v63  }
0x82: {  	_ =	swait.ge [sflag:s28], $0x1900  }
0x83: {  	[sflag:s28] =	ssyncset.done $0x0  }
0x84: {  	s5 =	sadd.s32 $0x2B78, s1;
	[sflag:s28] =	ssyncadd.s32 $0xFFFFE700  }
0x85: {  	[spmem:s3] =	stream.indirect.scatter.add.f32 [tilespmem:s19], [sflag:$0x8], $0x40, s5, s14, $0xb8;
	[tilespmem:$0x16E40] =	vst v63  }
0x86: {  	_ =	swait.ge [sflag:s30], $0x1900  }
0x87: {  	[sflag:s30] =	ssyncset.done $0x0  }
.Ltmp0:
0x88: {  	s5 =	sadd.s32 $0x2BE0, s1;
	[sflag:s30] =	ssyncadd.s32 $0xFFFFE700;
	(pc) =	sbr.rel @p0 .LBB2_2-.Ltmp0, $4  }
0x89: {  	[spmem:s3] =	stream.indirect.scatter.add.f32 [tilespmem:s21], [sflag:$0x9], $0x40, s5, s14, $0xb8;
	[tilespmem:$0x16E40] =	vst v63  }
0x8a: {  	_ =	swait.ge [sflag:s0], $0x1900  }
0x8b: {  	[sflag:s0] =	ssyncset.done $0x0  }
0x8c: {  	s1 =	sadd.s32 $0x2C48, s1;
	[sflag:s0] =	ssyncadd.s32 $0xFFFFE700  }
0x8d: {  	[spmem:s3] =	stream.indirect.scatter.add.f32 [tilespmem:s23], [sflag:$0xA], $0x40, s1, s14, $0xb8;
	[tilespmem:$0x16E40] =	vst v63  }
0x8e: {  	_ =	swait.ge [sflag:s16], $0x1900  }
0x8f: {  	[sflag:s16] =	ssyncset.done $0x0  }
0x90: {  	[sflag:s16] =	ssyncadd.s32 $0xFFFFE700  }
0x91: {  	_ =	swait.ge [sflag:s18], $0x1900  }
0x92: {  	[sflag:s18] =	ssyncset.done $0x0  }
0x93: {  	[sflag:s18] =	ssyncadd.s32 $0xFFFFE700  }
0x94: {  	_ =	swait.ge [sflag:s20], $0x1900  }
0x95: {  	[sflag:s20] =	ssyncset.done $0x0  }
0x96: {  	[sflag:s20] =	ssyncadd.s32 $0xFFFFE700  }
0x97: {  	_ =	swait.ge [sflag:s22], $0x1900  }
0x98: {  	[sflag:s22] =	ssyncset.done $0x0  }
0x99: {  	[sflag:s22] =	ssyncadd.s32 $0xFFFFE700  }
0x9a: {  	_ =	swait.ge [sflag:s26], $0x1900  }
0x9b: {  	s29 =	sadd.s32 $0x1, s29;
	[sflag:s26] =	ssyncset.done $0x0  }
0x9c: {  	p0 =	sne.s32 s29, s9;
	[sflag:s26] =	ssyncadd.s32 $0xFFFFE700  }
.Ltmp1:
0x9d: {  	[bflag:$0x0] =	sbarrier.arrive $0xFFFF;
	(pc) =	sbr.rel @p0 .LBB2_1-.Ltmp1, $4  }
0x9e: {  	[hbm:s8], [sflag:s12] =	dma.local [spmem:s13], $0x1400  }
0x9f: {  	_ =	swait.ge [sflag:s10], $0x1400  }
0xa0: {  	[sflag:s10] =	ssyncset.done $0x0  }
0xa1: {  	[sflag:s10] =	ssyncadd.s32 $0xFFFFEC00  }
0xa2: {  	_ =	sfence.sel $0x180000  }
0xa3: {  	[bflag:$0x0] =	sbarrier.arrive $0xFFFF  }
0xa4: {  	_ =	strace $0x90000053  }
0xa5: {  	s0 =	stileid.u32;
	[bflag:$0x2] =	sbarrier.arrive $0xFFFF  }
0xa6: {  	p0 =	sne.s32 s0, $0x0;
	s0 =	rddreg [dreg:$0x3]  }
0xa7: {  	s0 =	sadd.s32 @!p0 $0x100000, s0  }
0xa8: {  	[sflag:s0] =	ssyncadd.tile.s32 @!p0 $0x1;
	_ =	shalt  }
.Lfunc_end2:
_tile_overlayer_lowered:
.L_overlay_start_2:
0xa9: {  	(tag) =	ssettag $0x2  }
0xaa: {  	s0 =	rddreg [dreg:$0x0];
	s2 =	stileid.u32  }
0xab: {  	s1 =	rddreg [dreg:$0x1];
	p0 =	sne.s32 s2, $0x0  }
0xac: {  	s3 =	rddreg [dreg:$0x2];
	[bflag:$0x3] =	sbarrier.arrive $0xFFFF;
	s2 =	simm.s32 @!p0 $0x1C0B  }
0xad: {  	[timem:s3], [sflag:s2] =	dma.local @!p0 [hbm:s0], s1  }
0xae: {  	s0 =	simm.s32 @!p0 $0xB  }
0xaf: {  	_ =	swait.ge @!p0 [sflag:s0], s1  }
0xb0: {  	s1 =	ssub.s32 @!p0 $0x0, s1;
	[sflag:s0] =	ssyncset.done @!p0 $0x0  }
0xb1: {  	[sflag:s0] =	ssyncadd.s32 @!p0 s1  }
0xb2: {  	[bflag:$0x3] =	sbarrier.arrive $0xFFFF  }
0xb3: {  	_ =	shalt  }

// kernel: kernel.30.cloned.1.call-start
scs
__scs_entry_jumppad:
0x0: {  	(pc) =	sbr.rel $0x88, $3  }
0x1: {  	(tag) =	ssettag $0x0;
	lr =	simm.s32 $0x1  }
0x2: {  	[smem:$0x3F92] =	sst lr;
	_ =	strace $0xD0000000  }
0x3: {  	_ = 	snop  }
0x4: {  	_ = 	snop  }
0x5: {  	_ = 	snop  }
0x6: {  	_ = 	snop  }
0x7: {  	_ = 	snop  }
__scs_overlays_trampoline_lowered:
0x8: {  	[smem:$0x3FA1] =	sst s0  }
0x9: {  	[smem:$0x3FA2] =	sst s1  }
0xa: {  	[smem:$0x3FA3] =	sst s2  }
0xb: {  	[smem:$0x3FA4] =	sst s3  }
0xc: {  	[smem:$0x3FA5] =	sst s4  }
0xd: {  	[smem:$0x3FA6] =	sst s5  }
0xe: {  	[smem:$0x3FA7] =	sst s6  }
0xf: {  	[smem:$0x3FA8] =	sst s7  }
0x10: {  	[smem:$0x3FA9] =	sst s8  }
0x11: {  	[smem:$0x3FAA] =	sst s9;
	s0 =	simm.s32 @!p0 $0x0  }
0x12: {  	s1 =	sld [smem:$0x3F90];
	s0 =	simm.s32 @p0 $0x1  }
0x13: {  	[smem:$0x3FAB] =	sst s0;
	s0 =	simm.s32 @!p1 $0x0  }
0x14: {  	s2 =	sld [smem:$0x3F8F];
	s0 =	simm.s32 @p1 $0x1  }
0x15: {  	[smem:$0x3FAC] =	sst s0;
	s0 =	simm.s32 @!p2 $0x0  }
0x16: {  	s3 =	sld [smem:$0x3FDB];
	s0 =	simm.s32 @p2 $0x1  }
0x17: {  	s4 =	simm.s32 $0x1BF5;
	[smem:$0x3FAE] =	sst s0  }
0x18: {  	s0 =	sld [smem:$0x3F91];
	_ =	swait.ge [sflag:s4], $0x0  }
0x19: {  	s7 =	sld [smem:$0x3F92]  }
0x1a: {  	s8 =	sadd.s32 $0xFFFFE003, lr  }
0x1b: {  	s9 =	sadd.s32 $0xFFFFFEF7, lr;
	s5 =	simm.s32 $0xFFFFFFFF;
	p2 =	slt.u32 s8, $0xFFFFF086  }
0x1c: {  	p1 =	slt.u32 s9, $0xF7A;
	s5 =	simm.s32 @!p2 $0x0  }
0x1d: {  	s5 =	simm.s32 @p1 $0x1;
	p0 =	seq.s32 s7, s2  }
0x1e: {  	s7 =	smul.u32 @!p0 $0xF7A, s2;
	p2 =	seq.s32 @!p0 s5, $0x0  }
0x1f: {  	s9 =	smul.u32 $0xF7A, s1;
	s8 =	simm.s32 @!p0 $0x1BF5;
	p2 =	por !p2, p0  }
0x20: {  	[sflag:s8] =	ssyncset.s32 @!p0 $0xFFFFF086;
	s6 =	sadd.s32 @!p0 s3, s7;
	s7 =	simm.s32 @!p0 $0x108  }
0x21: {  	s3 =	sadd.s32 s3, s9;
	s6 =	sadd.s32 @!p0 $0x88, s6;
	s7 =	simm.s32 @p2 $0x1082  }
0x22: {  	[simem:s7], [sflag:s8] =	dma.local @!p0 [hbm:s6], $0xF7A  }
0x23: {  	s9 =	sor.u32 $0xD0000000, s2;
	s6 =	simm.s32 $0x108;
	_ =	swait.ge @!p0 [sflag:s8], $0x0  }
0x24: {  	s3 =	sadd.s32 $0x88, s3;
	s6 =	simm.s32 @!p1 $0x1082;
	[sflag:s4] =	ssyncset.s32 $0xFFFFF086  }
0x25: {  	[simem:s6], [sflag:s4] =	dma.local [hbm:s3], $0xF7A  }
0x26: {  	[smem:$0x3F92] =	sst s1;
	(tag) =	ssettag s2;
	_ =	strace s9  }
0x27: {  	s1 =	sld [smem:$0x3FA2]  }
0x28: {  	s2 =	sld [smem:$0x3FA3]  }
0x29: {  	s4 =	sld [smem:$0x3FA5]  }
0x2a: {  	p0 =	seq.s32 s5, $0x0;
	s5 =	sld [smem:$0x3FA6]  }
0x2b: {  	s6 =	sld [smem:$0x3FA7]  }
0x2c: {  	s7 =	sld [smem:$0x3FA8]  }
0x2d: {  	s3 =	simm.s32 $0x108;
	s8 =	sld [smem:$0x3FA9]  }
0x2e: {  	s3 =	simm.s32 @!p0 $0x1082;
	s9 =	sld [smem:$0x3FAA]  }
0x2f: {  	lr =	sadd.s32 s0, s3;
	s0 =	sld [smem:$0x3FA1]  }
0x30: {  	s3 =	sld [smem:$0x3FA4]  }
0x31: {  	[smem:$0x3FAD] =	sst s10  }
0x32: {  	s10 =	sld [smem:$0x3FAB];
	_ =	sdelay $0x3  }
0x33: {  	p0 =	seq.s32 s10, $0x1;
	s10 =	sld [smem:$0x3FAD];
	_ =	sdelay $0x3  }
0x34: {  	[smem:$0x3FAD] =	sst s10  }
0x35: {  	s10 =	sld [smem:$0x3FAC];
	_ =	sdelay $0x3  }
0x36: {  	p1 =	seq.s32 s10, $0x1;
	s10 =	sld [smem:$0x3FAD];
	_ =	sdelay $0x3  }
0x37: {  	[smem:$0x3FAD] =	sst s10  }
0x38: {  	s10 =	sld [smem:$0x3FAE]  }
0x39: {  	_ = 	snop;
	(pc) =	sbr.ind lr, $3  }
0x3a: {  	_ = 	snop  }
0x3b: {  	_ = 	snop  }
0x3c: {  	p2 =	seq.s32 s10, $0x1;
	s10 =	sld [smem:$0x3FAD]  }
0x3d: {  	_ =	shalt  }
0x3e: {  	_ =	shalt  }
0x3f: {  	_ =	shalt  }
0x40: {  	_ =	shalt  }
0x41: {  	_ =	shalt  }
0x42: {  	_ =	shalt  }
0x43: {  	_ =	shalt  }
0x44: {  	_ =	shalt  }
0x45: {  	_ =	shalt  }
0x46: {  	_ =	shalt  }
0x47: {  	_ =	shalt  }
0x48: {  	_ =	shalt  }
0x49: {  	_ =	shalt  }
0x4a: {  	_ =	shalt  }
0x4b: {  	_ =	shalt  }
0x4c: {  	_ =	shalt  }
0x4d: {  	_ =	shalt  }
0x4e: {  	_ =	shalt  }
0x4f: {  	_ =	shalt  }
0x50: {  	_ =	shalt  }
0x51: {  	_ =	shalt  }
0x52: {  	_ =	shalt  }
0x53: {  	_ =	shalt  }
0x54: {  	_ =	shalt  }
0x55: {  	_ =	shalt  }
0x56: {  	_ =	shalt  }
0x57: {  	_ =	shalt  }
0x58: {  	_ =	shalt  }
0x59: {  	_ =	shalt  }
0x5a: {  	_ =	shalt  }
0x5b: {  	_ =	shalt  }
0x5c: {  	_ =	shalt  }
0x5d: {  	_ =	shalt  }
0x5e: {  	_ =	shalt  }
0x5f: {  	_ =	shalt  }
0x60: {  	_ =	shalt  }
0x61: {  	_ =	shalt  }
0x62: {  	_ =	shalt  }
0x63: {  	_ =	shalt  }
0x64: {  	_ =	shalt  }
0x65: {  	_ =	shalt  }
0x66: {  	_ =	shalt  }
0x67: {  	_ =	shalt  }
0x68: {  	_ =	shalt  }
0x69: {  	_ =	shalt  }
0x6a: {  	_ =	shalt  }
0x6b: {  	_ =	shalt  }
0x6c: {  	_ =	shalt  }
0x6d: {  	_ =	shalt  }
0x6e: {  	_ =	shalt  }
0x6f: {  	_ =	shalt  }
0x70: {  	_ =	shalt  }
0x71: {  	_ =	shalt  }
0x72: {  	_ =	shalt  }
0x73: {  	_ =	shalt  }
0x74: {  	_ =	shalt  }
0x75: {  	_ =	shalt  }
0x76: {  	_ =	shalt  }
0x77: {  	_ =	shalt  }
0x78: {  	_ =	shalt  }
0x79: {  	_ =	shalt  }
0x7a: {  	_ =	shalt  }
0x7b: {  	_ =	shalt  }
0x7c: {  	_ =	shalt  }
0x7d: {  	_ =	shalt  }
0x7e: {  	_ =	shalt  }
0x7f: {  	_ =	shalt  }
0x80: {  	_ =	shalt  }
0x81: {  	_ =	shalt  }
0x82: {  	_ =	shalt  }
0x83: {  	_ =	shalt  }
0x84: {  	_ =	shalt  }
0x85: {  	_ =	shalt  }
0x86: {  	_ =	shalt  }
0x87: {  	_ =	shalt  }
.Lfunc_end0:
.L_simem_size_0:
called_computation.5_lowered:
.L_overlay_start_0:
0x88: {  	s2 =	sld [smem:$0x3FD9]  }
0x89: {  	s3 =	sld [smem:$0x3FFE];
	_ =	sdelay $0x1  }
0x8a: {  	s1 =	srdreg.scid  }
0x8b: {  	s0 =	sand.u32 $0x1, s1  }
0x8c: {  	s17 =	sshll.u32 s0, $0xA;
	s2 =	sadd.s32 s3, s2  }
0x8d: {  	s2 =	sadd.s32 s2, s17  }
0x8e: {  	[smem:$0x3FB9] =	sst s2  }
0x8f: {  	_ = 	snop  }
0x90: {  	s2 =	sld [smem:$0x3FD0];
	(tm) =	ssettm $0x1  }
0x91: {  	s18 =	sld [smem:$0x3FFB];
	_ =	sdelay $0x3  }
0x92: {  	_ =	strace s18  }
0x93: {  	s3 =	sld [smem:$0x3FFC];
	_ =	sdelay $0x3  }
0x94: {  	_ =	strace s3  }
0x95: {  	s3 =	sld [smem:$0x3FFD];
	_ =	sdelay $0x3  }
0x96: {  	_ =	strace s3  }
0x97: {  	_ =	strace $0x8FFFFFFF  }
0x98: {  	s19 =	sld [smem:$0x3FDB];
	_ =	sdelay $0x1  }
0x99: {  	s4 =	simm.s32 $_scs_section_size  }
0x9a: {  	s5 =	simm.s32 $_size__tile_overlayer_lowered;
	s6 =	simm.s32 $_tile_overlayer_lowered  }
0x9b: {  	s22 =	simm.s32 $0x1BFF;
	s21 =	sshll.u32 s6, $0x1;
	s3 =	sadd.s32 s4, s19  }
0x9c: {  	s7 =	simm.s32 $0x0;
	s20 =	sshll.u32 s5, $0x1;
	s5 =	sadd.s32 s21, s3  }
0x9d: {  	[timem:s7], [sflag:s22] =	dma.local [hbm:s5], s20  }
0x9e: {  	_ =	swait.ge [sflag:s22], s20  }
0x9f: {  	s4 =	ssub.s32 $0x0, s20;
	[sflag:s22] =	ssyncset.done $0x0  }
0xa0: {  	[sflag:s22] =	ssyncadd.s32 s4;
	_ =	sdelay $0x1  }
0xa1: {  	s23 =	simm.s32 $0x1B8B  }
0xa2: {  	_ =	swait.ge [sflag:s23], $0x1  }
0xa3: {  	[sflag:s23] =	ssyncset.done $0x0  }
0xa4: {  	s25 =	simm.s32 $0x1B8E;
	s24 =	sld [smem:$0x3FFE];
	[sflag:s23] =	ssyncadd.s32 $0xFFFFFFFF  }
0xa5: {  	s26 =	simm.s32 $execute0_lowered;
	[smem:$0x3FD2] =	sst s25  }
0xa6: {  	s5 =	sshll.u32 s26, $0x1;
	_ =	strace $0x80000055;
	[dreg:$0x1] =	wrdreg $0xFFFFFFFF  }
0xa7: {  	s28 =	simm.s32 $_size_execute0_lowered;
	s3 =	sadd.s32 s3, s5;
	[dreg:$0x0] =	wrdreg $0x0  }
0xa8: {  	s5 =	sshll.u32 s28, $0x1;
	[dreg:$0x2] =	wrdreg s3  }
0xa9: {  	[dreg:$0x3] =	wrdreg s5  }
0xaa: {  	[dreg:$0x4] =	wrdreg $0xC0  }
0xab: {  	_ =	task [dreg:s7], $0x5FFFF  }
0xac: {  	[dreg:$0x1] =	wrdreg $0xFFFFFFFF  }
0xad: {  	[dreg:$0x0] =	wrdreg $0x60  }
0xae: {  	[dreg:$0x2] =	wrdreg s2  }
0xaf: {  	[dreg:$0x3] =	wrdreg s24  }
0xb0: {  	[dreg:$0x4] =	wrdreg $0xCE400  }
0xb1: {  	[dreg:$0x5] =	wrdreg $0x9  }
0xb2: {  	_ =	task.clear_ibuf [dreg:s7], $0x6FFFF;
	_ =	strace $0x90000055  }
0xb3: {  	s29 =	simm.s32 $0x9;
	_ =	strace $0x80000057  }
0xb4: {  	_ =	swait.ge [sflag:s29], $0x1  }
0xb5: {  	[sflag:s29] =	ssyncadd.s32 $0xFFFFFFFF  }
0xb6: {  	_ =	strace $0x90000057  }
0xb7: {  	_ =	sfence  }
0xb8: {  	s30 =	sld [smem:$0x0];
	_ =	sdelay $0x2  }
0xb9: {  	s31 =	sshll.u32 s1, $0xD;
	s1 =	sshrl.u32 s1, $0x2  }
0xba: {  	s3 =	sand.u32 $0x4000, s31;
	s1 =	sadd.s32 s1, s30  }
0xbb: {  	s0 =	sor.u32 s3, s0;
	s1 =	sshll.u32 s1, $0x11  }
0xbc: {  	s0 =	sor.u32 s1, s0  }
0xbd: {  	s0 =	sadd.s32 $0x8F2B, s0  }
0xbe: {  	[sflag:s0] =	ssyncadd.remote.s32 $0x1  }
0xbf: {  	_ =	sfence.sel $0xFFFF  }
0xc0: {  	[dreg:$0x0] =	wrdreg $0xFFFFFFFF;
	(pc) =	sbr.abs _section_cstart, $3  }
0xc1: {  	[dreg:$0x1] =	wrdreg $0xFFFFFFFF  }
0xc2: {  	_ =	task.clear_ibuf [dreg:s7], $0x2FFFF;
	_ =	strace $0x9FFFFFFF  }
0xc3: {  	(tm) =	ssettm $0x7FFFFFFF  }
tec
execute0_lowered:
.L_overlay_start_1:
0x0: {  	(tag) =	ssettag $0x1  }
0x1: {  	s2 =	rddreg [dreg:$0x0]  }
0x2: {  	s0 =	rddreg [dreg:$0x1];
	s1 =	srdreg.scid  }
0x3: {  	s3 =	rddreg [dreg:$0x2];
	s12 =	stileid.u32  }
0x4: {  	s4 =	simm.s32 $0x0;
	s10 =	simm.s32 $0xB;
	s11 =	simm.s32 $0x28A0  }
0x5: {  	s14 =	simm.s32 $0x64;
	s15 =	simm.s32 $0x5140;
	s17 =	simm.s32 $0x6A40  }
0x6: {  	s19 =	simm.s32 $0x8340;
	s21 =	simm.s32 $0x9C40;
	s23 =	simm.s32 $0xB540  }
0x7: {  	s24 =	simm.s32 $0x1;
	s28 =	simm.s32 $0x3;
	s30 =	simm.s32 $0x4  }
0x8: {  	s16 =	simm.s32 $0x6;
	s18 =	simm.s32 $0x7;
	s20 =	simm.s32 $0x8  }
0x9: {  	s22 =	simm.s32 $0x9;
	s29 =	simm.s32 $0x0;
	s1 =	sand.u32 $0x1, s1  }
0xa: {  	s8 =	smul.u32 $0xA000, s12;
	[smem:$0x7FF] =	sst s4;
	s25 =	sadd.s32 $0x7A600, s0  }
0xb: {  	s31 =	sshll.u32 s12, $0x6;
	s5 =	sshll.u32 s1, $0x4;
	s6 =	smul.u32 $0xA0000, s1  }
0xc: {  	_ =	strace $0x80000056;
	s1 =	ssub.s32 $0x2, s1;
	[dreg:$0x4] =	wrdreg s25  }
0xd: {  	s25 =	simm.s32 $0x2;
	s5 =	sor.u32 s12, s5;
	s26 =	sshrl.u32 s1, $0x1  }
0xe: {  	s13 =	sadd.s32 s8, s3;
	s12 =	sor.u32 $0x1C0B, s31;
	s5 =	smul.u32 $0x514, s5  }
0xf: {  	s6 =	sadd.s32 s8, s6;
	s1 =	ssub.s32 s1, s26;
	s13 =	sshrl.u32 s13, $0x3  }
0x10: {  	s26 =	simm.s32 $0xA;
	s6 =	sshrl.u32 s6, $0x3;
	s7 =	sadd.s32 s5, s0  }
0x11: {  	s9 =	smax.u32 s1, $0x1;
	s0 =	sadd.s32 s6, s0;
	s6 =	sadd.s32 $0x9D200, s7  }
0x12: {  	s7 =	sadd.s32 $0x92E00, s7;
	s8 =	sadd.s32 $0x2C200, s0;
	s0 =	simm.s32 $0x5  }
.LBB2_1:
0x13: {  	[tilespmem:s4], [sflag:$0xB] =	stream.linear.gather [hbm4b:s6+s4], $0x28A0, $0x38;
	[tilespmem:$0x16E40] =	vst v63  }
0x14: {  	_ =	swait.ge [sflag:s10], $0x28A0  }
0x15: {  	[sflag:s10] =	ssyncset.done $0x0  }
0x16: {  	[sflag:s10] =	ssyncadd.s32 $0xFFFFD760  }
0x17: {  	[tilespmem:s11], [sflag:$0xB] =	stream.linear.gather [hbm4b:s7+s4], $0x28A0, $0x38;
	[tilespmem:$0x16E40] =	vst v63  }
0x18: {  	_ =	swait.ge [sflag:s10], $0x28A0  }
0x19: {  	[sflag:s10] =	ssyncset.done $0x0  }
0x1a: {  	s1 =	rddreg [dreg:$0x4];
	[sflag:s10] =	ssyncadd.s32 $0xFFFFD760  }
0x1b: {  	[spmem:s13], [sflag:s12] =	dma.local [hbm:s1], $0x1400  }
0x1c: {  	_ =	swait.ge [sflag:s10], $0x1400  }
0x1d: {  	[sflag:s10] =	ssyncset.done $0x0  }
0x1e: {  	[sflag:s10] =	ssyncadd.s32 $0xFFFFEC00  }
0x1f: {  	[bflag:$0x0] =	sbarrier.arrive $0xFFFF  }
0x20: {  	[tilespmem:s15], [sflag:$0x1] =	stream.indirect.gather [hbm4b:s2+s14], $0x40, s4, s14, $0xb8;
	[tilespmem:$0x16E40] =	vst v63  }
0x21: {  	s5 =	simm.s32 $0x68  }
0x22: {  	[tilespmem:s17], [sflag:$0x2] =	stream.indirect.gather [hbm4b:s2+s14], $0x40, s5, s14, $0xb8;
	[tilespmem:$0x16E40] =	vst v63  }
0x23: {  	s5 =	simm.s32 $0xD0  }
0x24: {  	[tilespmem:s19], [sflag:$0x3] =	stream.indirect.gather [hbm4b:s2+s14], $0x40, s5, s14, $0xb8;
	[tilespmem:$0x16E40] =	vst v63  }
0x25: {  	s5 =	simm.s32 $0x138  }
0x26: {  	[tilespmem:s21], [sflag:$0x4] =	stream.indirect.gather [hbm4b:s2+s14], $0x40, s5, s14, $0xb8;
	[tilespmem:$0x16E40] =	vst v63  }
0x27: {  	s5 =	simm.s32 $0x1A0  }
0x28: {  	[tilespmem:s23], [sflag:$0x5] =	stream.indirect.gather [hbm4b:s2+s14], $0x40, s5, s14, $0xb8;
	[tilespmem:$0x16E40] =	vst v63  }
0x29: {  	_ =	swait.ge [sflag:s24], $0x1900  }
0x2a: {  	[sflag:s24] =	ssyncset.done $0x0  }
0x2b: {  	[sflag:s24] =	ssyncadd.s32 $0xFFFFE700  }
0x2c: {  	[spmem:s3] =	stream.indirect.scatter.add.f32 [tilespmem:s15], [sflag:$0x6], $0x40, s11, s14, $0xb8;
	[tilespmem:$0x16E40] =	vst v63  }
0x2d: {  	_ =	swait.ge [sflag:s25], $0x1900  }
0x2e: {  	[sflag:s25] =	ssyncset.done $0x0  }
0x2f: {  	s5 =	simm.s32 $0x2908;
	[sflag:s25] =	ssyncadd.s32 $0xFFFFE700  }
0x30: {  	[spmem:s3] =	stream.indirect.scatter.add.f32 [tilespmem:s17], [sflag:$0x7], $0x40, s5, s14, $0xb8;
	[tilespmem:$0x16E40] =	vst v63  }
0x31: {  	_ =	swait.ge [sflag:s28], $0x1900  }
0x32: {  	[sflag:s28] =	ssyncset.done $0x0  }
0x33: {  	s5 =	simm.s32 $0x2970;
	[sflag:s28] =	ssyncadd.s32 $0xFFFFE700  }
0x34: {  	[spmem:s3] =	stream.indirect.scatter.add.f32 [tilespmem:s19], [sflag:$0x8], $0x40, s5, s14, $0xb8;
	[tilespmem:$0x16E40] =	vst v63  }
0x35: {  	_ =	swait.ge [sflag:s30], $0x1900  }
0x36: {  	[sflag:s30] =	ssyncset.done $0x0  }
0x37: {  	s5 =	simm.s32 $0x29D8;
	[sflag:s30] =	ssyncadd.s32 $0xFFFFE700  }
0x38: {  	[spmem:s3] =	stream.indirect.scatter.add.f32 [tilespmem:s21], [sflag:$0x9], $0x40, s5, s14, $0xb8;
	[tilespmem:$0x16E40] =	vst v63  }
0x39: {  	_ =	swait.ge [sflag:s0], $0x1900  }
0x3a: {  	[sflag:s0] =	ssyncset.done $0x0  }
0x3b: {  	s5 =	simm.s32 $0x2A40;
	[sflag:s0] =	ssyncadd.s32 $0xFFFFE700  }
0x3c: {  	[spmem:s3] =	stream.indirect.scatter.add.f32 [tilespmem:s23], [sflag:$0xA], $0x40, s5, s14, $0xb8;
	[tilespmem:$0x16E40] =	vst v63  }
0x3d: {  	_ =	swait.ge [sflag:s16], $0x1900  }
0x3e: {  	[sflag:s16] =	ssyncset.done $0x0  }
0x3f: {  	s5 =	simm.s32 $0x208;
	[sflag:s16] =	ssyncadd.s32 $0xFFFFE700  }
0x40: {  	[tilespmem:s15], [sflag:$0x1] =	stream.indirect.gather [hbm4b:s2+s14], $0x40, s5, s14, $0xb8;
	[tilespmem:$0x16E40] =	vst v63  }
0x41: {  	_ =	swait.ge [sflag:s18], $0x1900  }
0x42: {  	[sflag:s18] =	ssyncset.done $0x0  }
0x43: {  	s5 =	simm.s32 $0x270;
	[sflag:s18] =	ssyncadd.s32 $0xFFFFE700  }
0x44: {  	[tilespmem:s17], [sflag:$0x2] =	stream.indirect.gather [hbm4b:s2+s14], $0x40, s5, s14, $0xb8;
	[tilespmem:$0x16E40] =	vst v63  }
0x45: {  	_ =	swait.ge [sflag:s20], $0x1900  }
0x46: {  	[sflag:s20] =	ssyncset.done $0x0  }
0x47: {  	s5 =	simm.s32 $0x2D8;
	[sflag:s20] =	ssyncadd.s32 $0xFFFFE700  }
0x48: {  	[tilespmem:s19], [sflag:$0x3] =	stream.indirect.gather [hbm4b:s2+s14], $0x40, s5, s14, $0xb8;
	[tilespmem:$0x16E40] =	vst v63  }
0x49: {  	_ =	swait.ge [sflag:s22], $0x1900  }
0x4a: {  	[sflag:s22] =	ssyncset.done $0x0  }
0x4b: {  	s5 =	simm.s32 $0x340;
	[sflag:s22] =	ssyncadd.s32 $0xFFFFE700  }
0x4c: {  	[tilespmem:s21], [sflag:$0x4] =	stream.indirect.gather [hbm4b:s2+s14], $0x40, s5, s14, $0xb8;
	[tilespmem:$0x16E40] =	vst v63  }
0x4d: {  	_ =	swait.ge [sflag:s26], $0x1900  }
0x4e: {  	[sflag:s26] =	ssyncset.done $0x0  }
0x4f: {  	s5 =	simm.s32 $0x3A8;
	[sflag:s26] =	ssyncadd.s32 $0xFFFFE700  }
0x50: {  	[tilespmem:s23], [sflag:$0x5] =	stream.indirect.gather [hbm4b:s2+s14], $0x40, s5, s14, $0xb8;
	[tilespmem:$0x16E40] =	vst v63  }
0x51: {  	_ =	swait.ge [sflag:s24], $0x1900  }
0x52: {  	[sflag:s24] =	ssyncset.done $0x0  }
0x53: {  	s5 =	simm.s32 $0x2AA8;
	[sflag:s24] =	ssyncadd.s32 $0xFFFFE700  }
0x54: {  	[spmem:s3] =	stream.indirect.scatter.add.f32 [tilespmem:s15], [sflag:$0x6], $0x40, s5, s14, $0xb8;
	[tilespmem:$0x16E40] =	vst v63  }
0x55: {  	_ =	swait.ge [sflag:s25], $0x1900  }
0x56: {  	[sflag:s25] =	ssyncset.done $0x0  }
0x57: {  	s5 =	simm.s32 $0x2B10;
	[sflag:s25] =	ssyncadd.s32 $0xFFFFE700  }
0x58: {  	[spmem:s3] =	stream.indirect.scatter.add.f32 [tilespmem:s17], [sflag:$0x7], $0x40, s5, s14, $0xb8;
	[tilespmem:$0x16E40] =	vst v63  }
0x59: {  	_ =	swait.ge [sflag:s28], $0x1900  }
0x5a: {  	[sflag:s28] =	ssyncset.done $0x0  }
0x5b: {  	s5 =	simm.s32 $0x2B78;
	[sflag:s28] =	ssyncadd.s32 $0xFFFFE700  }
0x5c: {  	[spmem:s3] =	stream.indirect.scatter.add.f32 [tilespmem:s19], [sflag:$0x8], $0x40, s5, s14, $0xb8;
	[tilespmem:$0x16E40] =	vst v63  }
0x5d: {  	_ =	swait.ge [sflag:s30], $0x1900  }
0x5e: {  	[sflag:s30] =	ssyncset.done $0x0  }
0x5f: {  	s5 =	simm.s32 $0x2BE0;
	[sflag:s30] =	ssyncadd.s32 $0xFFFFE700  }
0x60: {  	[spmem:s3] =	stream.indirect.scatter.add.f32 [tilespmem:s21], [sflag:$0x9], $0x40, s5, s14, $0xb8;
	[tilespmem:$0x16E40] =	vst v63  }
0x61: {  	_ =	swait.ge [sflag:s0], $0x1900  }
0x62: {  	[sflag:s0] =	ssyncset.done $0x0  }
0x63: {  	s31 =	simm.s32 $0x820;
	s1 =	simm.s32 $0x2C48;
	[sflag:s0] =	ssyncadd.s32 $0xFFFFE700  }
.LBB2_2:
0x64: {  	[spmem:s3] =	stream.indirect.scatter.add.f32 [tilespmem:s23], [sflag:$0xA], $0x40, s1, s14, $0xb8;
	[tilespmem:$0x16E40] =	vst v63  }
0x65: {  	s1 =	smov.u32 s31  }
0x66: {  	p0 =	sne.s32 s31, $0x9240;
	s31 =	sadd.s32 $0x820, s31;
	_ =	swait.ge [sflag:s16], $0x1900  }
0x67: {  	s1 =	sshra.s32 s1, $0x2;
	[sflag:s16] =	ssyncset.done $0x0  }
0x68: {  	s5 =	sadd.s32 $0x208, s1;
	[sflag:s16] =	ssyncadd.s32 $0xFFFFE700  }
0x69: {  	[tilespmem:s15], [sflag:$0x1] =	stream.indirect.gather [hbm4b:s2+s14], $0x40, s5, s14, $0xb8;
	[tilespmem:$0x16E40] =	vst v63  }
0x6a: {  	_ =	swait.ge [sflag:s18], $0x1900  }
0x6b: {  	[sflag:s18] =	ssyncset.done $0x0  }
0x6c: {  	s5 =	sadd.s32 $0x270, s1;
	[sflag:s18] =	ssyncadd.s32 $0xFFFFE700  }
0x6d: {  	[tilespmem:s17], [sflag:$0x2] =	stream.indirect.gather [hbm4b:s2+s14], $0x40, s5, s14, $0xb8;
	[tilespmem:$0x16E40] =	vst v63  }
0x6e: {  	_ =	swait.ge [sflag:s20], $0x1900  }
0x6f: {  	[sflag:s20] =	ssyncset.done $0x0  }
0x70: {  	s5 =	sadd.s32 $0x2D8, s1;
	[sflag:s20] =	ssyncadd.s32 $0xFFFFE700  }
0x71: {  	[tilespmem:s19], [sflag:$0x3] =	stream.indirect.gather [hbm4b:s2+s14], $0x40, s5, s14, $0xb8;
	[tilespmem:$0x16E40] =	vst v63  }
0x72: {  	_ =	swait.ge [sflag:s22], $0x1900  }
0x73: {  	[sflag:s22] =	ssyncset.done $0x0  }
0x74: {  	s5 =	sadd.s32 $0x340, s1;
	[sflag:s22] =	ssyncadd.s32 $0xFFFFE700  }
0x75: {  	[tilespmem:s21], [sflag:$0x4] =	stream.indirect.gather [hbm4b:s2+s14], $0x40, s5, s14, $0xb8;
	[tilespmem:$0x16E40] =	vst v63  }
0x76: {  	_ =	swait.ge [sflag:s26], $0x1900  }
0x77: {  	[sflag:s26] =	ssyncset.done $0x0  }
0x78: {  	s5 =	sadd.s32 $0x3A8, s1;
	[sflag:s26] =	ssyncadd.s32 $0xFFFFE700  }
0x79: {  	[tilespmem:s23], [sflag:$0x5] =	stream.indirect.gather [hbm4b:s2+s14], $0x40, s5, s14, $0xb8;
	[tilespmem:$0x16E40] =	vst v63  }
0x7a: {  	_ =	swait.ge [sflag:s24], $0x1900  }
0x7b: {  	[sflag:s24] =	ssyncset.done $0x0  }
0x7c: {  	s5 =	sadd.s32 $0x2AA8, s1;
	[sflag:s24] =	ssyncadd.s32 $0xFFFFE700  }
0x7d: {  	[spmem:s3] =	stream.indirect.scatter.add.f32 [tilespmem:s15], [sflag:$0x6], $0x40, s5, s14, $0xb8;
	[tilespmem:$0x16E40] =	vst v63  }
0x7e: {  	_ =	swait.ge [sflag:s25], $0x1900  }
0x7f: {  	[sflag:s25] =	ssyncset.done $0x0  }
0x80: {  	s5 =	sadd.s32 $0x2B10, s1;
	[sflag:s25] =	ssyncadd.s32 $0xFFFFE700  }
0x81: {  	[spmem:s3] =	stream.indirect.scatter.add.f32 [tilespmem:s17], [sflag:$0x7], $0x40, s5, s14, $0xb8;
	[tilespmem:$0x16E40] =	vst v63  }
0x82: {  	_ =	swait.ge [sflag:s28], $0x1900  }
0x83: {  	[sflag:s28] =	ssyncset.done $0x0  }
0x84: {  	s5 =	sadd.s32 $0x2B78, s1;
	[sflag:s28] =	ssyncadd.s32 $0xFFFFE700  }
0x85: {  	[spmem:s3] =	stream.indirect.scatter.add.f32 [tilespmem:s19], [sflag:$0x8], $0x40, s5, s14, $0xb8;
	[tilespmem:$0x16E40] =	vst v63  }
0x86: {  	_ =	swait.ge [sflag:s30], $0x1900  }
0x87: {  	[sflag:s30] =	ssyncset.done $0x0  }
.Ltmp0:
0x88: {  	s5 =	sadd.s32 $0x2BE0, s1;
	[sflag:s30] =	ssyncadd.s32 $0xFFFFE700;
	(pc) =	sbr.rel @p0 .LBB2_2-.Ltmp0, $4  }
0x89: {  	[spmem:s3] =	stream.indirect.scatter.add.f32 [tilespmem:s21], [sflag:$0x9], $0x40, s5, s14, $0xb8;
	[tilespmem:$0x16E40] =	vst v63  }
0x8a: {  	_ =	swait.ge [sflag:s0], $0x1900  }
0x8b: {  	[sflag:s0] =	ssyncset.done $0x0  }
0x8c: {  	s1 =	sadd.s32 $0x2C48, s1;
	[sflag:s0] =	ssyncadd.s32 $0xFFFFE700  }
0x8d: {  	[spmem:s3] =	stream.indirect.scatter.add.f32 [tilespmem:s23], [sflag:$0xA], $0x40, s1, s14, $0xb8;
	[tilespmem:$0x16E40] =	vst v63  }
0x8e: {  	_ =	swait.ge [sflag:s16], $0x1900  }
0x8f: {  	[sflag:s16] =	ssyncset.done $0x0  }
0x90: {  	[sflag:s16] =	ssyncadd.s32 $0xFFFFE700  }
0x91: {  	_ =	swait.ge [sflag:s18], $0x1900  }
0x92: {  	[sflag:s18] =	ssyncset.done $0x0  }
0x93: {  	[sflag:s18] =	ssyncadd.s32 $0xFFFFE700  }
0x94: {  	_ =	swait.ge [sflag:s20], $0x1900  }
0x95: {  	[sflag:s20] =	ssyncset.done $0x0  }
0x96: {  	[sflag:s20] =	ssyncadd.s32 $0xFFFFE700  }
0x97: {  	_ =	swait.ge [sflag:s22], $0x1900  }
0x98: {  	[sflag:s22] =	ssyncset.done $0x0  }
0x99: {  	[sflag:s22] =	ssyncadd.s32 $0xFFFFE700  }
0x9a: {  	_ =	swait.ge [sflag:s26], $0x1900  }
0x9b: {  	s29 =	sadd.s32 $0x1, s29;
	[sflag:s26] =	ssyncset.done $0x0  }
0x9c: {  	p0 =	sne.s32 s29, s9;
	[sflag:s26] =	ssyncadd.s32 $0xFFFFE700  }
.Ltmp1:
0x9d: {  	[bflag:$0x0] =	sbarrier.arrive $0xFFFF;
	(pc) =	sbr.rel @p0 .LBB2_1-.Ltmp1, $4  }
0x9e: {  	[hbm:s8], [sflag:s12] =	dma.local [spmem:s13], $0x1400  }
0x9f: {  	_ =	swait.ge [sflag:s10], $0x1400  }
0xa0: {  	[sflag:s10] =	ssyncset.done $0x0  }
0xa1: {  	[sflag:s10] =	ssyncadd.s32 $0xFFFFEC00  }
0xa2: {  	_ =	sfence.sel $0x180000  }
0xa3: {  	[bflag:$0x0] =	sbarrier.arrive $0xFFFF  }
0xa4: {  	_ =	strace $0x90000056  }
0xa5: {  	s0 =	stileid.u32;
	[bflag:$0x2] =	sbarrier.arrive $0xFFFF  }
0xa6: {  	p0 =	sne.s32 s0, $0x0;
	s0 =	rddreg [dreg:$0x3]  }
0xa7: {  	s0 =	sadd.s32 @!p0 $0x100000, s0  }
0xa8: {  	[sflag:s0] =	ssyncadd.tile.s32 @!p0 $0x1;
	_ =	shalt  }
.Lfunc_end2:
_tile_overlayer_lowered:
.L_overlay_start_2:
0xa9: {  	(tag) =	ssettag $0x2  }
0xaa: {  	s0 =	rddreg [dreg:$0x0];
	s2 =	stileid.u32  }
0xab: {  	s1 =	rddreg [dreg:$0x1];
	p0 =	sne.s32 s2, $0x0  }
0xac: {  	s3 =	rddreg [dreg:$0x2];
	[bflag:$0x3] =	sbarrier.arrive $0xFFFF;
	s2 =	simm.s32 @!p0 $0x1C0B  }
0xad: {  	[timem:s3], [sflag:s2] =	dma.local @!p0 [hbm:s0], s1  }
0xae: {  	s0 =	simm.s32 @!p0 $0xB  }
0xaf: {  	_ =	swait.ge @!p0 [sflag:s0], s1  }
0xb0: {  	s1 =	ssub.s32 @!p0 $0x0, s1;
	[sflag:s0] =	ssyncset.done @!p0 $0x0  }
0xb1: {  	[sflag:s0] =	ssyncadd.s32 @!p0 s1  }
0xb2: {  	[bflag:$0x3] =	sbarrier.arrive $0xFFFF  }
0xb3: {  	_ =	shalt  }

</sc_bundles>
